<compile_context>
chip_gen: v7x
topology: tpu7x:2x2x1
jax: 0.10.2.dev20260603
libtpu: 0.0.44.dev20260713+nightly
codegen_flags: <defaults>
</compile_context>

<pallas_src>
import functools

import jax
import jax.numpy as jnp
from jax import lax
from jax.experimental import pallas as pl
from jax.experimental.pallas import tpu as pltpu
from jax.experimental.pallas import tpu_sc as plsc

N = 10000
E = 320000
DIMS = 16
IN = 8
OUT = 8
NB = 1000

NC = 2
NS = 16
NW = NC * NS
EW = E // NW
NPAD = 10240
ZR = NPAD // NS

C1 = 200
CH1 = EW // C1
C2 = 40
CH2 = EW // C2

_SC_PARAMS = pltpu.CompilerParams(use_tc_tiling_on_sc=False,
                                 needs_layout_passes=False)



def _front_body(x_ref, w2_ref, a1_ref, a2_ref, h2_ref, s1_ref, s2_ref):
    xb = x_ref[...]
    h2 = jnp.dot(xb, w2_ref[...], preferred_element_type=jnp.float32)
    h2_ref[...] = h2
    s1_ref[...] = jnp.dot(h2, a1_ref[...], preferred_element_type=jnp.float32)
    s2_ref[...] = jnp.dot(h2, a2_ref[...], preferred_element_type=jnp.float32)


def _front(x, w2, a1, a2):
    return pl.pallas_call(
        _front_body,
        grid=(N // NB,),
        in_specs=[
            pl.BlockSpec((NB, IN * DIMS), lambda n: (n, 0)),
            pl.BlockSpec((IN * DIMS, OUT * DIMS), lambda n: (0, 0)),
            pl.BlockSpec((OUT * DIMS, DIMS), lambda n: (0, 0)),
            pl.BlockSpec((OUT * DIMS, DIMS), lambda n: (0, 0)),
        ],
        out_specs=[
            pl.BlockSpec((NB, OUT * DIMS), lambda n: (n, 0)),
            pl.BlockSpec((NB, DIMS), lambda n: (n, 0)),
            pl.BlockSpec((NB, DIMS), lambda n: (n, 0)),
        ],
        out_shape=[
            jax.ShapeDtypeStruct((N, OUT * DIMS), jnp.float32),
            jax.ShapeDtypeStruct((N, DIMS), jnp.float32),
            jax.ShapeDtypeStruct((N, DIMS), jnp.float32),
        ],
    )(x, w2, a1, a2)


def _mid_body(d_ref, inv_ref):
    d = d_ref[0] + d_ref[1]
    inv_ref[...] = 1.0 / (d + 1e-16)


def _mid(dpart):
    return pl.pallas_call(
        _mid_body,
        grid=(NPAD // NB,),
        in_specs=[pl.BlockSpec((NC, NB, DIMS), lambda n: (0, n, 0))],
        out_specs=pl.BlockSpec((NB, DIMS), lambda n: (n, 0)),
        out_shape=jax.ShapeDtypeStruct((NPAD, DIMS), jnp.float32),
    )(dpart)


def _final_body(o_ref, p_ref, out_ref):
    out_ref[...] = jnp.dot(o_ref[0] + o_ref[1], p_ref[...],
                           preferred_element_type=jnp.float32)


def _final(opart, perm):
    return pl.pallas_call(
        _final_body,
        grid=(N // NB,),
        in_specs=[
            pl.BlockSpec((NC, NB, OUT * DIMS), lambda n: (0, n, 0)),
            pl.BlockSpec((OUT * DIMS, OUT * DIMS), lambda n: (0, 0)),
        ],
        out_specs=pl.BlockSpec((NB, OUT * DIMS), lambda n: (n, 0)),
        out_shape=jax.ShapeDtypeStruct((N, OUT * DIMS), jnp.float32),
    )(opart, perm)



def _pass1_body(ei_hbm, ea_hbm, s1_hbm, s2_hbm, w16_hbm, z16_hbm,
                ex_hbm, dpart_hbm,
                sidx, didx, eab0, eab1, s1b0, s1b1, s2b0, s2b1, exo0, exo1,
                exs0, exs1, w16v, denom_sh, sem0, sem1, xsem0, xsem1):
    cid = lax.axis_index("c")
    sid = lax.axis_index("s")
    wid = sid * NC + cid
    base = wid * EW

    eab = [eab0, eab1]
    s1b = [s1b0, s1b1]
    s2b = [s2b0, s2b1]
    exo = [exo0, exo1]
    exs = [exs0, exs1]
    sems = [sem0, sem1]
    xsems = [xsem0, xsem1]

    pltpu.sync_copy(w16_hbm, w16v)
    pltpu.sync_copy(ei_hbm.at[0, pl.ds(base, EW)], sidx)
    pltpu.sync_copy(ei_hbm.at[1, pl.ds(base, EW)], didx)
    pltpu.sync_copy(z16_hbm.at[pl.ds(sid * ZR, ZR)],
                    denom_sh.at[pl.ds(sid * ZR, ZR)])
    plsc.subcore_barrier()

    wv = w16v[...]

    def issue(k, slot):
        off = base + k * C1
        loc = k * C1
        pltpu.async_copy(ea_hbm.at[pl.ds((base + k * C1) // 8, C1 // 8)],
                         eab[slot], sems[slot])
        pltpu.async_copy(s1_hbm.at[sidx.at[pl.ds(loc, C1)]], s1b[slot],
                         sems[slot])
        pltpu.async_copy(s2_hbm.at[didx.at[pl.ds(loc, C1)]], s2b[slot],
                         sems[slot])

    def step(k, slot):
        off = base + k * C1
        off8 = (base + k * C1) // 8

        @pl.when(k >= 2)
        def _():
            pltpu.make_async_copy(
                exo[slot], ex_hbm.at[pl.ds((base + (k - 2) * C1) // 8, C1 // 8)],
                xsems[slot]).wait()

        pltpu.make_async_copy(ea_hbm.at[pl.ds((base + k * C1) // 8, C1 // 8)],
                              eab[slot], sems[slot]).wait()
        pltpu.make_async_copy(s1_hbm.at[sidx.at[pl.ds(k * C1, C1)]],
                              s1b[slot], sems[slot]).wait()
        pltpu.make_async_copy(s2_hbm.at[didx.at[pl.ds(k * C1, C1)]],
                              s2b[slot], sems[slot]).wait()

        def edge_body(c2, carry):
            for j in range(8):
                c = 8 * c2 + j
                eav = eab[slot][c2, pl.ds(j * DIMS, DIMS)]
                v = s1b[slot][c] + s2b[slot][c] + eav * wv
                v = jnp.where(v >= 0.0, v, 0.2 * v)
                e = jnp.exp(v)
                exs[slot][c] = e
                exo[slot][c2, pl.ds(j * DIMS, DIMS)] = e
            return carry

        lax.fori_loop(0, C1 // 8, edge_body, 0)

        pltpu.async_copy(exo[slot], ex_hbm.at[pl.ds(off8, C1 // 8)],
                         xsems[slot])
        pltpu.sync_copy(exs[slot], denom_sh.at[didx.at[pl.ds(k * C1, C1)]],
                        add=True)

        @pl.when(k + 2 < CH1)
        def _():
            issue(k + 2, slot)

    issue(0, 0)
    issue(1, 1)

    def pair(j, carry):
        step(2 * j, 0)
        step(2 * j + 1, 1)
        return carry

    lax.fori_loop(0, CH1 // 2, pair, 0)

    pltpu.make_async_copy(
        exo0, ex_hbm.at[pl.ds((base + (CH1 - 2) * C1) // 8, C1 // 8)],
        xsem0).wait()
    pltpu.make_async_copy(
        exo1, ex_hbm.at[pl.ds((base + (CH1 - 1) * C1) // 8, C1 // 8)],
        xsem1).wait()

    plsc.subcore_barrier()
    pltpu.sync_copy(denom_sh.at[pl.ds(sid * ZR, ZR)],
                    dpart_hbm.at[cid, pl.ds(sid * ZR, ZR)])


def _pass1(ei, ea, s1, s2, w16, z16):
    mesh = plsc.VectorSubcoreMesh(core_axis_name="c", subcore_axis_name="s")
    f = functools.partial(
        pl.kernel,
        out_type=[
            jax.ShapeDtypeStruct((E // 8, 8 * DIMS), jnp.float32),
            jax.ShapeDtypeStruct((NC, NPAD, DIMS), jnp.float32),
        ],
        mesh=mesh,
        compiler_params=_SC_PARAMS,
        scratch_types=[
            pltpu.VMEM((EW,), jnp.int32),
            pltpu.VMEM((EW,), jnp.int32),
            pltpu.VMEM((C1 // 8, 8 * DIMS), jnp.float32),
            pltpu.VMEM((C1 // 8, 8 * DIMS), jnp.float32),
            pltpu.VMEM((C1, DIMS), jnp.float32),
            pltpu.VMEM((C1, DIMS), jnp.float32),
            pltpu.VMEM((C1, DIMS), jnp.float32),
            pltpu.VMEM((C1, DIMS), jnp.float32),
            pltpu.VMEM((C1 // 8, 8 * DIMS), jnp.float32),
            pltpu.VMEM((C1 // 8, 8 * DIMS), jnp.float32),
            pltpu.VMEM((C1, DIMS), jnp.float32),
            pltpu.VMEM((C1, DIMS), jnp.float32),
            pltpu.VMEM((DIMS,), jnp.float32),
            pltpu.VMEM_SHARED((NPAD, DIMS), jnp.float32),
            pltpu.SemaphoreType.DMA,
            pltpu.SemaphoreType.DMA,
            pltpu.SemaphoreType.DMA,
            pltpu.SemaphoreType.DMA,
        ],
    )(_pass1_body)
    return f(ei, ea, s1, s2, w16, z16)



def _pass2_body(ei_hbm, ex_hbm, inv_hbm, h2_hbm, z128_hbm,
                alpha_hbm, opart_hbm,
                sidx, didx, exb0, exb1, ivb0, ivb1, hb0, hb1, alb0, alb1,
                out_sh, sem0, sem1, asem0, asem1):
    cid = lax.axis_index("c")
    sid = lax.axis_index("s")
    wid = sid * NC + cid
    base = wid * EW

    exb = [exb0, exb1]
    ivb = [ivb0, ivb1]
    hb = [hb0, hb1]
    alb = [alb0, alb1]
    sems = [sem0, sem1]
    asems = [asem0, asem1]

    pltpu.sync_copy(ei_hbm.at[0, pl.ds(base, EW)], sidx)
    pltpu.sync_copy(ei_hbm.at[1, pl.ds(base, EW)], didx)
    pltpu.sync_copy(z128_hbm.at[pl.ds(sid * ZR, ZR)],
                    out_sh.at[pl.ds(sid * ZR, ZR)])
    plsc.subcore_barrier()

    def issue(k, slot):
        off = base + k * C2
        loc = k * C2
        pltpu.async_copy(ex_hbm.at[pl.ds((base + k * C2) // 8, C2 // 8)],
                         exb[slot], sems[slot])
        pltpu.async_copy(inv_hbm.at[didx.at[pl.ds(loc, C2)]], ivb[slot],
                         sems[slot])
        pltpu.async_copy(h2_hbm.at[sidx.at[pl.ds(loc, C2)]], hb[slot],
                         sems[slot])

    def step(k, slot):
        off = base + k * C2

        @pl.when(k >= 2)
        def _():
            pltpu.make_async_copy(
                alb[slot],
                alpha_hbm.at[pl.ds((base + (k - 2) * C2) // 8, C2 // 8)],
                asems[slot]).wait()

        pltpu.make_async_copy(ex_hbm.at[pl.ds((base + k * C2) // 8, C2 // 8)],
                              exb[slot], sems[slot]).wait()
        pltpu.make_async_copy(inv_hbm.at[didx.at[pl.ds(k * C2, C2)]],
                              ivb[slot], sems[slot]).wait()
        pltpu.make_async_copy(h2_hbm.at[sidx.at[pl.ds(k * C2, C2)]],
                              hb[slot], sems[slot]).wait()

        def edge_body(c2, carry):
            for j in range(8):
                c = 8 * c2 + j
                a = exb[slot][c2, pl.ds(j * DIMS, DIMS)] * ivb[slot][c]
                alb[slot][c2, pl.ds(j * DIMS, DIMS)] = a
                for o in range(OUT):
                    hb[slot][c, pl.ds(o * DIMS, DIMS)] = (
                        a * hb[slot][c, pl.ds(o * DIMS, DIMS)])
            return carry

        lax.fori_loop(0, C2 // 8, edge_body, 0)

        pltpu.async_copy(alb[slot],
                         alpha_hbm.at[pl.ds((base + k * C2) // 8, C2 // 8)],
                         asems[slot])
        pltpu.sync_copy(hb[slot], out_sh.at[didx.at[pl.ds(k * C2, C2)]],
                        add=True)

        @pl.when(k + 2 < CH2)
        def _():
            issue(k + 2, slot)

    issue(0, 0)
    issue(1, 1)

    def pair(j, carry):
        step(2 * j, 0)
        step(2 * j + 1, 1)
        return carry

    lax.fori_loop(0, CH2 // 2, pair, 0)

    pltpu.make_async_copy(
        alb0, alpha_hbm.at[pl.ds((base + (CH2 - 2) * C2) // 8, C2 // 8)],
        asem0).wait()
    pltpu.make_async_copy(
        alb1, alpha_hbm.at[pl.ds((base + (CH2 - 1) * C2) // 8, C2 // 8)],
        asem1).wait()

    plsc.subcore_barrier()
    pltpu.sync_copy(out_sh.at[pl.ds(sid * ZR, ZR)],
                    opart_hbm.at[cid, pl.ds(sid * ZR, ZR)])


def _pass2(ei, ex, inv, h2, z128):
    mesh = plsc.VectorSubcoreMesh(core_axis_name="c", subcore_axis_name="s")
    f = functools.partial(
        pl.kernel,
        out_type=[
            jax.ShapeDtypeStruct((E // 8, 8 * DIMS), jnp.float32),
            jax.ShapeDtypeStruct((NC, NPAD, OUT * DIMS), jnp.float32),
        ],
        mesh=mesh,
        compiler_params=_SC_PARAMS,
        scratch_types=[
            pltpu.VMEM((EW,), jnp.int32),
            pltpu.VMEM((EW,), jnp.int32),
            pltpu.VMEM((C2 // 8, 8 * DIMS), jnp.float32),
            pltpu.VMEM((C2 // 8, 8 * DIMS), jnp.float32),
            pltpu.VMEM((C2, DIMS), jnp.float32),
            pltpu.VMEM((C2, DIMS), jnp.float32),
            pltpu.VMEM((C2, OUT * DIMS), jnp.float32),
            pltpu.VMEM((C2, OUT * DIMS), jnp.float32),
            pltpu.VMEM((C2 // 8, 8 * DIMS), jnp.float32),
            pltpu.VMEM((C2 // 8, 8 * DIMS), jnp.float32),
            pltpu.VMEM_SHARED((NPAD, OUT * DIMS), jnp.float32),
            pltpu.SemaphoreType.DMA,
            pltpu.SemaphoreType.DMA,
            pltpu.SemaphoreType.DMA,
            pltpu.SemaphoreType.DMA,
        ],
    )(_pass2_body)
    return f(ei, ex, inv, h2, z128)



def kernel(x, edge_index, edge_attr, W, att):
    r = jnp.arange(OUT * DIMS)
    wp = jnp.transpose(W, (1, 2, 0)).reshape(IN, OUT * DIMS)
    diag = (r[:, None] % DIMS == r[None, :] % DIMS).astype(jnp.float32)
    w2 = jnp.repeat(wp, DIMS, axis=0) * diag
    sel = (r[:, None] % DIMS == jnp.arange(DIMS)[None, :]).astype(jnp.float32)
    a1 = att[:, :OUT].T.reshape(-1)[:, None] * sel
    a2 = att[:, OUT:2 * OUT].T.reshape(-1)[:, None] * sel
    w16 = att[:, 2 * OUT]
    perm = (jnp.arange(OUT * DIMS)[None, :]
            == ((r % DIMS) * OUT + r // DIMS)[:, None]).astype(jnp.float32)
    z16 = jnp.zeros((NPAD, DIMS), jnp.float32)
    z128 = jnp.zeros((NPAD, OUT * DIMS), jnp.float32)

    h2, s1, s2 = _front(x, w2, a1, a2)
    ea_p = edge_attr.reshape(E // 8, 8 * DIMS)
    ex, dpart = _pass1(edge_index, ea_p, s1, s2, w16, z16)
    inv = _mid(dpart)
    alphaP, opart = _pass2(edge_index, ex, inv, h2, z128)
    out = _final(opart, perm)
    return out, alphaP.reshape(E, DIMS), edge_index

# --- scband reference (transcript-rebuilt; emitter-appended) ---
"""Pipeline reference for scband-parallel-egat-60284160967031 (READ-ONLY COPY).

The authoritative reference and input builder live on the scoring server;
editing this copy changes nothing except your own understanding.
"""

import jax, jax.numpy as jnp
import numpy as np

N = 10000
E = 320000
DIMS = 16
IN = 8
OUT = 8


def _egat_conv(x_i, src, dst, e, W, att, n_nodes):
    # x_i: [N, IN], e: [E], W: [IN, OUT], att: [2*OUT+1]
    h = x_i @ W                       # [N, OUT]
    h_src = h[src]                    # gather [E, OUT]
    h_dst = h[dst]                    # gather [E, OUT]
    feat = jnp.concatenate([h_src, h_dst, e[:, None]], axis=-1)  # [E, 2*OUT+1]
    logits = jax.nn.leaky_relu(feat @ att, negative_slope=0.2)   # [E]
    # softmax over incoming edges of each dst node
    m = jax.ops.segment_max(logits, dst, num_segments=n_nodes)
    m = jnp.where(jnp.isfinite(m), m, 0.0)
    m = jax.lax.stop_gradient(m)
    ex = jnp.exp(logits - m[dst])
    denom = jax.ops.segment_sum(ex, dst, num_segments=n_nodes)
    alpha = ex / (denom[dst] + 1e-16)                             # [E]
    out = jax.ops.segment_sum(alpha[:, None] * h_src, dst, num_segments=n_nodes)  # [N, OUT]
    return out, alpha


def setup_inputs(seed: int = 0) -> dict:
    key = jax.random.key(seed)
    k1, k2, k3, k4, k5 = jax.random.split(key, 5)
    x = jax.random.normal(k1, (N, IN * DIMS), dtype=jnp.float32)
    edge_index = jax.random.randint(k2, (2, E), 0, N, dtype=jnp.int32)
    edge_attr = jax.random.normal(k3, (E, DIMS), dtype=jnp.float32)
    # learned params: one EGATConv per edge-attr dim
    W = 0.1 * jax.random.normal(k4, (DIMS, IN, OUT), dtype=jnp.float32)
    att = 0.1 * jax.random.normal(k5, (DIMS, 2 * OUT + 1), dtype=jnp.float32)
    return {"x": x, "edge_index": edge_index, "edge_attr": edge_attr, "W": W, "att": att}


def reference(x, edge_index, edge_attr, W, att):
    n_nodes = x.shape[0]
    src = edge_index[0]
    dst = edge_index[1]
    xr = x.reshape(n_nodes, -1, DIMS)   # [N, IN, DIMS]
    out_l, alpha_l = [], []
    for i in range(DIMS):
        o_i, a_i = _egat_conv(xr[:, :, i], src, dst, edge_attr[:, i], W[i], att[i], n_nodes)
        out_l.append(o_i)
        alpha_l.append(a_i[:, None])
    out = jnp.concatenate(out_l, axis=-1)     # [N, OUT*DIMS]
    alpha = jnp.concatenate(alpha_l, axis=-1) # [E, DIMS]
    alpha_index = edge_index
    return out, alpha, alpha_index

if __name__ == "__main__":
    import jax
    _d = setup_inputs()
    print(jax.jit(kernel)(*tuple(_d.values())))

</pallas_src>

<mosaic_0001>
#map = affine_map<(d0, d1) -> (0, 0)>
#map1 = affine_map<(d0, d1) -> (0)>
#map2 = affine_map<(d0, d1) -> (0, 0, 0)>
module attributes {stable_mosaic.version = 14 : i64} {
  func.func @_pass1_body(%arg0: i32, %arg1: i32, %arg2: memref<2x320000xi32, #tpu.memory_space<hbm>>, %arg3: memref<40000x128xf32, #tpu.memory_space<hbm>>, %arg4: memref<10000x16xf32, #tpu.memory_space<hbm>>, %arg5: memref<10000x16xf32, #tpu.memory_space<hbm>>, %arg6: memref<16xf32, #tpu.memory_space<hbm>>, %arg7: memref<10240x16xf32, #tpu.memory_space<hbm>>, %arg8: memref<40000x128xf32, #tpu.memory_space<hbm>>, %arg9: memref<2x10240x16xf32, #tpu.memory_space<hbm>>, %arg10: memref<10000xi32, #tpu.memory_space<vmem>>, %arg11: memref<10000xi32, #tpu.memory_space<vmem>>, %arg12: memref<25x128xf32, #tpu.memory_space<vmem>>, %arg13: memref<25x128xf32, #tpu.memory_space<vmem>>, %arg14: memref<200x16xf32, #tpu.memory_space<vmem>>, %arg15: memref<200x16xf32, #tpu.memory_space<vmem>>, %arg16: memref<200x16xf32, #tpu.memory_space<vmem>>, %arg17: memref<200x16xf32, #tpu.memory_space<vmem>>, %arg18: memref<25x128xf32, #tpu.memory_space<vmem>>, %arg19: memref<25x128xf32, #tpu.memory_space<vmem>>, %arg20: memref<200x16xf32, #tpu.memory_space<vmem>>, %arg21: memref<200x16xf32, #tpu.memory_space<vmem>>, %arg22: memref<16xf32, #tpu.memory_space<vmem>>, %arg23: memref<10240x16xf32, #tpu.memory_space<vmem_shared>>, %arg24: memref<!tpu.dma_semaphore, #tpu.memory_space<semaphore_mem>>, %arg25: memref<!tpu.dma_semaphore, #tpu.memory_space<semaphore_mem>>, %arg26: memref<!tpu.dma_semaphore, #tpu.memory_space<semaphore_mem>>, %arg27: memref<!tpu.dma_semaphore, #tpu.memory_space<semaphore_mem>>) attributes {dimension_semantics = [#tpu.dimension_semantics<core_parallel>, #tpu.dimension_semantics<subcore_parallel>], iteration_bounds = array<i64: 2, 16>, scalar_prefetch = 0 : i64, scratch_operands = 18 : i64, tpu.core_type = #tpu.core_type<sc_vector_subcore>, window_params = [{transform_indices = #map}, {transform_indices = #map}, {transform_indices = #map}, {transform_indices = #map}, {transform_indices = #map1}, {transform_indices = #map}, {transform_indices = #map}, {transform_indices = #map2}]} {
    %mul3A = arith.constant 2 : i32
    %mul3A_0 = arith.muli %arg1, %mul3A : i32
    %add3A = arith.addi %mul3A_0, %arg0 : i32
    %mul3A_1 = arith.constant 10000 : i32
    %mul3A_2 = arith.muli %add3A, %mul3A_1 : i32
    "tpu.region"() ({
      %run_scoped3A_153 = tpu.sem_alloc : memref<!tpu.dma_semaphore, #tpu.memory_space<semaphore_mem>>
      tpu.enqueue_dma source(%arg6 : memref<16xf32, #tpu.memory_space<hbm>>) target(%arg22 : memref<16xf32, #tpu.memory_space<vmem>>) target_semaphore(%run_scoped3A_153 : memref<!tpu.dma_semaphore, #tpu.memory_space<semaphore_mem>>)
      tpu.wait_dma2 semaphore(%run_scoped3A_153 : memref<!tpu.dma_semaphore, #tpu.memory_space<semaphore_mem>>) src(%arg6 : memref<16xf32, #tpu.memory_space<hbm>>) dst(%arg22 : memref<16xf32, #tpu.memory_space<vmem>>)
      tpu.yield
    }) : () -> ()
    %run_scoped3A = arith.constant 0 : i32
    "tpu.region"() ({
      %run_scoped3A_153 = tpu.sem_alloc : memref<!tpu.dma_semaphore, #tpu.memory_space<semaphore_mem>>
      %dma_start3A_154 = tpu.memref_slice %arg2[%run_scoped3A, %mul3A_2] : memref<2x320000xi32, #tpu.memory_space<hbm>> -> memref<1x10000xi32, #tpu.memory_space<hbm>>
      %dma_start3A_155 = tpu.memref_squeeze %dma_start3A_154 : memref<1x10000xi32, #tpu.memory_space<hbm>> -> memref<10000xi32, #tpu.memory_space<hbm>>
      %dma_start3A_156 = tpu.memref_slice %arg2[%run_scoped3A, %mul3A_2] : memref<2x320000xi32, #tpu.memory_space<hbm>> -> memref<1x10000xi32, #tpu.memory_space<hbm>>
      %dma_start3A_157 = tpu.memref_squeeze %dma_start3A_156 : memref<1x10000xi32, #tpu.memory_space<hbm>> -> memref<10000xi32, #tpu.memory_space<hbm>>
      tpu.enqueue_dma source(%dma_start3A_157 : memref<10000xi32, #tpu.memory_space<hbm>>) target(%arg10 : memref<10000xi32, #tpu.memory_space<vmem>>) target_semaphore(%run_scoped3A_153 : memref<!tpu.dma_semaphore, #tpu.memory_space<semaphore_mem>>)
      %dma_wait3A_158 = tpu.memref_slice %arg2[%run_scoped3A, %mul3A_2] : memref<2x320000xi32, #tpu.memory_space<hbm>> -> memref<1x10000xi32, #tpu.memory_space<hbm>>
      %dma_wait3A_159 = tpu.memref_squeeze %dma_wait3A_158 : memref<1x10000xi32, #tpu.memory_space<hbm>> -> memref<10000xi32, #tpu.memory_space<hbm>>
      %dma_wait3A_160 = tpu.memref_slice %arg2[%run_scoped3A, %mul3A_2] : memref<2x320000xi32, #tpu.memory_space<hbm>> -> memref<1x10000xi32, #tpu.memory_space<hbm>>
      %dma_wait3A_161 = tpu.memref_squeeze %dma_wait3A_160 : memref<1x10000xi32, #tpu.memory_space<hbm>> -> memref<10000xi32, #tpu.memory_space<hbm>>
      tpu.wait_dma2 semaphore(%run_scoped3A_153 : memref<!tpu.dma_semaphore, #tpu.memory_space<semaphore_mem>>) src(%dma_wait3A_161 : memref<10000xi32, #tpu.memory_space<hbm>>) dst(%arg10 : memref<10000xi32, #tpu.memory_space<vmem>>)
      tpu.yield
    }) : () -> ()
    %run_scoped3A_3 = arith.constant 1 : i32
    "tpu.region"() ({
      %run_scoped3A_153 = tpu.sem_alloc : memref<!tpu.dma_semaphore, #tpu.memory_space<semaphore_mem>>
      %dma_start3A_154 = tpu.memref_slice %arg2[%run_scoped3A_3, %mul3A_2] : memref<2x320000xi32, #tpu.memory_space<hbm>> -> memref<1x10000xi32, #tpu.memory_space<hbm>>
      %dma_start3A_155 = tpu.memref_squeeze %dma_start3A_154 : memref<1x10000xi32, #tpu.memory_space<hbm>> -> memref<10000xi32, #tpu.memory_space<hbm>>
      %dma_start3A_156 = tpu.memref_slice %arg2[%run_scoped3A_3, %mul3A_2] : memref<2x320000xi32, #tpu.memory_space<hbm>> -> memref<1x10000xi32, #tpu.memory_space<hbm>>
      %dma_start3A_157 = tpu.memref_squeeze %dma_start3A_156 : memref<1x10000xi32, #tpu.memory_space<hbm>> -> memref<10000xi32, #tpu.memory_space<hbm>>
      tpu.enqueue_dma source(%dma_start3A_157 : memref<10000xi32, #tpu.memory_space<hbm>>) target(%arg11 : memref<10000xi32, #tpu.memory_space<vmem>>) target_semaphore(%run_scoped3A_153 : memref<!tpu.dma_semaphore, #tpu.memory_space<semaphore_mem>>)
      %dma_wait3A_158 = tpu.memref_slice %arg2[%run_scoped3A_3, %mul3A_2] : memref<2x320000xi32, #tpu.memory_space<hbm>> -> memref<1x10000xi32, #tpu.memory_space<hbm>>
      %dma_wait3A_159 = tpu.memref_squeeze %dma_wait3A_158 : memref<1x10000xi32, #tpu.memory_space<hbm>> -> memref<10000xi32, #tpu.memory_space<hbm>>
      %dma_wait3A_160 = tpu.memref_slice %arg2[%run_scoped3A_3, %mul3A_2] : memref<2x320000xi32, #tpu.memory_space<hbm>> -> memref<1x10000xi32, #tpu.memory_space<hbm>>
      %dma_wait3A_161 = tpu.memref_squeeze %dma_wait3A_160 : memref<1x10000xi32, #tpu.memory_space<hbm>> -> memref<10000xi32, #tpu.memory_space<hbm>>
      tpu.wait_dma2 semaphore(%run_scoped3A_153 : memref<!tpu.dma_semaphore, #tpu.memory_space<semaphore_mem>>) src(%dma_wait3A_161 : memref<10000xi32, #tpu.memory_space<hbm>>) dst(%arg11 : memref<10000xi32, #tpu.memory_space<vmem>>)
      tpu.yield
    }) : () -> ()
    %mul3A_4 = arith.constant 640 : i32
    %mul3A_5 = arith.muli %arg1, %mul3A_4 : i32
    %mul3A_6 = arith.constant 640 : i32
    %mul3A_7 = arith.muli %arg1, %mul3A_6 : i32
    "tpu.region"() ({
      %run_scoped3A_153 = tpu.sem_alloc : memref<!tpu.dma_semaphore, #tpu.memory_space<semaphore_mem>>
      %dma_start3A_154 = arith.constant 0 : i32
      %dma_start3A_155 = tpu.memref_slice %arg23[%mul3A_7, %dma_start3A_154] : memref<10240x16xf32, #tpu.memory_space<vmem_shared>> -> memref<640x16xf32, #tpu.memory_space<vmem_shared>>
      %dma_start3A_156 = arith.constant 0 : i32
      %dma_start3A_157 = tpu.memref_slice %arg7[%mul3A_5, %dma_start3A_156] : memref<10240x16xf32, #tpu.memory_space<hbm>> -> memref<640x16xf32, #tpu.memory_space<hbm>>
      tpu.enqueue_dma source(%dma_start3A_157 : memref<640x16xf32, #tpu.memory_space<hbm>>) target(%dma_start3A_155 : memref<640x16xf32, #tpu.memory_space<vmem_shared>>) target_semaphore(%run_scoped3A_153 : memref<!tpu.dma_semaphore, #tpu.memory_space<semaphore_mem>>)
      %dma_wait3A_158 = arith.constant 0 : i32
      %dma_wait3A_159 = tpu.memref_slice %arg23[%mul3A_7, %dma_wait3A_158] : memref<10240x16xf32, #tpu.memory_space<vmem_shared>> -> memref<640x16xf32, #tpu.memory_space<vmem_shared>>
      %dma_wait3A_160 = arith.constant 0 : i32
      %dma_wait3A_161 = tpu.memref_slice %arg7[%mul3A_5, %dma_wait3A_160] : memref<10240x16xf32, #tpu.memory_space<hbm>> -> memref<640x16xf32, #tpu.memory_space<hbm>>
      tpu.wait_dma2 semaphore(%run_scoped3A_153 : memref<!tpu.dma_semaphore, #tpu.memory_space<semaphore_mem>>) src(%dma_wait3A_161 : memref<640x16xf32, #tpu.memory_space<hbm>>) dst(%dma_wait3A_159 : memref<640x16xf32, #tpu.memory_space<vmem_shared>>)
      tpu.yield
    }) : () -> ()
    %barrier3A = arith.constant 0 : index
    tpu.barrier barrier_id(%barrier3A)
    %get3A = arith.constant 0 : index
    %get3A_8 = tpu.vector_load %arg22[%get3A] {strides = array<i32>} : memref<16xf32, #tpu.memory_space<vmem>>, vector<16xf32>,
    %add3A_9 = arith.constant 0 : i32
    %add3A_10 = arith.addi %mul3A_2, %add3A_9 : i32
    %add3A_11 = arith.constant 0 : i32
    %add3A_12 = arith.addi %mul3A_2, %add3A_11 : i32
    %jit3A = arith.constant 8 : i32
    %div3A = arith.divsi %add3A_12, %jit3A : i32
    %sign3A = arith.constant 0 : i32
    %sign3A_13 = arith.cmpi sgt, %add3A_12, %sign3A : i32
    %sign3A_14 = arith.extui %sign3A_13 : i1 to i32
    %sign3A_15 = arith.constant 0 : i32
    %sign3A_16 = arith.cmpi slt, %add3A_12, %sign3A_15 : i32
    %sign3A_17 = arith.extui %sign3A_16 : i1 to i32
    %sign3A_18 = arith.subi %sign3A_14, %sign3A_17 : i32
    %sign3A_19 = arith.constant 0 : i32
    %sign3A_20 = arith.cmpi sgt, %jit3A, %sign3A_19 : i32
    %sign3A_21 = arith.extui %sign3A_20 : i1 to i32
    %sign3A_22 = arith.constant 0 : i32
    %sign3A_23 = arith.cmpi slt, %jit3A, %sign3A_22 : i32
    %sign3A_24 = arith.extui %sign3A_23 : i1 to i32
    %sign3A_25 = arith.subi %sign3A_21, %sign3A_24 : i32
    %ne3A = arith.cmpi ne, %sign3A_18, %sign3A_25 : i32
    %rem3A = arith.remsi %add3A_12, %jit3A : i32
    %ne3A_26 = arith.constant 0 : i32
    %ne3A_27 = arith.cmpi ne, %rem3A, %ne3A_26 : i32
    %and3A = arith.andi %ne3A, %ne3A_27 : i1
    %sub3A = arith.constant 1 : i32
    %sub3A_28 = arith.subi %div3A, %sub3A : i32
    %select_n3A = arith.select %and3A, %sub3A_28, %div3A : i32
    %dma_start3A = arith.constant 0 : i32
    %dma_start3A_29 = tpu.memref_slice %arg3[%select_n3A, %dma_start3A] : memref<40000x128xf32, #tpu.memory_space<hbm>> -> memref<25x128xf32, #tpu.memory_space<hbm>>
    %dma_start3A_30 = arith.constant 0 : i32
    %dma_start3A_31 = tpu.memref_slice %arg3[%select_n3A, %dma_start3A_30] : memref<40000x128xf32, #tpu.memory_space<hbm>> -> memref<25x128xf32, #tpu.memory_space<hbm>>
    tpu.enqueue_dma source(%dma_start3A_31 : memref<25x128xf32, #tpu.memory_space<hbm>>) target(%arg12 : memref<25x128xf32, #tpu.memory_space<vmem>>) target_semaphore(%arg24 : memref<!tpu.dma_semaphore, #tpu.memory_space<semaphore_mem>>)
    %dma_start3A_32 = arith.constant 0 : i32
    %dma_start3A_33 = tpu.memref_slice %arg10[%dma_start3A_32] : memref<10000xi32, #tpu.memory_space<vmem>> -> memref<200xi32, #tpu.memory_space<vmem>>
    %dma_start3A_34 = arith.constant 0 : i32
    %dma_start3A_35 = arith.constant 0 : i32
    %dma_start3A_36 = tpu.memref_slice %arg4[%dma_start3A_34, %dma_start3A_35] : memref<10000x16xf32, #tpu.memory_space<hbm>> -> memref<10000x16xf32, #tpu.memory_space<hbm>>
    tpu.enqueue_indirect_dma source(%dma_start3A_36 : memref<10000x16xf32, #tpu.memory_space<hbm>>) target(%arg14 : memref<200x16xf32, #tpu.memory_space<vmem>>) offsets(%dma_start3A_33 : memref<200xi32, #tpu.memory_space<vmem>>) semaphore(%arg24 : memref<!tpu.dma_semaphore, #tpu.memory_space<semaphore_mem>>)
    %dma_start3A_37 = arith.constant 0 : i32
    %dma_start3A_38 = tpu.memref_slice %arg11[%dma_start3A_37] : memref<10000xi32, #tpu.memory_space<vmem>> -> memref<200xi32, #tpu.memory_space<vmem>>
    %dma_start3A_39 = arith.constant 0 : i32
    %dma_start3A_40 = arith.constant 0 : i32
    %dma_start3A_41 = tpu.memref_slice %arg5[%dma_start3A_39, %dma_start3A_40] : memref<10000x16xf32, #tpu.memory_space<hbm>> -> memref<10000x16xf32, #tpu.memory_space<hbm>>
    tpu.enqueue_indirect_dma source(%dma_start3A_41 : memref<10000x16xf32, #tpu.memory_space<hbm>>) target(%arg16 : memref<200x16xf32, #tpu.memory_space<vmem>>) offsets(%dma_start3A_38 : memref<200xi32, #tpu.memory_space<vmem>>) semaphore(%arg24 : memref<!tpu.dma_semaphore, #tpu.memory_space<semaphore_mem>>)
    %add3A_42 = arith.constant 200 : i32
    %add3A_43 = arith.addi %mul3A_2, %add3A_42 : i32
    %add3A_44 = arith.constant 200 : i32
    %add3A_45 = arith.addi %mul3A_2, %add3A_44 : i32
    %jit3A_46 = arith.constant 8 : i32
    %div3A_47 = arith.divsi %add3A_45, %jit3A_46 : i32
    %sign3A_48 = arith.constant 0 : i32
    %sign3A_49 = arith.cmpi sgt, %add3A_45, %sign3A_48 : i32
    %sign3A_50 = arith.extui %sign3A_49 : i1 to i32
    %sign3A_51 = arith.constant 0 : i32
    %sign3A_52 = arith.cmpi slt, %add3A_45, %sign3A_51 : i32
    %sign3A_53 = arith.extui %sign3A_52 : i1 to i32
    %sign3A_54 = arith.subi %sign3A_50, %sign3A_53 : i32
    %sign3A_55 = arith.constant 0 : i32
    %sign3A_56 = arith.cmpi sgt, %jit3A_46, %sign3A_55 : i32
    %sign3A_57 = arith.extui %sign3A_56 : i1 to i32
    %sign3A_58 = arith.constant 0 : i32
    %sign3A_59 = arith.cmpi slt, %jit3A_46, %sign3A_58 : i32
    %sign3A_60 = arith.extui %sign3A_59 : i1 to i32
    %sign3A_61 = arith.subi %sign3A_57, %sign3A_60 : i32
    %ne3A_62 = arith.cmpi ne, %sign3A_54, %sign3A_61 : i32
    %rem3A_63 = arith.remsi %add3A_45, %jit3A_46 : i32
    %ne3A_64 = arith.constant 0 : i32
    %ne3A_65 = arith.cmpi ne, %rem3A_63, %ne3A_64 : i32
    %and3A_66 = arith.andi %ne3A_62, %ne3A_65 : i1
    %sub3A_67 = arith.constant 1 : i32
    %sub3A_68 = arith.subi %div3A_47, %sub3A_67 : i32
    %select_n3A_69 = arith.select %and3A_66, %sub3A_68, %div3A_47 : i32
    %dma_start3A_70 = arith.constant 0 : i32
    %dma_start3A_71 = tpu.memref_slice %arg3[%select_n3A_69, %dma_start3A_70] : memref<40000x128xf32, #tpu.memory_space<hbm>> -> memref<25x128xf32, #tpu.memory_space<hbm>>
    %dma_start3A_72 = arith.constant 0 : i32
    %dma_start3A_73 = tpu.memref_slice %arg3[%select_n3A_69, %dma_start3A_72] : memref<40000x128xf32, #tpu.memory_space<hbm>> -> memref<25x128xf32, #tpu.memory_space<hbm>>
    tpu.enqueue_dma source(%dma_start3A_73 : memref<25x128xf32, #tpu.memory_space<hbm>>) target(%arg13 : memref<25x128xf32, #tpu.memory_space<vmem>>) target_semaphore(%arg25 : memref<!tpu.dma_semaphore, #tpu.memory_space<semaphore_mem>>)
    %dma_start3A_74 = arith.constant 200 : i32
    %dma_start3A_75 = tpu.memref_slice %arg10[%dma_start3A_74] : memref<10000xi32, #tpu.memory_space<vmem>> -> memref<200xi32, #tpu.memory_space<vmem>>
    %dma_start3A_76 = arith.constant 0 : i32
    %dma_start3A_77 = arith.constant 0 : i32
    %dma_start3A_78 = tpu.memref_slice %arg4[%dma_start3A_76, %dma_start3A_77] : memref<10000x16xf32, #tpu.memory_space<hbm>> -> memref<10000x16xf32, #tpu.memory_space<hbm>>
    tpu.enqueue_indirect_dma source(%dma_start3A_78 : memref<10000x16xf32, #tpu.memory_space<hbm>>) target(%arg15 : memref<200x16xf32, #tpu.memory_space<vmem>>) offsets(%dma_start3A_75 : memref<200xi32, #tpu.memory_space<vmem>>) semaphore(%arg25 : memref<!tpu.dma_semaphore, #tpu.memory_space<semaphore_mem>>)
    %dma_start3A_79 = arith.constant 200 : i32
    %dma_start3A_80 = tpu.memref_slice %arg11[%dma_start3A_79] : memref<10000xi32, #tpu.memory_space<vmem>> -> memref<200xi32, #tpu.memory_space<vmem>>
    %dma_start3A_81 = arith.constant 0 : i32
    %dma_start3A_82 = arith.constant 0 : i32
    %dma_start3A_83 = tpu.memref_slice %arg5[%dma_start3A_81, %dma_start3A_82] : memref<10000x16xf32, #tpu.memory_space<hbm>> -> memref<10000x16xf32, #tpu.memory_space<hbm>>
    tpu.enqueue_indirect_dma source(%dma_start3A_83 : memref<10000x16xf32, #tpu.memory_space<hbm>>) target(%arg17 : memref<200x16xf32, #tpu.memory_space<vmem>>) offsets(%dma_start3A_80 : memref<200xi32, #tpu.memory_space<vmem>>) semaphore(%arg25 : memref<!tpu.dma_semaphore, #tpu.memory_space<semaphore_mem>>)
    %scan3A = arith.constant 0 : i32
    %scan3A_84 = arith.constant 0 : i32
    %scan3A_85 = arith.constant 25 : i32
    %scan3A_86 = arith.addi %scan3A_84, %scan3A_85 : i32
    %scan3A_87 = arith.constant 1 : i32
    scf.for %scan3A_153 = %scan3A_84 to %scan3A_86 step %scan3A_87  : i32 {
      %mul3A_154 = arith.constant 2 : i32
      %mul3A_155 = arith.muli %mul3A_154, %scan3A_153 : i32
      %mul3A_156 = arith.constant 200 : i32
      %mul3A_157 = arith.muli %mul3A_155, %mul3A_156 : i32
      %add3A_158 = arith.addi %mul3A_2, %mul3A_157 : i32
      %mul3A_159 = arith.constant 200 : i32
      %mul3A_160 = arith.muli %mul3A_155, %mul3A_159 : i32
      %add3A_161 = arith.addi %mul3A_2, %mul3A_160 : i32
      %jit3A_162 = arith.constant 8 : i32
      %div3A_163 = arith.divsi %add3A_161, %jit3A_162 : i32
      %sign3A_164 = arith.constant 0 : i32
      %sign3A_165 = arith.cmpi sgt, %add3A_161, %sign3A_164 : i32
      %sign3A_166 = arith.extui %sign3A_165 : i1 to i32
      %sign3A_167 = arith.constant 0 : i32
      %sign3A_168 = arith.cmpi slt, %add3A_161, %sign3A_167 : i32
      %sign3A_169 = arith.extui %sign3A_168 : i1 to i32
      %sign3A_170 = arith.subi %sign3A_166, %sign3A_169 : i32
      %sign3A_171 = arith.constant 0 : i32
      %sign3A_172 = arith.cmpi sgt, %jit3A_162, %sign3A_171 : i32
      %sign3A_173 = arith.extui %sign3A_172 : i1 to i32
      %sign3A_174 = arith.constant 0 : i32
      %sign3A_175 = arith.cmpi slt, %jit3A_162, %sign3A_174 : i32
      %sign3A_176 = arith.extui %sign3A_175 : i1 to i32
      %sign3A_177 = arith.subi %sign3A_173, %sign3A_176 : i32
      %ne3A_178 = arith.cmpi ne, %sign3A_170, %sign3A_177 : i32
      %rem3A_179 = arith.remsi %add3A_161, %jit3A_162 : i32
      %ne3A_180 = arith.constant 0 : i32
      %ne3A_181 = arith.cmpi ne, %rem3A_179, %ne3A_180 : i32
      %and3A_182 = arith.andi %ne3A_178, %ne3A_181 : i1
      %sub3A_183 = arith.constant 1 : i32
      %sub3A_184 = arith.subi %div3A_163, %sub3A_183 : i32
      %select_n3A_185 = arith.select %and3A_182, %sub3A_184, %div3A_163 : i32
      %ge3A = arith.constant 2 : i32
      %ge3A_186 = arith.cmpi sge, %mul3A_155, %ge3A : i32
      %convert_element_type3A = arith.extui %ge3A_186 : i1 to i32
      %cond3A = arith.constant 0 : i32
      %cond3A_187 = arith.cmpi ne, %convert_element_type3A, %cond3A : i32
      scf.if %cond3A_187 {
        %sub3A_350 = arith.constant 2 : i32
        %sub3A_351 = arith.subi %mul3A_155, %sub3A_350 : i32
        %mul3A_352 = arith.constant 200 : i32
        %mul3A_353 = arith.muli %sub3A_351, %mul3A_352 : i32
        %add3A_354 = arith.addi %mul3A_2, %mul3A_353 : i32
        %jit3A_355 = arith.constant 8 : i32
        %div3A_356 = arith.divsi %add3A_354, %jit3A_355 : i32
        %sign3A_357 = arith.constant 0 : i32
        %sign3A_358 = arith.cmpi sgt, %add3A_354, %sign3A_357 : i32
        %sign3A_359 = arith.extui %sign3A_358 : i1 to i32
        %sign3A_360 = arith.constant 0 : i32
        %sign3A_361 = arith.cmpi slt, %add3A_354, %sign3A_360 : i32
        %sign3A_362 = arith.extui %sign3A_361 : i1 to i32
        %sign3A_363 = arith.subi %sign3A_359, %sign3A_362 : i32
        %sign3A_364 = arith.constant 0 : i32
        %sign3A_365 = arith.cmpi sgt, %jit3A_355, %sign3A_364 : i32
        %sign3A_366 = arith.extui %sign3A_365 : i1 to i32
        %sign3A_367 = arith.constant 0 : i32
        %sign3A_368 = arith.cmpi slt, %jit3A_355, %sign3A_367 : i32
        %sign3A_369 = arith.extui %sign3A_368 : i1 to i32
        %sign3A_370 = arith.subi %sign3A_366, %sign3A_369 : i32
        %ne3A_371 = arith.cmpi ne, %sign3A_363, %sign3A_370 : i32
        %rem3A_372 = arith.remsi %add3A_354, %jit3A_355 : i32
        %ne3A_373 = arith.constant 0 : i32
        %ne3A_374 = arith.cmpi ne, %rem3A_372, %ne3A_373 : i32
        %and3A_375 = arith.andi %ne3A_371, %ne3A_374 : i1
        %sub3A_376 = arith.constant 1 : i32
        %sub3A_377 = arith.subi %div3A_356, %sub3A_376 : i32
        %select_n3A_378 = arith.select %and3A_375, %sub3A_377, %div3A_356 : i32
        %dma_wait3A_379 = arith.constant 0 : i32
        %dma_wait3A_380 = tpu.memref_slice %arg8[%select_n3A_378, %dma_wait3A_379] : memref<40000x128xf32, #tpu.memory_space<hbm>> -> memref<25x128xf32, #tpu.memory_space<hbm>>
        %dma_wait3A_381 = arith.constant 0 : i32
        %dma_wait3A_382 = tpu.memref_slice %arg8[%select_n3A_378, %dma_wait3A_381] : memref<40000x128xf32, #tpu.memory_space<hbm>> -> memref<25x128xf32, #tpu.memory_space<hbm>>
        tpu.wait_dma2 semaphore(%arg26 : memref<!tpu.dma_semaphore, #tpu.memory_space<semaphore_mem>>) src(%arg18 : memref<25x128xf32, #tpu.memory_space<vmem>>) dst(%dma_wait3A_382 : memref<25x128xf32, #tpu.memory_space<hbm>>)
      } else {
      }
      %mul3A_188 = arith.constant 200 : i32
      %mul3A_189 = arith.muli %mul3A_155, %mul3A_188 : i32
      %add3A_190 = arith.addi %mul3A_2, %mul3A_189 : i32
      %jit3A_191 = arith.constant 8 : i32
      %div3A_192 = arith.divsi %add3A_190, %jit3A_191 : i32
      %sign3A_193 = arith.constant 0 : i32
      %sign3A_194 = arith.cmpi sgt, %add3A_190, %sign3A_193 : i32
      %sign3A_195 = arith.extui %sign3A_194 : i1 to i32
      %sign3A_196 = arith.constant 0 : i32
      %sign3A_197 = arith.cmpi slt, %add3A_190, %sign3A_196 : i32
      %sign3A_198 = arith.extui %sign3A_197 : i1 to i32
      %sign3A_199 = arith.subi %sign3A_195, %sign3A_198 : i32
      %sign3A_200 = arith.constant 0 : i32
      %sign3A_201 = arith.cmpi sgt, %jit3A_191, %sign3A_200 : i32
      %sign3A_202 = arith.extui %sign3A_201 : i1 to i32
      %sign3A_203 = arith.constant 0 : i32
      %sign3A_204 = arith.cmpi slt, %jit3A_191, %sign3A_203 : i32
      %sign3A_205 = arith.extui %sign3A_204 : i1 to i32
      %sign3A_206 = arith.subi %sign3A_202, %sign3A_205 : i32
      %ne3A_207 = arith.cmpi ne, %sign3A_199, %sign3A_206 : i32
      %rem3A_208 = arith.remsi %add3A_190, %jit3A_191 : i32
      %ne3A_209 = arith.constant 0 : i32
      %ne3A_210 = arith.cmpi ne, %rem3A_208, %ne3A_209 : i32
      %and3A_211 = arith.andi %ne3A_207, %ne3A_210 : i1
      %sub3A_212 = arith.constant 1 : i32
      %sub3A_213 = arith.subi %div3A_192, %sub3A_212 : i32
      %select_n3A_214 = arith.select %and3A_211, %sub3A_213, %div3A_192 : i32
      %dma_wait3A_215 = arith.constant 0 : i32
      %dma_wait3A_216 = tpu.memref_slice %arg3[%select_n3A_214, %dma_wait3A_215] : memref<40000x128xf32, #tpu.memory_space<hbm>> -> memref<25x128xf32, #tpu.memory_space<hbm>>
      %dma_wait3A_217 = arith.constant 0 : i32
      %dma_wait3A_218 = tpu.memref_slice %arg3[%select_n3A_214, %dma_wait3A_217] : memref<40000x128xf32, #tpu.memory_space<hbm>> -> memref<25x128xf32, #tpu.memory_space<hbm>>
      tpu.wait_dma2 semaphore(%arg24 : memref<!tpu.dma_semaphore, #tpu.memory_space<semaphore_mem>>) src(%dma_wait3A_218 : memref<25x128xf32, #tpu.memory_space<hbm>>) dst(%arg12 : memref<25x128xf32, #tpu.memory_space<vmem>>)
      %mul3A_219 = arith.constant 200 : i32
      %mul3A_220 = arith.muli %mul3A_155, %mul3A_219 : i32
      %dma_wait3A_221 = tpu.memref_slice %arg10[%mul3A_220] : memref<10000xi32, #tpu.memory_space<vmem>> -> memref<200xi32, #tpu.memory_space<vmem>>
      %dma_wait3A_222 = arith.constant 0 : i32
      %dma_wait3A_223 = arith.constant 0 : i32
      %dma_wait3A_224 = tpu.memref_slice %arg4[%dma_wait3A_222, %dma_wait3A_223] : memref<10000x16xf32, #tpu.memory_space<hbm>> -> memref<10000x16xf32, #tpu.memory_space<hbm>>
      tpu.wait_indirect_dma semaphore(%arg24 : memref<!tpu.dma_semaphore, #tpu.memory_space<semaphore_mem>>) src(%dma_wait3A_224 : memref<10000x16xf32, #tpu.memory_space<hbm>>) dst(%arg14 : memref<200x16xf32, #tpu.memory_space<vmem>>)
      %mul3A_225 = arith.constant 200 : i32
      %mul3A_226 = arith.muli %mul3A_155, %mul3A_225 : i32
      %dma_wait3A_227 = tpu.memref_slice %arg11[%mul3A_226] : memref<10000xi32, #tpu.memory_space<vmem>> -> memref<200xi32, #tpu.memory_space<vmem>>
      %dma_wait3A_228 = arith.constant 0 : i32
      %dma_wait3A_229 = arith.constant 0 : i32
      %dma_wait3A_230 = tpu.memref_slice %arg5[%dma_wait3A_228, %dma_wait3A_229] : memref<10000x16xf32, #tpu.memory_space<hbm>> -> memref<10000x16xf32, #tpu.memory_space<hbm>>
      tpu.wait_indirect_dma semaphore(%arg24 : memref<!tpu.dma_semaphore, #tpu.memory_space<semaphore_mem>>) src(%dma_wait3A_230 : memref<10000x16xf32, #tpu.memory_space<hbm>>) dst(%arg16 : memref<200x16xf32, #tpu.memory_space<vmem>>)
      %scan3A_231 = arith.constant 0 : i32
      %scan3A_232 = arith.constant 0 : i32
      %scan3A_233 = arith.constant 25 : i32
      %scan3A_234 = arith.addi %scan3A_232, %scan3A_233 : i32
      %scan3A_235 = arith.constant 1 : i32
      scf.for %scan3A_350 = %scan3A_232 to %scan3A_234 step %scan3A_235  : i32 {
        %mul3A_351 = arith.constant 8 : i32
        %mul3A_352 = arith.muli %mul3A_351, %scan3A_350 : i32
        %add3A_353 = arith.constant 0 : i32
        %add3A_354 = arith.addi %mul3A_352, %add3A_353 : i32
        %get3A_355 = arith.index_cast %scan3A_350 : i32 to index
        %get3A_356 = arith.constant 0 : index
        %get3A_357 = tpu.vector_load %arg12[%get3A_355, %get3A_356] {strides = array<i32>} : memref<25x128xf32, #tpu.memory_space<vmem>>, vector<16xf32>,
        %get3A_358 = arith.index_cast %add3A_354 : i32 to index
        %get3A_359 = arith.constant 0 : index
        %get3A_360 = tpu.vector_load %arg14[%get3A_358, %get3A_359] {strides = array<i32>} : memref<200x16xf32, #tpu.memory_space<vmem>>, vector<16xf32>,
        %get3A_361 = arith.index_cast %add3A_354 : i32 to index
        %get3A_362 = arith.constant 0 : index
        %get3A_363 = tpu.vector_load %arg16[%get3A_361, %get3A_362] {strides = array<i32>} : memref<200x16xf32, #tpu.memory_space<vmem>>, vector<16xf32>,
        %add3A_364 = arith.addf %get3A_360, %get3A_363 : vector<16xf32>
        %mul3A_365 = arith.mulf %get3A_357, %get3A_8 : vector<16xf32>
        %add3A_366 = arith.addf %add3A_364, %mul3A_365 : vector<16xf32>
        %ge3A_367 = arith.constant 0.000000e+00 : f32
        %ge3A_368 = vector.broadcast %ge3A_367 : f32 to vector<16xf32>
        %ge3A_369 = arith.cmpf oge, %add3A_366, %ge3A_368 : vector<16xf32>
        %mul3A_370 = arith.constant 2.000000e-01 : f32
        %mul3A_371 = vector.broadcast %mul3A_370 : f32 to vector<16xf32>
        %mul3A_372 = arith.mulf %mul3A_371, %add3A_366 : vector<16xf32>
        %select_n3A_373 = arith.select %ge3A_369, %add3A_366, %mul3A_372 : vector<16xi1>, vector<16xf32>
        %exp3A = math.exp %select_n3A_373 : vector<16xf32>
        %swap3A = arith.index_cast %add3A_354 : i32 to index
        %swap3A_374 = arith.constant 0 : index
        %swap3A_375 = tpu.vector_load %arg20[%swap3A, %swap3A_374] {strides = array<i32>} : memref<200x16xf32, #tpu.memory_space<vmem>>, vector<16xf32>,
        tpu.vector_store %arg20[%swap3A, %swap3A_374], %exp3A {strides = array<i32>} : memref<200x16xf32, #tpu.memory_space<vmem>>, vector<16xf32>,
        %swap3A_376 = arith.index_cast %scan3A_350 : i32 to index
        %swap3A_377 = arith.constant 0 : index
        %swap3A_378 = tpu.vector_load %arg18[%swap3A_376, %swap3A_377] {strides = array<i32>} : memref<25x128xf32, #tpu.memory_space<vmem>>, vector<16xf32>,
        tpu.vector_store %arg18[%swap3A_376, %swap3A_377], %exp3A {strides = array<i32>} : memref<25x128xf32, #tpu.memory_space<vmem>>, vector<16xf32>,
        %mul3A_379 = arith.constant 8 : i32
        %mul3A_380 = arith.muli %mul3A_379, %scan3A_350 : i32
        %add3A_381 = arith.constant 1 : i32
        %add3A_382 = arith.addi %mul3A_380, %add3A_381 : i32
        %get3A_383 = arith.index_cast %scan3A_350 : i32 to index
        %get3A_384 = arith.constant 16 : index
        %get3A_385 = tpu.vector_load %arg12[%get3A_383, %get3A_384] {strides = array<i32>} : memref<25x128xf32, #tpu.memory_space<vmem>>, vector<16xf32>,
        %get3A_386 = arith.index_cast %add3A_382 : i32 to index
        %get3A_387 = arith.constant 0 : index
        %get3A_388 = tpu.vector_load %arg14[%get3A_386, %get3A_387] {strides = array<i32>} : memref<200x16xf32, #tpu.memory_space<vmem>>, vector<16xf32>,
        %get3A_389 = arith.index_cast %add3A_382 : i32 to index
        %get3A_390 = arith.constant 0 : index
        %get3A_391 = tpu.vector_load %arg16[%get3A_389, %get3A_390] {strides = array<i32>} : memref<200x16xf32, #tpu.memory_space<vmem>>, vector<16xf32>,
        %add3A_392 = arith.addf %get3A_388, %get3A_391 : vector<16xf32>
        %mul3A_393 = arith.mulf %get3A_385, %get3A_8 : vector<16xf32>
        %add3A_394 = arith.addf %add3A_392, %mul3A_393 : vector<16xf32>
        %ge3A_395 = arith.constant 0.000000e+00 : f32
        %ge3A_396 = vector.broadcast %ge3A_395 : f32 to vector<16xf32>
        %ge3A_397 = arith.cmpf oge, %add3A_394, %ge3A_396 : vector<16xf32>
        %mul3A_398 = arith.constant 2.000000e-01 : f32
        %mul3A_399 = vector.broadcast %mul3A_398 : f32 to vector<16xf32>
        %mul3A_400 = arith.mulf %mul3A_399, %add3A_394 : vector<16xf32>
        %select_n3A_401 = arith.select %ge3A_397, %add3A_394, %mul3A_400 : vector<16xi1>, vector<16xf32>
        %exp3A_402 = math.exp %select_n3A_401 : vector<16xf32>
        %swap3A_403 = arith.index_cast %add3A_382 : i32 to index
        %swap3A_404 = arith.constant 0 : index
        %swap3A_405 = tpu.vector_load %arg20[%swap3A_403, %swap3A_404] {strides = array<i32>} : memref<200x16xf32, #tpu.memory_space<vmem>>, vector<16xf32>,
        tpu.vector_store %arg20[%swap3A_403, %swap3A_404], %exp3A_402 {strides = array<i32>} : memref<200x16xf32, #tpu.memory_space<vmem>>, vector<16xf32>,
        %swap3A_406 = arith.index_cast %scan3A_350 : i32 to index
        %swap3A_407 = arith.constant 16 : index
        %swap3A_408 = tpu.vector_load %arg18[%swap3A_406, %swap3A_407] {strides = array<i32>} : memref<25x128xf32, #tpu.memory_space<vmem>>, vector<16xf32>,
        tpu.vector_store %arg18[%swap3A_406, %swap3A_407], %exp3A_402 {strides = array<i32>} : memref<25x128xf32, #tpu.memory_space<vmem>>, vector<16xf32>,
        %mul3A_409 = arith.constant 8 : i32
        %mul3A_410 = arith.muli %mul3A_409, %scan3A_350 : i32
        %add3A_411 = arith.constant 2 : i32
        %add3A_412 = arith.addi %mul3A_410, %add3A_411 : i32
        %get3A_413 = arith.index_cast %scan3A_350 : i32 to index
        %get3A_414 = arith.constant 32 : index
        %get3A_415 = tpu.vector_load %arg12[%get3A_413, %get3A_414] {strides = array<i32>} : memref<25x128xf32, #tpu.memory_space<vmem>>, vector<16xf32>,
        %get3A_416 = arith.index_cast %add3A_412 : i32 to index
        %get3A_417 = arith.constant 0 : index
        %get3A_418 = tpu.vector_load %arg14[%get3A_416, %get3A_417] {strides = array<i32>} : memref<200x16xf32, #tpu.memory_space<vmem>>, vector<16xf32>,
        %get3A_419 = arith.index_cast %add3A_412 : i32 to index
        %get3A_420 = arith.constant 0 : index
        %get3A_421 = tpu.vector_load %arg16[%get3A_419, %get3A_420] {strides = array<i32>} : memref<200x16xf32, #tpu.memory_space<vmem>>, vector<16xf32>,
        %add3A_422 = arith.addf %get3A_418, %get3A_421 : vector<16xf32>
        %mul3A_423 = arith.mulf %get3A_415, %get3A_8 : vector<16xf32>
        %add3A_424 = arith.addf %add3A_422, %mul3A_423 : vector<16xf32>
        %ge3A_425 = arith.constant 0.000000e+00 : f32
        %ge3A_426 = vector.broadcast %ge3A_425 : f32 to vector<16xf32>
        %ge3A_427 = arith.cmpf oge, %add3A_424, %ge3A_426 : vector<16xf32>
        %mul3A_428 = arith.constant 2.000000e-01 : f32
        %mul3A_429 = vector.broadcast %mul3A_428 : f32 to vector<16xf32>
        %mul3A_430 = arith.mulf %mul3A_429, %add3A_424 : vector<16xf32>
        %select_n3A_431 = arith.select %ge3A_427, %add3A_424, %mul3A_430 : vector<16xi1>, vector<16xf32>
        %exp3A_432 = math.exp %select_n3A_431 : vector<16xf32>
        %swap3A_433 = arith.index_cast %add3A_412 : i32 to index
        %swap3A_434 = arith.constant 0 : index
        %swap3A_435 = tpu.vector_load %arg20[%swap3A_433, %swap3A_434] {strides = array<i32>} : memref<200x16xf32, #tpu.memory_space<vmem>>, vector<16xf32>,
        tpu.vector_store %arg20[%swap3A_433, %swap3A_434], %exp3A_432 {strides = array<i32>} : memref<200x16xf32, #tpu.memory_space<vmem>>, vector<16xf32>,
        %swap3A_436 = arith.index_cast %scan3A_350 : i32 to index
        %swap3A_437 = arith.constant 32 : index
        %swap3A_438 = tpu.vector_load %arg18[%swap3A_436, %swap3A_437] {strides = array<i32>} : memref<25x128xf32, #tpu.memory_space<vmem>>, vector<16xf32>,
        tpu.vector_store %arg18[%swap3A_436, %swap3A_437], %exp3A_432 {strides = array<i32>} : memref<25x128xf32, #tpu.memory_space<vmem>>, vector<16xf32>,
        %mul3A_439 = arith.constant 8 : i32
        %mul3A_440 = arith.muli %mul3A_439, %scan3A_350 : i32
        %add3A_441 = arith.constant 3 : i32
        %add3A_442 = arith.addi %mul3A_440, %add3A_441 : i32
        %get3A_443 = arith.index_cast %scan3A_350 : i32 to index
        %get3A_444 = arith.constant 48 : index
        %get3A_445 = tpu.vector_load %arg12[%get3A_443, %get3A_444] {strides = array<i32>} : memref<25x128xf32, #tpu.memory_space<vmem>>, vector<16xf32>,
        %get3A_446 = arith.index_cast %add3A_442 : i32 to index
        %get3A_447 = arith.constant 0 : index
        %get3A_448 = tpu.vector_load %arg14[%get3A_446, %get3A_447] {strides = array<i32>} : memref<200x16xf32, #tpu.memory_space<vmem>>, vector<16xf32>,
        %get3A_449 = arith.index_cast %add3A_442 : i32 to index
        %get3A_450 = arith.constant 0 : index
        %get3A_451 = tpu.vector_load %arg16[%get3A_449, %get3A_450] {strides = array<i32>} : memref<200x16xf32, #tpu.memory_space<vmem>>, vector<16xf32>,
        %add3A_452 = arith.addf %get3A_448, %get3A_451 : vector<16xf32>
        %mul3A_453 = arith.mulf %get3A_445, %get3A_8 : vector<16xf32>
        %add3A_454 = arith.addf %add3A_452, %mul3A_453 : vector<16xf32>
        %ge3A_455 = arith.constant 0.000000e+00 : f32
        %ge3A_456 = vector.broadcast %ge3A_455 : f32 to vector<16xf32>
        %ge3A_457 = arith.cmpf oge, %add3A_454, %ge3A_456 : vector<16xf32>
        %mul3A_458 = arith.constant 2.000000e-01 : f32
        %mul3A_459 = vector.broadcast %mul3A_458 : f32 to vector<16xf32>
        %mul3A_460 = arith.mulf %mul3A_459, %add3A_454 : vector<16xf32>
        %select_n3A_461 = arith.select %ge3A_457, %add3A_454, %mul3A_460 : vector<16xi1>, vector<16xf32>
        %exp3A_462 = math.exp %select_n3A_461 : vector<16xf32>
        %swap3A_463 = arith.index_cast %add3A_442 : i32 to index
        %swap3A_464 = arith.constant 0 : index
        %swap3A_465 = tpu.vector_load %arg20[%swap3A_463, %swap3A_464] {strides = array<i32>} : memref<200x16xf32, #tpu.memory_space<vmem>>, vector<16xf32>,
        tpu.vector_store %arg20[%swap3A_463, %swap3A_464], %exp3A_462 {strides = array<i32>} : memref<200x16xf32, #tpu.memory_space<vmem>>, vector<16xf32>,
        %swap3A_466 = arith.index_cast %scan3A_350 : i32 to index
        %swap3A_467 = arith.constant 48 : index
        %swap3A_468 = tpu.vector_load %arg18[%swap3A_466, %swap3A_467] {strides = array<i32>} : memref<25x128xf32, #tpu.memory_space<vmem>>, vector<16xf32>,
        tpu.vector_store %arg18[%swap3A_466, %swap3A_467], %exp3A_462 {strides = array<i32>} : memref<25x128xf32, #tpu.memory_space<vmem>>, vector<16xf32>,
        %mul3A_469 = arith.constant 8 : i32
        %mul3A_470 = arith.muli %mul3A_469, %scan3A_350 : i32
        %add3A_471 = arith.constant 4 : i32
        %add3A_472 = arith.addi %mul3A_470, %add3A_471 : i32
        %get3A_473 = arith.index_cast %scan3A_350 : i32 to index
        %get3A_474 = arith.constant 64 : index
        %get3A_475 = tpu.vector_load %arg12[%get3A_473, %get3A_474] {strides = array<i32>} : memref<25x128xf32, #tpu.memory_space<vmem>>, vector<16xf32>,
        %get3A_476 = arith.index_cast %add3A_472 : i32 to index
        %get3A_477 = arith.constant 0 : index
        %get3A_478 = tpu.vector_load %arg14[%get3A_476, %get3A_477] {strides = array<i32>} : memref<200x16xf32, #tpu.memory_space<vmem>>, vector<16xf32>,
        %get3A_479 = arith.index_cast %add3A_472 : i32 to index
        %get3A_480 = arith.constant 0 : index
        %get3A_481 = tpu.vector_load %arg16[%get3A_479, %get3A_480] {strides = array<i32>} : memref<200x16xf32, #tpu.memory_space<vmem>>, vector<16xf32>,
        %add3A_482 = arith.addf %get3A_478, %get3A_481 : vector<16xf32>
        %mul3A_483 = arith.mulf %get3A_475, %get3A_8 : vector<16xf32>
        %add3A_484 = arith.addf %add3A_482, %mul3A_483 : vector<16xf32>
        %ge3A_485 = arith.constant 0.000000e+00 : f32
        %ge3A_486 = vector.broadcast %ge3A_485 : f32 to vector<16xf32>
        %ge3A_487 = arith.cmpf oge, %add3A_484, %ge3A_486 : vector<16xf32>
        %mul3A_488 = arith.constant 2.000000e-01 : f32
        %mul3A_489 = vector.broadcast %mul3A_488 : f32 to vector<16xf32>
        %mul3A_490 = arith.mulf %mul3A_489, %add3A_484 : vector<16xf32>
        %select_n3A_491 = arith.select %ge3A_487, %add3A_484, %mul3A_490 : vector<16xi1>, vector<16xf32>
        %exp3A_492 = math.exp %select_n3A_491 : vector<16xf32>
        %swap3A_493 = arith.index_cast %add3A_472 : i32 to index
        %swap3A_494 = arith.constant 0 : index
        %swap3A_495 = tpu.vector_load %arg20[%swap3A_493, %swap3A_494] {strides = array<i32>} : memref<200x16xf32, #tpu.memory_space<vmem>>, vector<16xf32>,
        tpu.vector_store %arg20[%swap3A_493, %swap3A_494], %exp3A_492 {strides = array<i32>} : memref<200x16xf32, #tpu.memory_space<vmem>>, vector<16xf32>,
        %swap3A_496 = arith.index_cast %scan3A_350 : i32 to index
        %swap3A_497 = arith.constant 64 : index
        %swap3A_498 = tpu.vector_load %arg18[%swap3A_496, %swap3A_497] {strides = array<i32>} : memref<25x128xf32, #tpu.memory_space<vmem>>, vector<16xf32>,
        tpu.vector_store %arg18[%swap3A_496, %swap3A_497], %exp3A_492 {strides = array<i32>} : memref<25x128xf32, #tpu.memory_space<vmem>>, vector<16xf32>,
        %mul3A_499 = arith.constant 8 : i32
        %mul3A_500 = arith.muli %mul3A_499, %scan3A_350 : i32
        %add3A_501 = arith.constant 5 : i32
        %add3A_502 = arith.addi %mul3A_500, %add3A_501 : i32
        %get3A_503 = arith.index_cast %scan3A_350 : i32 to index
        %get3A_504 = arith.constant 80 : index
        %get3A_505 = tpu.vector_load %arg12[%get3A_503, %get3A_504] {strides = array<i32>} : memref<25x128xf32, #tpu.memory_space<vmem>>, vector<16xf32>,
        %get3A_506 = arith.index_cast %add3A_502 : i32 to index
        %get3A_507 = arith.constant 0 : index
        %get3A_508 = tpu.vector_load %arg14[%get3A_506, %get3A_507] {strides = array<i32>} : memref<200x16xf32, #tpu.memory_space<vmem>>, vector<16xf32>,
        %get3A_509 = arith.index_cast %add3A_502 : i32 to index
        %get3A_510 = arith.constant 0 : index
        %get3A_511 = tpu.vector_load %arg16[%get3A_509, %get3A_510] {strides = array<i32>} : memref<200x16xf32, #tpu.memory_space<vmem>>, vector<16xf32>,
        %add3A_512 = arith.addf %get3A_508, %get3A_511 : vector<16xf32>
        %mul3A_513 = arith.mulf %get3A_505, %get3A_8 : vector<16xf32>
        %add3A_514 = arith.addf %add3A_512, %mul3A_513 : vector<16xf32>
        %ge3A_515 = arith.constant 0.000000e+00 : f32
        %ge3A_516 = vector.broadcast %ge3A_515 : f32 to vector<16xf32>
        %ge3A_517 = arith.cmpf oge, %add3A_514, %ge3A_516 : vector<16xf32>
        %mul3A_518 = arith.constant 2.000000e-01 : f32
        %mul3A_519 = vector.broadcast %mul3A_518 : f32 to vector<16xf32>
        %mul3A_520 = arith.mulf %mul3A_519, %add3A_514 : vector<16xf32>
        %select_n3A_521 = arith.select %ge3A_517, %add3A_514, %mul3A_520 : vector<16xi1>, vector<16xf32>
        %exp3A_522 = math.exp %select_n3A_521 : vector<16xf32>
        %swap3A_523 = arith.index_cast %add3A_502 : i32 to index
        %swap3A_524 = arith.constant 0 : index
        %swap3A_525 = tpu.vector_load %arg20[%swap3A_523, %swap3A_524] {strides = array<i32>} : memref<200x16xf32, #tpu.memory_space<vmem>>, vector<16xf32>,
        tpu.vector_store %arg20[%swap3A_523, %swap3A_524], %exp3A_522 {strides = array<i32>} : memref<200x16xf32, #tpu.memory_space<vmem>>, vector<16xf32>,
        %swap3A_526 = arith.index_cast %scan3A_350 : i32 to index
        %swap3A_527 = arith.constant 80 : index
        %swap3A_528 = tpu.vector_load %arg18[%swap3A_526, %swap3A_527] {strides = array<i32>} : memref<25x128xf32, #tpu.memory_space<vmem>>, vector<16xf32>,
        tpu.vector_store %arg18[%swap3A_526, %swap3A_527], %exp3A_522 {strides = array<i32>} : memref<25x128xf32, #tpu.memory_space<vmem>>, vector<16xf32>,
        %mul3A_529 = arith.constant 8 : i32
        %mul3A_530 = arith.muli %mul3A_529, %scan3A_350 : i32
        %add3A_531 = arith.constant 6 : i32
        %add3A_532 = arith.addi %mul3A_530, %add3A_531 : i32
        %get3A_533 = arith.index_cast %scan3A_350 : i32 to index
        %get3A_534 = arith.constant 96 : index
        %get3A_535 = tpu.vector_load %arg12[%get3A_533, %get3A_534] {strides = array<i32>} : memref<25x128xf32, #tpu.memory_space<vmem>>, vector<16xf32>,
        %get3A_536 = arith.index_cast %add3A_532 : i32 to index
        %get3A_537 = arith.constant 0 : index
        %get3A_538 = tpu.vector_load %arg14[%get3A_536, %get3A_537] {strides = array<i32>} : memref<200x16xf32, #tpu.memory_space<vmem>>, vector<16xf32>,
        %get3A_539 = arith.index_cast %add3A_532 : i32 to index
        %get3A_540 = arith.constant 0 : index
        %get3A_541 = tpu.vector_load %arg16[%get3A_539, %get3A_540] {strides = array<i32>} : memref<200x16xf32, #tpu.memory_space<vmem>>, vector<16xf32>,
        %add3A_542 = arith.addf %get3A_538, %get3A_541 : vector<16xf32>
        %mul3A_543 = arith.mulf %get3A_535, %get3A_8 : vector<16xf32>
        %add3A_544 = arith.addf %add3A_542, %mul3A_543 : vector<16xf32>
        %ge3A_545 = arith.constant 0.000000e+00 : f32
        %ge3A_546 = vector.broadcast %ge3A_545 : f32 to vector<16xf32>
        %ge3A_547 = arith.cmpf oge, %add3A_544, %ge3A_546 : vector<16xf32>
        %mul3A_548 = arith.constant 2.000000e-01 : f32
        %mul3A_549 = vector.broadcast %mul3A_548 : f32 to vector<16xf32>
        %mul3A_550 = arith.mulf %mul3A_549, %add3A_544 : vector<16xf32>
        %select_n3A_551 = arith.select %ge3A_547, %add3A_544, %mul3A_550 : vector<16xi1>, vector<16xf32>
        %exp3A_552 = math.exp %select_n3A_551 : vector<16xf32>
        %swap3A_553 = arith.index_cast %add3A_532 : i32 to index
        %swap3A_554 = arith.constant 0 : index
        %swap3A_555 = tpu.vector_load %arg20[%swap3A_553, %swap3A_554] {strides = array<i32>} : memref<200x16xf32, #tpu.memory_space<vmem>>, vector<16xf32>,
        tpu.vector_store %arg20[%swap3A_553, %swap3A_554], %exp3A_552 {strides = array<i32>} : memref<200x16xf32, #tpu.memory_space<vmem>>, vector<16xf32>,
        %swap3A_556 = arith.index_cast %scan3A_350 : i32 to index
        %swap3A_557 = arith.constant 96 : index
        %swap3A_558 = tpu.vector_load %arg18[%swap3A_556, %swap3A_557] {strides = array<i32>} : memref<25x128xf32, #tpu.memory_space<vmem>>, vector<16xf32>,
        tpu.vector_store %arg18[%swap3A_556, %swap3A_557], %exp3A_552 {strides = array<i32>} : memref<25x128xf32, #tpu.memory_space<vmem>>, vector<16xf32>,
        %mul3A_559 = arith.constant 8 : i32
        %mul3A_560 = arith.muli %mul3A_559, %scan3A_350 : i32
        %add3A_561 = arith.constant 7 : i32
        %add3A_562 = arith.addi %mul3A_560, %add3A_561 : i32
        %get3A_563 = arith.index_cast %scan3A_350 : i32 to index
        %get3A_564 = arith.constant 112 : index
        %get3A_565 = tpu.vector_load %arg12[%get3A_563, %get3A_564] {strides = array<i32>} : memref<25x128xf32, #tpu.memory_space<vmem>>, vector<16xf32>,
        %get3A_566 = arith.index_cast %add3A_562 : i32 to index
        %get3A_567 = arith.constant 0 : index
        %get3A_568 = tpu.vector_load %arg14[%get3A_566, %get3A_567] {strides = array<i32>} : memref<200x16xf32, #tpu.memory_space<vmem>>, vector<16xf32>,
        %get3A_569 = arith.index_cast %add3A_562 : i32 to index
        %get3A_570 = arith.constant 0 : index
        %get3A_571 = tpu.vector_load %arg16[%get3A_569, %get3A_570] {strides = array<i32>} : memref<200x16xf32, #tpu.memory_space<vmem>>, vector<16xf32>,
        %add3A_572 = arith.addf %get3A_568, %get3A_571 : vector<16xf32>
        %mul3A_573 = arith.mulf %get3A_565, %get3A_8 : vector<16xf32>
        %add3A_574 = arith.addf %add3A_572, %mul3A_573 : vector<16xf32>
        %ge3A_575 = arith.constant 0.000000e+00 : f32
        %ge3A_576 = vector.broadcast %ge3A_575 : f32 to vector<16xf32>
        %ge3A_577 = arith.cmpf oge, %add3A_574, %ge3A_576 : vector<16xf32>
        %mul3A_578 = arith.constant 2.000000e-01 : f32
        %mul3A_579 = vector.broadcast %mul3A_578 : f32 to vector<16xf32>
        %mul3A_580 = arith.mulf %mul3A_579, %add3A_574 : vector<16xf32>
        %select_n3A_581 = arith.select %ge3A_577, %add3A_574, %mul3A_580 : vector<16xi1>, vector<16xf32>
        %exp3A_582 = math.exp %select_n3A_581 : vector<16xf32>
        %swap3A_583 = arith.index_cast %add3A_562 : i32 to index
        %swap3A_584 = arith.constant 0 : index
        %swap3A_585 = tpu.vector_load %arg20[%swap3A_583, %swap3A_584] {strides = array<i32>} : memref<200x16xf32, #tpu.memory_space<vmem>>, vector<16xf32>,
        tpu.vector_store %arg20[%swap3A_583, %swap3A_584], %exp3A_582 {strides = array<i32>} : memref<200x16xf32, #tpu.memory_space<vmem>>, vector<16xf32>,
        %swap3A_586 = arith.index_cast %scan3A_350 : i32 to index
        %swap3A_587 = arith.constant 112 : index
        %swap3A_588 = tpu.vector_load %arg18[%swap3A_586, %swap3A_587] {strides = array<i32>} : memref<25x128xf32, #tpu.memory_space<vmem>>, vector<16xf32>,
        tpu.vector_store %arg18[%swap3A_586, %swap3A_587], %exp3A_582 {strides = array<i32>} : memref<25x128xf32, #tpu.memory_space<vmem>>, vector<16xf32>,
      }
      %scan3A_236 = arith.constant 25 : i32
      %dma_start3A_237 = arith.constant 0 : i32
      %dma_start3A_238 = tpu.memref_slice %arg8[%select_n3A_185, %dma_start3A_237] : memref<40000x128xf32, #tpu.memory_space<hbm>> -> memref<25x128xf32, #tpu.memory_space<hbm>>
      %dma_start3A_239 = arith.constant 0 : i32
      %dma_start3A_240 = tpu.memref_slice %arg8[%select_n3A_185, %dma_start3A_239] : memref<40000x128xf32, #tpu.memory_space<hbm>> -> memref<25x128xf32, #tpu.memory_space<hbm>>
      tpu.enqueue_dma source(%arg18 : memref<25x128xf32, #tpu.memory_space<vmem>>) target(%dma_start3A_240 : memref<25x128xf32, #tpu.memory_space<hbm>>) target_semaphore(%arg26 : memref<!tpu.dma_semaphore, #tpu.memory_space<semaphore_mem>>)
      %mul3A_241 = arith.constant 200 : i32
      %mul3A_242 = arith.muli %mul3A_155, %mul3A_241 : i32
      "tpu.region"() ({
        %run_scoped3A_350 = tpu.sem_alloc : memref<!tpu.dma_semaphore, #tpu.memory_space<semaphore_mem>>
        %dma_start3A_351 = tpu.memref_slice %arg11[%mul3A_242] : memref<10000xi32, #tpu.memory_space<vmem>> -> memref<200xi32, #tpu.memory_space<vmem>>
        %dma_start3A_352 = arith.constant 0 : i32
        %dma_start3A_353 = arith.constant 0 : i32
        %dma_start3A_354 = tpu.memref_slice %arg23[%dma_start3A_352, %dma_start3A_353] : memref<10240x16xf32, #tpu.memory_space<vmem_shared>> -> memref<10240x16xf32, #tpu.memory_space<vmem_shared>>
        tpu.enqueue_indirect_dma source(%arg20 : memref<200x16xf32, #tpu.memory_space<vmem>>) target(%dma_start3A_354 : memref<10240x16xf32, #tpu.memory_space<vmem_shared>>) offsets(%dma_start3A_351 : memref<200xi32, #tpu.memory_space<vmem>>) semaphore(%run_scoped3A_350 : memref<!tpu.dma_semaphore, #tpu.memory_space<semaphore_mem>>) {add = true}
        %dma_wait3A_355 = tpu.memref_slice %arg11[%mul3A_242] : memref<10000xi32, #tpu.memory_space<vmem>> -> memref<200xi32, #tpu.memory_space<vmem>>
        %dma_wait3A_356 = arith.constant 0 : i32
        %dma_wait3A_357 = arith.constant 0 : i32
        %dma_wait3A_358 = tpu.memref_slice %arg23[%dma_wait3A_356, %dma_wait3A_357] : memref<10240x16xf32, #tpu.memory_space<vmem_shared>> -> memref<10240x16xf32, #tpu.memory_space<vmem_shared>>
        tpu.wait_indirect_dma semaphore(%run_scoped3A_350 : memref<!tpu.dma_semaphore, #tpu.memory_space<semaphore_mem>>) src(%arg20 : memref<200x16xf32, #tpu.memory_space<vmem>>) dst(%dma_wait3A_358 : memref<10240x16xf32, #tpu.memory_space<vmem_shared>>)
        tpu.yield
      }) : () -> ()
      %add3A_243 = arith.constant 2 : i32
      %add3A_244 = arith.addi %mul3A_155, %add3A_243 : i32
      %lt3A = arith.constant 50 : i32
      %lt3A_245 = arith.cmpi slt, %add3A_244, %lt3A : i32
      %convert_element_type3A_246 = arith.extui %lt3A_245 : i1 to i32
      %cond3A_247 = arith.constant 0 : i32
      %cond3A_248 = arith.cmpi ne, %convert_element_type3A_246, %cond3A_247 : i32
      scf.if %cond3A_248 {
        %add3A_350 = arith.constant 2 : i32
        %add3A_351 = arith.addi %mul3A_155, %add3A_350 : i32
        %mul3A_352 = arith.constant 200 : i32
        %mul3A_353 = arith.muli %add3A_351, %mul3A_352 : i32
        %add3A_354 = arith.addi %mul3A_2, %mul3A_353 : i32
        %mul3A_355 = arith.constant 200 : i32
        %mul3A_356 = arith.muli %add3A_351, %mul3A_355 : i32
        %mul3A_357 = arith.constant 200 : i32
        %mul3A_358 = arith.muli %add3A_351, %mul3A_357 : i32
        %add3A_359 = arith.addi %mul3A_2, %mul3A_358 : i32
        %jit3A_360 = arith.constant 8 : i32
        %div3A_361 = arith.divsi %add3A_359, %jit3A_360 : i32
        %sign3A_362 = arith.constant 0 : i32
        %sign3A_363 = arith.cmpi sgt, %add3A_359, %sign3A_362 : i32
        %sign3A_364 = arith.extui %sign3A_363 : i1 to i32
        %sign3A_365 = arith.constant 0 : i32
        %sign3A_366 = arith.cmpi slt, %add3A_359, %sign3A_365 : i32
        %sign3A_367 = arith.extui %sign3A_366 : i1 to i32
        %sign3A_368 = arith.subi %sign3A_364, %sign3A_367 : i32
        %sign3A_369 = arith.constant 0 : i32
        %sign3A_370 = arith.cmpi sgt, %jit3A_360, %sign3A_369 : i32
        %sign3A_371 = arith.extui %sign3A_370 : i1 to i32
        %sign3A_372 = arith.constant 0 : i32
        %sign3A_373 = arith.cmpi slt, %jit3A_360, %sign3A_372 : i32
        %sign3A_374 = arith.extui %sign3A_373 : i1 to i32
        %sign3A_375 = arith.subi %sign3A_371, %sign3A_374 : i32
        %ne3A_376 = arith.cmpi ne, %sign3A_368, %sign3A_375 : i32
        %rem3A_377 = arith.remsi %add3A_359, %jit3A_360 : i32
        %ne3A_378 = arith.constant 0 : i32
        %ne3A_379 = arith.cmpi ne, %rem3A_377, %ne3A_378 : i32
        %and3A_380 = arith.andi %ne3A_376, %ne3A_379 : i1
        %sub3A_381 = arith.constant 1 : i32
        %sub3A_382 = arith.subi %div3A_361, %sub3A_381 : i32
        %select_n3A_383 = arith.select %and3A_380, %sub3A_382, %div3A_361 : i32
        %dma_start3A_384 = arith.constant 0 : i32
        %dma_start3A_385 = tpu.memref_slice %arg3[%select_n3A_383, %dma_start3A_384] : memref<40000x128xf32, #tpu.memory_space<hbm>> -> memref<25x128xf32, #tpu.memory_space<hbm>>
        %dma_start3A_386 = arith.constant 0 : i32
        %dma_start3A_387 = tpu.memref_slice %arg3[%select_n3A_383, %dma_start3A_386] : memref<40000x128xf32, #tpu.memory_space<hbm>> -> memref<25x128xf32, #tpu.memory_space<hbm>>
        tpu.enqueue_dma source(%dma_start3A_387 : memref<25x128xf32, #tpu.memory_space<hbm>>) target(%arg12 : memref<25x128xf32, #tpu.memory_space<vmem>>) target_semaphore(%arg24 : memref<!tpu.dma_semaphore, #tpu.memory_space<semaphore_mem>>)
        %dma_start3A_388 = tpu.memref_slice %arg10[%mul3A_356] : memref<10000xi32, #tpu.memory_space<vmem>> -> memref<200xi32, #tpu.memory_space<vmem>>
        %dma_start3A_389 = arith.constant 0 : i32
        %dma_start3A_390 = arith.constant 0 : i32
        %dma_start3A_391 = tpu.memref_slice %arg4[%dma_start3A_389, %dma_start3A_390] : memref<10000x16xf32, #tpu.memory_space<hbm>> -> memref<10000x16xf32, #tpu.memory_space<hbm>>
        tpu.enqueue_indirect_dma source(%dma_start3A_391 : memref<10000x16xf32, #tpu.memory_space<hbm>>) target(%arg14 : memref<200x16xf32, #tpu.memory_space<vmem>>) offsets(%dma_start3A_388 : memref<200xi32, #tpu.memory_space<vmem>>) semaphore(%arg24 : memref<!tpu.dma_semaphore, #tpu.memory_space<semaphore_mem>>)
        %dma_start3A_392 = tpu.memref_slice %arg11[%mul3A_356] : memref<10000xi32, #tpu.memory_space<vmem>> -> memref<200xi32, #tpu.memory_space<vmem>>
        %dma_start3A_393 = arith.constant 0 : i32
        %dma_start3A_394 = arith.constant 0 : i32
        %dma_start3A_395 = tpu.memref_slice %arg5[%dma_start3A_393, %dma_start3A_394] : memref<10000x16xf32, #tpu.memory_space<hbm>> -> memref<10000x16xf32, #tpu.memory_space<hbm>>
        tpu.enqueue_indirect_dma source(%dma_start3A_395 : memref<10000x16xf32, #tpu.memory_space<hbm>>) target(%arg16 : memref<200x16xf32, #tpu.memory_space<vmem>>) offsets(%dma_start3A_392 : memref<200xi32, #tpu.memory_space<vmem>>) semaphore(%arg24 : memref<!tpu.dma_semaphore, #tpu.memory_space<semaphore_mem>>)
      } else {
      }
      %mul3A_249 = arith.constant 2 : i32
      %mul3A_250 = arith.muli %mul3A_249, %scan3A_153 : i32
      %add3A_251 = arith.constant 1 : i32
      %add3A_252 = arith.addi %mul3A_250, %add3A_251 : i32
      %mul3A_253 = arith.constant 200 : i32
      %mul3A_254 = arith.muli %add3A_252, %mul3A_253 : i32
      %add3A_255 = arith.addi %mul3A_2, %mul3A_254 : i32
      %mul3A_256 = arith.constant 200 : i32
      %mul3A_257 = arith.muli %add3A_252, %mul3A_256 : i32
      %add3A_258 = arith.addi %mul3A_2, %mul3A_257 : i32
      %jit3A_259 = arith.constant 8 : i32
      %div3A_260 = arith.divsi %add3A_258, %jit3A_259 : i32
      %sign3A_261 = arith.constant 0 : i32
      %sign3A_262 = arith.cmpi sgt, %add3A_258, %sign3A_261 : i32
      %sign3A_263 = arith.extui %sign3A_262 : i1 to i32
      %sign3A_264 = arith.constant 0 : i32
      %sign3A_265 = arith.cmpi slt, %add3A_258, %sign3A_264 : i32
      %sign3A_266 = arith.extui %sign3A_265 : i1 to i32
      %sign3A_267 = arith.subi %sign3A_263, %sign3A_266 : i32
      %sign3A_268 = arith.constant 0 : i32
      %sign3A_269 = arith.cmpi sgt, %jit3A_259, %sign3A_268 : i32
      %sign3A_270 = arith.extui %sign3A_269 : i1 to i32
      %sign3A_271 = arith.constant 0 : i32
      %sign3A_272 = arith.cmpi slt, %jit3A_259, %sign3A_271 : i32
      %sign3A_273 = arith.extui %sign3A_272 : i1 to i32
      %sign3A_274 = arith.subi %sign3A_270, %sign3A_273 : i32
      %ne3A_275 = arith.cmpi ne, %sign3A_267, %sign3A_274 : i32
      %rem3A_276 = arith.remsi %add3A_258, %jit3A_259 : i32
      %ne3A_277 = arith.constant 0 : i32
      %ne3A_278 = arith.cmpi ne, %rem3A_276, %ne3A_277 : i32
      %and3A_279 = arith.andi %ne3A_275, %ne3A_278 : i1
      %sub3A_280 = arith.constant 1 : i32
      %sub3A_281 = arith.subi %div3A_260, %sub3A_280 : i32
      %select_n3A_282 = arith.select %and3A_279, %sub3A_281, %div3A_260 : i32
      %ge3A_283 = arith.constant 2 : i32
      %ge3A_284 = arith.cmpi sge, %add3A_252, %ge3A_283 : i32
      %convert_element_type3A_285 = arith.extui %ge3A_284 : i1 to i32
      %cond3A_286 = arith.constant 0 : i32
      %cond3A_287 = arith.cmpi ne, %convert_element_type3A_285, %cond3A_286 : i32
      scf.if %cond3A_287 {
        %sub3A_350 = arith.constant 2 : i32
        %sub3A_351 = arith.subi %add3A_252, %sub3A_350 : i32
        %mul3A_352 = arith.constant 200 : i32
        %mul3A_353 = arith.muli %sub3A_351, %mul3A_352 : i32
        %add3A_354 = arith.addi %mul3A_2, %mul3A_353 : i32
        %jit3A_355 = arith.constant 8 : i32
        %div3A_356 = arith.divsi %add3A_354, %jit3A_355 : i32
        %sign3A_357 = arith.constant 0 : i32
        %sign3A_358 = arith.cmpi sgt, %add3A_354, %sign3A_357 : i32
        %sign3A_359 = arith.extui %sign3A_358 : i1 to i32
        %sign3A_360 = arith.constant 0 : i32
        %sign3A_361 = arith.cmpi slt, %add3A_354, %sign3A_360 : i32
        %sign3A_362 = arith.extui %sign3A_361 : i1 to i32
        %sign3A_363 = arith.subi %sign3A_359, %sign3A_362 : i32
        %sign3A_364 = arith.constant 0 : i32
        %sign3A_365 = arith.cmpi sgt, %jit3A_355, %sign3A_364 : i32
        %sign3A_366 = arith.extui %sign3A_365 : i1 to i32
        %sign3A_367 = arith.constant 0 : i32
        %sign3A_368 = arith.cmpi slt, %jit3A_355, %sign3A_367 : i32
        %sign3A_369 = arith.extui %sign3A_368 : i1 to i32
        %sign3A_370 = arith.subi %sign3A_366, %sign3A_369 : i32
        %ne3A_371 = arith.cmpi ne, %sign3A_363, %sign3A_370 : i32
        %rem3A_372 = arith.remsi %add3A_354, %jit3A_355 : i32
        %ne3A_373 = arith.constant 0 : i32
        %ne3A_374 = arith.cmpi ne, %rem3A_372, %ne3A_373 : i32
        %and3A_375 = arith.andi %ne3A_371, %ne3A_374 : i1
        %sub3A_376 = arith.constant 1 : i32
        %sub3A_377 = arith.subi %div3A_356, %sub3A_376 : i32
        %select_n3A_378 = arith.select %and3A_375, %sub3A_377, %div3A_356 : i32
        %dma_wait3A_379 = arith.constant 0 : i32
        %dma_wait3A_380 = tpu.memref_slice %arg8[%select_n3A_378, %dma_wait3A_379] : memref<40000x128xf32, #tpu.memory_space<hbm>> -> memref<25x128xf32, #tpu.memory_space<hbm>>
        %dma_wait3A_381 = arith.constant 0 : i32
        %dma_wait3A_382 = tpu.memref_slice %arg8[%select_n3A_378, %dma_wait3A_381] : memref<40000x128xf32, #tpu.memory_space<hbm>> -> memref<25x128xf32, #tpu.memory_space<hbm>>
        tpu.wait_dma2 semaphore(%arg27 : memref<!tpu.dma_semaphore, #tpu.memory_space<semaphore_mem>>) src(%arg19 : memref<25x128xf32, #tpu.memory_space<vmem>>) dst(%dma_wait3A_382 : memref<25x128xf32, #tpu.memory_space<hbm>>)
      } else {
      }
      %mul3A_288 = arith.constant 200 : i32
      %mul3A_289 = arith.muli %add3A_252, %mul3A_288 : i32
      %add3A_290 = arith.addi %mul3A_2, %mul3A_289 : i32
      %jit3A_291 = arith.constant 8 : i32
      %div3A_292 = arith.divsi %add3A_290, %jit3A_291 : i32
      %sign3A_293 = arith.constant 0 : i32
      %sign3A_294 = arith.cmpi sgt, %add3A_290, %sign3A_293 : i32
      %sign3A_295 = arith.extui %sign3A_294 : i1 to i32
      %sign3A_296 = arith.constant 0 : i32
      %sign3A_297 = arith.cmpi slt, %add3A_290, %sign3A_296 : i32
      %sign3A_298 = arith.extui %sign3A_297 : i1 to i32
      %sign3A_299 = arith.subi %sign3A_295, %sign3A_298 : i32
      %sign3A_300 = arith.constant 0 : i32
      %sign3A_301 = arith.cmpi sgt, %jit3A_291, %sign3A_300 : i32
      %sign3A_302 = arith.extui %sign3A_301 : i1 to i32
      %sign3A_303 = arith.constant 0 : i32
      %sign3A_304 = arith.cmpi slt, %jit3A_291, %sign3A_303 : i32
      %sign3A_305 = arith.extui %sign3A_304 : i1 to i32
      %sign3A_306 = arith.subi %sign3A_302, %sign3A_305 : i32
      %ne3A_307 = arith.cmpi ne, %sign3A_299, %sign3A_306 : i32
      %rem3A_308 = arith.remsi %add3A_290, %jit3A_291 : i32
      %ne3A_309 = arith.constant 0 : i32
      %ne3A_310 = arith.cmpi ne, %rem3A_308, %ne3A_309 : i32
      %and3A_311 = arith.andi %ne3A_307, %ne3A_310 : i1
      %sub3A_312 = arith.constant 1 : i32
      %sub3A_313 = arith.subi %div3A_292, %sub3A_312 : i32
      %select_n3A_314 = arith.select %and3A_311, %sub3A_313, %div3A_292 : i32
      %dma_wait3A_315 = arith.constant 0 : i32
      %dma_wait3A_316 = tpu.memref_slice %arg3[%select_n3A_314, %dma_wait3A_315] : memref<40000x128xf32, #tpu.memory_space<hbm>> -> memref<25x128xf32, #tpu.memory_space<hbm>>
      %dma_wait3A_317 = arith.constant 0 : i32
      %dma_wait3A_318 = tpu.memref_slice %arg3[%select_n3A_314, %dma_wait3A_317] : memref<40000x128xf32, #tpu.memory_space<hbm>> -> memref<25x128xf32, #tpu.memory_space<hbm>>
      tpu.wait_dma2 semaphore(%arg25 : memref<!tpu.dma_semaphore, #tpu.memory_space<semaphore_mem>>) src(%dma_wait3A_318 : memref<25x128xf32, #tpu.memory_space<hbm>>) dst(%arg13 : memref<25x128xf32, #tpu.memory_space<vmem>>)
      %mul3A_319 = arith.constant 200 : i32
      %mul3A_320 = arith.muli %add3A_252, %mul3A_319 : i32
      %dma_wait3A_321 = tpu.memref_slice %arg10[%mul3A_320] : memref<10000xi32, #tpu.memory_space<vmem>> -> memref<200xi32, #tpu.memory_space<vmem>>
      %dma_wait3A_322 = arith.constant 0 : i32
      %dma_wait3A_323 = arith.constant 0 : i32
      %dma_wait3A_324 = tpu.memref_slice %arg4[%dma_wait3A_322, %dma_wait3A_323] : memref<10000x16xf32, #tpu.memory_space<hbm>> -> memref<10000x16xf32, #tpu.memory_space<hbm>>
      tpu.wait_indirect_dma semaphore(%arg25 : memref<!tpu.dma_semaphore, #tpu.memory_space<semaphore_mem>>) src(%dma_wait3A_324 : memref<10000x16xf32, #tpu.memory_space<hbm>>) dst(%arg15 : memref<200x16xf32, #tpu.memory_space<vmem>>)
      %mul3A_325 = arith.constant 200 : i32
      %mul3A_326 = arith.muli %add3A_252, %mul3A_325 : i32
      %dma_wait3A_327 = tpu.memref_slice %arg11[%mul3A_326] : memref<10000xi32, #tpu.memory_space<vmem>> -> memref<200xi32, #tpu.memory_space<vmem>>
      %dma_wait3A_328 = arith.constant 0 : i32
      %dma_wait3A_329 = arith.constant 0 : i32
      %dma_wait3A_330 = tpu.memref_slice %arg5[%dma_wait3A_328, %dma_wait3A_329] : memref<10000x16xf32, #tpu.memory_space<hbm>> -> memref<10000x16xf32, #tpu.memory_space<hbm>>
      tpu.wait_indirect_dma semaphore(%arg25 : memref<!tpu.dma_semaphore, #tpu.memory_space<semaphore_mem>>) src(%dma_wait3A_330 : memref<10000x16xf32, #tpu.memory_space<hbm>>) dst(%arg17 : memref<200x16xf32, #tpu.memory_space<vmem>>)
      %scan3A_331 = arith.constant 0 : i32
      %scan3A_332 = arith.constant 0 : i32
      %scan3A_333 = arith.constant 25 : i32
      %scan3A_334 = arith.addi %scan3A_332, %scan3A_333 : i32
      %scan3A_335 = arith.constant 1 : i32
      scf.for %scan3A_350 = %scan3A_332 to %scan3A_334 step %scan3A_335  : i32 {
        %mul3A_351 = arith.constant 8 : i32
        %mul3A_352 = arith.muli %mul3A_351, %scan3A_350 : i32
        %add3A_353 = arith.constant 0 : i32
        %add3A_354 = arith.addi %mul3A_352, %add3A_353 : i32
        %get3A_355 = arith.index_cast %scan3A_350 : i32 to index
        %get3A_356 = arith.constant 0 : index
        %get3A_357 = tpu.vector_load %arg13[%get3A_355, %get3A_356] {strides = array<i32>} : memref<25x128xf32, #tpu.memory_space<vmem>>, vector<16xf32>,
        %get3A_358 = arith.index_cast %add3A_354 : i32 to index
        %get3A_359 = arith.constant 0 : index
        %get3A_360 = tpu.vector_load %arg15[%get3A_358, %get3A_359] {strides = array<i32>} : memref<200x16xf32, #tpu.memory_space<vmem>>, vector<16xf32>,
        %get3A_361 = arith.index_cast %add3A_354 : i32 to index
        %get3A_362 = arith.constant 0 : index
        %get3A_363 = tpu.vector_load %arg17[%get3A_361, %get3A_362] {strides = array<i32>} : memref<200x16xf32, #tpu.memory_space<vmem>>, vector<16xf32>,
        %add3A_364 = arith.addf %get3A_360, %get3A_363 : vector<16xf32>
        %mul3A_365 = arith.mulf %get3A_357, %get3A_8 : vector<16xf32>
        %add3A_366 = arith.addf %add3A_364, %mul3A_365 : vector<16xf32>
        %ge3A_367 = arith.constant 0.000000e+00 : f32
        %ge3A_368 = vector.broadcast %ge3A_367 : f32 to vector<16xf32>
        %ge3A_369 = arith.cmpf oge, %add3A_366, %ge3A_368 : vector<16xf32>
        %mul3A_370 = arith.constant 2.000000e-01 : f32
        %mul3A_371 = vector.broadcast %mul3A_370 : f32 to vector<16xf32>
        %mul3A_372 = arith.mulf %mul3A_371, %add3A_366 : vector<16xf32>
        %select_n3A_373 = arith.select %ge3A_369, %add3A_366, %mul3A_372 : vector<16xi1>, vector<16xf32>
        %exp3A = math.exp %select_n3A_373 : vector<16xf32>
        %swap3A = arith.index_cast %add3A_354 : i32 to index
        %swap3A_374 = arith.constant 0 : index
        %swap3A_375 = tpu.vector_load %arg21[%swap3A, %swap3A_374] {strides = array<i32>} : memref<200x16xf32, #tpu.memory_space<vmem>>, vector<16xf32>,
        tpu.vector_store %arg21[%swap3A, %swap3A_374], %exp3A {strides = array<i32>} : memref<200x16xf32, #tpu.memory_space<vmem>>, vector<16xf32>,
        %swap3A_376 = arith.index_cast %scan3A_350 : i32 to index
        %swap3A_377 = arith.constant 0 : index
        %swap3A_378 = tpu.vector_load %arg19[%swap3A_376, %swap3A_377] {strides = array<i32>} : memref<25x128xf32, #tpu.memory_space<vmem>>, vector<16xf32>,
        tpu.vector_store %arg19[%swap3A_376, %swap3A_377], %exp3A {strides = array<i32>} : memref<25x128xf32, #tpu.memory_space<vmem>>, vector<16xf32>,
        %mul3A_379 = arith.constant 8 : i32
        %mul3A_380 = arith.muli %mul3A_379, %scan3A_350 : i32
        %add3A_381 = arith.constant 1 : i32
        %add3A_382 = arith.addi %mul3A_380, %add3A_381 : i32
        %get3A_383 = arith.index_cast %scan3A_350 : i32 to index
        %get3A_384 = arith.constant 16 : index
        %get3A_385 = tpu.vector_load %arg13[%get3A_383, %get3A_384] {strides = array<i32>} : memref<25x128xf32, #tpu.memory_space<vmem>>, vector<16xf32>,
        %get3A_386 = arith.index_cast %add3A_382 : i32 to index
        %get3A_387 = arith.constant 0 : index
        %get3A_388 = tpu.vector_load %arg15[%get3A_386, %get3A_387] {strides = array<i32>} : memref<200x16xf32, #tpu.memory_space<vmem>>, vector<16xf32>,
        %get3A_389 = arith.index_cast %add3A_382 : i32 to index
        %get3A_390 = arith.constant 0 : index
        %get3A_391 = tpu.vector_load %arg17[%get3A_389, %get3A_390] {strides = array<i32>} : memref<200x16xf32, #tpu.memory_space<vmem>>, vector<16xf32>,
        %add3A_392 = arith.addf %get3A_388, %get3A_391 : vector<16xf32>
        %mul3A_393 = arith.mulf %get3A_385, %get3A_8 : vector<16xf32>
        %add3A_394 = arith.addf %add3A_392, %mul3A_393 : vector<16xf32>
        %ge3A_395 = arith.constant 0.000000e+00 : f32
        %ge3A_396 = vector.broadcast %ge3A_395 : f32 to vector<16xf32>
        %ge3A_397 = arith.cmpf oge, %add3A_394, %ge3A_396 : vector<16xf32>
        %mul3A_398 = arith.constant 2.000000e-01 : f32
        %mul3A_399 = vector.broadcast %mul3A_398 : f32 to vector<16xf32>
        %mul3A_400 = arith.mulf %mul3A_399, %add3A_394 : vector<16xf32>
        %select_n3A_401 = arith.select %ge3A_397, %add3A_394, %mul3A_400 : vector<16xi1>, vector<16xf32>
        %exp3A_402 = math.exp %select_n3A_401 : vector<16xf32>
        %swap3A_403 = arith.index_cast %add3A_382 : i32 to index
        %swap3A_404 = arith.constant 0 : index
        %swap3A_405 = tpu.vector_load %arg21[%swap3A_403, %swap3A_404] {strides = array<i32>} : memref<200x16xf32, #tpu.memory_space<vmem>>, vector<16xf32>,
        tpu.vector_store %arg21[%swap3A_403, %swap3A_404], %exp3A_402 {strides = array<i32>} : memref<200x16xf32, #tpu.memory_space<vmem>>, vector<16xf32>,
        %swap3A_406 = arith.index_cast %scan3A_350 : i32 to index
        %swap3A_407 = arith.constant 16 : index
        %swap3A_408 = tpu.vector_load %arg19[%swap3A_406, %swap3A_407] {strides = array<i32>} : memref<25x128xf32, #tpu.memory_space<vmem>>, vector<16xf32>,
        tpu.vector_store %arg19[%swap3A_406, %swap3A_407], %exp3A_402 {strides = array<i32>} : memref<25x128xf32, #tpu.memory_space<vmem>>, vector<16xf32>,
        %mul3A_409 = arith.constant 8 : i32
        %mul3A_410 = arith.muli %mul3A_409, %scan3A_350 : i32
        %add3A_411 = arith.constant 2 : i32
        %add3A_412 = arith.addi %mul3A_410, %add3A_411 : i32
        %get3A_413 = arith.index_cast %scan3A_350 : i32 to index
        %get3A_414 = arith.constant 32 : index
        %get3A_415 = tpu.vector_load %arg13[%get3A_413, %get3A_414] {strides = array<i32>} : memref<25x128xf32, #tpu.memory_space<vmem>>, vector<16xf32>,
        %get3A_416 = arith.index_cast %add3A_412 : i32 to index
        %get3A_417 = arith.constant 0 : index
        %get3A_418 = tpu.vector_load %arg15[%get3A_416, %get3A_417] {strides = array<i32>} : memref<200x16xf32, #tpu.memory_space<vmem>>, vector<16xf32>,
        %get3A_419 = arith.index_cast %add3A_412 : i32 to index
        %get3A_420 = arith.constant 0 : index
        %get3A_421 = tpu.vector_load %arg17[%get3A_419, %get3A_420] {strides = array<i32>} : memref<200x16xf32, #tpu.memory_space<vmem>>, vector<16xf32>,
        %add3A_422 = arith.addf %get3A_418, %get3A_421 : vector<16xf32>
        %mul3A_423 = arith.mulf %get3A_415, %get3A_8 : vector<16xf32>
        %add3A_424 = arith.addf %add3A_422, %mul3A_423 : vector<16xf32>
        %ge3A_425 = arith.constant 0.000000e+00 : f32
        %ge3A_426 = vector.broadcast %ge3A_425 : f32 to vector<16xf32>
        %ge3A_427 = arith.cmpf oge, %add3A_424, %ge3A_426 : vector<16xf32>
        %mul3A_428 = arith.constant 2.000000e-01 : f32
        %mul3A_429 = vector.broadcast %mul3A_428 : f32 to vector<16xf32>
        %mul3A_430 = arith.mulf %mul3A_429, %add3A_424 : vector<16xf32>
        %select_n3A_431 = arith.select %ge3A_427, %add3A_424, %mul3A_430 : vector<16xi1>, vector<16xf32>
        %exp3A_432 = math.exp %select_n3A_431 : vector<16xf32>
        %swap3A_433 = arith.index_cast %add3A_412 : i32 to index
        %swap3A_434 = arith.constant 0 : index
        %swap3A_435 = tpu.vector_load %arg21[%swap3A_433, %swap3A_434] {strides = array<i32>} : memref<200x16xf32, #tpu.memory_space<vmem>>, vector<16xf32>,
        tpu.vector_store %arg21[%swap3A_433, %swap3A_434], %exp3A_432 {strides = array<i32>} : memref<200x16xf32, #tpu.memory_space<vmem>>, vector<16xf32>,
        %swap3A_436 = arith.index_cast %scan3A_350 : i32 to index
        %swap3A_437 = arith.constant 32 : index
        %swap3A_438 = tpu.vector_load %arg19[%swap3A_436, %swap3A_437] {strides = array<i32>} : memref<25x128xf32, #tpu.memory_space<vmem>>, vector<16xf32>,
        tpu.vector_store %arg19[%swap3A_436, %swap3A_437], %exp3A_432 {strides = array<i32>} : memref<25x128xf32, #tpu.memory_space<vmem>>, vector<16xf32>,
        %mul3A_439 = arith.constant 8 : i32
        %mul3A_440 = arith.muli %mul3A_439, %scan3A_350 : i32
        %add3A_441 = arith.constant 3 : i32
        %add3A_442 = arith.addi %mul3A_440, %add3A_441 : i32
        %get3A_443 = arith.index_cast %scan3A_350 : i32 to index
        %get3A_444 = arith.constant 48 : index
        %get3A_445 = tpu.vector_load %arg13[%get3A_443, %get3A_444] {strides = array<i32>} : memref<25x128xf32, #tpu.memory_space<vmem>>, vector<16xf32>,
        %get3A_446 = arith.index_cast %add3A_442 : i32 to index
        %get3A_447 = arith.constant 0 : index
        %get3A_448 = tpu.vector_load %arg15[%get3A_446, %get3A_447] {strides = array<i32>} : memref<200x16xf32, #tpu.memory_space<vmem>>, vector<16xf32>,
        %get3A_449 = arith.index_cast %add3A_442 : i32 to index
        %get3A_450 = arith.constant 0 : index
        %get3A_451 = tpu.vector_load %arg17[%get3A_449, %get3A_450] {strides = array<i32>} : memref<200x16xf32, #tpu.memory_space<vmem>>, vector<16xf32>,
        %add3A_452 = arith.addf %get3A_448, %get3A_451 : vector<16xf32>
        %mul3A_453 = arith.mulf %get3A_445, %get3A_8 : vector<16xf32>
        %add3A_454 = arith.addf %add3A_452, %mul3A_453 : vector<16xf32>
        %ge3A_455 = arith.constant 0.000000e+00 : f32
        %ge3A_456 = vector.broadcast %ge3A_455 : f32 to vector<16xf32>
        %ge3A_457 = arith.cmpf oge, %add3A_454, %ge3A_456 : vector<16xf32>
        %mul3A_458 = arith.constant 2.000000e-01 : f32
        %mul3A_459 = vector.broadcast %mul3A_458 : f32 to vector<16xf32>
        %mul3A_460 = arith.mulf %mul3A_459, %add3A_454 : vector<16xf32>
        %select_n3A_461 = arith.select %ge3A_457, %add3A_454, %mul3A_460 : vector<16xi1>, vector<16xf32>
        %exp3A_462 = math.exp %select_n3A_461 : vector<16xf32>
        %swap3A_463 = arith.index_cast %add3A_442 : i32 to index
        %swap3A_464 = arith.constant 0 : index
        %swap3A_465 = tpu.vector_load %arg21[%swap3A_463, %swap3A_464] {strides = array<i32>} : memref<200x16xf32, #tpu.memory_space<vmem>>, vector<16xf32>,
        tpu.vector_store %arg21[%swap3A_463, %swap3A_464], %exp3A_462 {strides = array<i32>} : memref<200x16xf32, #tpu.memory_space<vmem>>, vector<16xf32>,
        %swap3A_466 = arith.index_cast %scan3A_350 : i32 to index
        %swap3A_467 = arith.constant 48 : index
        %swap3A_468 = tpu.vector_load %arg19[%swap3A_466, %swap3A_467] {strides = array<i32>} : memref<25x128xf32, #tpu.memory_space<vmem>>, vector<16xf32>,
        tpu.vector_store %arg19[%swap3A_466, %swap3A_467], %exp3A_462 {strides = array<i32>} : memref<25x128xf32, #tpu.memory_space<vmem>>, vector<16xf32>,
        %mul3A_469 = arith.constant 8 : i32
        %mul3A_470 = arith.muli %mul3A_469, %scan3A_350 : i32
        %add3A_471 = arith.constant 4 : i32
        %add3A_472 = arith.addi %mul3A_470, %add3A_471 : i32
        %get3A_473 = arith.index_cast %scan3A_350 : i32 to index
        %get3A_474 = arith.constant 64 : index
        %get3A_475 = tpu.vector_load %arg13[%get3A_473, %get3A_474] {strides = array<i32>} : memref<25x128xf32, #tpu.memory_space<vmem>>, vector<16xf32>,
        %get3A_476 = arith.index_cast %add3A_472 : i32 to index
        %get3A_477 = arith.constant 0 : index
        %get3A_478 = tpu.vector_load %arg15[%get3A_476, %get3A_477] {strides = array<i32>} : memref<200x16xf32, #tpu.memory_space<vmem>>, vector<16xf32>,
        %get3A_479 = arith.index_cast %add3A_472 : i32 to index
        %get3A_480 = arith.constant 0 : index
        %get3A_481 = tpu.vector_load %arg17[%get3A_479, %get3A_480] {strides = array<i32>} : memref<200x16xf32, #tpu.memory_space<vmem>>, vector<16xf32>,
        %add3A_482 = arith.addf %get3A_478, %get3A_481 : vector<16xf32>
        %mul3A_483 = arith.mulf %get3A_475, %get3A_8 : vector<16xf32>
        %add3A_484 = arith.addf %add3A_482, %mul3A_483 : vector<16xf32>
        %ge3A_485 = arith.constant 0.000000e+00 : f32
        %ge3A_486 = vector.broadcast %ge3A_485 : f32 to vector<16xf32>
        %ge3A_487 = arith.cmpf oge, %add3A_484, %ge3A_486 : vector<16xf32>
        %mul3A_488 = arith.constant 2.000000e-01 : f32
        %mul3A_489 = vector.broadcast %mul3A_488 : f32 to vector<16xf32>
        %mul3A_490 = arith.mulf %mul3A_489, %add3A_484 : vector<16xf32>
        %select_n3A_491 = arith.select %ge3A_487, %add3A_484, %mul3A_490 : vector<16xi1>, vector<16xf32>
        %exp3A_492 = math.exp %select_n3A_491 : vector<16xf32>
        %swap3A_493 = arith.index_cast %add3A_472 : i32 to index
        %swap3A_494 = arith.constant 0 : index
        %swap3A_495 = tpu.vector_load %arg21[%swap3A_493, %swap3A_494] {strides = array<i32>} : memref<200x16xf32, #tpu.memory_space<vmem>>, vector<16xf32>,
        tpu.vector_store %arg21[%swap3A_493, %swap3A_494], %exp3A_492 {strides = array<i32>} : memref<200x16xf32, #tpu.memory_space<vmem>>, vector<16xf32>,
        %swap3A_496 = arith.index_cast %scan3A_350 : i32 to index
        %swap3A_497 = arith.constant 64 : index
        %swap3A_498 = tpu.vector_load %arg19[%swap3A_496, %swap3A_497] {strides = array<i32>} : memref<25x128xf32, #tpu.memory_space<vmem>>, vector<16xf32>,
        tpu.vector_store %arg19[%swap3A_496, %swap3A_497], %exp3A_492 {strides = array<i32>} : memref<25x128xf32, #tpu.memory_space<vmem>>, vector<16xf32>,
        %mul3A_499 = arith.constant 8 : i32
        %mul3A_500 = arith.muli %mul3A_499, %scan3A_350 : i32
        %add3A_501 = arith.constant 5 : i32
        %add3A_502 = arith.addi %mul3A_500, %add3A_501 : i32
        %get3A_503 = arith.index_cast %scan3A_350 : i32 to index
        %get3A_504 = arith.constant 80 : index
        %get3A_505 = tpu.vector_load %arg13[%get3A_503, %get3A_504] {strides = array<i32>} : memref<25x128xf32, #tpu.memory_space<vmem>>, vector<16xf32>,
        %get3A_506 = arith.index_cast %add3A_502 : i32 to index
        %get3A_507 = arith.constant 0 : index
        %get3A_508 = tpu.vector_load %arg15[%get3A_506, %get3A_507] {strides = array<i32>} : memref<200x16xf32, #tpu.memory_space<vmem>>, vector<16xf32>,
        %get3A_509 = arith.index_cast %add3A_502 : i32 to index
        %get3A_510 = arith.constant 0 : index
        %get3A_511 = tpu.vector_load %arg17[%get3A_509, %get3A_510] {strides = array<i32>} : memref<200x16xf32, #tpu.memory_space<vmem>>, vector<16xf32>,
        %add3A_512 = arith.addf %get3A_508, %get3A_511 : vector<16xf32>
        %mul3A_513 = arith.mulf %get3A_505, %get3A_8 : vector<16xf32>
        %add3A_514 = arith.addf %add3A_512, %mul3A_513 : vector<16xf32>
        %ge3A_515 = arith.constant 0.000000e+00 : f32
        %ge3A_516 = vector.broadcast %ge3A_515 : f32 to vector<16xf32>
        %ge3A_517 = arith.cmpf oge, %add3A_514, %ge3A_516 : vector<16xf32>
        %mul3A_518 = arith.constant 2.000000e-01 : f32
        %mul3A_519 = vector.broadcast %mul3A_518 : f32 to vector<16xf32>
        %mul3A_520 = arith.mulf %mul3A_519, %add3A_514 : vector<16xf32>
        %select_n3A_521 = arith.select %ge3A_517, %add3A_514, %mul3A_520 : vector<16xi1>, vector<16xf32>
        %exp3A_522 = math.exp %select_n3A_521 : vector<16xf32>
        %swap3A_523 = arith.index_cast %add3A_502 : i32 to index
        %swap3A_524 = arith.constant 0 : index
        %swap3A_525 = tpu.vector_load %arg21[%swap3A_523, %swap3A_524] {strides = array<i32>} : memref<200x16xf32, #tpu.memory_space<vmem>>, vector<16xf32>,
        tpu.vector_store %arg21[%swap3A_523, %swap3A_524], %exp3A_522 {strides = array<i32>} : memref<200x16xf32, #tpu.memory_space<vmem>>, vector<16xf32>,
        %swap3A_526 = arith.index_cast %scan3A_350 : i32 to index
        %swap3A_527 = arith.constant 80 : index
        %swap3A_528 = tpu.vector_load %arg19[%swap3A_526, %swap3A_527] {strides = array<i32>} : memref<25x128xf32, #tpu.memory_space<vmem>>, vector<16xf32>,
        tpu.vector_store %arg19[%swap3A_526, %swap3A_527], %exp3A_522 {strides = array<i32>} : memref<25x128xf32, #tpu.memory_space<vmem>>, vector<16xf32>,
        %mul3A_529 = arith.constant 8 : i32
        %mul3A_530 = arith.muli %mul3A_529, %scan3A_350 : i32
        %add3A_531 = arith.constant 6 : i32
        %add3A_532 = arith.addi %mul3A_530, %add3A_531 : i32
        %get3A_533 = arith.index_cast %scan3A_350 : i32 to index
        %get3A_534 = arith.constant 96 : index
        %get3A_535 = tpu.vector_load %arg13[%get3A_533, %get3A_534] {strides = array<i32>} : memref<25x128xf32, #tpu.memory_space<vmem>>, vector<16xf32>,
        %get3A_536 = arith.index_cast %add3A_532 : i32 to index
        %get3A_537 = arith.constant 0 : index
        %get3A_538 = tpu.vector_load %arg15[%get3A_536, %get3A_537] {strides = array<i32>} : memref<200x16xf32, #tpu.memory_space<vmem>>, vector<16xf32>,
        %get3A_539 = arith.index_cast %add3A_532 : i32 to index
        %get3A_540 = arith.constant 0 : index
        %get3A_541 = tpu.vector_load %arg17[%get3A_539, %get3A_540] {strides = array<i32>} : memref<200x16xf32, #tpu.memory_space<vmem>>, vector<16xf32>,
        %add3A_542 = arith.addf %get3A_538, %get3A_541 : vector<16xf32>
        %mul3A_543 = arith.mulf %get3A_535, %get3A_8 : vector<16xf32>
        %add3A_544 = arith.addf %add3A_542, %mul3A_543 : vector<16xf32>
        %ge3A_545 = arith.constant 0.000000e+00 : f32
        %ge3A_546 = vector.broadcast %ge3A_545 : f32 to vector<16xf32>
        %ge3A_547 = arith.cmpf oge, %add3A_544, %ge3A_546 : vector<16xf32>
        %mul3A_548 = arith.constant 2.000000e-01 : f32
        %mul3A_549 = vector.broadcast %mul3A_548 : f32 to vector<16xf32>
        %mul3A_550 = arith.mulf %mul3A_549, %add3A_544 : vector<16xf32>
        %select_n3A_551 = arith.select %ge3A_547, %add3A_544, %mul3A_550 : vector<16xi1>, vector<16xf32>
        %exp3A_552 = math.exp %select_n3A_551 : vector<16xf32>
        %swap3A_553 = arith.index_cast %add3A_532 : i32 to index
        %swap3A_554 = arith.constant 0 : index
        %swap3A_555 = tpu.vector_load %arg21[%swap3A_553, %swap3A_554] {strides = array<i32>} : memref<200x16xf32, #tpu.memory_space<vmem>>, vector<16xf32>,
        tpu.vector_store %arg21[%swap3A_553, %swap3A_554], %exp3A_552 {strides = array<i32>} : memref<200x16xf32, #tpu.memory_space<vmem>>, vector<16xf32>,
        %swap3A_556 = arith.index_cast %scan3A_350 : i32 to index
        %swap3A_557 = arith.constant 96 : index
        %swap3A_558 = tpu.vector_load %arg19[%swap3A_556, %swap3A_557] {strides = array<i32>} : memref<25x128xf32, #tpu.memory_space<vmem>>, vector<16xf32>,
        tpu.vector_store %arg19[%swap3A_556, %swap3A_557], %exp3A_552 {strides = array<i32>} : memref<25x128xf32, #tpu.memory_space<vmem>>, vector<16xf32>,
        %mul3A_559 = arith.constant 8 : i32
        %mul3A_560 = arith.muli %mul3A_559, %scan3A_350 : i32
        %add3A_561 = arith.constant 7 : i32
        %add3A_562 = arith.addi %mul3A_560, %add3A_561 : i32
        %get3A_563 = arith.index_cast %scan3A_350 : i32 to index
        %get3A_564 = arith.constant 112 : index
        %get3A_565 = tpu.vector_load %arg13[%get3A_563, %get3A_564] {strides = array<i32>} : memref<25x128xf32, #tpu.memory_space<vmem>>, vector<16xf32>,
        %get3A_566 = arith.index_cast %add3A_562 : i32 to index
        %get3A_567 = arith.constant 0 : index
        %get3A_568 = tpu.vector_load %arg15[%get3A_566, %get3A_567] {strides = array<i32>} : memref<200x16xf32, #tpu.memory_space<vmem>>, vector<16xf32>,
        %get3A_569 = arith.index_cast %add3A_562 : i32 to index
        %get3A_570 = arith.constant 0 : index
        %get3A_571 = tpu.vector_load %arg17[%get3A_569, %get3A_570] {strides = array<i32>} : memref<200x16xf32, #tpu.memory_space<vmem>>, vector<16xf32>,
        %add3A_572 = arith.addf %get3A_568, %get3A_571 : vector<16xf32>
        %mul3A_573 = arith.mulf %get3A_565, %get3A_8 : vector<16xf32>
        %add3A_574 = arith.addf %add3A_572, %mul3A_573 : vector<16xf32>
        %ge3A_575 = arith.constant 0.000000e+00 : f32
        %ge3A_576 = vector.broadcast %ge3A_575 : f32 to vector<16xf32>
        %ge3A_577 = arith.cmpf oge, %add3A_574, %ge3A_576 : vector<16xf32>
        %mul3A_578 = arith.constant 2.000000e-01 : f32
        %mul3A_579 = vector.broadcast %mul3A_578 : f32 to vector<16xf32>
        %mul3A_580 = arith.mulf %mul3A_579, %add3A_574 : vector<16xf32>
        %select_n3A_581 = arith.select %ge3A_577, %add3A_574, %mul3A_580 : vector<16xi1>, vector<16xf32>
        %exp3A_582 = math.exp %select_n3A_581 : vector<16xf32>
        %swap3A_583 = arith.index_cast %add3A_562 : i32 to index
        %swap3A_584 = arith.constant 0 : index
        %swap3A_585 = tpu.vector_load %arg21[%swap3A_583, %swap3A_584] {strides = array<i32>} : memref<200x16xf32, #tpu.memory_space<vmem>>, vector<16xf32>,
        tpu.vector_store %arg21[%swap3A_583, %swap3A_584], %exp3A_582 {strides = array<i32>} : memref<200x16xf32, #tpu.memory_space<vmem>>, vector<16xf32>,
        %swap3A_586 = arith.index_cast %scan3A_350 : i32 to index
        %swap3A_587 = arith.constant 112 : index
        %swap3A_588 = tpu.vector_load %arg19[%swap3A_586, %swap3A_587] {strides = array<i32>} : memref<25x128xf32, #tpu.memory_space<vmem>>, vector<16xf32>,
        tpu.vector_store %arg19[%swap3A_586, %swap3A_587], %exp3A_582 {strides = array<i32>} : memref<25x128xf32, #tpu.memory_space<vmem>>, vector<16xf32>,
      }
      %scan3A_336 = arith.constant 25 : i32
      %dma_start3A_337 = arith.constant 0 : i32
      %dma_start3A_338 = tpu.memref_slice %arg8[%select_n3A_282, %dma_start3A_337] : memref<40000x128xf32, #tpu.memory_space<hbm>> -> memref<25x128xf32, #tpu.memory_space<hbm>>
      %dma_start3A_339 = arith.constant 0 : i32
      %dma_start3A_340 = tpu.memref_slice %arg8[%select_n3A_282, %dma_start3A_339] : memref<40000x128xf32, #tpu.memory_space<hbm>> -> memref<25x128xf32, #tpu.memory_space<hbm>>
      tpu.enqueue_dma source(%arg19 : memref<25x128xf32, #tpu.memory_space<vmem>>) target(%dma_start3A_340 : memref<25x128xf32, #tpu.memory_space<hbm>>) target_semaphore(%arg27 : memref<!tpu.dma_semaphore, #tpu.memory_space<semaphore_mem>>)
      %mul3A_341 = arith.constant 200 : i32
      %mul3A_342 = arith.muli %add3A_252, %mul3A_341 : i32
      "tpu.region"() ({
        %run_scoped3A_350 = tpu.sem_alloc : memref<!tpu.dma_semaphore, #tpu.memory_space<semaphore_mem>>
        %dma_start3A_351 = tpu.memref_slice %arg11[%mul3A_342] : memref<10000xi32, #tpu.memory_space<vmem>> -> memref<200xi32, #tpu.memory_space<vmem>>
        %dma_start3A_352 = arith.constant 0 : i32
        %dma_start3A_353 = arith.constant 0 : i32
        %dma_start3A_354 = tpu.memref_slice %arg23[%dma_start3A_352, %dma_start3A_353] : memref<10240x16xf32, #tpu.memory_space<vmem_shared>> -> memref<10240x16xf32, #tpu.memory_space<vmem_shared>>
        tpu.enqueue_indirect_dma source(%arg21 : memref<200x16xf32, #tpu.memory_space<vmem>>) target(%dma_start3A_354 : memref<10240x16xf32, #tpu.memory_space<vmem_shared>>) offsets(%dma_start3A_351 : memref<200xi32, #tpu.memory_space<vmem>>) semaphore(%run_scoped3A_350 : memref<!tpu.dma_semaphore, #tpu.memory_space<semaphore_mem>>) {add = true}
        %dma_wait3A_355 = tpu.memref_slice %arg11[%mul3A_342] : memref<10000xi32, #tpu.memory_space<vmem>> -> memref<200xi32, #tpu.memory_space<vmem>>
        %dma_wait3A_356 = arith.constant 0 : i32
        %dma_wait3A_357 = arith.constant 0 : i32
        %dma_wait3A_358 = tpu.memref_slice %arg23[%dma_wait3A_356, %dma_wait3A_357] : memref<10240x16xf32, #tpu.memory_space<vmem_shared>> -> memref<10240x16xf32, #tpu.memory_space<vmem_shared>>
        tpu.wait_indirect_dma semaphore(%run_scoped3A_350 : memref<!tpu.dma_semaphore, #tpu.memory_space<semaphore_mem>>) src(%arg21 : memref<200x16xf32, #tpu.memory_space<vmem>>) dst(%dma_wait3A_358 : memref<10240x16xf32, #tpu.memory_space<vmem_shared>>)
        tpu.yield
      }) : () -> ()
      %add3A_343 = arith.constant 2 : i32
      %add3A_344 = arith.addi %add3A_252, %add3A_343 : i32
      %lt3A_345 = arith.constant 50 : i32
      %lt3A_346 = arith.cmpi slt, %add3A_344, %lt3A_345 : i32
      %convert_element_type3A_347 = arith.extui %lt3A_346 : i1 to i32
      %cond3A_348 = arith.constant 0 : i32
      %cond3A_349 = arith.cmpi ne, %convert_element_type3A_347, %cond3A_348 : i32
      scf.if %cond3A_349 {
        %add3A_350 = arith.constant 2 : i32
        %add3A_351 = arith.addi %add3A_252, %add3A_350 : i32
        %mul3A_352 = arith.constant 200 : i32
        %mul3A_353 = arith.muli %add3A_351, %mul3A_352 : i32
        %add3A_354 = arith.addi %mul3A_2, %mul3A_353 : i32
        %mul3A_355 = arith.constant 200 : i32
        %mul3A_356 = arith.muli %add3A_351, %mul3A_355 : i32
        %mul3A_357 = arith.constant 200 : i32
        %mul3A_358 = arith.muli %add3A_351, %mul3A_357 : i32
        %add3A_359 = arith.addi %mul3A_2, %mul3A_358 : i32
        %jit3A_360 = arith.constant 8 : i32
        %div3A_361 = arith.divsi %add3A_359, %jit3A_360 : i32
        %sign3A_362 = arith.constant 0 : i32
        %sign3A_363 = arith.cmpi sgt, %add3A_359, %sign3A_362 : i32
        %sign3A_364 = arith.extui %sign3A_363 : i1 to i32
        %sign3A_365 = arith.constant 0 : i32
        %sign3A_366 = arith.cmpi slt, %add3A_359, %sign3A_365 : i32
        %sign3A_367 = arith.extui %sign3A_366 : i1 to i32
        %sign3A_368 = arith.subi %sign3A_364, %sign3A_367 : i32
        %sign3A_369 = arith.constant 0 : i32
        %sign3A_370 = arith.cmpi sgt, %jit3A_360, %sign3A_369 : i32
        %sign3A_371 = arith.extui %sign3A_370 : i1 to i32
        %sign3A_372 = arith.constant 0 : i32
        %sign3A_373 = arith.cmpi slt, %jit3A_360, %sign3A_372 : i32
        %sign3A_374 = arith.extui %sign3A_373 : i1 to i32
        %sign3A_375 = arith.subi %sign3A_371, %sign3A_374 : i32
        %ne3A_376 = arith.cmpi ne, %sign3A_368, %sign3A_375 : i32
        %rem3A_377 = arith.remsi %add3A_359, %jit3A_360 : i32
        %ne3A_378 = arith.constant 0 : i32
        %ne3A_379 = arith.cmpi ne, %rem3A_377, %ne3A_378 : i32
        %and3A_380 = arith.andi %ne3A_376, %ne3A_379 : i1
        %sub3A_381 = arith.constant 1 : i32
        %sub3A_382 = arith.subi %div3A_361, %sub3A_381 : i32
        %select_n3A_383 = arith.select %and3A_380, %sub3A_382, %div3A_361 : i32
        %dma_start3A_384 = arith.constant 0 : i32
        %dma_start3A_385 = tpu.memref_slice %arg3[%select_n3A_383, %dma_start3A_384] : memref<40000x128xf32, #tpu.memory_space<hbm>> -> memref<25x128xf32, #tpu.memory_space<hbm>>
        %dma_start3A_386 = arith.constant 0 : i32
        %dma_start3A_387 = tpu.memref_slice %arg3[%select_n3A_383, %dma_start3A_386] : memref<40000x128xf32, #tpu.memory_space<hbm>> -> memref<25x128xf32, #tpu.memory_space<hbm>>
        tpu.enqueue_dma source(%dma_start3A_387 : memref<25x128xf32, #tpu.memory_space<hbm>>) target(%arg13 : memref<25x128xf32, #tpu.memory_space<vmem>>) target_semaphore(%arg25 : memref<!tpu.dma_semaphore, #tpu.memory_space<semaphore_mem>>)
        %dma_start3A_388 = tpu.memref_slice %arg10[%mul3A_356] : memref<10000xi32, #tpu.memory_space<vmem>> -> memref<200xi32, #tpu.memory_space<vmem>>
        %dma_start3A_389 = arith.constant 0 : i32
        %dma_start3A_390 = arith.constant 0 : i32
        %dma_start3A_391 = tpu.memref_slice %arg4[%dma_start3A_389, %dma_start3A_390] : memref<10000x16xf32, #tpu.memory_space<hbm>> -> memref<10000x16xf32, #tpu.memory_space<hbm>>
        tpu.enqueue_indirect_dma source(%dma_start3A_391 : memref<10000x16xf32, #tpu.memory_space<hbm>>) target(%arg15 : memref<200x16xf32, #tpu.memory_space<vmem>>) offsets(%dma_start3A_388 : memref<200xi32, #tpu.memory_space<vmem>>) semaphore(%arg25 : memref<!tpu.dma_semaphore, #tpu.memory_space<semaphore_mem>>)
        %dma_start3A_392 = tpu.memref_slice %arg11[%mul3A_356] : memref<10000xi32, #tpu.memory_space<vmem>> -> memref<200xi32, #tpu.memory_space<vmem>>
        %dma_start3A_393 = arith.constant 0 : i32
        %dma_start3A_394 = arith.constant 0 : i32
        %dma_start3A_395 = tpu.memref_slice %arg5[%dma_start3A_393, %dma_start3A_394] : memref<10000x16xf32, #tpu.memory_space<hbm>> -> memref<10000x16xf32, #tpu.memory_space<hbm>>
        tpu.enqueue_indirect_dma source(%dma_start3A_395 : memref<10000x16xf32, #tpu.memory_space<hbm>>) target(%arg17 : memref<200x16xf32, #tpu.memory_space<vmem>>) offsets(%dma_start3A_392 : memref<200xi32, #tpu.memory_space<vmem>>) semaphore(%arg25 : memref<!tpu.dma_semaphore, #tpu.memory_space<semaphore_mem>>)
      } else {
      }
    }
    %scan3A_88 = arith.constant 25 : i32
    %add3A_89 = arith.constant 9600 : i32
    %add3A_90 = arith.addi %mul3A_2, %add3A_89 : i32
    %jit3A_91 = arith.constant 8 : i32
    %div3A_92 = arith.divsi %add3A_90, %jit3A_91 : i32
    %sign3A_93 = arith.constant 0 : i32
    %sign3A_94 = arith.cmpi sgt, %add3A_90, %sign3A_93 : i32
    %sign3A_95 = arith.extui %sign3A_94 : i1 to i32
    %sign3A_96 = arith.constant 0 : i32
    %sign3A_97 = arith.cmpi slt, %add3A_90, %sign3A_96 : i32
    %sign3A_98 = arith.extui %sign3A_97 : i1 to i32
    %sign3A_99 = arith.subi %sign3A_95, %sign3A_98 : i32
    %sign3A_100 = arith.constant 0 : i32
    %sign3A_101 = arith.cmpi sgt, %jit3A_91, %sign3A_100 : i32
    %sign3A_102 = arith.extui %sign3A_101 : i1 to i32
    %sign3A_103 = arith.constant 0 : i32
    %sign3A_104 = arith.cmpi slt, %jit3A_91, %sign3A_103 : i32
    %sign3A_105 = arith.extui %sign3A_104 : i1 to i32
    %sign3A_106 = arith.subi %sign3A_102, %sign3A_105 : i32
    %ne3A_107 = arith.cmpi ne, %sign3A_99, %sign3A_106 : i32
    %rem3A_108 = arith.remsi %add3A_90, %jit3A_91 : i32
    %ne3A_109 = arith.constant 0 : i32
    %ne3A_110 = arith.cmpi ne, %rem3A_108, %ne3A_109 : i32
    %and3A_111 = arith.andi %ne3A_107, %ne3A_110 : i1
    %sub3A_112 = arith.constant 1 : i32
    %sub3A_113 = arith.subi %div3A_92, %sub3A_112 : i32
    %select_n3A_114 = arith.select %and3A_111, %sub3A_113, %div3A_92 : i32
    %dma_wait3A = arith.constant 0 : i32
    %dma_wait3A_115 = tpu.memref_slice %arg8[%select_n3A_114, %dma_wait3A] : memref<40000x128xf32, #tpu.memory_space<hbm>> -> memref<25x128xf32, #tpu.memory_space<hbm>>
    %dma_wait3A_116 = arith.constant 0 : i32
    %dma_wait3A_117 = tpu.memref_slice %arg8[%select_n3A_114, %dma_wait3A_116] : memref<40000x128xf32, #tpu.memory_space<hbm>> -> memref<25x128xf32, #tpu.memory_space<hbm>>
    tpu.wait_dma2 semaphore(%arg26 : memref<!tpu.dma_semaphore, #tpu.memory_space<semaphore_mem>>) src(%arg18 : memref<25x128xf32, #tpu.memory_space<vmem>>) dst(%dma_wait3A_117 : memref<25x128xf32, #tpu.memory_space<hbm>>)
    %add3A_118 = arith.constant 9800 : i32
    %add3A_119 = arith.addi %mul3A_2, %add3A_118 : i32
    %jit3A_120 = arith.constant 8 : i32
    %div3A_121 = arith.divsi %add3A_119, %jit3A_120 : i32
    %sign3A_122 = arith.constant 0 : i32
    %sign3A_123 = arith.cmpi sgt, %add3A_119, %sign3A_122 : i32
    %sign3A_124 = arith.extui %sign3A_123 : i1 to i32
    %sign3A_125 = arith.constant 0 : i32
    %sign3A_126 = arith.cmpi slt, %add3A_119, %sign3A_125 : i32
    %sign3A_127 = arith.extui %sign3A_126 : i1 to i32
    %sign3A_128 = arith.subi %sign3A_124, %sign3A_127 : i32
    %sign3A_129 = arith.constant 0 : i32
    %sign3A_130 = arith.cmpi sgt, %jit3A_120, %sign3A_129 : i32
    %sign3A_131 = arith.extui %sign3A_130 : i1 to i32
    %sign3A_132 = arith.constant 0 : i32
    %sign3A_133 = arith.cmpi slt, %jit3A_120, %sign3A_132 : i32
    %sign3A_134 = arith.extui %sign3A_133 : i1 to i32
    %sign3A_135 = arith.subi %sign3A_131, %sign3A_134 : i32
    %ne3A_136 = arith.cmpi ne, %sign3A_128, %sign3A_135 : i32
    %rem3A_137 = arith.remsi %add3A_119, %jit3A_120 : i32
    %ne3A_138 = arith.constant 0 : i32
    %ne3A_139 = arith.cmpi ne, %rem3A_137, %ne3A_138 : i32
    %and3A_140 = arith.andi %ne3A_136, %ne3A_139 : i1
    %sub3A_141 = arith.constant 1 : i32
    %sub3A_142 = arith.subi %div3A_121, %sub3A_141 : i32
    %select_n3A_143 = arith.select %and3A_140, %sub3A_142, %div3A_121 : i32
    %dma_wait3A_144 = arith.constant 0 : i32
    %dma_wait3A_145 = tpu.memref_slice %arg8[%select_n3A_143, %dma_wait3A_144] : memref<40000x128xf32, #tpu.memory_space<hbm>> -> memref<25x128xf32, #tpu.memory_space<hbm>>
    %dma_wait3A_146 = arith.constant 0 : i32
    %dma_wait3A_147 = tpu.memref_slice %arg8[%select_n3A_143, %dma_wait3A_146] : memref<40000x128xf32, #tpu.memory_space<hbm>> -> memref<25x128xf32, #tpu.memory_space<hbm>>
    tpu.wait_dma2 semaphore(%arg27 : memref<!tpu.dma_semaphore, #tpu.memory_space<semaphore_mem>>) src(%arg19 : memref<25x128xf32, #tpu.memory_space<vmem>>) dst(%dma_wait3A_147 : memref<25x128xf32, #tpu.memory_space<hbm>>)
    %barrier3A_148 = arith.constant 0 : index
    tpu.barrier barrier_id(%barrier3A_148)
    %mul3A_149 = arith.constant 640 : i32
    %mul3A_150 = arith.muli %arg1, %mul3A_149 : i32
    %mul3A_151 = arith.constant 640 : i32
    %mul3A_152 = arith.muli %arg1, %mul3A_151 : i32
    "tpu.region"() ({
      %run_scoped3A_153 = tpu.sem_alloc : memref<!tpu.dma_semaphore, #tpu.memory_space<semaphore_mem>>
      %dma_start3A_154 = arith.constant 0 : i32
      %dma_start3A_155 = tpu.memref_slice %arg9[%arg0, %mul3A_152, %dma_start3A_154] : memref<2x10240x16xf32, #tpu.memory_space<hbm>> -> memref<1x640x16xf32, #tpu.memory_space<hbm>>
      %dma_start3A_156 = tpu.memref_squeeze %dma_start3A_155 : memref<1x640x16xf32, #tpu.memory_space<hbm>> -> memref<640x16xf32, #tpu.memory_space<hbm>>
      %dma_start3A_157 = arith.constant 0 : i32
      %dma_start3A_158 = tpu.memref_slice %arg23[%mul3A_150, %dma_start3A_157] : memref<10240x16xf32, #tpu.memory_space<vmem_shared>> -> memref<640x16xf32, #tpu.memory_space<vmem_shared>>
      tpu.enqueue_dma source(%dma_start3A_158 : memref<640x16xf32, #tpu.memory_space<vmem_shared>>) target(%dma_start3A_156 : memref<640x16xf32, #tpu.memory_space<hbm>>) target_semaphore(%run_scoped3A_153 : memref<!tpu.dma_semaphore, #tpu.memory_space<semaphore_mem>>)
      %dma_wait3A_159 = arith.constant 0 : i32
      %dma_wait3A_160 = tpu.memref_slice %arg9[%arg0, %mul3A_152, %dma_wait3A_159] : memref<2x10240x16xf32, #tpu.memory_space<hbm>> -> memref<1x640x16xf32, #tpu.memory_space<hbm>>
      %dma_wait3A_161 = tpu.memref_squeeze %dma_wait3A_160 : memref<1x640x16xf32, #tpu.memory_space<hbm>> -> memref<640x16xf32, #tpu.memory_space<hbm>>
      %dma_wait3A_162 = arith.constant 0 : i32
      %dma_wait3A_163 = tpu.memref_slice %arg23[%mul3A_150, %dma_wait3A_162] : memref<10240x16xf32, #tpu.memory_space<vmem_shared>> -> memref<640x16xf32, #tpu.memory_space<vmem_shared>>
      tpu.wait_dma2 semaphore(%run_scoped3A_153 : memref<!tpu.dma_semaphore, #tpu.memory_space<semaphore_mem>>) src(%dma_wait3A_163 : memref<640x16xf32, #tpu.memory_space<vmem_shared>>) dst(%dma_wait3A_161 : memref<640x16xf32, #tpu.memory_space<hbm>>)
      tpu.yield
    }) : () -> ()
    return
  }
}

#map = affine_map<(d0, d1) -> (0, 0)>
#map1 = affine_map<(d0, d1) -> (0, 0, 0)>
module attributes {stable_mosaic.version = 14 : i64} {
  func.func @_pass2_body(%arg0: i32, %arg1: i32, %arg2: memref<2x320000xi32, #tpu.memory_space<hbm>>, %arg3: memref<40000x128xf32, #tpu.memory_space<hbm>>, %arg4: memref<10240x16xf32, #tpu.memory_space<hbm>>, %arg5: memref<10000x128xf32, #tpu.memory_space<hbm>>, %arg6: memref<10240x128xf32, #tpu.memory_space<hbm>>, %arg7: memref<40000x128xf32, #tpu.memory_space<hbm>>, %arg8: memref<2x10240x128xf32, #tpu.memory_space<hbm>>, %arg9: memref<10000xi32, #tpu.memory_space<vmem>>, %arg10: memref<10000xi32, #tpu.memory_space<vmem>>, %arg11: memref<5x128xf32, #tpu.memory_space<vmem>>, %arg12: memref<5x128xf32, #tpu.memory_space<vmem>>, %arg13: memref<40x16xf32, #tpu.memory_space<vmem>>, %arg14: memref<40x16xf32, #tpu.memory_space<vmem>>, %arg15: memref<40x128xf32, #tpu.memory_space<vmem>>, %arg16: memref<40x128xf32, #tpu.memory_space<vmem>>, %arg17: memref<5x128xf32, #tpu.memory_space<vmem>>, %arg18: memref<5x128xf32, #tpu.memory_space<vmem>>, %arg19: memref<10240x128xf32, #tpu.memory_space<vmem_shared>>, %arg20: memref<!tpu.dma_semaphore, #tpu.memory_space<semaphore_mem>>, %arg21: memref<!tpu.dma_semaphore, #tpu.memory_space<semaphore_mem>>, %arg22: memref<!tpu.dma_semaphore, #tpu.memory_space<semaphore_mem>>, %arg23: memref<!tpu.dma_semaphore, #tpu.memory_space<semaphore_mem>>) attributes {dimension_semantics = [#tpu.dimension_semantics<core_parallel>, #tpu.dimension_semantics<subcore_parallel>], iteration_bounds = array<i64: 2, 16>, scalar_prefetch = 0 : i64, scratch_operands = 15 : i64, tpu.core_type = #tpu.core_type<sc_vector_subcore>, window_params = [{transform_indices = #map}, {transform_indices = #map}, {transform_indices = #map}, {transform_indices = #map}, {transform_indices = #map}, {transform_indices = #map}, {transform_indices = #map1}]} {
    %mul3A = arith.constant 2 : i32
    %mul3A_0 = arith.muli %arg1, %mul3A : i32
    %add3A = arith.addi %mul3A_0, %arg0 : i32
    %mul3A_1 = arith.constant 10000 : i32
    %mul3A_2 = arith.muli %add3A, %mul3A_1 : i32
    %run_scoped3A = arith.constant 0 : i32
    "tpu.region"() ({
      %run_scoped3A_152 = tpu.sem_alloc : memref<!tpu.dma_semaphore, #tpu.memory_space<semaphore_mem>>
      %dma_start3A_153 = tpu.memref_slice %arg2[%run_scoped3A, %mul3A_2] : memref<2x320000xi32, #tpu.memory_space<hbm>> -> memref<1x10000xi32, #tpu.memory_space<hbm>>
      %dma_start3A_154 = tpu.memref_squeeze %dma_start3A_153 : memref<1x10000xi32, #tpu.memory_space<hbm>> -> memref<10000xi32, #tpu.memory_space<hbm>>
      %dma_start3A_155 = tpu.memref_slice %arg2[%run_scoped3A, %mul3A_2] : memref<2x320000xi32, #tpu.memory_space<hbm>> -> memref<1x10000xi32, #tpu.memory_space<hbm>>
      %dma_start3A_156 = tpu.memref_squeeze %dma_start3A_155 : memref<1x10000xi32, #tpu.memory_space<hbm>> -> memref<10000xi32, #tpu.memory_space<hbm>>
      tpu.enqueue_dma source(%dma_start3A_156 : memref<10000xi32, #tpu.memory_space<hbm>>) target(%arg9 : memref<10000xi32, #tpu.memory_space<vmem>>) target_semaphore(%run_scoped3A_152 : memref<!tpu.dma_semaphore, #tpu.memory_space<semaphore_mem>>)
      %dma_wait3A_157 = tpu.memref_slice %arg2[%run_scoped3A, %mul3A_2] : memref<2x320000xi32, #tpu.memory_space<hbm>> -> memref<1x10000xi32, #tpu.memory_space<hbm>>
      %dma_wait3A_158 = tpu.memref_squeeze %dma_wait3A_157 : memref<1x10000xi32, #tpu.memory_space<hbm>> -> memref<10000xi32, #tpu.memory_space<hbm>>
      %dma_wait3A_159 = tpu.memref_slice %arg2[%run_scoped3A, %mul3A_2] : memref<2x320000xi32, #tpu.memory_space<hbm>> -> memref<1x10000xi32, #tpu.memory_space<hbm>>
      %dma_wait3A_160 = tpu.memref_squeeze %dma_wait3A_159 : memref<1x10000xi32, #tpu.memory_space<hbm>> -> memref<10000xi32, #tpu.memory_space<hbm>>
      tpu.wait_dma2 semaphore(%run_scoped3A_152 : memref<!tpu.dma_semaphore, #tpu.memory_space<semaphore_mem>>) src(%dma_wait3A_160 : memref<10000xi32, #tpu.memory_space<hbm>>) dst(%arg9 : memref<10000xi32, #tpu.memory_space<vmem>>)
      tpu.yield
    }) : () -> ()
    %run_scoped3A_3 = arith.constant 1 : i32
    "tpu.region"() ({
      %run_scoped3A_152 = tpu.sem_alloc : memref<!tpu.dma_semaphore, #tpu.memory_space<semaphore_mem>>
      %dma_start3A_153 = tpu.memref_slice %arg2[%run_scoped3A_3, %mul3A_2] : memref<2x320000xi32, #tpu.memory_space<hbm>> -> memref<1x10000xi32, #tpu.memory_space<hbm>>
      %dma_start3A_154 = tpu.memref_squeeze %dma_start3A_153 : memref<1x10000xi32, #tpu.memory_space<hbm>> -> memref<10000xi32, #tpu.memory_space<hbm>>
      %dma_start3A_155 = tpu.memref_slice %arg2[%run_scoped3A_3, %mul3A_2] : memref<2x320000xi32, #tpu.memory_space<hbm>> -> memref<1x10000xi32, #tpu.memory_space<hbm>>
      %dma_start3A_156 = tpu.memref_squeeze %dma_start3A_155 : memref<1x10000xi32, #tpu.memory_space<hbm>> -> memref<10000xi32, #tpu.memory_space<hbm>>
      tpu.enqueue_dma source(%dma_start3A_156 : memref<10000xi32, #tpu.memory_space<hbm>>) target(%arg10 : memref<10000xi32, #tpu.memory_space<vmem>>) target_semaphore(%run_scoped3A_152 : memref<!tpu.dma_semaphore, #tpu.memory_space<semaphore_mem>>)
      %dma_wait3A_157 = tpu.memref_slice %arg2[%run_scoped3A_3, %mul3A_2] : memref<2x320000xi32, #tpu.memory_space<hbm>> -> memref<1x10000xi32, #tpu.memory_space<hbm>>
      %dma_wait3A_158 = tpu.memref_squeeze %dma_wait3A_157 : memref<1x10000xi32, #tpu.memory_space<hbm>> -> memref<10000xi32, #tpu.memory_space<hbm>>
      %dma_wait3A_159 = tpu.memref_slice %arg2[%run_scoped3A_3, %mul3A_2] : memref<2x320000xi32, #tpu.memory_space<hbm>> -> memref<1x10000xi32, #tpu.memory_space<hbm>>
      %dma_wait3A_160 = tpu.memref_squeeze %dma_wait3A_159 : memref<1x10000xi32, #tpu.memory_space<hbm>> -> memref<10000xi32, #tpu.memory_space<hbm>>
      tpu.wait_dma2 semaphore(%run_scoped3A_152 : memref<!tpu.dma_semaphore, #tpu.memory_space<semaphore_mem>>) src(%dma_wait3A_160 : memref<10000xi32, #tpu.memory_space<hbm>>) dst(%arg10 : memref<10000xi32, #tpu.memory_space<vmem>>)
      tpu.yield
    }) : () -> ()
    %mul3A_4 = arith.constant 640 : i32
    %mul3A_5 = arith.muli %arg1, %mul3A_4 : i32
    %mul3A_6 = arith.constant 640 : i32
    %mul3A_7 = arith.muli %arg1, %mul3A_6 : i32
    "tpu.region"() ({
      %run_scoped3A_152 = tpu.sem_alloc : memref<!tpu.dma_semaphore, #tpu.memory_space<semaphore_mem>>
      %dma_start3A_153 = arith.constant 0 : i32
      %dma_start3A_154 = tpu.memref_slice %arg19[%mul3A_7, %dma_start3A_153] : memref<10240x128xf32, #tpu.memory_space<vmem_shared>> -> memref<640x128xf32, #tpu.memory_space<vmem_shared>>
      %dma_start3A_155 = arith.constant 0 : i32
      %dma_start3A_156 = tpu.memref_slice %arg6[%mul3A_5, %dma_start3A_155] : memref<10240x128xf32, #tpu.memory_space<hbm>> -> memref<640x128xf32, #tpu.memory_space<hbm>>
      tpu.enqueue_dma source(%dma_start3A_156 : memref<640x128xf32, #tpu.memory_space<hbm>>) target(%dma_start3A_154 : memref<640x128xf32, #tpu.memory_space<vmem_shared>>) target_semaphore(%run_scoped3A_152 : memref<!tpu.dma_semaphore, #tpu.memory_space<semaphore_mem>>)
      %dma_wait3A_157 = arith.constant 0 : i32
      %dma_wait3A_158 = tpu.memref_slice %arg19[%mul3A_7, %dma_wait3A_157] : memref<10240x128xf32, #tpu.memory_space<vmem_shared>> -> memref<640x128xf32, #tpu.memory_space<vmem_shared>>
      %dma_wait3A_159 = arith.constant 0 : i32
      %dma_wait3A_160 = tpu.memref_slice %arg6[%mul3A_5, %dma_wait3A_159] : memref<10240x128xf32, #tpu.memory_space<hbm>> -> memref<640x128xf32, #tpu.memory_space<hbm>>
      tpu.wait_dma2 semaphore(%run_scoped3A_152 : memref<!tpu.dma_semaphore, #tpu.memory_space<semaphore_mem>>) src(%dma_wait3A_160 : memref<640x128xf32, #tpu.memory_space<hbm>>) dst(%dma_wait3A_158 : memref<640x128xf32, #tpu.memory_space<vmem_shared>>)
      tpu.yield
    }) : () -> ()
    %barrier3A = arith.constant 0 : index
    tpu.barrier barrier_id(%barrier3A)
    %add3A_8 = arith.constant 0 : i32
    %add3A_9 = arith.addi %mul3A_2, %add3A_8 : i32
    %add3A_10 = arith.constant 0 : i32
    %add3A_11 = arith.addi %mul3A_2, %add3A_10 : i32
    %jit3A = arith.constant 8 : i32
    %div3A = arith.divsi %add3A_11, %jit3A : i32
    %sign3A = arith.constant 0 : i32
    %sign3A_12 = arith.cmpi sgt, %add3A_11, %sign3A : i32
    %sign3A_13 = arith.extui %sign3A_12 : i1 to i32
    %sign3A_14 = arith.constant 0 : i32
    %sign3A_15 = arith.cmpi slt, %add3A_11, %sign3A_14 : i32
    %sign3A_16 = arith.extui %sign3A_15 : i1 to i32
    %sign3A_17 = arith.subi %sign3A_13, %sign3A_16 : i32
    %sign3A_18 = arith.constant 0 : i32
    %sign3A_19 = arith.cmpi sgt, %jit3A, %sign3A_18 : i32
    %sign3A_20 = arith.extui %sign3A_19 : i1 to i32
    %sign3A_21 = arith.constant 0 : i32
    %sign3A_22 = arith.cmpi slt, %jit3A, %sign3A_21 : i32
    %sign3A_23 = arith.extui %sign3A_22 : i1 to i32
    %sign3A_24 = arith.subi %sign3A_20, %sign3A_23 : i32
    %ne3A = arith.cmpi ne, %sign3A_17, %sign3A_24 : i32
    %rem3A = arith.remsi %add3A_11, %jit3A : i32
    %ne3A_25 = arith.constant 0 : i32
    %ne3A_26 = arith.cmpi ne, %rem3A, %ne3A_25 : i32
    %and3A = arith.andi %ne3A, %ne3A_26 : i1
    %sub3A = arith.constant 1 : i32
    %sub3A_27 = arith.subi %div3A, %sub3A : i32
    %select_n3A = arith.select %and3A, %sub3A_27, %div3A : i32
    %dma_start3A = arith.constant 0 : i32
    %dma_start3A_28 = tpu.memref_slice %arg3[%select_n3A, %dma_start3A] : memref<40000x128xf32, #tpu.memory_space<hbm>> -> memref<5x128xf32, #tpu.memory_space<hbm>>
    %dma_start3A_29 = arith.constant 0 : i32
    %dma_start3A_30 = tpu.memref_slice %arg3[%select_n3A, %dma_start3A_29] : memref<40000x128xf32, #tpu.memory_space<hbm>> -> memref<5x128xf32, #tpu.memory_space<hbm>>
    tpu.enqueue_dma source(%dma_start3A_30 : memref<5x128xf32, #tpu.memory_space<hbm>>) target(%arg11 : memref<5x128xf32, #tpu.memory_space<vmem>>) target_semaphore(%arg20 : memref<!tpu.dma_semaphore, #tpu.memory_space<semaphore_mem>>)
    %dma_start3A_31 = arith.constant 0 : i32
    %dma_start3A_32 = tpu.memref_slice %arg10[%dma_start3A_31] : memref<10000xi32, #tpu.memory_space<vmem>> -> memref<40xi32, #tpu.memory_space<vmem>>
    %dma_start3A_33 = arith.constant 0 : i32
    %dma_start3A_34 = arith.constant 0 : i32
    %dma_start3A_35 = tpu.memref_slice %arg4[%dma_start3A_33, %dma_start3A_34] : memref<10240x16xf32, #tpu.memory_space<hbm>> -> memref<10240x16xf32, #tpu.memory_space<hbm>>
    tpu.enqueue_indirect_dma source(%dma_start3A_35 : memref<10240x16xf32, #tpu.memory_space<hbm>>) target(%arg13 : memref<40x16xf32, #tpu.memory_space<vmem>>) offsets(%dma_start3A_32 : memref<40xi32, #tpu.memory_space<vmem>>) semaphore(%arg20 : memref<!tpu.dma_semaphore, #tpu.memory_space<semaphore_mem>>)
    %dma_start3A_36 = arith.constant 0 : i32
    %dma_start3A_37 = tpu.memref_slice %arg9[%dma_start3A_36] : memref<10000xi32, #tpu.memory_space<vmem>> -> memref<40xi32, #tpu.memory_space<vmem>>
    %dma_start3A_38 = arith.constant 0 : i32
    %dma_start3A_39 = arith.constant 0 : i32
    %dma_start3A_40 = tpu.memref_slice %arg5[%dma_start3A_38, %dma_start3A_39] : memref<10000x128xf32, #tpu.memory_space<hbm>> -> memref<10000x128xf32, #tpu.memory_space<hbm>>
    tpu.enqueue_indirect_dma source(%dma_start3A_40 : memref<10000x128xf32, #tpu.memory_space<hbm>>) target(%arg15 : memref<40x128xf32, #tpu.memory_space<vmem>>) offsets(%dma_start3A_37 : memref<40xi32, #tpu.memory_space<vmem>>) semaphore(%arg20 : memref<!tpu.dma_semaphore, #tpu.memory_space<semaphore_mem>>)
    %add3A_41 = arith.constant 40 : i32
    %add3A_42 = arith.addi %mul3A_2, %add3A_41 : i32
    %add3A_43 = arith.constant 40 : i32
    %add3A_44 = arith.addi %mul3A_2, %add3A_43 : i32
    %jit3A_45 = arith.constant 8 : i32
    %div3A_46 = arith.divsi %add3A_44, %jit3A_45 : i32
    %sign3A_47 = arith.constant 0 : i32
    %sign3A_48 = arith.cmpi sgt, %add3A_44, %sign3A_47 : i32
    %sign3A_49 = arith.extui %sign3A_48 : i1 to i32
    %sign3A_50 = arith.constant 0 : i32
    %sign3A_51 = arith.cmpi slt, %add3A_44, %sign3A_50 : i32
    %sign3A_52 = arith.extui %sign3A_51 : i1 to i32
    %sign3A_53 = arith.subi %sign3A_49, %sign3A_52 : i32
    %sign3A_54 = arith.constant 0 : i32
    %sign3A_55 = arith.cmpi sgt, %jit3A_45, %sign3A_54 : i32
    %sign3A_56 = arith.extui %sign3A_55 : i1 to i32
    %sign3A_57 = arith.constant 0 : i32
    %sign3A_58 = arith.cmpi slt, %jit3A_45, %sign3A_57 : i32
    %sign3A_59 = arith.extui %sign3A_58 : i1 to i32
    %sign3A_60 = arith.subi %sign3A_56, %sign3A_59 : i32
    %ne3A_61 = arith.cmpi ne, %sign3A_53, %sign3A_60 : i32
    %rem3A_62 = arith.remsi %add3A_44, %jit3A_45 : i32
    %ne3A_63 = arith.constant 0 : i32
    %ne3A_64 = arith.cmpi ne, %rem3A_62, %ne3A_63 : i32
    %and3A_65 = arith.andi %ne3A_61, %ne3A_64 : i1
    %sub3A_66 = arith.constant 1 : i32
    %sub3A_67 = arith.subi %div3A_46, %sub3A_66 : i32
    %select_n3A_68 = arith.select %and3A_65, %sub3A_67, %div3A_46 : i32
    %dma_start3A_69 = arith.constant 0 : i32
    %dma_start3A_70 = tpu.memref_slice %arg3[%select_n3A_68, %dma_start3A_69] : memref<40000x128xf32, #tpu.memory_space<hbm>> -> memref<5x128xf32, #tpu.memory_space<hbm>>
    %dma_start3A_71 = arith.constant 0 : i32
    %dma_start3A_72 = tpu.memref_slice %arg3[%select_n3A_68, %dma_start3A_71] : memref<40000x128xf32, #tpu.memory_space<hbm>> -> memref<5x128xf32, #tpu.memory_space<hbm>>
    tpu.enqueue_dma source(%dma_start3A_72 : memref<5x128xf32, #tpu.memory_space<hbm>>) target(%arg12 : memref<5x128xf32, #tpu.memory_space<vmem>>) target_semaphore(%arg21 : memref<!tpu.dma_semaphore, #tpu.memory_space<semaphore_mem>>)
    %dma_start3A_73 = arith.constant 40 : i32
    %dma_start3A_74 = tpu.memref_slice %arg10[%dma_start3A_73] : memref<10000xi32, #tpu.memory_space<vmem>> -> memref<40xi32, #tpu.memory_space<vmem>>
    %dma_start3A_75 = arith.constant 0 : i32
    %dma_start3A_76 = arith.constant 0 : i32
    %dma_start3A_77 = tpu.memref_slice %arg4[%dma_start3A_75, %dma_start3A_76] : memref<10240x16xf32, #tpu.memory_space<hbm>> -> memref<10240x16xf32, #tpu.memory_space<hbm>>
    tpu.enqueue_indirect_dma source(%dma_start3A_77 : memref<10240x16xf32, #tpu.memory_space<hbm>>) target(%arg14 : memref<40x16xf32, #tpu.memory_space<vmem>>) offsets(%dma_start3A_74 : memref<40xi32, #tpu.memory_space<vmem>>) semaphore(%arg21 : memref<!tpu.dma_semaphore, #tpu.memory_space<semaphore_mem>>)
    %dma_start3A_78 = arith.constant 40 : i32
    %dma_start3A_79 = tpu.memref_slice %arg9[%dma_start3A_78] : memref<10000xi32, #tpu.memory_space<vmem>> -> memref<40xi32, #tpu.memory_space<vmem>>
    %dma_start3A_80 = arith.constant 0 : i32
    %dma_start3A_81 = arith.constant 0 : i32
    %dma_start3A_82 = tpu.memref_slice %arg5[%dma_start3A_80, %dma_start3A_81] : memref<10000x128xf32, #tpu.memory_space<hbm>> -> memref<10000x128xf32, #tpu.memory_space<hbm>>
    tpu.enqueue_indirect_dma source(%dma_start3A_82 : memref<10000x128xf32, #tpu.memory_space<hbm>>) target(%arg16 : memref<40x128xf32, #tpu.memory_space<vmem>>) offsets(%dma_start3A_79 : memref<40xi32, #tpu.memory_space<vmem>>) semaphore(%arg21 : memref<!tpu.dma_semaphore, #tpu.memory_space<semaphore_mem>>)
    %scan3A = arith.constant 0 : i32
    %scan3A_83 = arith.constant 0 : i32
    %scan3A_84 = arith.constant 125 : i32
    %scan3A_85 = arith.addi %scan3A_83, %scan3A_84 : i32
    %scan3A_86 = arith.constant 1 : i32
    scf.for %scan3A_152 = %scan3A_83 to %scan3A_85 step %scan3A_86  : i32 {
      %mul3A_153 = arith.constant 2 : i32
      %mul3A_154 = arith.muli %mul3A_153, %scan3A_152 : i32
      %mul3A_155 = arith.constant 40 : i32
      %mul3A_156 = arith.muli %mul3A_154, %mul3A_155 : i32
      %add3A_157 = arith.addi %mul3A_2, %mul3A_156 : i32
      %ge3A = arith.constant 2 : i32
      %ge3A_158 = arith.cmpi sge, %mul3A_154, %ge3A : i32
      %convert_element_type3A = arith.extui %ge3A_158 : i1 to i32
      %cond3A = arith.constant 0 : i32
      %cond3A_159 = arith.cmpi ne, %convert_element_type3A, %cond3A : i32
      scf.if %cond3A_159 {
        %sub3A_349 = arith.constant 2 : i32
        %sub3A_350 = arith.subi %mul3A_154, %sub3A_349 : i32
        %mul3A_351 = arith.constant 40 : i32
        %mul3A_352 = arith.muli %sub3A_350, %mul3A_351 : i32
        %add3A_353 = arith.addi %mul3A_2, %mul3A_352 : i32
        %jit3A_354 = arith.constant 8 : i32
        %div3A_355 = arith.divsi %add3A_353, %jit3A_354 : i32
        %sign3A_356 = arith.constant 0 : i32
        %sign3A_357 = arith.cmpi sgt, %add3A_353, %sign3A_356 : i32
        %sign3A_358 = arith.extui %sign3A_357 : i1 to i32
        %sign3A_359 = arith.constant 0 : i32
        %sign3A_360 = arith.cmpi slt, %add3A_353, %sign3A_359 : i32
        %sign3A_361 = arith.extui %sign3A_360 : i1 to i32
        %sign3A_362 = arith.subi %sign3A_358, %sign3A_361 : i32
        %sign3A_363 = arith.constant 0 : i32
        %sign3A_364 = arith.cmpi sgt, %jit3A_354, %sign3A_363 : i32
        %sign3A_365 = arith.extui %sign3A_364 : i1 to i32
        %sign3A_366 = arith.constant 0 : i32
        %sign3A_367 = arith.cmpi slt, %jit3A_354, %sign3A_366 : i32
        %sign3A_368 = arith.extui %sign3A_367 : i1 to i32
        %sign3A_369 = arith.subi %sign3A_365, %sign3A_368 : i32
        %ne3A_370 = arith.cmpi ne, %sign3A_362, %sign3A_369 : i32
        %rem3A_371 = arith.remsi %add3A_353, %jit3A_354 : i32
        %ne3A_372 = arith.constant 0 : i32
        %ne3A_373 = arith.cmpi ne, %rem3A_371, %ne3A_372 : i32
        %and3A_374 = arith.andi %ne3A_370, %ne3A_373 : i1
        %sub3A_375 = arith.constant 1 : i32
        %sub3A_376 = arith.subi %div3A_355, %sub3A_375 : i32
        %select_n3A_377 = arith.select %and3A_374, %sub3A_376, %div3A_355 : i32
        %dma_wait3A_378 = arith.constant 0 : i32
        %dma_wait3A_379 = tpu.memref_slice %arg7[%select_n3A_377, %dma_wait3A_378] : memref<40000x128xf32, #tpu.memory_space<hbm>> -> memref<5x128xf32, #tpu.memory_space<hbm>>
        %dma_wait3A_380 = arith.constant 0 : i32
        %dma_wait3A_381 = tpu.memref_slice %arg7[%select_n3A_377, %dma_wait3A_380] : memref<40000x128xf32, #tpu.memory_space<hbm>> -> memref<5x128xf32, #tpu.memory_space<hbm>>
        tpu.wait_dma2 semaphore(%arg22 : memref<!tpu.dma_semaphore, #tpu.memory_space<semaphore_mem>>) src(%arg17 : memref<5x128xf32, #tpu.memory_space<vmem>>) dst(%dma_wait3A_381 : memref<5x128xf32, #tpu.memory_space<hbm>>)
      } else {
      }
      %mul3A_160 = arith.constant 40 : i32
      %mul3A_161 = arith.muli %mul3A_154, %mul3A_160 : i32
      %add3A_162 = arith.addi %mul3A_2, %mul3A_161 : i32
      %jit3A_163 = arith.constant 8 : i32
      %div3A_164 = arith.divsi %add3A_162, %jit3A_163 : i32
      %sign3A_165 = arith.constant 0 : i32
      %sign3A_166 = arith.cmpi sgt, %add3A_162, %sign3A_165 : i32
      %sign3A_167 = arith.extui %sign3A_166 : i1 to i32
      %sign3A_168 = arith.constant 0 : i32
      %sign3A_169 = arith.cmpi slt, %add3A_162, %sign3A_168 : i32
      %sign3A_170 = arith.extui %sign3A_169 : i1 to i32
      %sign3A_171 = arith.subi %sign3A_167, %sign3A_170 : i32
      %sign3A_172 = arith.constant 0 : i32
      %sign3A_173 = arith.cmpi sgt, %jit3A_163, %sign3A_172 : i32
      %sign3A_174 = arith.extui %sign3A_173 : i1 to i32
      %sign3A_175 = arith.constant 0 : i32
      %sign3A_176 = arith.cmpi slt, %jit3A_163, %sign3A_175 : i32
      %sign3A_177 = arith.extui %sign3A_176 : i1 to i32
      %sign3A_178 = arith.subi %sign3A_174, %sign3A_177 : i32
      %ne3A_179 = arith.cmpi ne, %sign3A_171, %sign3A_178 : i32
      %rem3A_180 = arith.remsi %add3A_162, %jit3A_163 : i32
      %ne3A_181 = arith.constant 0 : i32
      %ne3A_182 = arith.cmpi ne, %rem3A_180, %ne3A_181 : i32
      %and3A_183 = arith.andi %ne3A_179, %ne3A_182 : i1
      %sub3A_184 = arith.constant 1 : i32
      %sub3A_185 = arith.subi %div3A_164, %sub3A_184 : i32
      %select_n3A_186 = arith.select %and3A_183, %sub3A_185, %div3A_164 : i32
      %dma_wait3A_187 = arith.constant 0 : i32
      %dma_wait3A_188 = tpu.memref_slice %arg3[%select_n3A_186, %dma_wait3A_187] : memref<40000x128xf32, #tpu.memory_space<hbm>> -> memref<5x128xf32, #tpu.memory_space<hbm>>
      %dma_wait3A_189 = arith.constant 0 : i32
      %dma_wait3A_190 = tpu.memref_slice %arg3[%select_n3A_186, %dma_wait3A_189] : memref<40000x128xf32, #tpu.memory_space<hbm>> -> memref<5x128xf32, #tpu.memory_space<hbm>>
      tpu.wait_dma2 semaphore(%arg20 : memref<!tpu.dma_semaphore, #tpu.memory_space<semaphore_mem>>) src(%dma_wait3A_190 : memref<5x128xf32, #tpu.memory_space<hbm>>) dst(%arg11 : memref<5x128xf32, #tpu.memory_space<vmem>>)
      %mul3A_191 = arith.constant 40 : i32
      %mul3A_192 = arith.muli %mul3A_154, %mul3A_191 : i32
      %dma_wait3A_193 = tpu.memref_slice %arg10[%mul3A_192] : memref<10000xi32, #tpu.memory_space<vmem>> -> memref<40xi32, #tpu.memory_space<vmem>>
      %dma_wait3A_194 = arith.constant 0 : i32
      %dma_wait3A_195 = arith.constant 0 : i32
      %dma_wait3A_196 = tpu.memref_slice %arg4[%dma_wait3A_194, %dma_wait3A_195] : memref<10240x16xf32, #tpu.memory_space<hbm>> -> memref<10240x16xf32, #tpu.memory_space<hbm>>
      tpu.wait_indirect_dma semaphore(%arg20 : memref<!tpu.dma_semaphore, #tpu.memory_space<semaphore_mem>>) src(%dma_wait3A_196 : memref<10240x16xf32, #tpu.memory_space<hbm>>) dst(%arg13 : memref<40x16xf32, #tpu.memory_space<vmem>>)
      %mul3A_197 = arith.constant 40 : i32
      %mul3A_198 = arith.muli %mul3A_154, %mul3A_197 : i32
      %dma_wait3A_199 = tpu.memref_slice %arg9[%mul3A_198] : memref<10000xi32, #tpu.memory_space<vmem>> -> memref<40xi32, #tpu.memory_space<vmem>>
      %dma_wait3A_200 = arith.constant 0 : i32
      %dma_wait3A_201 = arith.constant 0 : i32
      %dma_wait3A_202 = tpu.memref_slice %arg5[%dma_wait3A_200, %dma_wait3A_201] : memref<10000x128xf32, #tpu.memory_space<hbm>> -> memref<10000x128xf32, #tpu.memory_space<hbm>>
      tpu.wait_indirect_dma semaphore(%arg20 : memref<!tpu.dma_semaphore, #tpu.memory_space<semaphore_mem>>) src(%dma_wait3A_202 : memref<10000x128xf32, #tpu.memory_space<hbm>>) dst(%arg15 : memref<40x128xf32, #tpu.memory_space<vmem>>)
      %scan3A_203 = arith.constant 0 : i32
      %scan3A_204 = arith.constant 0 : i32
      %scan3A_205 = arith.constant 5 : i32
      %scan3A_206 = arith.addi %scan3A_204, %scan3A_205 : i32
      %scan3A_207 = arith.constant 1 : i32
      scf.for %scan3A_349 = %scan3A_204 to %scan3A_206 step %scan3A_207  : i32 {
        %mul3A_350 = arith.constant 8 : i32
        %mul3A_351 = arith.muli %mul3A_350, %scan3A_349 : i32
        %add3A_352 = arith.constant 0 : i32
        %add3A_353 = arith.addi %mul3A_351, %add3A_352 : i32
        %get3A = arith.index_cast %scan3A_349 : i32 to index
        %get3A_354 = arith.constant 0 : index
        %get3A_355 = tpu.vector_load %arg11[%get3A, %get3A_354] {strides = array<i32>} : memref<5x128xf32, #tpu.memory_space<vmem>>, vector<16xf32>,
        %get3A_356 = arith.index_cast %add3A_353 : i32 to index
        %get3A_357 = arith.constant 0 : index
        %get3A_358 = tpu.vector_load %arg13[%get3A_356, %get3A_357] {strides = array<i32>} : memref<40x16xf32, #tpu.memory_space<vmem>>, vector<16xf32>,
        %mul3A_359 = arith.mulf %get3A_355, %get3A_358 : vector<16xf32>
        %swap3A = arith.index_cast %scan3A_349 : i32 to index
        %swap3A_360 = arith.constant 0 : index
        %swap3A_361 = tpu.vector_load %arg17[%swap3A, %swap3A_360] {strides = array<i32>} : memref<5x128xf32, #tpu.memory_space<vmem>>, vector<16xf32>,
        tpu.vector_store %arg17[%swap3A, %swap3A_360], %mul3A_359 {strides = array<i32>} : memref<5x128xf32, #tpu.memory_space<vmem>>, vector<16xf32>,
        %get3A_362 = arith.index_cast %add3A_353 : i32 to index
        %get3A_363 = arith.constant 0 : index
        %get3A_364 = tpu.vector_load %arg15[%get3A_362, %get3A_363] {strides = array<i32>} : memref<40x128xf32, #tpu.memory_space<vmem>>, vector<16xf32>,
        %mul3A_365 = arith.mulf %mul3A_359, %get3A_364 : vector<16xf32>
        %swap3A_366 = arith.index_cast %add3A_353 : i32 to index
        %swap3A_367 = arith.constant 0 : index
        %swap3A_368 = tpu.vector_load %arg15[%swap3A_366, %swap3A_367] {strides = array<i32>} : memref<40x128xf32, #tpu.memory_space<vmem>>, vector<16xf32>,
        tpu.vector_store %arg15[%swap3A_366, %swap3A_367], %mul3A_365 {strides = array<i32>} : memref<40x128xf32, #tpu.memory_space<vmem>>, vector<16xf32>,
        %get3A_369 = arith.index_cast %add3A_353 : i32 to index
        %get3A_370 = arith.constant 16 : index
        %get3A_371 = tpu.vector_load %arg15[%get3A_369, %get3A_370] {strides = array<i32>} : memref<40x128xf32, #tpu.memory_space<vmem>>, vector<16xf32>,
        %mul3A_372 = arith.mulf %mul3A_359, %get3A_371 : vector<16xf32>
        %swap3A_373 = arith.index_cast %add3A_353 : i32 to index
        %swap3A_374 = arith.constant 16 : index
        %swap3A_375 = tpu.vector_load %arg15[%swap3A_373, %swap3A_374] {strides = array<i32>} : memref<40x128xf32, #tpu.memory_space<vmem>>, vector<16xf32>,
        tpu.vector_store %arg15[%swap3A_373, %swap3A_374], %mul3A_372 {strides = array<i32>} : memref<40x128xf32, #tpu.memory_space<vmem>>, vector<16xf32>,
        %get3A_376 = arith.index_cast %add3A_353 : i32 to index
        %get3A_377 = arith.constant 32 : index
        %get3A_378 = tpu.vector_load %arg15[%get3A_376, %get3A_377] {strides = array<i32>} : memref<40x128xf32, #tpu.memory_space<vmem>>, vector<16xf32>,
        %mul3A_379 = arith.mulf %mul3A_359, %get3A_378 : vector<16xf32>
        %swap3A_380 = arith.index_cast %add3A_353 : i32 to index
        %swap3A_381 = arith.constant 32 : index
        %swap3A_382 = tpu.vector_load %arg15[%swap3A_380, %swap3A_381] {strides = array<i32>} : memref<40x128xf32, #tpu.memory_space<vmem>>, vector<16xf32>,
        tpu.vector_store %arg15[%swap3A_380, %swap3A_381], %mul3A_379 {strides = array<i32>} : memref<40x128xf32, #tpu.memory_space<vmem>>, vector<16xf32>,
        %get3A_383 = arith.index_cast %add3A_353 : i32 to index
        %get3A_384 = arith.constant 48 : index
        %get3A_385 = tpu.vector_load %arg15[%get3A_383, %get3A_384] {strides = array<i32>} : memref<40x128xf32, #tpu.memory_space<vmem>>, vector<16xf32>,
        %mul3A_386 = arith.mulf %mul3A_359, %get3A_385 : vector<16xf32>
        %swap3A_387 = arith.index_cast %add3A_353 : i32 to index
        %swap3A_388 = arith.constant 48 : index
        %swap3A_389 = tpu.vector_load %arg15[%swap3A_387, %swap3A_388] {strides = array<i32>} : memref<40x128xf32, #tpu.memory_space<vmem>>, vector<16xf32>,
        tpu.vector_store %arg15[%swap3A_387, %swap3A_388], %mul3A_386 {strides = array<i32>} : memref<40x128xf32, #tpu.memory_space<vmem>>, vector<16xf32>,
        %get3A_390 = arith.index_cast %add3A_353 : i32 to index
        %get3A_391 = arith.constant 64 : index
        %get3A_392 = tpu.vector_load %arg15[%get3A_390, %get3A_391] {strides = array<i32>} : memref<40x128xf32, #tpu.memory_space<vmem>>, vector<16xf32>,
        %mul3A_393 = arith.mulf %mul3A_359, %get3A_392 : vector<16xf32>
        %swap3A_394 = arith.index_cast %add3A_353 : i32 to index
        %swap3A_395 = arith.constant 64 : index
        %swap3A_396 = tpu.vector_load %arg15[%swap3A_394, %swap3A_395] {strides = array<i32>} : memref<40x128xf32, #tpu.memory_space<vmem>>, vector<16xf32>,
        tpu.vector_store %arg15[%swap3A_394, %swap3A_395], %mul3A_393 {strides = array<i32>} : memref<40x128xf32, #tpu.memory_space<vmem>>, vector<16xf32>,
        %get3A_397 = arith.index_cast %add3A_353 : i32 to index
        %get3A_398 = arith.constant 80 : index
        %get3A_399 = tpu.vector_load %arg15[%get3A_397, %get3A_398] {strides = array<i32>} : memref<40x128xf32, #tpu.memory_space<vmem>>, vector<16xf32>,
        %mul3A_400 = arith.mulf %mul3A_359, %get3A_399 : vector<16xf32>
        %swap3A_401 = arith.index_cast %add3A_353 : i32 to index
        %swap3A_402 = arith.constant 80 : index
        %swap3A_403 = tpu.vector_load %arg15[%swap3A_401, %swap3A_402] {strides = array<i32>} : memref<40x128xf32, #tpu.memory_space<vmem>>, vector<16xf32>,
        tpu.vector_store %arg15[%swap3A_401, %swap3A_402], %mul3A_400 {strides = array<i32>} : memref<40x128xf32, #tpu.memory_space<vmem>>, vector<16xf32>,
        %get3A_404 = arith.index_cast %add3A_353 : i32 to index
        %get3A_405 = arith.constant 96 : index
        %get3A_406 = tpu.vector_load %arg15[%get3A_404, %get3A_405] {strides = array<i32>} : memref<40x128xf32, #tpu.memory_space<vmem>>, vector<16xf32>,
        %mul3A_407 = arith.mulf %mul3A_359, %get3A_406 : vector<16xf32>
        %swap3A_408 = arith.index_cast %add3A_353 : i32 to index
        %swap3A_409 = arith.constant 96 : index
        %swap3A_410 = tpu.vector_load %arg15[%swap3A_408, %swap3A_409] {strides = array<i32>} : memref<40x128xf32, #tpu.memory_space<vmem>>, vector<16xf32>,
        tpu.vector_store %arg15[%swap3A_408, %swap3A_409], %mul3A_407 {strides = array<i32>} : memref<40x128xf32, #tpu.memory_space<vmem>>, vector<16xf32>,
        %get3A_411 = arith.index_cast %add3A_353 : i32 to index
        %get3A_412 = arith.constant 112 : index
        %get3A_413 = tpu.vector_load %arg15[%get3A_411, %get3A_412] {strides = array<i32>} : memref<40x128xf32, #tpu.memory_space<vmem>>, vector<16xf32>,
        %mul3A_414 = arith.mulf %mul3A_359, %get3A_413 : vector<16xf32>
        %swap3A_415 = arith.index_cast %add3A_353 : i32 to index
        %swap3A_416 = arith.constant 112 : index
        %swap3A_417 = tpu.vector_load %arg15[%swap3A_415, %swap3A_416] {strides = array<i32>} : memref<40x128xf32, #tpu.memory_space<vmem>>, vector<16xf32>,
        tpu.vector_store %arg15[%swap3A_415, %swap3A_416], %mul3A_414 {strides = array<i32>} : memref<40x128xf32, #tpu.memory_space<vmem>>, vector<16xf32>,
        %mul3A_418 = arith.constant 8 : i32
        %mul3A_419 = arith.muli %mul3A_418, %scan3A_349 : i32
        %add3A_420 = arith.constant 1 : i32
        %add3A_421 = arith.addi %mul3A_419, %add3A_420 : i32
        %get3A_422 = arith.index_cast %scan3A_349 : i32 to index
        %get3A_423 = arith.constant 16 : index
        %get3A_424 = tpu.vector_load %arg11[%get3A_422, %get3A_423] {strides = array<i32>} : memref<5x128xf32, #tpu.memory_space<vmem>>, vector<16xf32>,
        %get3A_425 = arith.index_cast %add3A_421 : i32 to index
        %get3A_426 = arith.constant 0 : index
        %get3A_427 = tpu.vector_load %arg13[%get3A_425, %get3A_426] {strides = array<i32>} : memref<40x16xf32, #tpu.memory_space<vmem>>, vector<16xf32>,
        %mul3A_428 = arith.mulf %get3A_424, %get3A_427 : vector<16xf32>
        %swap3A_429 = arith.index_cast %scan3A_349 : i32 to index
        %swap3A_430 = arith.constant 16 : index
        %swap3A_431 = tpu.vector_load %arg17[%swap3A_429, %swap3A_430] {strides = array<i32>} : memref<5x128xf32, #tpu.memory_space<vmem>>, vector<16xf32>,
        tpu.vector_store %arg17[%swap3A_429, %swap3A_430], %mul3A_428 {strides = array<i32>} : memref<5x128xf32, #tpu.memory_space<vmem>>, vector<16xf32>,
        %get3A_432 = arith.index_cast %add3A_421 : i32 to index
        %get3A_433 = arith.constant 0 : index
        %get3A_434 = tpu.vector_load %arg15[%get3A_432, %get3A_433] {strides = array<i32>} : memref<40x128xf32, #tpu.memory_space<vmem>>, vector<16xf32>,
        %mul3A_435 = arith.mulf %mul3A_428, %get3A_434 : vector<16xf32>
        %swap3A_436 = arith.index_cast %add3A_421 : i32 to index
        %swap3A_437 = arith.constant 0 : index
        %swap3A_438 = tpu.vector_load %arg15[%swap3A_436, %swap3A_437] {strides = array<i32>} : memref<40x128xf32, #tpu.memory_space<vmem>>, vector<16xf32>,
        tpu.vector_store %arg15[%swap3A_436, %swap3A_437], %mul3A_435 {strides = array<i32>} : memref<40x128xf32, #tpu.memory_space<vmem>>, vector<16xf32>,
        %get3A_439 = arith.index_cast %add3A_421 : i32 to index
        %get3A_440 = arith.constant 16 : index
        %get3A_441 = tpu.vector_load %arg15[%get3A_439, %get3A_440] {strides = array<i32>} : memref<40x128xf32, #tpu.memory_space<vmem>>, vector<16xf32>,
        %mul3A_442 = arith.mulf %mul3A_428, %get3A_441 : vector<16xf32>
        %swap3A_443 = arith.index_cast %add3A_421 : i32 to index
        %swap3A_444 = arith.constant 16 : index
        %swap3A_445 = tpu.vector_load %arg15[%swap3A_443, %swap3A_444] {strides = array<i32>} : memref<40x128xf32, #tpu.memory_space<vmem>>, vector<16xf32>,
        tpu.vector_store %arg15[%swap3A_443, %swap3A_444], %mul3A_442 {strides = array<i32>} : memref<40x128xf32, #tpu.memory_space<vmem>>, vector<16xf32>,
        %get3A_446 = arith.index_cast %add3A_421 : i32 to index
        %get3A_447 = arith.constant 32 : index
        %get3A_448 = tpu.vector_load %arg15[%get3A_446, %get3A_447] {strides = array<i32>} : memref<40x128xf32, #tpu.memory_space<vmem>>, vector<16xf32>,
        %mul3A_449 = arith.mulf %mul3A_428, %get3A_448 : vector<16xf32>
        %swap3A_450 = arith.index_cast %add3A_421 : i32 to index
        %swap3A_451 = arith.constant 32 : index
        %swap3A_452 = tpu.vector_load %arg15[%swap3A_450, %swap3A_451] {strides = array<i32>} : memref<40x128xf32, #tpu.memory_space<vmem>>, vector<16xf32>,
        tpu.vector_store %arg15[%swap3A_450, %swap3A_451], %mul3A_449 {strides = array<i32>} : memref<40x128xf32, #tpu.memory_space<vmem>>, vector<16xf32>,
        %get3A_453 = arith.index_cast %add3A_421 : i32 to index
        %get3A_454 = arith.constant 48 : index
        %get3A_455 = tpu.vector_load %arg15[%get3A_453, %get3A_454] {strides = array<i32>} : memref<40x128xf32, #tpu.memory_space<vmem>>, vector<16xf32>,
        %mul3A_456 = arith.mulf %mul3A_428, %get3A_455 : vector<16xf32>
        %swap3A_457 = arith.index_cast %add3A_421 : i32 to index
        %swap3A_458 = arith.constant 48 : index
        %swap3A_459 = tpu.vector_load %arg15[%swap3A_457, %swap3A_458] {strides = array<i32>} : memref<40x128xf32, #tpu.memory_space<vmem>>, vector<16xf32>,
        tpu.vector_store %arg15[%swap3A_457, %swap3A_458], %mul3A_456 {strides = array<i32>} : memref<40x128xf32, #tpu.memory_space<vmem>>, vector<16xf32>,
        %get3A_460 = arith.index_cast %add3A_421 : i32 to index
        %get3A_461 = arith.constant 64 : index
        %get3A_462 = tpu.vector_load %arg15[%get3A_460, %get3A_461] {strides = array<i32>} : memref<40x128xf32, #tpu.memory_space<vmem>>, vector<16xf32>,
        %mul3A_463 = arith.mulf %mul3A_428, %get3A_462 : vector<16xf32>
        %swap3A_464 = arith.index_cast %add3A_421 : i32 to index
        %swap3A_465 = arith.constant 64 : index
        %swap3A_466 = tpu.vector_load %arg15[%swap3A_464, %swap3A_465] {strides = array<i32>} : memref<40x128xf32, #tpu.memory_space<vmem>>, vector<16xf32>,
        tpu.vector_store %arg15[%swap3A_464, %swap3A_465], %mul3A_463 {strides = array<i32>} : memref<40x128xf32, #tpu.memory_space<vmem>>, vector<16xf32>,
        %get3A_467 = arith.index_cast %add3A_421 : i32 to index
        %get3A_468 = arith.constant 80 : index
        %get3A_469 = tpu.vector_load %arg15[%get3A_467, %get3A_468] {strides = array<i32>} : memref<40x128xf32, #tpu.memory_space<vmem>>, vector<16xf32>,
        %mul3A_470 = arith.mulf %mul3A_428, %get3A_469 : vector<16xf32>
        %swap3A_471 = arith.index_cast %add3A_421 : i32 to index
        %swap3A_472 = arith.constant 80 : index
        %swap3A_473 = tpu.vector_load %arg15[%swap3A_471, %swap3A_472] {strides = array<i32>} : memref<40x128xf32, #tpu.memory_space<vmem>>, vector<16xf32>,
        tpu.vector_store %arg15[%swap3A_471, %swap3A_472], %mul3A_470 {strides = array<i32>} : memref<40x128xf32, #tpu.memory_space<vmem>>, vector<16xf32>,
        %get3A_474 = arith.index_cast %add3A_421 : i32 to index
        %get3A_475 = arith.constant 96 : index
        %get3A_476 = tpu.vector_load %arg15[%get3A_474, %get3A_475] {strides = array<i32>} : memref<40x128xf32, #tpu.memory_space<vmem>>, vector<16xf32>,
        %mul3A_477 = arith.mulf %mul3A_428, %get3A_476 : vector<16xf32>
        %swap3A_478 = arith.index_cast %add3A_421 : i32 to index
        %swap3A_479 = arith.constant 96 : index
        %swap3A_480 = tpu.vector_load %arg15[%swap3A_478, %swap3A_479] {strides = array<i32>} : memref<40x128xf32, #tpu.memory_space<vmem>>, vector<16xf32>,
        tpu.vector_store %arg15[%swap3A_478, %swap3A_479], %mul3A_477 {strides = array<i32>} : memref<40x128xf32, #tpu.memory_space<vmem>>, vector<16xf32>,
        %get3A_481 = arith.index_cast %add3A_421 : i32 to index
        %get3A_482 = arith.constant 112 : index
        %get3A_483 = tpu.vector_load %arg15[%get3A_481, %get3A_482] {strides = array<i32>} : memref<40x128xf32, #tpu.memory_space<vmem>>, vector<16xf32>,
        %mul3A_484 = arith.mulf %mul3A_428, %get3A_483 : vector<16xf32>
        %swap3A_485 = arith.index_cast %add3A_421 : i32 to index
        %swap3A_486 = arith.constant 112 : index
        %swap3A_487 = tpu.vector_load %arg15[%swap3A_485, %swap3A_486] {strides = array<i32>} : memref<40x128xf32, #tpu.memory_space<vmem>>, vector<16xf32>,
        tpu.vector_store %arg15[%swap3A_485, %swap3A_486], %mul3A_484 {strides = array<i32>} : memref<40x128xf32, #tpu.memory_space<vmem>>, vector<16xf32>,
        %mul3A_488 = arith.constant 8 : i32
        %mul3A_489 = arith.muli %mul3A_488, %scan3A_349 : i32
        %add3A_490 = arith.constant 2 : i32
        %add3A_491 = arith.addi %mul3A_489, %add3A_490 : i32
        %get3A_492 = arith.index_cast %scan3A_349 : i32 to index
        %get3A_493 = arith.constant 32 : index
        %get3A_494 = tpu.vector_load %arg11[%get3A_492, %get3A_493] {strides = array<i32>} : memref<5x128xf32, #tpu.memory_space<vmem>>, vector<16xf32>,
        %get3A_495 = arith.index_cast %add3A_491 : i32 to index
        %get3A_496 = arith.constant 0 : index
        %get3A_497 = tpu.vector_load %arg13[%get3A_495, %get3A_496] {strides = array<i32>} : memref<40x16xf32, #tpu.memory_space<vmem>>, vector<16xf32>,
        %mul3A_498 = arith.mulf %get3A_494, %get3A_497 : vector<16xf32>
        %swap3A_499 = arith.index_cast %scan3A_349 : i32 to index
        %swap3A_500 = arith.constant 32 : index
        %swap3A_501 = tpu.vector_load %arg17[%swap3A_499, %swap3A_500] {strides = array<i32>} : memref<5x128xf32, #tpu.memory_space<vmem>>, vector<16xf32>,
        tpu.vector_store %arg17[%swap3A_499, %swap3A_500], %mul3A_498 {strides = array<i32>} : memref<5x128xf32, #tpu.memory_space<vmem>>, vector<16xf32>,
        %get3A_502 = arith.index_cast %add3A_491 : i32 to index
        %get3A_503 = arith.constant 0 : index
        %get3A_504 = tpu.vector_load %arg15[%get3A_502, %get3A_503] {strides = array<i32>} : memref<40x128xf32, #tpu.memory_space<vmem>>, vector<16xf32>,
        %mul3A_505 = arith.mulf %mul3A_498, %get3A_504 : vector<16xf32>
        %swap3A_506 = arith.index_cast %add3A_491 : i32 to index
        %swap3A_507 = arith.constant 0 : index
        %swap3A_508 = tpu.vector_load %arg15[%swap3A_506, %swap3A_507] {strides = array<i32>} : memref<40x128xf32, #tpu.memory_space<vmem>>, vector<16xf32>,
        tpu.vector_store %arg15[%swap3A_506, %swap3A_507], %mul3A_505 {strides = array<i32>} : memref<40x128xf32, #tpu.memory_space<vmem>>, vector<16xf32>,
        %get3A_509 = arith.index_cast %add3A_491 : i32 to index
        %get3A_510 = arith.constant 16 : index
        %get3A_511 = tpu.vector_load %arg15[%get3A_509, %get3A_510] {strides = array<i32>} : memref<40x128xf32, #tpu.memory_space<vmem>>, vector<16xf32>,
        %mul3A_512 = arith.mulf %mul3A_498, %get3A_511 : vector<16xf32>
        %swap3A_513 = arith.index_cast %add3A_491 : i32 to index
        %swap3A_514 = arith.constant 16 : index
        %swap3A_515 = tpu.vector_load %arg15[%swap3A_513, %swap3A_514] {strides = array<i32>} : memref<40x128xf32, #tpu.memory_space<vmem>>, vector<16xf32>,
        tpu.vector_store %arg15[%swap3A_513, %swap3A_514], %mul3A_512 {strides = array<i32>} : memref<40x128xf32, #tpu.memory_space<vmem>>, vector<16xf32>,
        %get3A_516 = arith.index_cast %add3A_491 : i32 to index
        %get3A_517 = arith.constant 32 : index
        %get3A_518 = tpu.vector_load %arg15[%get3A_516, %get3A_517] {strides = array<i32>} : memref<40x128xf32, #tpu.memory_space<vmem>>, vector<16xf32>,
        %mul3A_519 = arith.mulf %mul3A_498, %get3A_518 : vector<16xf32>
        %swap3A_520 = arith.index_cast %add3A_491 : i32 to index
        %swap3A_521 = arith.constant 32 : index
        %swap3A_522 = tpu.vector_load %arg15[%swap3A_520, %swap3A_521] {strides = array<i32>} : memref<40x128xf32, #tpu.memory_space<vmem>>, vector<16xf32>,
        tpu.vector_store %arg15[%swap3A_520, %swap3A_521], %mul3A_519 {strides = array<i32>} : memref<40x128xf32, #tpu.memory_space<vmem>>, vector<16xf32>,
        %get3A_523 = arith.index_cast %add3A_491 : i32 to index
        %get3A_524 = arith.constant 48 : index
        %get3A_525 = tpu.vector_load %arg15[%get3A_523, %get3A_524] {strides = array<i32>} : memref<40x128xf32, #tpu.memory_space<vmem>>, vector<16xf32>,
        %mul3A_526 = arith.mulf %mul3A_498, %get3A_525 : vector<16xf32>
        %swap3A_527 = arith.index_cast %add3A_491 : i32 to index
        %swap3A_528 = arith.constant 48 : index
        %swap3A_529 = tpu.vector_load %arg15[%swap3A_527, %swap3A_528] {strides = array<i32>} : memref<40x128xf32, #tpu.memory_space<vmem>>, vector<16xf32>,
        tpu.vector_store %arg15[%swap3A_527, %swap3A_528], %mul3A_526 {strides = array<i32>} : memref<40x128xf32, #tpu.memory_space<vmem>>, vector<16xf32>,
        %get3A_530 = arith.index_cast %add3A_491 : i32 to index
        %get3A_531 = arith.constant 64 : index
        %get3A_532 = tpu.vector_load %arg15[%get3A_530, %get3A_531] {strides = array<i32>} : memref<40x128xf32, #tpu.memory_space<vmem>>, vector<16xf32>,
        %mul3A_533 = arith.mulf %mul3A_498, %get3A_532 : vector<16xf32>
        %swap3A_534 = arith.index_cast %add3A_491 : i32 to index
        %swap3A_535 = arith.constant 64 : index
        %swap3A_536 = tpu.vector_load %arg15[%swap3A_534, %swap3A_535] {strides = array<i32>} : memref<40x128xf32, #tpu.memory_space<vmem>>, vector<16xf32>,
        tpu.vector_store %arg15[%swap3A_534, %swap3A_535], %mul3A_533 {strides = array<i32>} : memref<40x128xf32, #tpu.memory_space<vmem>>, vector<16xf32>,
        %get3A_537 = arith.index_cast %add3A_491 : i32 to index
        %get3A_538 = arith.constant 80 : index
        %get3A_539 = tpu.vector_load %arg15[%get3A_537, %get3A_538] {strides = array<i32>} : memref<40x128xf32, #tpu.memory_space<vmem>>, vector<16xf32>,
        %mul3A_540 = arith.mulf %mul3A_498, %get3A_539 : vector<16xf32>
        %swap3A_541 = arith.index_cast %add3A_491 : i32 to index
        %swap3A_542 = arith.constant 80 : index
        %swap3A_543 = tpu.vector_load %arg15[%swap3A_541, %swap3A_542] {strides = array<i32>} : memref<40x128xf32, #tpu.memory_space<vmem>>, vector<16xf32>,
        tpu.vector_store %arg15[%swap3A_541, %swap3A_542], %mul3A_540 {strides = array<i32>} : memref<40x128xf32, #tpu.memory_space<vmem>>, vector<16xf32>,
        %get3A_544 = arith.index_cast %add3A_491 : i32 to index
        %get3A_545 = arith.constant 96 : index
        %get3A_546 = tpu.vector_load %arg15[%get3A_544, %get3A_545] {strides = array<i32>} : memref<40x128xf32, #tpu.memory_space<vmem>>, vector<16xf32>,
        %mul3A_547 = arith.mulf %mul3A_498, %get3A_546 : vector<16xf32>
        %swap3A_548 = arith.index_cast %add3A_491 : i32 to index
        %swap3A_549 = arith.constant 96 : index
        %swap3A_550 = tpu.vector_load %arg15[%swap3A_548, %swap3A_549] {strides = array<i32>} : memref<40x128xf32, #tpu.memory_space<vmem>>, vector<16xf32>,
        tpu.vector_store %arg15[%swap3A_548, %swap3A_549], %mul3A_547 {strides = array<i32>} : memref<40x128xf32, #tpu.memory_space<vmem>>, vector<16xf32>,
        %get3A_551 = arith.index_cast %add3A_491 : i32 to index
        %get3A_552 = arith.constant 112 : index
        %get3A_553 = tpu.vector_load %arg15[%get3A_551, %get3A_552] {strides = array<i32>} : memref<40x128xf32, #tpu.memory_space<vmem>>, vector<16xf32>,
        %mul3A_554 = arith.mulf %mul3A_498, %get3A_553 : vector<16xf32>
        %swap3A_555 = arith.index_cast %add3A_491 : i32 to index
        %swap3A_556 = arith.constant 112 : index
        %swap3A_557 = tpu.vector_load %arg15[%swap3A_555, %swap3A_556] {strides = array<i32>} : memref<40x128xf32, #tpu.memory_space<vmem>>, vector<16xf32>,
        tpu.vector_store %arg15[%swap3A_555, %swap3A_556], %mul3A_554 {strides = array<i32>} : memref<40x128xf32, #tpu.memory_space<vmem>>, vector<16xf32>,
        %mul3A_558 = arith.constant 8 : i32
        %mul3A_559 = arith.muli %mul3A_558, %scan3A_349 : i32
        %add3A_560 = arith.constant 3 : i32
        %add3A_561 = arith.addi %mul3A_559, %add3A_560 : i32
        %get3A_562 = arith.index_cast %scan3A_349 : i32 to index
        %get3A_563 = arith.constant 48 : index
        %get3A_564 = tpu.vector_load %arg11[%get3A_562, %get3A_563] {strides = array<i32>} : memref<5x128xf32, #tpu.memory_space<vmem>>, vector<16xf32>,
        %get3A_565 = arith.index_cast %add3A_561 : i32 to index
        %get3A_566 = arith.constant 0 : index
        %get3A_567 = tpu.vector_load %arg13[%get3A_565, %get3A_566] {strides = array<i32>} : memref<40x16xf32, #tpu.memory_space<vmem>>, vector<16xf32>,
        %mul3A_568 = arith.mulf %get3A_564, %get3A_567 : vector<16xf32>
        %swap3A_569 = arith.index_cast %scan3A_349 : i32 to index
        %swap3A_570 = arith.constant 48 : index
        %swap3A_571 = tpu.vector_load %arg17[%swap3A_569, %swap3A_570] {strides = array<i32>} : memref<5x128xf32, #tpu.memory_space<vmem>>, vector<16xf32>,
        tpu.vector_store %arg17[%swap3A_569, %swap3A_570], %mul3A_568 {strides = array<i32>} : memref<5x128xf32, #tpu.memory_space<vmem>>, vector<16xf32>,
        %get3A_572 = arith.index_cast %add3A_561 : i32 to index
        %get3A_573 = arith.constant 0 : index
        %get3A_574 = tpu.vector_load %arg15[%get3A_572, %get3A_573] {strides = array<i32>} : memref<40x128xf32, #tpu.memory_space<vmem>>, vector<16xf32>,
        %mul3A_575 = arith.mulf %mul3A_568, %get3A_574 : vector<16xf32>
        %swap3A_576 = arith.index_cast %add3A_561 : i32 to index
        %swap3A_577 = arith.constant 0 : index
        %swap3A_578 = tpu.vector_load %arg15[%swap3A_576, %swap3A_577] {strides = array<i32>} : memref<40x128xf32, #tpu.memory_space<vmem>>, vector<16xf32>,
        tpu.vector_store %arg15[%swap3A_576, %swap3A_577], %mul3A_575 {strides = array<i32>} : memref<40x128xf32, #tpu.memory_space<vmem>>, vector<16xf32>,
        %get3A_579 = arith.index_cast %add3A_561 : i32 to index
        %get3A_580 = arith.constant 16 : index
        %get3A_581 = tpu.vector_load %arg15[%get3A_579, %get3A_580] {strides = array<i32>} : memref<40x128xf32, #tpu.memory_space<vmem>>, vector<16xf32>,
        %mul3A_582 = arith.mulf %mul3A_568, %get3A_581 : vector<16xf32>
        %swap3A_583 = arith.index_cast %add3A_561 : i32 to index
        %swap3A_584 = arith.constant 16 : index
        %swap3A_585 = tpu.vector_load %arg15[%swap3A_583, %swap3A_584] {strides = array<i32>} : memref<40x128xf32, #tpu.memory_space<vmem>>, vector<16xf32>,
        tpu.vector_store %arg15[%swap3A_583, %swap3A_584], %mul3A_582 {strides = array<i32>} : memref<40x128xf32, #tpu.memory_space<vmem>>, vector<16xf32>,
        %get3A_586 = arith.index_cast %add3A_561 : i32 to index
        %get3A_587 = arith.constant 32 : index
        %get3A_588 = tpu.vector_load %arg15[%get3A_586, %get3A_587] {strides = array<i32>} : memref<40x128xf32, #tpu.memory_space<vmem>>, vector<16xf32>,
        %mul3A_589 = arith.mulf %mul3A_568, %get3A_588 : vector<16xf32>
        %swap3A_590 = arith.index_cast %add3A_561 : i32 to index
        %swap3A_591 = arith.constant 32 : index
        %swap3A_592 = tpu.vector_load %arg15[%swap3A_590, %swap3A_591] {strides = array<i32>} : memref<40x128xf32, #tpu.memory_space<vmem>>, vector<16xf32>,
        tpu.vector_store %arg15[%swap3A_590, %swap3A_591], %mul3A_589 {strides = array<i32>} : memref<40x128xf32, #tpu.memory_space<vmem>>, vector<16xf32>,
        %get3A_593 = arith.index_cast %add3A_561 : i32 to index
        %get3A_594 = arith.constant 48 : index
        %get3A_595 = tpu.vector_load %arg15[%get3A_593, %get3A_594] {strides = array<i32>} : memref<40x128xf32, #tpu.memory_space<vmem>>, vector<16xf32>,
        %mul3A_596 = arith.mulf %mul3A_568, %get3A_595 : vector<16xf32>
        %swap3A_597 = arith.index_cast %add3A_561 : i32 to index
        %swap3A_598 = arith.constant 48 : index
        %swap3A_599 = tpu.vector_load %arg15[%swap3A_597, %swap3A_598] {strides = array<i32>} : memref<40x128xf32, #tpu.memory_space<vmem>>, vector<16xf32>,
        tpu.vector_store %arg15[%swap3A_597, %swap3A_598], %mul3A_596 {strides = array<i32>} : memref<40x128xf32, #tpu.memory_space<vmem>>, vector<16xf32>,
        %get3A_600 = arith.index_cast %add3A_561 : i32 to index
        %get3A_601 = arith.constant 64 : index
        %get3A_602 = tpu.vector_load %arg15[%get3A_600, %get3A_601] {strides = array<i32>} : memref<40x128xf32, #tpu.memory_space<vmem>>, vector<16xf32>,
        %mul3A_603 = arith.mulf %mul3A_568, %get3A_602 : vector<16xf32>
        %swap3A_604 = arith.index_cast %add3A_561 : i32 to index
        %swap3A_605 = arith.constant 64 : index
        %swap3A_606 = tpu.vector_load %arg15[%swap3A_604, %swap3A_605] {strides = array<i32>} : memref<40x128xf32, #tpu.memory_space<vmem>>, vector<16xf32>,
        tpu.vector_store %arg15[%swap3A_604, %swap3A_605], %mul3A_603 {strides = array<i32>} : memref<40x128xf32, #tpu.memory_space<vmem>>, vector<16xf32>,
        %get3A_607 = arith.index_cast %add3A_561 : i32 to index
        %get3A_608 = arith.constant 80 : index
        %get3A_609 = tpu.vector_load %arg15[%get3A_607, %get3A_608] {strides = array<i32>} : memref<40x128xf32, #tpu.memory_space<vmem>>, vector<16xf32>,
        %mul3A_610 = arith.mulf %mul3A_568, %get3A_609 : vector<16xf32>
        %swap3A_611 = arith.index_cast %add3A_561 : i32 to index
        %swap3A_612 = arith.constant 80 : index
        %swap3A_613 = tpu.vector_load %arg15[%swap3A_611, %swap3A_612] {strides = array<i32>} : memref<40x128xf32, #tpu.memory_space<vmem>>, vector<16xf32>,
        tpu.vector_store %arg15[%swap3A_611, %swap3A_612], %mul3A_610 {strides = array<i32>} : memref<40x128xf32, #tpu.memory_space<vmem>>, vector<16xf32>,
        %get3A_614 = arith.index_cast %add3A_561 : i32 to index
        %get3A_615 = arith.constant 96 : index
        %get3A_616 = tpu.vector_load %arg15[%get3A_614, %get3A_615] {strides = array<i32>} : memref<40x128xf32, #tpu.memory_space<vmem>>, vector<16xf32>,
        %mul3A_617 = arith.mulf %mul3A_568, %get3A_616 : vector<16xf32>
        %swap3A_618 = arith.index_cast %add3A_561 : i32 to index
        %swap3A_619 = arith.constant 96 : index
        %swap3A_620 = tpu.vector_load %arg15[%swap3A_618, %swap3A_619] {strides = array<i32>} : memref<40x128xf32, #tpu.memory_space<vmem>>, vector<16xf32>,
        tpu.vector_store %arg15[%swap3A_618, %swap3A_619], %mul3A_617 {strides = array<i32>} : memref<40x128xf32, #tpu.memory_space<vmem>>, vector<16xf32>,
        %get3A_621 = arith.index_cast %add3A_561 : i32 to index
        %get3A_622 = arith.constant 112 : index
        %get3A_623 = tpu.vector_load %arg15[%get3A_621, %get3A_622] {strides = array<i32>} : memref<40x128xf32, #tpu.memory_space<vmem>>, vector<16xf32>,
        %mul3A_624 = arith.mulf %mul3A_568, %get3A_623 : vector<16xf32>
        %swap3A_625 = arith.index_cast %add3A_561 : i32 to index
        %swap3A_626 = arith.constant 112 : index
        %swap3A_627 = tpu.vector_load %arg15[%swap3A_625, %swap3A_626] {strides = array<i32>} : memref<40x128xf32, #tpu.memory_space<vmem>>, vector<16xf32>,
        tpu.vector_store %arg15[%swap3A_625, %swap3A_626], %mul3A_624 {strides = array<i32>} : memref<40x128xf32, #tpu.memory_space<vmem>>, vector<16xf32>,
        %mul3A_628 = arith.constant 8 : i32
        %mul3A_629 = arith.muli %mul3A_628, %scan3A_349 : i32
        %add3A_630 = arith.constant 4 : i32
        %add3A_631 = arith.addi %mul3A_629, %add3A_630 : i32
        %get3A_632 = arith.index_cast %scan3A_349 : i32 to index
        %get3A_633 = arith.constant 64 : index
        %get3A_634 = tpu.vector_load %arg11[%get3A_632, %get3A_633] {strides = array<i32>} : memref<5x128xf32, #tpu.memory_space<vmem>>, vector<16xf32>,
        %get3A_635 = arith.index_cast %add3A_631 : i32 to index
        %get3A_636 = arith.constant 0 : index
        %get3A_637 = tpu.vector_load %arg13[%get3A_635, %get3A_636] {strides = array<i32>} : memref<40x16xf32, #tpu.memory_space<vmem>>, vector<16xf32>,
        %mul3A_638 = arith.mulf %get3A_634, %get3A_637 : vector<16xf32>
        %swap3A_639 = arith.index_cast %scan3A_349 : i32 to index
        %swap3A_640 = arith.constant 64 : index
        %swap3A_641 = tpu.vector_load %arg17[%swap3A_639, %swap3A_640] {strides = array<i32>} : memref<5x128xf32, #tpu.memory_space<vmem>>, vector<16xf32>,
        tpu.vector_store %arg17[%swap3A_639, %swap3A_640], %mul3A_638 {strides = array<i32>} : memref<5x128xf32, #tpu.memory_space<vmem>>, vector<16xf32>,
        %get3A_642 = arith.index_cast %add3A_631 : i32 to index
        %get3A_643 = arith.constant 0 : index
        %get3A_644 = tpu.vector_load %arg15[%get3A_642, %get3A_643] {strides = array<i32>} : memref<40x128xf32, #tpu.memory_space<vmem>>, vector<16xf32>,
        %mul3A_645 = arith.mulf %mul3A_638, %get3A_644 : vector<16xf32>
        %swap3A_646 = arith.index_cast %add3A_631 : i32 to index
        %swap3A_647 = arith.constant 0 : index
        %swap3A_648 = tpu.vector_load %arg15[%swap3A_646, %swap3A_647] {strides = array<i32>} : memref<40x128xf32, #tpu.memory_space<vmem>>, vector<16xf32>,
        tpu.vector_store %arg15[%swap3A_646, %swap3A_647], %mul3A_645 {strides = array<i32>} : memref<40x128xf32, #tpu.memory_space<vmem>>, vector<16xf32>,
        %get3A_649 = arith.index_cast %add3A_631 : i32 to index
        %get3A_650 = arith.constant 16 : index
        %get3A_651 = tpu.vector_load %arg15[%get3A_649, %get3A_650] {strides = array<i32>} : memref<40x128xf32, #tpu.memory_space<vmem>>, vector<16xf32>,
        %mul3A_652 = arith.mulf %mul3A_638, %get3A_651 : vector<16xf32>
        %swap3A_653 = arith.index_cast %add3A_631 : i32 to index
        %swap3A_654 = arith.constant 16 : index
        %swap3A_655 = tpu.vector_load %arg15[%swap3A_653, %swap3A_654] {strides = array<i32>} : memref<40x128xf32, #tpu.memory_space<vmem>>, vector<16xf32>,
        tpu.vector_store %arg15[%swap3A_653, %swap3A_654], %mul3A_652 {strides = array<i32>} : memref<40x128xf32, #tpu.memory_space<vmem>>, vector<16xf32>,
        %get3A_656 = arith.index_cast %add3A_631 : i32 to index
        %get3A_657 = arith.constant 32 : index
        %get3A_658 = tpu.vector_load %arg15[%get3A_656, %get3A_657] {strides = array<i32>} : memref<40x128xf32, #tpu.memory_space<vmem>>, vector<16xf32>,
        %mul3A_659 = arith.mulf %mul3A_638, %get3A_658 : vector<16xf32>
        %swap3A_660 = arith.index_cast %add3A_631 : i32 to index
        %swap3A_661 = arith.constant 32 : index
        %swap3A_662 = tpu.vector_load %arg15[%swap3A_660, %swap3A_661] {strides = array<i32>} : memref<40x128xf32, #tpu.memory_space<vmem>>, vector<16xf32>,
        tpu.vector_store %arg15[%swap3A_660, %swap3A_661], %mul3A_659 {strides = array<i32>} : memref<40x128xf32, #tpu.memory_space<vmem>>, vector<16xf32>,
        %get3A_663 = arith.index_cast %add3A_631 : i32 to index
        %get3A_664 = arith.constant 48 : index
        %get3A_665 = tpu.vector_load %arg15[%get3A_663, %get3A_664] {strides = array<i32>} : memref<40x128xf32, #tpu.memory_space<vmem>>, vector<16xf32>,
        %mul3A_666 = arith.mulf %mul3A_638, %get3A_665 : vector<16xf32>
        %swap3A_667 = arith.index_cast %add3A_631 : i32 to index
        %swap3A_668 = arith.constant 48 : index
        %swap3A_669 = tpu.vector_load %arg15[%swap3A_667, %swap3A_668] {strides = array<i32>} : memref<40x128xf32, #tpu.memory_space<vmem>>, vector<16xf32>,
        tpu.vector_store %arg15[%swap3A_667, %swap3A_668], %mul3A_666 {strides = array<i32>} : memref<40x128xf32, #tpu.memory_space<vmem>>, vector<16xf32>,
        %get3A_670 = arith.index_cast %add3A_631 : i32 to index
        %get3A_671 = arith.constant 64 : index
        %get3A_672 = tpu.vector_load %arg15[%get3A_670, %get3A_671] {strides = array<i32>} : memref<40x128xf32, #tpu.memory_space<vmem>>, vector<16xf32>,
        %mul3A_673 = arith.mulf %mul3A_638, %get3A_672 : vector<16xf32>
        %swap3A_674 = arith.index_cast %add3A_631 : i32 to index
        %swap3A_675 = arith.constant 64 : index
        %swap3A_676 = tpu.vector_load %arg15[%swap3A_674, %swap3A_675] {strides = array<i32>} : memref<40x128xf32, #tpu.memory_space<vmem>>, vector<16xf32>,
        tpu.vector_store %arg15[%swap3A_674, %swap3A_675], %mul3A_673 {strides = array<i32>} : memref<40x128xf32, #tpu.memory_space<vmem>>, vector<16xf32>,
        %get3A_677 = arith.index_cast %add3A_631 : i32 to index
        %get3A_678 = arith.constant 80 : index
        %get3A_679 = tpu.vector_load %arg15[%get3A_677, %get3A_678] {strides = array<i32>} : memref<40x128xf32, #tpu.memory_space<vmem>>, vector<16xf32>,
        %mul3A_680 = arith.mulf %mul3A_638, %get3A_679 : vector<16xf32>
        %swap3A_681 = arith.index_cast %add3A_631 : i32 to index
        %swap3A_682 = arith.constant 80 : index
        %swap3A_683 = tpu.vector_load %arg15[%swap3A_681, %swap3A_682] {strides = array<i32>} : memref<40x128xf32, #tpu.memory_space<vmem>>, vector<16xf32>,
        tpu.vector_store %arg15[%swap3A_681, %swap3A_682], %mul3A_680 {strides = array<i32>} : memref<40x128xf32, #tpu.memory_space<vmem>>, vector<16xf32>,
        %get3A_684 = arith.index_cast %add3A_631 : i32 to index
        %get3A_685 = arith.constant 96 : index
        %get3A_686 = tpu.vector_load %arg15[%get3A_684, %get3A_685] {strides = array<i32>} : memref<40x128xf32, #tpu.memory_space<vmem>>, vector<16xf32>,
        %mul3A_687 = arith.mulf %mul3A_638, %get3A_686 : vector<16xf32>
        %swap3A_688 = arith.index_cast %add3A_631 : i32 to index
        %swap3A_689 = arith.constant 96 : index
        %swap3A_690 = tpu.vector_load %arg15[%swap3A_688, %swap3A_689] {strides = array<i32>} : memref<40x128xf32, #tpu.memory_space<vmem>>, vector<16xf32>,
        tpu.vector_store %arg15[%swap3A_688, %swap3A_689], %mul3A_687 {strides = array<i32>} : memref<40x128xf32, #tpu.memory_space<vmem>>, vector<16xf32>,
        %get3A_691 = arith.index_cast %add3A_631 : i32 to index
        %get3A_692 = arith.constant 112 : index
        %get3A_693 = tpu.vector_load %arg15[%get3A_691, %get3A_692] {strides = array<i32>} : memref<40x128xf32, #tpu.memory_space<vmem>>, vector<16xf32>,
        %mul3A_694 = arith.mulf %mul3A_638, %get3A_693 : vector<16xf32>
        %swap3A_695 = arith.index_cast %add3A_631 : i32 to index
        %swap3A_696 = arith.constant 112 : index
        %swap3A_697 = tpu.vector_load %arg15[%swap3A_695, %swap3A_696] {strides = array<i32>} : memref<40x128xf32, #tpu.memory_space<vmem>>, vector<16xf32>,
        tpu.vector_store %arg15[%swap3A_695, %swap3A_696], %mul3A_694 {strides = array<i32>} : memref<40x128xf32, #tpu.memory_space<vmem>>, vector<16xf32>,
        %mul3A_698 = arith.constant 8 : i32
        %mul3A_699 = arith.muli %mul3A_698, %scan3A_349 : i32
        %add3A_700 = arith.constant 5 : i32
        %add3A_701 = arith.addi %mul3A_699, %add3A_700 : i32
        %get3A_702 = arith.index_cast %scan3A_349 : i32 to index
        %get3A_703 = arith.constant 80 : index
        %get3A_704 = tpu.vector_load %arg11[%get3A_702, %get3A_703] {strides = array<i32>} : memref<5x128xf32, #tpu.memory_space<vmem>>, vector<16xf32>,
        %get3A_705 = arith.index_cast %add3A_701 : i32 to index
        %get3A_706 = arith.constant 0 : index
        %get3A_707 = tpu.vector_load %arg13[%get3A_705, %get3A_706] {strides = array<i32>} : memref<40x16xf32, #tpu.memory_space<vmem>>, vector<16xf32>,
        %mul3A_708 = arith.mulf %get3A_704, %get3A_707 : vector<16xf32>
        %swap3A_709 = arith.index_cast %scan3A_349 : i32 to index
        %swap3A_710 = arith.constant 80 : index
        %swap3A_711 = tpu.vector_load %arg17[%swap3A_709, %swap3A_710] {strides = array<i32>} : memref<5x128xf32, #tpu.memory_space<vmem>>, vector<16xf32>,
        tpu.vector_store %arg17[%swap3A_709, %swap3A_710], %mul3A_708 {strides = array<i32>} : memref<5x128xf32, #tpu.memory_space<vmem>>, vector<16xf32>,
        %get3A_712 = arith.index_cast %add3A_701 : i32 to index
        %get3A_713 = arith.constant 0 : index
        %get3A_714 = tpu.vector_load %arg15[%get3A_712, %get3A_713] {strides = array<i32>} : memref<40x128xf32, #tpu.memory_space<vmem>>, vector<16xf32>,
        %mul3A_715 = arith.mulf %mul3A_708, %get3A_714 : vector<16xf32>
        %swap3A_716 = arith.index_cast %add3A_701 : i32 to index
        %swap3A_717 = arith.constant 0 : index
        %swap3A_718 = tpu.vector_load %arg15[%swap3A_716, %swap3A_717] {strides = array<i32>} : memref<40x128xf32, #tpu.memory_space<vmem>>, vector<16xf32>,
        tpu.vector_store %arg15[%swap3A_716, %swap3A_717], %mul3A_715 {strides = array<i32>} : memref<40x128xf32, #tpu.memory_space<vmem>>, vector<16xf32>,
        %get3A_719 = arith.index_cast %add3A_701 : i32 to index
        %get3A_720 = arith.constant 16 : index
        %get3A_721 = tpu.vector_load %arg15[%get3A_719, %get3A_720] {strides = array<i32>} : memref<40x128xf32, #tpu.memory_space<vmem>>, vector<16xf32>,
        %mul3A_722 = arith.mulf %mul3A_708, %get3A_721 : vector<16xf32>
        %swap3A_723 = arith.index_cast %add3A_701 : i32 to index
        %swap3A_724 = arith.constant 16 : index
        %swap3A_725 = tpu.vector_load %arg15[%swap3A_723, %swap3A_724] {strides = array<i32>} : memref<40x128xf32, #tpu.memory_space<vmem>>, vector<16xf32>,
        tpu.vector_store %arg15[%swap3A_723, %swap3A_724], %mul3A_722 {strides = array<i32>} : memref<40x128xf32, #tpu.memory_space<vmem>>, vector<16xf32>,
        %get3A_726 = arith.index_cast %add3A_701 : i32 to index
        %get3A_727 = arith.constant 32 : index
        %get3A_728 = tpu.vector_load %arg15[%get3A_726, %get3A_727] {strides = array<i32>} : memref<40x128xf32, #tpu.memory_space<vmem>>, vector<16xf32>,
        %mul3A_729 = arith.mulf %mul3A_708, %get3A_728 : vector<16xf32>
        %swap3A_730 = arith.index_cast %add3A_701 : i32 to index
        %swap3A_731 = arith.constant 32 : index
        %swap3A_732 = tpu.vector_load %arg15[%swap3A_730, %swap3A_731] {strides = array<i32>} : memref<40x128xf32, #tpu.memory_space<vmem>>, vector<16xf32>,
        tpu.vector_store %arg15[%swap3A_730, %swap3A_731], %mul3A_729 {strides = array<i32>} : memref<40x128xf32, #tpu.memory_space<vmem>>, vector<16xf32>,
        %get3A_733 = arith.index_cast %add3A_701 : i32 to index
        %get3A_734 = arith.constant 48 : index
        %get3A_735 = tpu.vector_load %arg15[%get3A_733, %get3A_734] {strides = array<i32>} : memref<40x128xf32, #tpu.memory_space<vmem>>, vector<16xf32>,
        %mul3A_736 = arith.mulf %mul3A_708, %get3A_735 : vector<16xf32>
        %swap3A_737 = arith.index_cast %add3A_701 : i32 to index
        %swap3A_738 = arith.constant 48 : index
        %swap3A_739 = tpu.vector_load %arg15[%swap3A_737, %swap3A_738] {strides = array<i32>} : memref<40x128xf32, #tpu.memory_space<vmem>>, vector<16xf32>,
        tpu.vector_store %arg15[%swap3A_737, %swap3A_738], %mul3A_736 {strides = array<i32>} : memref<40x128xf32, #tpu.memory_space<vmem>>, vector<16xf32>,
        %get3A_740 = arith.index_cast %add3A_701 : i32 to index
        %get3A_741 = arith.constant 64 : index
        %get3A_742 = tpu.vector_load %arg15[%get3A_740, %get3A_741] {strides = array<i32>} : memref<40x128xf32, #tpu.memory_space<vmem>>, vector<16xf32>,
        %mul3A_743 = arith.mulf %mul3A_708, %get3A_742 : vector<16xf32>
        %swap3A_744 = arith.index_cast %add3A_701 : i32 to index
        %swap3A_745 = arith.constant 64 : index
        %swap3A_746 = tpu.vector_load %arg15[%swap3A_744, %swap3A_745] {strides = array<i32>} : memref<40x128xf32, #tpu.memory_space<vmem>>, vector<16xf32>,
        tpu.vector_store %arg15[%swap3A_744, %swap3A_745], %mul3A_743 {strides = array<i32>} : memref<40x128xf32, #tpu.memory_space<vmem>>, vector<16xf32>,
        %get3A_747 = arith.index_cast %add3A_701 : i32 to index
        %get3A_748 = arith.constant 80 : index
        %get3A_749 = tpu.vector_load %arg15[%get3A_747, %get3A_748] {strides = array<i32>} : memref<40x128xf32, #tpu.memory_space<vmem>>, vector<16xf32>,
        %mul3A_750 = arith.mulf %mul3A_708, %get3A_749 : vector<16xf32>
        %swap3A_751 = arith.index_cast %add3A_701 : i32 to index
        %swap3A_752 = arith.constant 80 : index
        %swap3A_753 = tpu.vector_load %arg15[%swap3A_751, %swap3A_752] {strides = array<i32>} : memref<40x128xf32, #tpu.memory_space<vmem>>, vector<16xf32>,
        tpu.vector_store %arg15[%swap3A_751, %swap3A_752], %mul3A_750 {strides = array<i32>} : memref<40x128xf32, #tpu.memory_space<vmem>>, vector<16xf32>,
        %get3A_754 = arith.index_cast %add3A_701 : i32 to index
        %get3A_755 = arith.constant 96 : index
        %get3A_756 = tpu.vector_load %arg15[%get3A_754, %get3A_755] {strides = array<i32>} : memref<40x128xf32, #tpu.memory_space<vmem>>, vector<16xf32>,
        %mul3A_757 = arith.mulf %mul3A_708, %get3A_756 : vector<16xf32>
        %swap3A_758 = arith.index_cast %add3A_701 : i32 to index
        %swap3A_759 = arith.constant 96 : index
        %swap3A_760 = tpu.vector_load %arg15[%swap3A_758, %swap3A_759] {strides = array<i32>} : memref<40x128xf32, #tpu.memory_space<vmem>>, vector<16xf32>,
        tpu.vector_store %arg15[%swap3A_758, %swap3A_759], %mul3A_757 {strides = array<i32>} : memref<40x128xf32, #tpu.memory_space<vmem>>, vector<16xf32>,
        %get3A_761 = arith.index_cast %add3A_701 : i32 to index
        %get3A_762 = arith.constant 112 : index
        %get3A_763 = tpu.vector_load %arg15[%get3A_761, %get3A_762] {strides = array<i32>} : memref<40x128xf32, #tpu.memory_space<vmem>>, vector<16xf32>,
        %mul3A_764 = arith.mulf %mul3A_708, %get3A_763 : vector<16xf32>
        %swap3A_765 = arith.index_cast %add3A_701 : i32 to index
        %swap3A_766 = arith.constant 112 : index
        %swap3A_767 = tpu.vector_load %arg15[%swap3A_765, %swap3A_766] {strides = array<i32>} : memref<40x128xf32, #tpu.memory_space<vmem>>, vector<16xf32>,
        tpu.vector_store %arg15[%swap3A_765, %swap3A_766], %mul3A_764 {strides = array<i32>} : memref<40x128xf32, #tpu.memory_space<vmem>>, vector<16xf32>,
        %mul3A_768 = arith.constant 8 : i32
        %mul3A_769 = arith.muli %mul3A_768, %scan3A_349 : i32
        %add3A_770 = arith.constant 6 : i32
        %add3A_771 = arith.addi %mul3A_769, %add3A_770 : i32
        %get3A_772 = arith.index_cast %scan3A_349 : i32 to index
        %get3A_773 = arith.constant 96 : index
        %get3A_774 = tpu.vector_load %arg11[%get3A_772, %get3A_773] {strides = array<i32>} : memref<5x128xf32, #tpu.memory_space<vmem>>, vector<16xf32>,
        %get3A_775 = arith.index_cast %add3A_771 : i32 to index
        %get3A_776 = arith.constant 0 : index
        %get3A_777 = tpu.vector_load %arg13[%get3A_775, %get3A_776] {strides = array<i32>} : memref<40x16xf32, #tpu.memory_space<vmem>>, vector<16xf32>,
        %mul3A_778 = arith.mulf %get3A_774, %get3A_777 : vector<16xf32>
        %swap3A_779 = arith.index_cast %scan3A_349 : i32 to index
        %swap3A_780 = arith.constant 96 : index
        %swap3A_781 = tpu.vector_load %arg17[%swap3A_779, %swap3A_780] {strides = array<i32>} : memref<5x128xf32, #tpu.memory_space<vmem>>, vector<16xf32>,
        tpu.vector_store %arg17[%swap3A_779, %swap3A_780], %mul3A_778 {strides = array<i32>} : memref<5x128xf32, #tpu.memory_space<vmem>>, vector<16xf32>,
        %get3A_782 = arith.index_cast %add3A_771 : i32 to index
        %get3A_783 = arith.constant 0 : index
        %get3A_784 = tpu.vector_load %arg15[%get3A_782, %get3A_783] {strides = array<i32>} : memref<40x128xf32, #tpu.memory_space<vmem>>, vector<16xf32>,
        %mul3A_785 = arith.mulf %mul3A_778, %get3A_784 : vector<16xf32>
        %swap3A_786 = arith.index_cast %add3A_771 : i32 to index
        %swap3A_787 = arith.constant 0 : index
        %swap3A_788 = tpu.vector_load %arg15[%swap3A_786, %swap3A_787] {strides = array<i32>} : memref<40x128xf32, #tpu.memory_space<vmem>>, vector<16xf32>,
        tpu.vector_store %arg15[%swap3A_786, %swap3A_787], %mul3A_785 {strides = array<i32>} : memref<40x128xf32, #tpu.memory_space<vmem>>, vector<16xf32>,
        %get3A_789 = arith.index_cast %add3A_771 : i32 to index
        %get3A_790 = arith.constant 16 : index
        %get3A_791 = tpu.vector_load %arg15[%get3A_789, %get3A_790] {strides = array<i32>} : memref<40x128xf32, #tpu.memory_space<vmem>>, vector<16xf32>,
        %mul3A_792 = arith.mulf %mul3A_778, %get3A_791 : vector<16xf32>
        %swap3A_793 = arith.index_cast %add3A_771 : i32 to index
        %swap3A_794 = arith.constant 16 : index
        %swap3A_795 = tpu.vector_load %arg15[%swap3A_793, %swap3A_794] {strides = array<i32>} : memref<40x128xf32, #tpu.memory_space<vmem>>, vector<16xf32>,
        tpu.vector_store %arg15[%swap3A_793, %swap3A_794], %mul3A_792 {strides = array<i32>} : memref<40x128xf32, #tpu.memory_space<vmem>>, vector<16xf32>,
        %get3A_796 = arith.index_cast %add3A_771 : i32 to index
        %get3A_797 = arith.constant 32 : index
        %get3A_798 = tpu.vector_load %arg15[%get3A_796, %get3A_797] {strides = array<i32>} : memref<40x128xf32, #tpu.memory_space<vmem>>, vector<16xf32>,
        %mul3A_799 = arith.mulf %mul3A_778, %get3A_798 : vector<16xf32>
        %swap3A_800 = arith.index_cast %add3A_771 : i32 to index
        %swap3A_801 = arith.constant 32 : index
        %swap3A_802 = tpu.vector_load %arg15[%swap3A_800, %swap3A_801] {strides = array<i32>} : memref<40x128xf32, #tpu.memory_space<vmem>>, vector<16xf32>,
        tpu.vector_store %arg15[%swap3A_800, %swap3A_801], %mul3A_799 {strides = array<i32>} : memref<40x128xf32, #tpu.memory_space<vmem>>, vector<16xf32>,
        %get3A_803 = arith.index_cast %add3A_771 : i32 to index
        %get3A_804 = arith.constant 48 : index
        %get3A_805 = tpu.vector_load %arg15[%get3A_803, %get3A_804] {strides = array<i32>} : memref<40x128xf32, #tpu.memory_space<vmem>>, vector<16xf32>,
        %mul3A_806 = arith.mulf %mul3A_778, %get3A_805 : vector<16xf32>
        %swap3A_807 = arith.index_cast %add3A_771 : i32 to index
        %swap3A_808 = arith.constant 48 : index
        %swap3A_809 = tpu.vector_load %arg15[%swap3A_807, %swap3A_808] {strides = array<i32>} : memref<40x128xf32, #tpu.memory_space<vmem>>, vector<16xf32>,
        tpu.vector_store %arg15[%swap3A_807, %swap3A_808], %mul3A_806 {strides = array<i32>} : memref<40x128xf32, #tpu.memory_space<vmem>>, vector<16xf32>,
        %get3A_810 = arith.index_cast %add3A_771 : i32 to index
        %get3A_811 = arith.constant 64 : index
        %get3A_812 = tpu.vector_load %arg15[%get3A_810, %get3A_811] {strides = array<i32>} : memref<40x128xf32, #tpu.memory_space<vmem>>, vector<16xf32>,
        %mul3A_813 = arith.mulf %mul3A_778, %get3A_812 : vector<16xf32>
        %swap3A_814 = arith.index_cast %add3A_771 : i32 to index
        %swap3A_815 = arith.constant 64 : index
        %swap3A_816 = tpu.vector_load %arg15[%swap3A_814, %swap3A_815] {strides = array<i32>} : memref<40x128xf32, #tpu.memory_space<vmem>>, vector<16xf32>,
        tpu.vector_store %arg15[%swap3A_814, %swap3A_815], %mul3A_813 {strides = array<i32>} : memref<40x128xf32, #tpu.memory_space<vmem>>, vector<16xf32>,
        %get3A_817 = arith.index_cast %add3A_771 : i32 to index
        %get3A_818 = arith.constant 80 : index
        %get3A_819 = tpu.vector_load %arg15[%get3A_817, %get3A_818] {strides = array<i32>} : memref<40x128xf32, #tpu.memory_space<vmem>>, vector<16xf32>,
        %mul3A_820 = arith.mulf %mul3A_778, %get3A_819 : vector<16xf32>
        %swap3A_821 = arith.index_cast %add3A_771 : i32 to index
        %swap3A_822 = arith.constant 80 : index
        %swap3A_823 = tpu.vector_load %arg15[%swap3A_821, %swap3A_822] {strides = array<i32>} : memref<40x128xf32, #tpu.memory_space<vmem>>, vector<16xf32>,
        tpu.vector_store %arg15[%swap3A_821, %swap3A_822], %mul3A_820 {strides = array<i32>} : memref<40x128xf32, #tpu.memory_space<vmem>>, vector<16xf32>,
        %get3A_824 = arith.index_cast %add3A_771 : i32 to index
        %get3A_825 = arith.constant 96 : index
        %get3A_826 = tpu.vector_load %arg15[%get3A_824, %get3A_825] {strides = array<i32>} : memref<40x128xf32, #tpu.memory_space<vmem>>, vector<16xf32>,
        %mul3A_827 = arith.mulf %mul3A_778, %get3A_826 : vector<16xf32>
        %swap3A_828 = arith.index_cast %add3A_771 : i32 to index
        %swap3A_829 = arith.constant 96 : index
        %swap3A_830 = tpu.vector_load %arg15[%swap3A_828, %swap3A_829] {strides = array<i32>} : memref<40x128xf32, #tpu.memory_space<vmem>>, vector<16xf32>,
        tpu.vector_store %arg15[%swap3A_828, %swap3A_829], %mul3A_827 {strides = array<i32>} : memref<40x128xf32, #tpu.memory_space<vmem>>, vector<16xf32>,
        %get3A_831 = arith.index_cast %add3A_771 : i32 to index
        %get3A_832 = arith.constant 112 : index
        %get3A_833 = tpu.vector_load %arg15[%get3A_831, %get3A_832] {strides = array<i32>} : memref<40x128xf32, #tpu.memory_space<vmem>>, vector<16xf32>,
        %mul3A_834 = arith.mulf %mul3A_778, %get3A_833 : vector<16xf32>
        %swap3A_835 = arith.index_cast %add3A_771 : i32 to index
        %swap3A_836 = arith.constant 112 : index
        %swap3A_837 = tpu.vector_load %arg15[%swap3A_835, %swap3A_836] {strides = array<i32>} : memref<40x128xf32, #tpu.memory_space<vmem>>, vector<16xf32>,
        tpu.vector_store %arg15[%swap3A_835, %swap3A_836], %mul3A_834 {strides = array<i32>} : memref<40x128xf32, #tpu.memory_space<vmem>>, vector<16xf32>,
        %mul3A_838 = arith.constant 8 : i32
        %mul3A_839 = arith.muli %mul3A_838, %scan3A_349 : i32
        %add3A_840 = arith.constant 7 : i32
        %add3A_841 = arith.addi %mul3A_839, %add3A_840 : i32
        %get3A_842 = arith.index_cast %scan3A_349 : i32 to index
        %get3A_843 = arith.constant 112 : index
        %get3A_844 = tpu.vector_load %arg11[%get3A_842, %get3A_843] {strides = array<i32>} : memref<5x128xf32, #tpu.memory_space<vmem>>, vector<16xf32>,
        %get3A_845 = arith.index_cast %add3A_841 : i32 to index
        %get3A_846 = arith.constant 0 : index
        %get3A_847 = tpu.vector_load %arg13[%get3A_845, %get3A_846] {strides = array<i32>} : memref<40x16xf32, #tpu.memory_space<vmem>>, vector<16xf32>,
        %mul3A_848 = arith.mulf %get3A_844, %get3A_847 : vector<16xf32>
        %swap3A_849 = arith.index_cast %scan3A_349 : i32 to index
        %swap3A_850 = arith.constant 112 : index
        %swap3A_851 = tpu.vector_load %arg17[%swap3A_849, %swap3A_850] {strides = array<i32>} : memref<5x128xf32, #tpu.memory_space<vmem>>, vector<16xf32>,
        tpu.vector_store %arg17[%swap3A_849, %swap3A_850], %mul3A_848 {strides = array<i32>} : memref<5x128xf32, #tpu.memory_space<vmem>>, vector<16xf32>,
        %get3A_852 = arith.index_cast %add3A_841 : i32 to index
        %get3A_853 = arith.constant 0 : index
        %get3A_854 = tpu.vector_load %arg15[%get3A_852, %get3A_853] {strides = array<i32>} : memref<40x128xf32, #tpu.memory_space<vmem>>, vector<16xf32>,
        %mul3A_855 = arith.mulf %mul3A_848, %get3A_854 : vector<16xf32>
        %swap3A_856 = arith.index_cast %add3A_841 : i32 to index
        %swap3A_857 = arith.constant 0 : index
        %swap3A_858 = tpu.vector_load %arg15[%swap3A_856, %swap3A_857] {strides = array<i32>} : memref<40x128xf32, #tpu.memory_space<vmem>>, vector<16xf32>,
        tpu.vector_store %arg15[%swap3A_856, %swap3A_857], %mul3A_855 {strides = array<i32>} : memref<40x128xf32, #tpu.memory_space<vmem>>, vector<16xf32>,
        %get3A_859 = arith.index_cast %add3A_841 : i32 to index
        %get3A_860 = arith.constant 16 : index
        %get3A_861 = tpu.vector_load %arg15[%get3A_859, %get3A_860] {strides = array<i32>} : memref<40x128xf32, #tpu.memory_space<vmem>>, vector<16xf32>,
        %mul3A_862 = arith.mulf %mul3A_848, %get3A_861 : vector<16xf32>
        %swap3A_863 = arith.index_cast %add3A_841 : i32 to index
        %swap3A_864 = arith.constant 16 : index
        %swap3A_865 = tpu.vector_load %arg15[%swap3A_863, %swap3A_864] {strides = array<i32>} : memref<40x128xf32, #tpu.memory_space<vmem>>, vector<16xf32>,
        tpu.vector_store %arg15[%swap3A_863, %swap3A_864], %mul3A_862 {strides = array<i32>} : memref<40x128xf32, #tpu.memory_space<vmem>>, vector<16xf32>,
        %get3A_866 = arith.index_cast %add3A_841 : i32 to index
        %get3A_867 = arith.constant 32 : index
        %get3A_868 = tpu.vector_load %arg15[%get3A_866, %get3A_867] {strides = array<i32>} : memref<40x128xf32, #tpu.memory_space<vmem>>, vector<16xf32>,
        %mul3A_869 = arith.mulf %mul3A_848, %get3A_868 : vector<16xf32>
        %swap3A_870 = arith.index_cast %add3A_841 : i32 to index
        %swap3A_871 = arith.constant 32 : index
        %swap3A_872 = tpu.vector_load %arg15[%swap3A_870, %swap3A_871] {strides = array<i32>} : memref<40x128xf32, #tpu.memory_space<vmem>>, vector<16xf32>,
        tpu.vector_store %arg15[%swap3A_870, %swap3A_871], %mul3A_869 {strides = array<i32>} : memref<40x128xf32, #tpu.memory_space<vmem>>, vector<16xf32>,
        %get3A_873 = arith.index_cast %add3A_841 : i32 to index
        %get3A_874 = arith.constant 48 : index
        %get3A_875 = tpu.vector_load %arg15[%get3A_873, %get3A_874] {strides = array<i32>} : memref<40x128xf32, #tpu.memory_space<vmem>>, vector<16xf32>,
        %mul3A_876 = arith.mulf %mul3A_848, %get3A_875 : vector<16xf32>
        %swap3A_877 = arith.index_cast %add3A_841 : i32 to index
        %swap3A_878 = arith.constant 48 : index
        %swap3A_879 = tpu.vector_load %arg15[%swap3A_877, %swap3A_878] {strides = array<i32>} : memref<40x128xf32, #tpu.memory_space<vmem>>, vector<16xf32>,
        tpu.vector_store %arg15[%swap3A_877, %swap3A_878], %mul3A_876 {strides = array<i32>} : memref<40x128xf32, #tpu.memory_space<vmem>>, vector<16xf32>,
        %get3A_880 = arith.index_cast %add3A_841 : i32 to index
        %get3A_881 = arith.constant 64 : index
        %get3A_882 = tpu.vector_load %arg15[%get3A_880, %get3A_881] {strides = array<i32>} : memref<40x128xf32, #tpu.memory_space<vmem>>, vector<16xf32>,
        %mul3A_883 = arith.mulf %mul3A_848, %get3A_882 : vector<16xf32>
        %swap3A_884 = arith.index_cast %add3A_841 : i32 to index
        %swap3A_885 = arith.constant 64 : index
        %swap3A_886 = tpu.vector_load %arg15[%swap3A_884, %swap3A_885] {strides = array<i32>} : memref<40x128xf32, #tpu.memory_space<vmem>>, vector<16xf32>,
        tpu.vector_store %arg15[%swap3A_884, %swap3A_885], %mul3A_883 {strides = array<i32>} : memref<40x128xf32, #tpu.memory_space<vmem>>, vector<16xf32>,
        %get3A_887 = arith.index_cast %add3A_841 : i32 to index
        %get3A_888 = arith.constant 80 : index
        %get3A_889 = tpu.vector_load %arg15[%get3A_887, %get3A_888] {strides = array<i32>} : memref<40x128xf32, #tpu.memory_space<vmem>>, vector<16xf32>,
        %mul3A_890 = arith.mulf %mul3A_848, %get3A_889 : vector<16xf32>
        %swap3A_891 = arith.index_cast %add3A_841 : i32 to index
        %swap3A_892 = arith.constant 80 : index
        %swap3A_893 = tpu.vector_load %arg15[%swap3A_891, %swap3A_892] {strides = array<i32>} : memref<40x128xf32, #tpu.memory_space<vmem>>, vector<16xf32>,
        tpu.vector_store %arg15[%swap3A_891, %swap3A_892], %mul3A_890 {strides = array<i32>} : memref<40x128xf32, #tpu.memory_space<vmem>>, vector<16xf32>,
        %get3A_894 = arith.index_cast %add3A_841 : i32 to index
        %get3A_895 = arith.constant 96 : index
        %get3A_896 = tpu.vector_load %arg15[%get3A_894, %get3A_895] {strides = array<i32>} : memref<40x128xf32, #tpu.memory_space<vmem>>, vector<16xf32>,
        %mul3A_897 = arith.mulf %mul3A_848, %get3A_896 : vector<16xf32>
        %swap3A_898 = arith.index_cast %add3A_841 : i32 to index
        %swap3A_899 = arith.constant 96 : index
        %swap3A_900 = tpu.vector_load %arg15[%swap3A_898, %swap3A_899] {strides = array<i32>} : memref<40x128xf32, #tpu.memory_space<vmem>>, vector<16xf32>,
        tpu.vector_store %arg15[%swap3A_898, %swap3A_899], %mul3A_897 {strides = array<i32>} : memref<40x128xf32, #tpu.memory_space<vmem>>, vector<16xf32>,
        %get3A_901 = arith.index_cast %add3A_841 : i32 to index
        %get3A_902 = arith.constant 112 : index
        %get3A_903 = tpu.vector_load %arg15[%get3A_901, %get3A_902] {strides = array<i32>} : memref<40x128xf32, #tpu.memory_space<vmem>>, vector<16xf32>,
        %mul3A_904 = arith.mulf %mul3A_848, %get3A_903 : vector<16xf32>
        %swap3A_905 = arith.index_cast %add3A_841 : i32 to index
        %swap3A_906 = arith.constant 112 : index
        %swap3A_907 = tpu.vector_load %arg15[%swap3A_905, %swap3A_906] {strides = array<i32>} : memref<40x128xf32, #tpu.memory_space<vmem>>, vector<16xf32>,
        tpu.vector_store %arg15[%swap3A_905, %swap3A_906], %mul3A_904 {strides = array<i32>} : memref<40x128xf32, #tpu.memory_space<vmem>>, vector<16xf32>,
      }
      %scan3A_208 = arith.constant 5 : i32
      %mul3A_209 = arith.constant 40 : i32
      %mul3A_210 = arith.muli %mul3A_154, %mul3A_209 : i32
      %add3A_211 = arith.addi %mul3A_2, %mul3A_210 : i32
      %jit3A_212 = arith.constant 8 : i32
      %div3A_213 = arith.divsi %add3A_211, %jit3A_212 : i32
      %sign3A_214 = arith.constant 0 : i32
      %sign3A_215 = arith.cmpi sgt, %add3A_211, %sign3A_214 : i32
      %sign3A_216 = arith.extui %sign3A_215 : i1 to i32
      %sign3A_217 = arith.constant 0 : i32
      %sign3A_218 = arith.cmpi slt, %add3A_211, %sign3A_217 : i32
      %sign3A_219 = arith.extui %sign3A_218 : i1 to i32
      %sign3A_220 = arith.subi %sign3A_216, %sign3A_219 : i32
      %sign3A_221 = arith.constant 0 : i32
      %sign3A_222 = arith.cmpi sgt, %jit3A_212, %sign3A_221 : i32
      %sign3A_223 = arith.extui %sign3A_222 : i1 to i32
      %sign3A_224 = arith.constant 0 : i32
      %sign3A_225 = arith.cmpi slt, %jit3A_212, %sign3A_224 : i32
      %sign3A_226 = arith.extui %sign3A_225 : i1 to i32
      %sign3A_227 = arith.subi %sign3A_223, %sign3A_226 : i32
      %ne3A_228 = arith.cmpi ne, %sign3A_220, %sign3A_227 : i32
      %rem3A_229 = arith.remsi %add3A_211, %jit3A_212 : i32
      %ne3A_230 = arith.constant 0 : i32
      %ne3A_231 = arith.cmpi ne, %rem3A_229, %ne3A_230 : i32
      %and3A_232 = arith.andi %ne3A_228, %ne3A_231 : i1
      %sub3A_233 = arith.constant 1 : i32
      %sub3A_234 = arith.subi %div3A_213, %sub3A_233 : i32
      %select_n3A_235 = arith.select %and3A_232, %sub3A_234, %div3A_213 : i32
      %dma_start3A_236 = arith.constant 0 : i32
      %dma_start3A_237 = tpu.memref_slice %arg7[%select_n3A_235, %dma_start3A_236] : memref<40000x128xf32, #tpu.memory_space<hbm>> -> memref<5x128xf32, #tpu.memory_space<hbm>>
      %dma_start3A_238 = arith.constant 0 : i32
      %dma_start3A_239 = tpu.memref_slice %arg7[%select_n3A_235, %dma_start3A_238] : memref<40000x128xf32, #tpu.memory_space<hbm>> -> memref<5x128xf32, #tpu.memory_space<hbm>>
      tpu.enqueue_dma source(%arg17 : memref<5x128xf32, #tpu.memory_space<vmem>>) target(%dma_start3A_239 : memref<5x128xf32, #tpu.memory_space<hbm>>) target_semaphore(%arg22 : memref<!tpu.dma_semaphore, #tpu.memory_space<semaphore_mem>>)
      %mul3A_240 = arith.constant 40 : i32
      %mul3A_241 = arith.muli %mul3A_154, %mul3A_240 : i32
      "tpu.region"() ({
        %run_scoped3A_349 = tpu.sem_alloc : memref<!tpu.dma_semaphore, #tpu.memory_space<semaphore_mem>>
        %dma_start3A_350 = tpu.memref_slice %arg10[%mul3A_241] : memref<10000xi32, #tpu.memory_space<vmem>> -> memref<40xi32, #tpu.memory_space<vmem>>
        %dma_start3A_351 = arith.constant 0 : i32
        %dma_start3A_352 = arith.constant 0 : i32
        %dma_start3A_353 = tpu.memref_slice %arg19[%dma_start3A_351, %dma_start3A_352] : memref<10240x128xf32, #tpu.memory_space<vmem_shared>> -> memref<10240x128xf32, #tpu.memory_space<vmem_shared>>
        tpu.enqueue_indirect_dma source(%arg15 : memref<40x128xf32, #tpu.memory_space<vmem>>) target(%dma_start3A_353 : memref<10240x128xf32, #tpu.memory_space<vmem_shared>>) offsets(%dma_start3A_350 : memref<40xi32, #tpu.memory_space<vmem>>) semaphore(%run_scoped3A_349 : memref<!tpu.dma_semaphore, #tpu.memory_space<semaphore_mem>>) {add = true}
        %dma_wait3A_354 = tpu.memref_slice %arg10[%mul3A_241] : memref<10000xi32, #tpu.memory_space<vmem>> -> memref<40xi32, #tpu.memory_space<vmem>>
        %dma_wait3A_355 = arith.constant 0 : i32
        %dma_wait3A_356 = arith.constant 0 : i32
        %dma_wait3A_357 = tpu.memref_slice %arg19[%dma_wait3A_355, %dma_wait3A_356] : memref<10240x128xf32, #tpu.memory_space<vmem_shared>> -> memref<10240x128xf32, #tpu.memory_space<vmem_shared>>
        tpu.wait_indirect_dma semaphore(%run_scoped3A_349 : memref<!tpu.dma_semaphore, #tpu.memory_space<semaphore_mem>>) src(%arg15 : memref<40x128xf32, #tpu.memory_space<vmem>>) dst(%dma_wait3A_357 : memref<10240x128xf32, #tpu.memory_space<vmem_shared>>)
        tpu.yield
      }) : () -> ()
      %add3A_242 = arith.constant 2 : i32
      %add3A_243 = arith.addi %mul3A_154, %add3A_242 : i32
      %lt3A = arith.constant 250 : i32
      %lt3A_244 = arith.cmpi slt, %add3A_243, %lt3A : i32
      %convert_element_type3A_245 = arith.extui %lt3A_244 : i1 to i32
      %cond3A_246 = arith.constant 0 : i32
      %cond3A_247 = arith.cmpi ne, %convert_element_type3A_245, %cond3A_246 : i32
      scf.if %cond3A_247 {
        %add3A_349 = arith.constant 2 : i32
        %add3A_350 = arith.addi %mul3A_154, %add3A_349 : i32
        %mul3A_351 = arith.constant 40 : i32
        %mul3A_352 = arith.muli %add3A_350, %mul3A_351 : i32
        %add3A_353 = arith.addi %mul3A_2, %mul3A_352 : i32
        %mul3A_354 = arith.constant 40 : i32
        %mul3A_355 = arith.muli %add3A_350, %mul3A_354 : i32
        %mul3A_356 = arith.constant 40 : i32
        %mul3A_357 = arith.muli %add3A_350, %mul3A_356 : i32
        %add3A_358 = arith.addi %mul3A_2, %mul3A_357 : i32
        %jit3A_359 = arith.constant 8 : i32
        %div3A_360 = arith.divsi %add3A_358, %jit3A_359 : i32
        %sign3A_361 = arith.constant 0 : i32
        %sign3A_362 = arith.cmpi sgt, %add3A_358, %sign3A_361 : i32
        %sign3A_363 = arith.extui %sign3A_362 : i1 to i32
        %sign3A_364 = arith.constant 0 : i32
        %sign3A_365 = arith.cmpi slt, %add3A_358, %sign3A_364 : i32
        %sign3A_366 = arith.extui %sign3A_365 : i1 to i32
        %sign3A_367 = arith.subi %sign3A_363, %sign3A_366 : i32
        %sign3A_368 = arith.constant 0 : i32
        %sign3A_369 = arith.cmpi sgt, %jit3A_359, %sign3A_368 : i32
        %sign3A_370 = arith.extui %sign3A_369 : i1 to i32
        %sign3A_371 = arith.constant 0 : i32
        %sign3A_372 = arith.cmpi slt, %jit3A_359, %sign3A_371 : i32
        %sign3A_373 = arith.extui %sign3A_372 : i1 to i32
        %sign3A_374 = arith.subi %sign3A_370, %sign3A_373 : i32
        %ne3A_375 = arith.cmpi ne, %sign3A_367, %sign3A_374 : i32
        %rem3A_376 = arith.remsi %add3A_358, %jit3A_359 : i32
        %ne3A_377 = arith.constant 0 : i32
        %ne3A_378 = arith.cmpi ne, %rem3A_376, %ne3A_377 : i32
        %and3A_379 = arith.andi %ne3A_375, %ne3A_378 : i1
        %sub3A_380 = arith.constant 1 : i32
        %sub3A_381 = arith.subi %div3A_360, %sub3A_380 : i32
        %select_n3A_382 = arith.select %and3A_379, %sub3A_381, %div3A_360 : i32
        %dma_start3A_383 = arith.constant 0 : i32
        %dma_start3A_384 = tpu.memref_slice %arg3[%select_n3A_382, %dma_start3A_383] : memref<40000x128xf32, #tpu.memory_space<hbm>> -> memref<5x128xf32, #tpu.memory_space<hbm>>
        %dma_start3A_385 = arith.constant 0 : i32
        %dma_start3A_386 = tpu.memref_slice %arg3[%select_n3A_382, %dma_start3A_385] : memref<40000x128xf32, #tpu.memory_space<hbm>> -> memref<5x128xf32, #tpu.memory_space<hbm>>
        tpu.enqueue_dma source(%dma_start3A_386 : memref<5x128xf32, #tpu.memory_space<hbm>>) target(%arg11 : memref<5x128xf32, #tpu.memory_space<vmem>>) target_semaphore(%arg20 : memref<!tpu.dma_semaphore, #tpu.memory_space<semaphore_mem>>)
        %dma_start3A_387 = tpu.memref_slice %arg10[%mul3A_355] : memref<10000xi32, #tpu.memory_space<vmem>> -> memref<40xi32, #tpu.memory_space<vmem>>
        %dma_start3A_388 = arith.constant 0 : i32
        %dma_start3A_389 = arith.constant 0 : i32
        %dma_start3A_390 = tpu.memref_slice %arg4[%dma_start3A_388, %dma_start3A_389] : memref<10240x16xf32, #tpu.memory_space<hbm>> -> memref<10240x16xf32, #tpu.memory_space<hbm>>
        tpu.enqueue_indirect_dma source(%dma_start3A_390 : memref<10240x16xf32, #tpu.memory_space<hbm>>) target(%arg13 : memref<40x16xf32, #tpu.memory_space<vmem>>) offsets(%dma_start3A_387 : memref<40xi32, #tpu.memory_space<vmem>>) semaphore(%arg20 : memref<!tpu.dma_semaphore, #tpu.memory_space<semaphore_mem>>)
        %dma_start3A_391 = tpu.memref_slice %arg9[%mul3A_355] : memref<10000xi32, #tpu.memory_space<vmem>> -> memref<40xi32, #tpu.memory_space<vmem>>
        %dma_start3A_392 = arith.constant 0 : i32
        %dma_start3A_393 = arith.constant 0 : i32
        %dma_start3A_394 = tpu.memref_slice %arg5[%dma_start3A_392, %dma_start3A_393] : memref<10000x128xf32, #tpu.memory_space<hbm>> -> memref<10000x128xf32, #tpu.memory_space<hbm>>
        tpu.enqueue_indirect_dma source(%dma_start3A_394 : memref<10000x128xf32, #tpu.memory_space<hbm>>) target(%arg15 : memref<40x128xf32, #tpu.memory_space<vmem>>) offsets(%dma_start3A_391 : memref<40xi32, #tpu.memory_space<vmem>>) semaphore(%arg20 : memref<!tpu.dma_semaphore, #tpu.memory_space<semaphore_mem>>)
      } else {
      }
      %mul3A_248 = arith.constant 2 : i32
      %mul3A_249 = arith.muli %mul3A_248, %scan3A_152 : i32
      %add3A_250 = arith.constant 1 : i32
      %add3A_251 = arith.addi %mul3A_249, %add3A_250 : i32
      %mul3A_252 = arith.constant 40 : i32
      %mul3A_253 = arith.muli %add3A_251, %mul3A_252 : i32
      %add3A_254 = arith.addi %mul3A_2, %mul3A_253 : i32
      %ge3A_255 = arith.constant 2 : i32
      %ge3A_256 = arith.cmpi sge, %add3A_251, %ge3A_255 : i32
      %convert_element_type3A_257 = arith.extui %ge3A_256 : i1 to i32
      %cond3A_258 = arith.constant 0 : i32
      %cond3A_259 = arith.cmpi ne, %convert_element_type3A_257, %cond3A_258 : i32
      scf.if %cond3A_259 {
        %sub3A_349 = arith.constant 2 : i32
        %sub3A_350 = arith.subi %add3A_251, %sub3A_349 : i32
        %mul3A_351 = arith.constant 40 : i32
        %mul3A_352 = arith.muli %sub3A_350, %mul3A_351 : i32
        %add3A_353 = arith.addi %mul3A_2, %mul3A_352 : i32
        %jit3A_354 = arith.constant 8 : i32
        %div3A_355 = arith.divsi %add3A_353, %jit3A_354 : i32
        %sign3A_356 = arith.constant 0 : i32
        %sign3A_357 = arith.cmpi sgt, %add3A_353, %sign3A_356 : i32
        %sign3A_358 = arith.extui %sign3A_357 : i1 to i32
        %sign3A_359 = arith.constant 0 : i32
        %sign3A_360 = arith.cmpi slt, %add3A_353, %sign3A_359 : i32
        %sign3A_361 = arith.extui %sign3A_360 : i1 to i32
        %sign3A_362 = arith.subi %sign3A_358, %sign3A_361 : i32
        %sign3A_363 = arith.constant 0 : i32
        %sign3A_364 = arith.cmpi sgt, %jit3A_354, %sign3A_363 : i32
        %sign3A_365 = arith.extui %sign3A_364 : i1 to i32
        %sign3A_366 = arith.constant 0 : i32
        %sign3A_367 = arith.cmpi slt, %jit3A_354, %sign3A_366 : i32
        %sign3A_368 = arith.extui %sign3A_367 : i1 to i32
        %sign3A_369 = arith.subi %sign3A_365, %sign3A_368 : i32
        %ne3A_370 = arith.cmpi ne, %sign3A_362, %sign3A_369 : i32
        %rem3A_371 = arith.remsi %add3A_353, %jit3A_354 : i32
        %ne3A_372 = arith.constant 0 : i32
        %ne3A_373 = arith.cmpi ne, %rem3A_371, %ne3A_372 : i32
        %and3A_374 = arith.andi %ne3A_370, %ne3A_373 : i1
        %sub3A_375 = arith.constant 1 : i32
        %sub3A_376 = arith.subi %div3A_355, %sub3A_375 : i32
        %select_n3A_377 = arith.select %and3A_374, %sub3A_376, %div3A_355 : i32
        %dma_wait3A_378 = arith.constant 0 : i32
        %dma_wait3A_379 = tpu.memref_slice %arg7[%select_n3A_377, %dma_wait3A_378] : memref<40000x128xf32, #tpu.memory_space<hbm>> -> memref<5x128xf32, #tpu.memory_space<hbm>>
        %dma_wait3A_380 = arith.constant 0 : i32
        %dma_wait3A_381 = tpu.memref_slice %arg7[%select_n3A_377, %dma_wait3A_380] : memref<40000x128xf32, #tpu.memory_space<hbm>> -> memref<5x128xf32, #tpu.memory_space<hbm>>
        tpu.wait_dma2 semaphore(%arg23 : memref<!tpu.dma_semaphore, #tpu.memory_space<semaphore_mem>>) src(%arg18 : memref<5x128xf32, #tpu.memory_space<vmem>>) dst(%dma_wait3A_381 : memref<5x128xf32, #tpu.memory_space<hbm>>)
      } else {
      }
      %mul3A_260 = arith.constant 40 : i32
      %mul3A_261 = arith.muli %add3A_251, %mul3A_260 : i32
      %add3A_262 = arith.addi %mul3A_2, %mul3A_261 : i32
      %jit3A_263 = arith.constant 8 : i32
      %div3A_264 = arith.divsi %add3A_262, %jit3A_263 : i32
      %sign3A_265 = arith.constant 0 : i32
      %sign3A_266 = arith.cmpi sgt, %add3A_262, %sign3A_265 : i32
      %sign3A_267 = arith.extui %sign3A_266 : i1 to i32
      %sign3A_268 = arith.constant 0 : i32
      %sign3A_269 = arith.cmpi slt, %add3A_262, %sign3A_268 : i32
      %sign3A_270 = arith.extui %sign3A_269 : i1 to i32
      %sign3A_271 = arith.subi %sign3A_267, %sign3A_270 : i32
      %sign3A_272 = arith.constant 0 : i32
      %sign3A_273 = arith.cmpi sgt, %jit3A_263, %sign3A_272 : i32
      %sign3A_274 = arith.extui %sign3A_273 : i1 to i32
      %sign3A_275 = arith.constant 0 : i32
      %sign3A_276 = arith.cmpi slt, %jit3A_263, %sign3A_275 : i32
      %sign3A_277 = arith.extui %sign3A_276 : i1 to i32
      %sign3A_278 = arith.subi %sign3A_274, %sign3A_277 : i32
      %ne3A_279 = arith.cmpi ne, %sign3A_271, %sign3A_278 : i32
      %rem3A_280 = arith.remsi %add3A_262, %jit3A_263 : i32
      %ne3A_281 = arith.constant 0 : i32
      %ne3A_282 = arith.cmpi ne, %rem3A_280, %ne3A_281 : i32
      %and3A_283 = arith.andi %ne3A_279, %ne3A_282 : i1
      %sub3A_284 = arith.constant 1 : i32
      %sub3A_285 = arith.subi %div3A_264, %sub3A_284 : i32
      %select_n3A_286 = arith.select %and3A_283, %sub3A_285, %div3A_264 : i32
      %dma_wait3A_287 = arith.constant 0 : i32
      %dma_wait3A_288 = tpu.memref_slice %arg3[%select_n3A_286, %dma_wait3A_287] : memref<40000x128xf32, #tpu.memory_space<hbm>> -> memref<5x128xf32, #tpu.memory_space<hbm>>
      %dma_wait3A_289 = arith.constant 0 : i32
      %dma_wait3A_290 = tpu.memref_slice %arg3[%select_n3A_286, %dma_wait3A_289] : memref<40000x128xf32, #tpu.memory_space<hbm>> -> memref<5x128xf32, #tpu.memory_space<hbm>>
      tpu.wait_dma2 semaphore(%arg21 : memref<!tpu.dma_semaphore, #tpu.memory_space<semaphore_mem>>) src(%dma_wait3A_290 : memref<5x128xf32, #tpu.memory_space<hbm>>) dst(%arg12 : memref<5x128xf32, #tpu.memory_space<vmem>>)
      %mul3A_291 = arith.constant 40 : i32
      %mul3A_292 = arith.muli %add3A_251, %mul3A_291 : i32
      %dma_wait3A_293 = tpu.memref_slice %arg10[%mul3A_292] : memref<10000xi32, #tpu.memory_space<vmem>> -> memref<40xi32, #tpu.memory_space<vmem>>
      %dma_wait3A_294 = arith.constant 0 : i32
      %dma_wait3A_295 = arith.constant 0 : i32
      %dma_wait3A_296 = tpu.memref_slice %arg4[%dma_wait3A_294, %dma_wait3A_295] : memref<10240x16xf32, #tpu.memory_space<hbm>> -> memref<10240x16xf32, #tpu.memory_space<hbm>>
      tpu.wait_indirect_dma semaphore(%arg21 : memref<!tpu.dma_semaphore, #tpu.memory_space<semaphore_mem>>) src(%dma_wait3A_296 : memref<10240x16xf32, #tpu.memory_space<hbm>>) dst(%arg14 : memref<40x16xf32, #tpu.memory_space<vmem>>)
      %mul3A_297 = arith.constant 40 : i32
      %mul3A_298 = arith.muli %add3A_251, %mul3A_297 : i32
      %dma_wait3A_299 = tpu.memref_slice %arg9[%mul3A_298] : memref<10000xi32, #tpu.memory_space<vmem>> -> memref<40xi32, #tpu.memory_space<vmem>>
      %dma_wait3A_300 = arith.constant 0 : i32
      %dma_wait3A_301 = arith.constant 0 : i32
      %dma_wait3A_302 = tpu.memref_slice %arg5[%dma_wait3A_300, %dma_wait3A_301] : memref<10000x128xf32, #tpu.memory_space<hbm>> -> memref<10000x128xf32, #tpu.memory_space<hbm>>
      tpu.wait_indirect_dma semaphore(%arg21 : memref<!tpu.dma_semaphore, #tpu.memory_space<semaphore_mem>>) src(%dma_wait3A_302 : memref<10000x128xf32, #tpu.memory_space<hbm>>) dst(%arg16 : memref<40x128xf32, #tpu.memory_space<vmem>>)
      %scan3A_303 = arith.constant 0 : i32
      %scan3A_304 = arith.constant 0 : i32
      %scan3A_305 = arith.constant 5 : i32
      %scan3A_306 = arith.addi %scan3A_304, %scan3A_305 : i32
      %scan3A_307 = arith.constant 1 : i32
      scf.for %scan3A_349 = %scan3A_304 to %scan3A_306 step %scan3A_307  : i32 {
        %mul3A_350 = arith.constant 8 : i32
        %mul3A_351 = arith.muli %mul3A_350, %scan3A_349 : i32
        %add3A_352 = arith.constant 0 : i32
        %add3A_353 = arith.addi %mul3A_351, %add3A_352 : i32
        %get3A = arith.index_cast %scan3A_349 : i32 to index
        %get3A_354 = arith.constant 0 : index
        %get3A_355 = tpu.vector_load %arg12[%get3A, %get3A_354] {strides = array<i32>} : memref<5x128xf32, #tpu.memory_space<vmem>>, vector<16xf32>,
        %get3A_356 = arith.index_cast %add3A_353 : i32 to index
        %get3A_357 = arith.constant 0 : index
        %get3A_358 = tpu.vector_load %arg14[%get3A_356, %get3A_357] {strides = array<i32>} : memref<40x16xf32, #tpu.memory_space<vmem>>, vector<16xf32>,
        %mul3A_359 = arith.mulf %get3A_355, %get3A_358 : vector<16xf32>
        %swap3A = arith.index_cast %scan3A_349 : i32 to index
        %swap3A_360 = arith.constant 0 : index
        %swap3A_361 = tpu.vector_load %arg18[%swap3A, %swap3A_360] {strides = array<i32>} : memref<5x128xf32, #tpu.memory_space<vmem>>, vector<16xf32>,
        tpu.vector_store %arg18[%swap3A, %swap3A_360], %mul3A_359 {strides = array<i32>} : memref<5x128xf32, #tpu.memory_space<vmem>>, vector<16xf32>,
        %get3A_362 = arith.index_cast %add3A_353 : i32 to index
        %get3A_363 = arith.constant 0 : index
        %get3A_364 = tpu.vector_load %arg16[%get3A_362, %get3A_363] {strides = array<i32>} : memref<40x128xf32, #tpu.memory_space<vmem>>, vector<16xf32>,
        %mul3A_365 = arith.mulf %mul3A_359, %get3A_364 : vector<16xf32>
        %swap3A_366 = arith.index_cast %add3A_353 : i32 to index
        %swap3A_367 = arith.constant 0 : index
        %swap3A_368 = tpu.vector_load %arg16[%swap3A_366, %swap3A_367] {strides = array<i32>} : memref<40x128xf32, #tpu.memory_space<vmem>>, vector<16xf32>,
        tpu.vector_store %arg16[%swap3A_366, %swap3A_367], %mul3A_365 {strides = array<i32>} : memref<40x128xf32, #tpu.memory_space<vmem>>, vector<16xf32>,
        %get3A_369 = arith.index_cast %add3A_353 : i32 to index
        %get3A_370 = arith.constant 16 : index
        %get3A_371 = tpu.vector_load %arg16[%get3A_369, %get3A_370] {strides = array<i32>} : memref<40x128xf32, #tpu.memory_space<vmem>>, vector<16xf32>,
        %mul3A_372 = arith.mulf %mul3A_359, %get3A_371 : vector<16xf32>
        %swap3A_373 = arith.index_cast %add3A_353 : i32 to index
        %swap3A_374 = arith.constant 16 : index
        %swap3A_375 = tpu.vector_load %arg16[%swap3A_373, %swap3A_374] {strides = array<i32>} : memref<40x128xf32, #tpu.memory_space<vmem>>, vector<16xf32>,
        tpu.vector_store %arg16[%swap3A_373, %swap3A_374], %mul3A_372 {strides = array<i32>} : memref<40x128xf32, #tpu.memory_space<vmem>>, vector<16xf32>,
        %get3A_376 = arith.index_cast %add3A_353 : i32 to index
        %get3A_377 = arith.constant 32 : index
        %get3A_378 = tpu.vector_load %arg16[%get3A_376, %get3A_377] {strides = array<i32>} : memref<40x128xf32, #tpu.memory_space<vmem>>, vector<16xf32>,
        %mul3A_379 = arith.mulf %mul3A_359, %get3A_378 : vector<16xf32>
        %swap3A_380 = arith.index_cast %add3A_353 : i32 to index
        %swap3A_381 = arith.constant 32 : index
        %swap3A_382 = tpu.vector_load %arg16[%swap3A_380, %swap3A_381] {strides = array<i32>} : memref<40x128xf32, #tpu.memory_space<vmem>>, vector<16xf32>,
        tpu.vector_store %arg16[%swap3A_380, %swap3A_381], %mul3A_379 {strides = array<i32>} : memref<40x128xf32, #tpu.memory_space<vmem>>, vector<16xf32>,
        %get3A_383 = arith.index_cast %add3A_353 : i32 to index
        %get3A_384 = arith.constant 48 : index
        %get3A_385 = tpu.vector_load %arg16[%get3A_383, %get3A_384] {strides = array<i32>} : memref<40x128xf32, #tpu.memory_space<vmem>>, vector<16xf32>,
        %mul3A_386 = arith.mulf %mul3A_359, %get3A_385 : vector<16xf32>
        %swap3A_387 = arith.index_cast %add3A_353 : i32 to index
        %swap3A_388 = arith.constant 48 : index
        %swap3A_389 = tpu.vector_load %arg16[%swap3A_387, %swap3A_388] {strides = array<i32>} : memref<40x128xf32, #tpu.memory_space<vmem>>, vector<16xf32>,
        tpu.vector_store %arg16[%swap3A_387, %swap3A_388], %mul3A_386 {strides = array<i32>} : memref<40x128xf32, #tpu.memory_space<vmem>>, vector<16xf32>,
        %get3A_390 = arith.index_cast %add3A_353 : i32 to index
        %get3A_391 = arith.constant 64 : index
        %get3A_392 = tpu.vector_load %arg16[%get3A_390, %get3A_391] {strides = array<i32>} : memref<40x128xf32, #tpu.memory_space<vmem>>, vector<16xf32>,
        %mul3A_393 = arith.mulf %mul3A_359, %get3A_392 : vector<16xf32>
        %swap3A_394 = arith.index_cast %add3A_353 : i32 to index
        %swap3A_395 = arith.constant 64 : index
        %swap3A_396 = tpu.vector_load %arg16[%swap3A_394, %swap3A_395] {strides = array<i32>} : memref<40x128xf32, #tpu.memory_space<vmem>>, vector<16xf32>,
        tpu.vector_store %arg16[%swap3A_394, %swap3A_395], %mul3A_393 {strides = array<i32>} : memref<40x128xf32, #tpu.memory_space<vmem>>, vector<16xf32>,
        %get3A_397 = arith.index_cast %add3A_353 : i32 to index
        %get3A_398 = arith.constant 80 : index
        %get3A_399 = tpu.vector_load %arg16[%get3A_397, %get3A_398] {strides = array<i32>} : memref<40x128xf32, #tpu.memory_space<vmem>>, vector<16xf32>,
        %mul3A_400 = arith.mulf %mul3A_359, %get3A_399 : vector<16xf32>
        %swap3A_401 = arith.index_cast %add3A_353 : i32 to index
        %swap3A_402 = arith.constant 80 : index
        %swap3A_403 = tpu.vector_load %arg16[%swap3A_401, %swap3A_402] {strides = array<i32>} : memref<40x128xf32, #tpu.memory_space<vmem>>, vector<16xf32>,
        tpu.vector_store %arg16[%swap3A_401, %swap3A_402], %mul3A_400 {strides = array<i32>} : memref<40x128xf32, #tpu.memory_space<vmem>>, vector<16xf32>,
        %get3A_404 = arith.index_cast %add3A_353 : i32 to index
        %get3A_405 = arith.constant 96 : index
        %get3A_406 = tpu.vector_load %arg16[%get3A_404, %get3A_405] {strides = array<i32>} : memref<40x128xf32, #tpu.memory_space<vmem>>, vector<16xf32>,
        %mul3A_407 = arith.mulf %mul3A_359, %get3A_406 : vector<16xf32>
        %swap3A_408 = arith.index_cast %add3A_353 : i32 to index
        %swap3A_409 = arith.constant 96 : index
        %swap3A_410 = tpu.vector_load %arg16[%swap3A_408, %swap3A_409] {strides = array<i32>} : memref<40x128xf32, #tpu.memory_space<vmem>>, vector<16xf32>,
        tpu.vector_store %arg16[%swap3A_408, %swap3A_409], %mul3A_407 {strides = array<i32>} : memref<40x128xf32, #tpu.memory_space<vmem>>, vector<16xf32>,
        %get3A_411 = arith.index_cast %add3A_353 : i32 to index
        %get3A_412 = arith.constant 112 : index
        %get3A_413 = tpu.vector_load %arg16[%get3A_411, %get3A_412] {strides = array<i32>} : memref<40x128xf32, #tpu.memory_space<vmem>>, vector<16xf32>,
        %mul3A_414 = arith.mulf %mul3A_359, %get3A_413 : vector<16xf32>
        %swap3A_415 = arith.index_cast %add3A_353 : i32 to index
        %swap3A_416 = arith.constant 112 : index
        %swap3A_417 = tpu.vector_load %arg16[%swap3A_415, %swap3A_416] {strides = array<i32>} : memref<40x128xf32, #tpu.memory_space<vmem>>, vector<16xf32>,
        tpu.vector_store %arg16[%swap3A_415, %swap3A_416], %mul3A_414 {strides = array<i32>} : memref<40x128xf32, #tpu.memory_space<vmem>>, vector<16xf32>,
        %mul3A_418 = arith.constant 8 : i32
        %mul3A_419 = arith.muli %mul3A_418, %scan3A_349 : i32
        %add3A_420 = arith.constant 1 : i32
        %add3A_421 = arith.addi %mul3A_419, %add3A_420 : i32
        %get3A_422 = arith.index_cast %scan3A_349 : i32 to index
        %get3A_423 = arith.constant 16 : index
        %get3A_424 = tpu.vector_load %arg12[%get3A_422, %get3A_423] {strides = array<i32>} : memref<5x128xf32, #tpu.memory_space<vmem>>, vector<16xf32>,
        %get3A_425 = arith.index_cast %add3A_421 : i32 to index
        %get3A_426 = arith.constant 0 : index
        %get3A_427 = tpu.vector_load %arg14[%get3A_425, %get3A_426] {strides = array<i32>} : memref<40x16xf32, #tpu.memory_space<vmem>>, vector<16xf32>,
        %mul3A_428 = arith.mulf %get3A_424, %get3A_427 : vector<16xf32>
        %swap3A_429 = arith.index_cast %scan3A_349 : i32 to index
        %swap3A_430 = arith.constant 16 : index
        %swap3A_431 = tpu.vector_load %arg18[%swap3A_429, %swap3A_430] {strides = array<i32>} : memref<5x128xf32, #tpu.memory_space<vmem>>, vector<16xf32>,
        tpu.vector_store %arg18[%swap3A_429, %swap3A_430], %mul3A_428 {strides = array<i32>} : memref<5x128xf32, #tpu.memory_space<vmem>>, vector<16xf32>,
        %get3A_432 = arith.index_cast %add3A_421 : i32 to index
        %get3A_433 = arith.constant 0 : index
        %get3A_434 = tpu.vector_load %arg16[%get3A_432, %get3A_433] {strides = array<i32>} : memref<40x128xf32, #tpu.memory_space<vmem>>, vector<16xf32>,
        %mul3A_435 = arith.mulf %mul3A_428, %get3A_434 : vector<16xf32>
        %swap3A_436 = arith.index_cast %add3A_421 : i32 to index
        %swap3A_437 = arith.constant 0 : index
        %swap3A_438 = tpu.vector_load %arg16[%swap3A_436, %swap3A_437] {strides = array<i32>} : memref<40x128xf32, #tpu.memory_space<vmem>>, vector<16xf32>,
        tpu.vector_store %arg16[%swap3A_436, %swap3A_437], %mul3A_435 {strides = array<i32>} : memref<40x128xf32, #tpu.memory_space<vmem>>, vector<16xf32>,
        %get3A_439 = arith.index_cast %add3A_421 : i32 to index
        %get3A_440 = arith.constant 16 : index
        %get3A_441 = tpu.vector_load %arg16[%get3A_439, %get3A_440] {strides = array<i32>} : memref<40x128xf32, #tpu.memory_space<vmem>>, vector<16xf32>,
        %mul3A_442 = arith.mulf %mul3A_428, %get3A_441 : vector<16xf32>
        %swap3A_443 = arith.index_cast %add3A_421 : i32 to index
        %swap3A_444 = arith.constant 16 : index
        %swap3A_445 = tpu.vector_load %arg16[%swap3A_443, %swap3A_444] {strides = array<i32>} : memref<40x128xf32, #tpu.memory_space<vmem>>, vector<16xf32>,
        tpu.vector_store %arg16[%swap3A_443, %swap3A_444], %mul3A_442 {strides = array<i32>} : memref<40x128xf32, #tpu.memory_space<vmem>>, vector<16xf32>,
        %get3A_446 = arith.index_cast %add3A_421 : i32 to index
        %get3A_447 = arith.constant 32 : index
        %get3A_448 = tpu.vector_load %arg16[%get3A_446, %get3A_447] {strides = array<i32>} : memref<40x128xf32, #tpu.memory_space<vmem>>, vector<16xf32>,
        %mul3A_449 = arith.mulf %mul3A_428, %get3A_448 : vector<16xf32>
        %swap3A_450 = arith.index_cast %add3A_421 : i32 to index
        %swap3A_451 = arith.constant 32 : index
        %swap3A_452 = tpu.vector_load %arg16[%swap3A_450, %swap3A_451] {strides = array<i32>} : memref<40x128xf32, #tpu.memory_space<vmem>>, vector<16xf32>,
        tpu.vector_store %arg16[%swap3A_450, %swap3A_451], %mul3A_449 {strides = array<i32>} : memref<40x128xf32, #tpu.memory_space<vmem>>, vector<16xf32>,
        %get3A_453 = arith.index_cast %add3A_421 : i32 to index
        %get3A_454 = arith.constant 48 : index
        %get3A_455 = tpu.vector_load %arg16[%get3A_453, %get3A_454] {strides = array<i32>} : memref<40x128xf32, #tpu.memory_space<vmem>>, vector<16xf32>,
        %mul3A_456 = arith.mulf %mul3A_428, %get3A_455 : vector<16xf32>
        %swap3A_457 = arith.index_cast %add3A_421 : i32 to index
        %swap3A_458 = arith.constant 48 : index
        %swap3A_459 = tpu.vector_load %arg16[%swap3A_457, %swap3A_458] {strides = array<i32>} : memref<40x128xf32, #tpu.memory_space<vmem>>, vector<16xf32>,
        tpu.vector_store %arg16[%swap3A_457, %swap3A_458], %mul3A_456 {strides = array<i32>} : memref<40x128xf32, #tpu.memory_space<vmem>>, vector<16xf32>,
        %get3A_460 = arith.index_cast %add3A_421 : i32 to index
        %get3A_461 = arith.constant 64 : index
        %get3A_462 = tpu.vector_load %arg16[%get3A_460, %get3A_461] {strides = array<i32>} : memref<40x128xf32, #tpu.memory_space<vmem>>, vector<16xf32>,
        %mul3A_463 = arith.mulf %mul3A_428, %get3A_462 : vector<16xf32>
        %swap3A_464 = arith.index_cast %add3A_421 : i32 to index
        %swap3A_465 = arith.constant 64 : index
        %swap3A_466 = tpu.vector_load %arg16[%swap3A_464, %swap3A_465] {strides = array<i32>} : memref<40x128xf32, #tpu.memory_space<vmem>>, vector<16xf32>,
        tpu.vector_store %arg16[%swap3A_464, %swap3A_465], %mul3A_463 {strides = array<i32>} : memref<40x128xf32, #tpu.memory_space<vmem>>, vector<16xf32>,
        %get3A_467 = arith.index_cast %add3A_421 : i32 to index
        %get3A_468 = arith.constant 80 : index
        %get3A_469 = tpu.vector_load %arg16[%get3A_467, %get3A_468] {strides = array<i32>} : memref<40x128xf32, #tpu.memory_space<vmem>>, vector<16xf32>,
        %mul3A_470 = arith.mulf %mul3A_428, %get3A_469 : vector<16xf32>
        %swap3A_471 = arith.index_cast %add3A_421 : i32 to index
        %swap3A_472 = arith.constant 80 : index
        %swap3A_473 = tpu.vector_load %arg16[%swap3A_471, %swap3A_472] {strides = array<i32>} : memref<40x128xf32, #tpu.memory_space<vmem>>, vector<16xf32>,
        tpu.vector_store %arg16[%swap3A_471, %swap3A_472], %mul3A_470 {strides = array<i32>} : memref<40x128xf32, #tpu.memory_space<vmem>>, vector<16xf32>,
        %get3A_474 = arith.index_cast %add3A_421 : i32 to index
        %get3A_475 = arith.constant 96 : index
        %get3A_476 = tpu.vector_load %arg16[%get3A_474, %get3A_475] {strides = array<i32>} : memref<40x128xf32, #tpu.memory_space<vmem>>, vector<16xf32>,
        %mul3A_477 = arith.mulf %mul3A_428, %get3A_476 : vector<16xf32>
        %swap3A_478 = arith.index_cast %add3A_421 : i32 to index
        %swap3A_479 = arith.constant 96 : index
        %swap3A_480 = tpu.vector_load %arg16[%swap3A_478, %swap3A_479] {strides = array<i32>} : memref<40x128xf32, #tpu.memory_space<vmem>>, vector<16xf32>,
        tpu.vector_store %arg16[%swap3A_478, %swap3A_479], %mul3A_477 {strides = array<i32>} : memref<40x128xf32, #tpu.memory_space<vmem>>, vector<16xf32>,
        %get3A_481 = arith.index_cast %add3A_421 : i32 to index
        %get3A_482 = arith.constant 112 : index
        %get3A_483 = tpu.vector_load %arg16[%get3A_481, %get3A_482] {strides = array<i32>} : memref<40x128xf32, #tpu.memory_space<vmem>>, vector<16xf32>,
        %mul3A_484 = arith.mulf %mul3A_428, %get3A_483 : vector<16xf32>
        %swap3A_485 = arith.index_cast %add3A_421 : i32 to index
        %swap3A_486 = arith.constant 112 : index
        %swap3A_487 = tpu.vector_load %arg16[%swap3A_485, %swap3A_486] {strides = array<i32>} : memref<40x128xf32, #tpu.memory_space<vmem>>, vector<16xf32>,
        tpu.vector_store %arg16[%swap3A_485, %swap3A_486], %mul3A_484 {strides = array<i32>} : memref<40x128xf32, #tpu.memory_space<vmem>>, vector<16xf32>,
        %mul3A_488 = arith.constant 8 : i32
        %mul3A_489 = arith.muli %mul3A_488, %scan3A_349 : i32
        %add3A_490 = arith.constant 2 : i32
        %add3A_491 = arith.addi %mul3A_489, %add3A_490 : i32
        %get3A_492 = arith.index_cast %scan3A_349 : i32 to index
        %get3A_493 = arith.constant 32 : index
        %get3A_494 = tpu.vector_load %arg12[%get3A_492, %get3A_493] {strides = array<i32>} : memref<5x128xf32, #tpu.memory_space<vmem>>, vector<16xf32>,
        %get3A_495 = arith.index_cast %add3A_491 : i32 to index
        %get3A_496 = arith.constant 0 : index
        %get3A_497 = tpu.vector_load %arg14[%get3A_495, %get3A_496] {strides = array<i32>} : memref<40x16xf32, #tpu.memory_space<vmem>>, vector<16xf32>,
        %mul3A_498 = arith.mulf %get3A_494, %get3A_497 : vector<16xf32>
        %swap3A_499 = arith.index_cast %scan3A_349 : i32 to index
        %swap3A_500 = arith.constant 32 : index
        %swap3A_501 = tpu.vector_load %arg18[%swap3A_499, %swap3A_500] {strides = array<i32>} : memref<5x128xf32, #tpu.memory_space<vmem>>, vector<16xf32>,
        tpu.vector_store %arg18[%swap3A_499, %swap3A_500], %mul3A_498 {strides = array<i32>} : memref<5x128xf32, #tpu.memory_space<vmem>>, vector<16xf32>,
        %get3A_502 = arith.index_cast %add3A_491 : i32 to index
        %get3A_503 = arith.constant 0 : index
        %get3A_504 = tpu.vector_load %arg16[%get3A_502, %get3A_503] {strides = array<i32>} : memref<40x128xf32, #tpu.memory_space<vmem>>, vector<16xf32>,
        %mul3A_505 = arith.mulf %mul3A_498, %get3A_504 : vector<16xf32>
        %swap3A_506 = arith.index_cast %add3A_491 : i32 to index
        %swap3A_507 = arith.constant 0 : index
        %swap3A_508 = tpu.vector_load %arg16[%swap3A_506, %swap3A_507] {strides = array<i32>} : memref<40x128xf32, #tpu.memory_space<vmem>>, vector<16xf32>,
        tpu.vector_store %arg16[%swap3A_506, %swap3A_507], %mul3A_505 {strides = array<i32>} : memref<40x128xf32, #tpu.memory_space<vmem>>, vector<16xf32>,
        %get3A_509 = arith.index_cast %add3A_491 : i32 to index
        %get3A_510 = arith.constant 16 : index
        %get3A_511 = tpu.vector_load %arg16[%get3A_509, %get3A_510] {strides = array<i32>} : memref<40x128xf32, #tpu.memory_space<vmem>>, vector<16xf32>,
        %mul3A_512 = arith.mulf %mul3A_498, %get3A_511 : vector<16xf32>
        %swap3A_513 = arith.index_cast %add3A_491 : i32 to index
        %swap3A_514 = arith.constant 16 : index
        %swap3A_515 = tpu.vector_load %arg16[%swap3A_513, %swap3A_514] {strides = array<i32>} : memref<40x128xf32, #tpu.memory_space<vmem>>, vector<16xf32>,
        tpu.vector_store %arg16[%swap3A_513, %swap3A_514], %mul3A_512 {strides = array<i32>} : memref<40x128xf32, #tpu.memory_space<vmem>>, vector<16xf32>,
        %get3A_516 = arith.index_cast %add3A_491 : i32 to index
        %get3A_517 = arith.constant 32 : index
        %get3A_518 = tpu.vector_load %arg16[%get3A_516, %get3A_517] {strides = array<i32>} : memref<40x128xf32, #tpu.memory_space<vmem>>, vector<16xf32>,
        %mul3A_519 = arith.mulf %mul3A_498, %get3A_518 : vector<16xf32>
        %swap3A_520 = arith.index_cast %add3A_491 : i32 to index
        %swap3A_521 = arith.constant 32 : index
        %swap3A_522 = tpu.vector_load %arg16[%swap3A_520, %swap3A_521] {strides = array<i32>} : memref<40x128xf32, #tpu.memory_space<vmem>>, vector<16xf32>,
        tpu.vector_store %arg16[%swap3A_520, %swap3A_521], %mul3A_519 {strides = array<i32>} : memref<40x128xf32, #tpu.memory_space<vmem>>, vector<16xf32>,
        %get3A_523 = arith.index_cast %add3A_491 : i32 to index
        %get3A_524 = arith.constant 48 : index
        %get3A_525 = tpu.vector_load %arg16[%get3A_523, %get3A_524] {strides = array<i32>} : memref<40x128xf32, #tpu.memory_space<vmem>>, vector<16xf32>,
        %mul3A_526 = arith.mulf %mul3A_498, %get3A_525 : vector<16xf32>
        %swap3A_527 = arith.index_cast %add3A_491 : i32 to index
        %swap3A_528 = arith.constant 48 : index
        %swap3A_529 = tpu.vector_load %arg16[%swap3A_527, %swap3A_528] {strides = array<i32>} : memref<40x128xf32, #tpu.memory_space<vmem>>, vector<16xf32>,
        tpu.vector_store %arg16[%swap3A_527, %swap3A_528], %mul3A_526 {strides = array<i32>} : memref<40x128xf32, #tpu.memory_space<vmem>>, vector<16xf32>,
        %get3A_530 = arith.index_cast %add3A_491 : i32 to index
        %get3A_531 = arith.constant 64 : index
        %get3A_532 = tpu.vector_load %arg16[%get3A_530, %get3A_531] {strides = array<i32>} : memref<40x128xf32, #tpu.memory_space<vmem>>, vector<16xf32>,
        %mul3A_533 = arith.mulf %mul3A_498, %get3A_532 : vector<16xf32>
        %swap3A_534 = arith.index_cast %add3A_491 : i32 to index
        %swap3A_535 = arith.constant 64 : index
        %swap3A_536 = tpu.vector_load %arg16[%swap3A_534, %swap3A_535] {strides = array<i32>} : memref<40x128xf32, #tpu.memory_space<vmem>>, vector<16xf32>,
        tpu.vector_store %arg16[%swap3A_534, %swap3A_535], %mul3A_533 {strides = array<i32>} : memref<40x128xf32, #tpu.memory_space<vmem>>, vector<16xf32>,
        %get3A_537 = arith.index_cast %add3A_491 : i32 to index
        %get3A_538 = arith.constant 80 : index
        %get3A_539 = tpu.vector_load %arg16[%get3A_537, %get3A_538] {strides = array<i32>} : memref<40x128xf32, #tpu.memory_space<vmem>>, vector<16xf32>,
        %mul3A_540 = arith.mulf %mul3A_498, %get3A_539 : vector<16xf32>
        %swap3A_541 = arith.index_cast %add3A_491 : i32 to index
        %swap3A_542 = arith.constant 80 : index
        %swap3A_543 = tpu.vector_load %arg16[%swap3A_541, %swap3A_542] {strides = array<i32>} : memref<40x128xf32, #tpu.memory_space<vmem>>, vector<16xf32>,
        tpu.vector_store %arg16[%swap3A_541, %swap3A_542], %mul3A_540 {strides = array<i32>} : memref<40x128xf32, #tpu.memory_space<vmem>>, vector<16xf32>,
        %get3A_544 = arith.index_cast %add3A_491 : i32 to index
        %get3A_545 = arith.constant 96 : index
        %get3A_546 = tpu.vector_load %arg16[%get3A_544, %get3A_545] {strides = array<i32>} : memref<40x128xf32, #tpu.memory_space<vmem>>, vector<16xf32>,
        %mul3A_547 = arith.mulf %mul3A_498, %get3A_546 : vector<16xf32>
        %swap3A_548 = arith.index_cast %add3A_491 : i32 to index
        %swap3A_549 = arith.constant 96 : index
        %swap3A_550 = tpu.vector_load %arg16[%swap3A_548, %swap3A_549] {strides = array<i32>} : memref<40x128xf32, #tpu.memory_space<vmem>>, vector<16xf32>,
        tpu.vector_store %arg16[%swap3A_548, %swap3A_549], %mul3A_547 {strides = array<i32>} : memref<40x128xf32, #tpu.memory_space<vmem>>, vector<16xf32>,
        %get3A_551 = arith.index_cast %add3A_491 : i32 to index
        %get3A_552 = arith.constant 112 : index
        %get3A_553 = tpu.vector_load %arg16[%get3A_551, %get3A_552] {strides = array<i32>} : memref<40x128xf32, #tpu.memory_space<vmem>>, vector<16xf32>,
        %mul3A_554 = arith.mulf %mul3A_498, %get3A_553 : vector<16xf32>
        %swap3A_555 = arith.index_cast %add3A_491 : i32 to index
        %swap3A_556 = arith.constant 112 : index
        %swap3A_557 = tpu.vector_load %arg16[%swap3A_555, %swap3A_556] {strides = array<i32>} : memref<40x128xf32, #tpu.memory_space<vmem>>, vector<16xf32>,
        tpu.vector_store %arg16[%swap3A_555, %swap3A_556], %mul3A_554 {strides = array<i32>} : memref<40x128xf32, #tpu.memory_space<vmem>>, vector<16xf32>,
        %mul3A_558 = arith.constant 8 : i32
        %mul3A_559 = arith.muli %mul3A_558, %scan3A_349 : i32
        %add3A_560 = arith.constant 3 : i32
        %add3A_561 = arith.addi %mul3A_559, %add3A_560 : i32
        %get3A_562 = arith.index_cast %scan3A_349 : i32 to index
        %get3A_563 = arith.constant 48 : index
        %get3A_564 = tpu.vector_load %arg12[%get3A_562, %get3A_563] {strides = array<i32>} : memref<5x128xf32, #tpu.memory_space<vmem>>, vector<16xf32>,
        %get3A_565 = arith.index_cast %add3A_561 : i32 to index
        %get3A_566 = arith.constant 0 : index
        %get3A_567 = tpu.vector_load %arg14[%get3A_565, %get3A_566] {strides = array<i32>} : memref<40x16xf32, #tpu.memory_space<vmem>>, vector<16xf32>,
        %mul3A_568 = arith.mulf %get3A_564, %get3A_567 : vector<16xf32>
        %swap3A_569 = arith.index_cast %scan3A_349 : i32 to index
        %swap3A_570 = arith.constant 48 : index
        %swap3A_571 = tpu.vector_load %arg18[%swap3A_569, %swap3A_570] {strides = array<i32>} : memref<5x128xf32, #tpu.memory_space<vmem>>, vector<16xf32>,
        tpu.vector_store %arg18[%swap3A_569, %swap3A_570], %mul3A_568 {strides = array<i32>} : memref<5x128xf32, #tpu.memory_space<vmem>>, vector<16xf32>,
        %get3A_572 = arith.index_cast %add3A_561 : i32 to index
        %get3A_573 = arith.constant 0 : index
        %get3A_574 = tpu.vector_load %arg16[%get3A_572, %get3A_573] {strides = array<i32>} : memref<40x128xf32, #tpu.memory_space<vmem>>, vector<16xf32>,
        %mul3A_575 = arith.mulf %mul3A_568, %get3A_574 : vector<16xf32>
        %swap3A_576 = arith.index_cast %add3A_561 : i32 to index
        %swap3A_577 = arith.constant 0 : index
        %swap3A_578 = tpu.vector_load %arg16[%swap3A_576, %swap3A_577] {strides = array<i32>} : memref<40x128xf32, #tpu.memory_space<vmem>>, vector<16xf32>,
        tpu.vector_store %arg16[%swap3A_576, %swap3A_577], %mul3A_575 {strides = array<i32>} : memref<40x128xf32, #tpu.memory_space<vmem>>, vector<16xf32>,
        %get3A_579 = arith.index_cast %add3A_561 : i32 to index
        %get3A_580 = arith.constant 16 : index
        %get3A_581 = tpu.vector_load %arg16[%get3A_579, %get3A_580] {strides = array<i32>} : memref<40x128xf32, #tpu.memory_space<vmem>>, vector<16xf32>,
        %mul3A_582 = arith.mulf %mul3A_568, %get3A_581 : vector<16xf32>
        %swap3A_583 = arith.index_cast %add3A_561 : i32 to index
        %swap3A_584 = arith.constant 16 : index
        %swap3A_585 = tpu.vector_load %arg16[%swap3A_583, %swap3A_584] {strides = array<i32>} : memref<40x128xf32, #tpu.memory_space<vmem>>, vector<16xf32>,
        tpu.vector_store %arg16[%swap3A_583, %swap3A_584], %mul3A_582 {strides = array<i32>} : memref<40x128xf32, #tpu.memory_space<vmem>>, vector<16xf32>,
        %get3A_586 = arith.index_cast %add3A_561 : i32 to index
        %get3A_587 = arith.constant 32 : index
        %get3A_588 = tpu.vector_load %arg16[%get3A_586, %get3A_587] {strides = array<i32>} : memref<40x128xf32, #tpu.memory_space<vmem>>, vector<16xf32>,
        %mul3A_589 = arith.mulf %mul3A_568, %get3A_588 : vector<16xf32>
        %swap3A_590 = arith.index_cast %add3A_561 : i32 to index
        %swap3A_591 = arith.constant 32 : index
        %swap3A_592 = tpu.vector_load %arg16[%swap3A_590, %swap3A_591] {strides = array<i32>} : memref<40x128xf32, #tpu.memory_space<vmem>>, vector<16xf32>,
        tpu.vector_store %arg16[%swap3A_590, %swap3A_591], %mul3A_589 {strides = array<i32>} : memref<40x128xf32, #tpu.memory_space<vmem>>, vector<16xf32>,
        %get3A_593 = arith.index_cast %add3A_561 : i32 to index
        %get3A_594 = arith.constant 48 : index
        %get3A_595 = tpu.vector_load %arg16[%get3A_593, %get3A_594] {strides = array<i32>} : memref<40x128xf32, #tpu.memory_space<vmem>>, vector<16xf32>,
        %mul3A_596 = arith.mulf %mul3A_568, %get3A_595 : vector<16xf32>
        %swap3A_597 = arith.index_cast %add3A_561 : i32 to index
        %swap3A_598 = arith.constant 48 : index
        %swap3A_599 = tpu.vector_load %arg16[%swap3A_597, %swap3A_598] {strides = array<i32>} : memref<40x128xf32, #tpu.memory_space<vmem>>, vector<16xf32>,
        tpu.vector_store %arg16[%swap3A_597, %swap3A_598], %mul3A_596 {strides = array<i32>} : memref<40x128xf32, #tpu.memory_space<vmem>>, vector<16xf32>,
        %get3A_600 = arith.index_cast %add3A_561 : i32 to index
        %get3A_601 = arith.constant 64 : index
        %get3A_602 = tpu.vector_load %arg16[%get3A_600, %get3A_601] {strides = array<i32>} : memref<40x128xf32, #tpu.memory_space<vmem>>, vector<16xf32>,
        %mul3A_603 = arith.mulf %mul3A_568, %get3A_602 : vector<16xf32>
        %swap3A_604 = arith.index_cast %add3A_561 : i32 to index
        %swap3A_605 = arith.constant 64 : index
        %swap3A_606 = tpu.vector_load %arg16[%swap3A_604, %swap3A_605] {strides = array<i32>} : memref<40x128xf32, #tpu.memory_space<vmem>>, vector<16xf32>,
        tpu.vector_store %arg16[%swap3A_604, %swap3A_605], %mul3A_603 {strides = array<i32>} : memref<40x128xf32, #tpu.memory_space<vmem>>, vector<16xf32>,
        %get3A_607 = arith.index_cast %add3A_561 : i32 to index
        %get3A_608 = arith.constant 80 : index
        %get3A_609 = tpu.vector_load %arg16[%get3A_607, %get3A_608] {strides = array<i32>} : memref<40x128xf32, #tpu.memory_space<vmem>>, vector<16xf32>,
        %mul3A_610 = arith.mulf %mul3A_568, %get3A_609 : vector<16xf32>
        %swap3A_611 = arith.index_cast %add3A_561 : i32 to index
        %swap3A_612 = arith.constant 80 : index
        %swap3A_613 = tpu.vector_load %arg16[%swap3A_611, %swap3A_612] {strides = array<i32>} : memref<40x128xf32, #tpu.memory_space<vmem>>, vector<16xf32>,
        tpu.vector_store %arg16[%swap3A_611, %swap3A_612], %mul3A_610 {strides = array<i32>} : memref<40x128xf32, #tpu.memory_space<vmem>>, vector<16xf32>,
        %get3A_614 = arith.index_cast %add3A_561 : i32 to index
        %get3A_615 = arith.constant 96 : index
        %get3A_616 = tpu.vector_load %arg16[%get3A_614, %get3A_615] {strides = array<i32>} : memref<40x128xf32, #tpu.memory_space<vmem>>, vector<16xf32>,
        %mul3A_617 = arith.mulf %mul3A_568, %get3A_616 : vector<16xf32>
        %swap3A_618 = arith.index_cast %add3A_561 : i32 to index
        %swap3A_619 = arith.constant 96 : index
        %swap3A_620 = tpu.vector_load %arg16[%swap3A_618, %swap3A_619] {strides = array<i32>} : memref<40x128xf32, #tpu.memory_space<vmem>>, vector<16xf32>,
        tpu.vector_store %arg16[%swap3A_618, %swap3A_619], %mul3A_617 {strides = array<i32>} : memref<40x128xf32, #tpu.memory_space<vmem>>, vector<16xf32>,
        %get3A_621 = arith.index_cast %add3A_561 : i32 to index
        %get3A_622 = arith.constant 112 : index
        %get3A_623 = tpu.vector_load %arg16[%get3A_621, %get3A_622] {strides = array<i32>} : memref<40x128xf32, #tpu.memory_space<vmem>>, vector<16xf32>,
        %mul3A_624 = arith.mulf %mul3A_568, %get3A_623 : vector<16xf32>
        %swap3A_625 = arith.index_cast %add3A_561 : i32 to index
        %swap3A_626 = arith.constant 112 : index
        %swap3A_627 = tpu.vector_load %arg16[%swap3A_625, %swap3A_626] {strides = array<i32>} : memref<40x128xf32, #tpu.memory_space<vmem>>, vector<16xf32>,
        tpu.vector_store %arg16[%swap3A_625, %swap3A_626], %mul3A_624 {strides = array<i32>} : memref<40x128xf32, #tpu.memory_space<vmem>>, vector<16xf32>,
        %mul3A_628 = arith.constant 8 : i32
        %mul3A_629 = arith.muli %mul3A_628, %scan3A_349 : i32
        %add3A_630 = arith.constant 4 : i32
        %add3A_631 = arith.addi %mul3A_629, %add3A_630 : i32
        %get3A_632 = arith.index_cast %scan3A_349 : i32 to index
        %get3A_633 = arith.constant 64 : index
        %get3A_634 = tpu.vector_load %arg12[%get3A_632, %get3A_633] {strides = array<i32>} : memref<5x128xf32, #tpu.memory_space<vmem>>, vector<16xf32>,
        %get3A_635 = arith.index_cast %add3A_631 : i32 to index
        %get3A_636 = arith.constant 0 : index
        %get3A_637 = tpu.vector_load %arg14[%get3A_635, %get3A_636] {strides = array<i32>} : memref<40x16xf32, #tpu.memory_space<vmem>>, vector<16xf32>,
        %mul3A_638 = arith.mulf %get3A_634, %get3A_637 : vector<16xf32>
        %swap3A_639 = arith.index_cast %scan3A_349 : i32 to index
        %swap3A_640 = arith.constant 64 : index
        %swap3A_641 = tpu.vector_load %arg18[%swap3A_639, %swap3A_640] {strides = array<i32>} : memref<5x128xf32, #tpu.memory_space<vmem>>, vector<16xf32>,
        tpu.vector_store %arg18[%swap3A_639, %swap3A_640], %mul3A_638 {strides = array<i32>} : memref<5x128xf32, #tpu.memory_space<vmem>>, vector<16xf32>,
        %get3A_642 = arith.index_cast %add3A_631 : i32 to index
        %get3A_643 = arith.constant 0 : index
        %get3A_644 = tpu.vector_load %arg16[%get3A_642, %get3A_643] {strides = array<i32>} : memref<40x128xf32, #tpu.memory_space<vmem>>, vector<16xf32>,
        %mul3A_645 = arith.mulf %mul3A_638, %get3A_644 : vector<16xf32>
        %swap3A_646 = arith.index_cast %add3A_631 : i32 to index
        %swap3A_647 = arith.constant 0 : index
        %swap3A_648 = tpu.vector_load %arg16[%swap3A_646, %swap3A_647] {strides = array<i32>} : memref<40x128xf32, #tpu.memory_space<vmem>>, vector<16xf32>,
        tpu.vector_store %arg16[%swap3A_646, %swap3A_647], %mul3A_645 {strides = array<i32>} : memref<40x128xf32, #tpu.memory_space<vmem>>, vector<16xf32>,
        %get3A_649 = arith.index_cast %add3A_631 : i32 to index
        %get3A_650 = arith.constant 16 : index
        %get3A_651 = tpu.vector_load %arg16[%get3A_649, %get3A_650] {strides = array<i32>} : memref<40x128xf32, #tpu.memory_space<vmem>>, vector<16xf32>,
        %mul3A_652 = arith.mulf %mul3A_638, %get3A_651 : vector<16xf32>
        %swap3A_653 = arith.index_cast %add3A_631 : i32 to index
        %swap3A_654 = arith.constant 16 : index
        %swap3A_655 = tpu.vector_load %arg16[%swap3A_653, %swap3A_654] {strides = array<i32>} : memref<40x128xf32, #tpu.memory_space<vmem>>, vector<16xf32>,
        tpu.vector_store %arg16[%swap3A_653, %swap3A_654], %mul3A_652 {strides = array<i32>} : memref<40x128xf32, #tpu.memory_space<vmem>>, vector<16xf32>,
        %get3A_656 = arith.index_cast %add3A_631 : i32 to index
        %get3A_657 = arith.constant 32 : index
        %get3A_658 = tpu.vector_load %arg16[%get3A_656, %get3A_657] {strides = array<i32>} : memref<40x128xf32, #tpu.memory_space<vmem>>, vector<16xf32>,
        %mul3A_659 = arith.mulf %mul3A_638, %get3A_658 : vector<16xf32>
        %swap3A_660 = arith.index_cast %add3A_631 : i32 to index
        %swap3A_661 = arith.constant 32 : index
        %swap3A_662 = tpu.vector_load %arg16[%swap3A_660, %swap3A_661] {strides = array<i32>} : memref<40x128xf32, #tpu.memory_space<vmem>>, vector<16xf32>,
        tpu.vector_store %arg16[%swap3A_660, %swap3A_661], %mul3A_659 {strides = array<i32>} : memref<40x128xf32, #tpu.memory_space<vmem>>, vector<16xf32>,
        %get3A_663 = arith.index_cast %add3A_631 : i32 to index
        %get3A_664 = arith.constant 48 : index
        %get3A_665 = tpu.vector_load %arg16[%get3A_663, %get3A_664] {strides = array<i32>} : memref<40x128xf32, #tpu.memory_space<vmem>>, vector<16xf32>,
        %mul3A_666 = arith.mulf %mul3A_638, %get3A_665 : vector<16xf32>
        %swap3A_667 = arith.index_cast %add3A_631 : i32 to index
        %swap3A_668 = arith.constant 48 : index
        %swap3A_669 = tpu.vector_load %arg16[%swap3A_667, %swap3A_668] {strides = array<i32>} : memref<40x128xf32, #tpu.memory_space<vmem>>, vector<16xf32>,
        tpu.vector_store %arg16[%swap3A_667, %swap3A_668], %mul3A_666 {strides = array<i32>} : memref<40x128xf32, #tpu.memory_space<vmem>>, vector<16xf32>,
        %get3A_670 = arith.index_cast %add3A_631 : i32 to index
        %get3A_671 = arith.constant 64 : index
        %get3A_672 = tpu.vector_load %arg16[%get3A_670, %get3A_671] {strides = array<i32>} : memref<40x128xf32, #tpu.memory_space<vmem>>, vector<16xf32>,
        %mul3A_673 = arith.mulf %mul3A_638, %get3A_672 : vector<16xf32>
        %swap3A_674 = arith.index_cast %add3A_631 : i32 to index
        %swap3A_675 = arith.constant 64 : index
        %swap3A_676 = tpu.vector_load %arg16[%swap3A_674, %swap3A_675] {strides = array<i32>} : memref<40x128xf32, #tpu.memory_space<vmem>>, vector<16xf32>,
        tpu.vector_store %arg16[%swap3A_674, %swap3A_675], %mul3A_673 {strides = array<i32>} : memref<40x128xf32, #tpu.memory_space<vmem>>, vector<16xf32>,
        %get3A_677 = arith.index_cast %add3A_631 : i32 to index
        %get3A_678 = arith.constant 80 : index
        %get3A_679 = tpu.vector_load %arg16[%get3A_677, %get3A_678] {strides = array<i32>} : memref<40x128xf32, #tpu.memory_space<vmem>>, vector<16xf32>,
        %mul3A_680 = arith.mulf %mul3A_638, %get3A_679 : vector<16xf32>
        %swap3A_681 = arith.index_cast %add3A_631 : i32 to index
        %swap3A_682 = arith.constant 80 : index
        %swap3A_683 = tpu.vector_load %arg16[%swap3A_681, %swap3A_682] {strides = array<i32>} : memref<40x128xf32, #tpu.memory_space<vmem>>, vector<16xf32>,
        tpu.vector_store %arg16[%swap3A_681, %swap3A_682], %mul3A_680 {strides = array<i32>} : memref<40x128xf32, #tpu.memory_space<vmem>>, vector<16xf32>,
        %get3A_684 = arith.index_cast %add3A_631 : i32 to index
        %get3A_685 = arith.constant 96 : index
        %get3A_686 = tpu.vector_load %arg16[%get3A_684, %get3A_685] {strides = array<i32>} : memref<40x128xf32, #tpu.memory_space<vmem>>, vector<16xf32>,
        %mul3A_687 = arith.mulf %mul3A_638, %get3A_686 : vector<16xf32>
        %swap3A_688 = arith.index_cast %add3A_631 : i32 to index
        %swap3A_689 = arith.constant 96 : index
        %swap3A_690 = tpu.vector_load %arg16[%swap3A_688, %swap3A_689] {strides = array<i32>} : memref<40x128xf32, #tpu.memory_space<vmem>>, vector<16xf32>,
        tpu.vector_store %arg16[%swap3A_688, %swap3A_689], %mul3A_687 {strides = array<i32>} : memref<40x128xf32, #tpu.memory_space<vmem>>, vector<16xf32>,
        %get3A_691 = arith.index_cast %add3A_631 : i32 to index
        %get3A_692 = arith.constant 112 : index
        %get3A_693 = tpu.vector_load %arg16[%get3A_691, %get3A_692] {strides = array<i32>} : memref<40x128xf32, #tpu.memory_space<vmem>>, vector<16xf32>,
        %mul3A_694 = arith.mulf %mul3A_638, %get3A_693 : vector<16xf32>
        %swap3A_695 = arith.index_cast %add3A_631 : i32 to index
        %swap3A_696 = arith.constant 112 : index
        %swap3A_697 = tpu.vector_load %arg16[%swap3A_695, %swap3A_696] {strides = array<i32>} : memref<40x128xf32, #tpu.memory_space<vmem>>, vector<16xf32>,
        tpu.vector_store %arg16[%swap3A_695, %swap3A_696], %mul3A_694 {strides = array<i32>} : memref<40x128xf32, #tpu.memory_space<vmem>>, vector<16xf32>,
        %mul3A_698 = arith.constant 8 : i32
        %mul3A_699 = arith.muli %mul3A_698, %scan3A_349 : i32
        %add3A_700 = arith.constant 5 : i32
        %add3A_701 = arith.addi %mul3A_699, %add3A_700 : i32
        %get3A_702 = arith.index_cast %scan3A_349 : i32 to index
        %get3A_703 = arith.constant 80 : index
        %get3A_704 = tpu.vector_load %arg12[%get3A_702, %get3A_703] {strides = array<i32>} : memref<5x128xf32, #tpu.memory_space<vmem>>, vector<16xf32>,
        %get3A_705 = arith.index_cast %add3A_701 : i32 to index
        %get3A_706 = arith.constant 0 : index
        %get3A_707 = tpu.vector_load %arg14[%get3A_705, %get3A_706] {strides = array<i32>} : memref<40x16xf32, #tpu.memory_space<vmem>>, vector<16xf32>,
        %mul3A_708 = arith.mulf %get3A_704, %get3A_707 : vector<16xf32>
        %swap3A_709 = arith.index_cast %scan3A_349 : i32 to index
        %swap3A_710 = arith.constant 80 : index
        %swap3A_711 = tpu.vector_load %arg18[%swap3A_709, %swap3A_710] {strides = array<i32>} : memref<5x128xf32, #tpu.memory_space<vmem>>, vector<16xf32>,
        tpu.vector_store %arg18[%swap3A_709, %swap3A_710], %mul3A_708 {strides = array<i32>} : memref<5x128xf32, #tpu.memory_space<vmem>>, vector<16xf32>,
        %get3A_712 = arith.index_cast %add3A_701 : i32 to index
        %get3A_713 = arith.constant 0 : index
        %get3A_714 = tpu.vector_load %arg16[%get3A_712, %get3A_713] {strides = array<i32>} : memref<40x128xf32, #tpu.memory_space<vmem>>, vector<16xf32>,
        %mul3A_715 = arith.mulf %mul3A_708, %get3A_714 : vector<16xf32>
        %swap3A_716 = arith.index_cast %add3A_701 : i32 to index
        %swap3A_717 = arith.constant 0 : index
        %swap3A_718 = tpu.vector_load %arg16[%swap3A_716, %swap3A_717] {strides = array<i32>} : memref<40x128xf32, #tpu.memory_space<vmem>>, vector<16xf32>,
        tpu.vector_store %arg16[%swap3A_716, %swap3A_717], %mul3A_715 {strides = array<i32>} : memref<40x128xf32, #tpu.memory_space<vmem>>, vector<16xf32>,
        %get3A_719 = arith.index_cast %add3A_701 : i32 to index
        %get3A_720 = arith.constant 16 : index
        %get3A_721 = tpu.vector_load %arg16[%get3A_719, %get3A_720] {strides = array<i32>} : memref<40x128xf32, #tpu.memory_space<vmem>>, vector<16xf32>,
        %mul3A_722 = arith.mulf %mul3A_708, %get3A_721 : vector<16xf32>
        %swap3A_723 = arith.index_cast %add3A_701 : i32 to index
        %swap3A_724 = arith.constant 16 : index
        %swap3A_725 = tpu.vector_load %arg16[%swap3A_723, %swap3A_724] {strides = array<i32>} : memref<40x128xf32, #tpu.memory_space<vmem>>, vector<16xf32>,
        tpu.vector_store %arg16[%swap3A_723, %swap3A_724], %mul3A_722 {strides = array<i32>} : memref<40x128xf32, #tpu.memory_space<vmem>>, vector<16xf32>,
        %get3A_726 = arith.index_cast %add3A_701 : i32 to index
        %get3A_727 = arith.constant 32 : index
        %get3A_728 = tpu.vector_load %arg16[%get3A_726, %get3A_727] {strides = array<i32>} : memref<40x128xf32, #tpu.memory_space<vmem>>, vector<16xf32>,
        %mul3A_729 = arith.mulf %mul3A_708, %get3A_728 : vector<16xf32>
        %swap3A_730 = arith.index_cast %add3A_701 : i32 to index
        %swap3A_731 = arith.constant 32 : index
        %swap3A_732 = tpu.vector_load %arg16[%swap3A_730, %swap3A_731] {strides = array<i32>} : memref<40x128xf32, #tpu.memory_space<vmem>>, vector<16xf32>,
        tpu.vector_store %arg16[%swap3A_730, %swap3A_731], %mul3A_729 {strides = array<i32>} : memref<40x128xf32, #tpu.memory_space<vmem>>, vector<16xf32>,
        %get3A_733 = arith.index_cast %add3A_701 : i32 to index
        %get3A_734 = arith.constant 48 : index
        %get3A_735 = tpu.vector_load %arg16[%get3A_733, %get3A_734] {strides = array<i32>} : memref<40x128xf32, #tpu.memory_space<vmem>>, vector<16xf32>,
        %mul3A_736 = arith.mulf %mul3A_708, %get3A_735 : vector<16xf32>
        %swap3A_737 = arith.index_cast %add3A_701 : i32 to index
        %swap3A_738 = arith.constant 48 : index
        %swap3A_739 = tpu.vector_load %arg16[%swap3A_737, %swap3A_738] {strides = array<i32>} : memref<40x128xf32, #tpu.memory_space<vmem>>, vector<16xf32>,
        tpu.vector_store %arg16[%swap3A_737, %swap3A_738], %mul3A_736 {strides = array<i32>} : memref<40x128xf32, #tpu.memory_space<vmem>>, vector<16xf32>,
        %get3A_740 = arith.index_cast %add3A_701 : i32 to index
        %get3A_741 = arith.constant 64 : index
        %get3A_742 = tpu.vector_load %arg16[%get3A_740, %get3A_741] {strides = array<i32>} : memref<40x128xf32, #tpu.memory_space<vmem>>, vector<16xf32>,
        %mul3A_743 = arith.mulf %mul3A_708, %get3A_742 : vector<16xf32>
        %swap3A_744 = arith.index_cast %add3A_701 : i32 to index
        %swap3A_745 = arith.constant 64 : index
        %swap3A_746 = tpu.vector_load %arg16[%swap3A_744, %swap3A_745] {strides = array<i32>} : memref<40x128xf32, #tpu.memory_space<vmem>>, vector<16xf32>,
        tpu.vector_store %arg16[%swap3A_744, %swap3A_745], %mul3A_743 {strides = array<i32>} : memref<40x128xf32, #tpu.memory_space<vmem>>, vector<16xf32>,
        %get3A_747 = arith.index_cast %add3A_701 : i32 to index
        %get3A_748 = arith.constant 80 : index
        %get3A_749 = tpu.vector_load %arg16[%get3A_747, %get3A_748] {strides = array<i32>} : memref<40x128xf32, #tpu.memory_space<vmem>>, vector<16xf32>,
        %mul3A_750 = arith.mulf %mul3A_708, %get3A_749 : vector<16xf32>
        %swap3A_751 = arith.index_cast %add3A_701 : i32 to index
        %swap3A_752 = arith.constant 80 : index
        %swap3A_753 = tpu.vector_load %arg16[%swap3A_751, %swap3A_752] {strides = array<i32>} : memref<40x128xf32, #tpu.memory_space<vmem>>, vector<16xf32>,
        tpu.vector_store %arg16[%swap3A_751, %swap3A_752], %mul3A_750 {strides = array<i32>} : memref<40x128xf32, #tpu.memory_space<vmem>>, vector<16xf32>,
        %get3A_754 = arith.index_cast %add3A_701 : i32 to index
        %get3A_755 = arith.constant 96 : index
        %get3A_756 = tpu.vector_load %arg16[%get3A_754, %get3A_755] {strides = array<i32>} : memref<40x128xf32, #tpu.memory_space<vmem>>, vector<16xf32>,
        %mul3A_757 = arith.mulf %mul3A_708, %get3A_756 : vector<16xf32>
        %swap3A_758 = arith.index_cast %add3A_701 : i32 to index
        %swap3A_759 = arith.constant 96 : index
        %swap3A_760 = tpu.vector_load %arg16[%swap3A_758, %swap3A_759] {strides = array<i32>} : memref<40x128xf32, #tpu.memory_space<vmem>>, vector<16xf32>,
        tpu.vector_store %arg16[%swap3A_758, %swap3A_759], %mul3A_757 {strides = array<i32>} : memref<40x128xf32, #tpu.memory_space<vmem>>, vector<16xf32>,
        %get3A_761 = arith.index_cast %add3A_701 : i32 to index
        %get3A_762 = arith.constant 112 : index
        %get3A_763 = tpu.vector_load %arg16[%get3A_761, %get3A_762] {strides = array<i32>} : memref<40x128xf32, #tpu.memory_space<vmem>>, vector<16xf32>,
        %mul3A_764 = arith.mulf %mul3A_708, %get3A_763 : vector<16xf32>
        %swap3A_765 = arith.index_cast %add3A_701 : i32 to index
        %swap3A_766 = arith.constant 112 : index
        %swap3A_767 = tpu.vector_load %arg16[%swap3A_765, %swap3A_766] {strides = array<i32>} : memref<40x128xf32, #tpu.memory_space<vmem>>, vector<16xf32>,
        tpu.vector_store %arg16[%swap3A_765, %swap3A_766], %mul3A_764 {strides = array<i32>} : memref<40x128xf32, #tpu.memory_space<vmem>>, vector<16xf32>,
        %mul3A_768 = arith.constant 8 : i32
        %mul3A_769 = arith.muli %mul3A_768, %scan3A_349 : i32
        %add3A_770 = arith.constant 6 : i32
        %add3A_771 = arith.addi %mul3A_769, %add3A_770 : i32
        %get3A_772 = arith.index_cast %scan3A_349 : i32 to index
        %get3A_773 = arith.constant 96 : index
        %get3A_774 = tpu.vector_load %arg12[%get3A_772, %get3A_773] {strides = array<i32>} : memref<5x128xf32, #tpu.memory_space<vmem>>, vector<16xf32>,
        %get3A_775 = arith.index_cast %add3A_771 : i32 to index
        %get3A_776 = arith.constant 0 : index
        %get3A_777 = tpu.vector_load %arg14[%get3A_775, %get3A_776] {strides = array<i32>} : memref<40x16xf32, #tpu.memory_space<vmem>>, vector<16xf32>,
        %mul3A_778 = arith.mulf %get3A_774, %get3A_777 : vector<16xf32>
        %swap3A_779 = arith.index_cast %scan3A_349 : i32 to index
        %swap3A_780 = arith.constant 96 : index
        %swap3A_781 = tpu.vector_load %arg18[%swap3A_779, %swap3A_780] {strides = array<i32>} : memref<5x128xf32, #tpu.memory_space<vmem>>, vector<16xf32>,
        tpu.vector_store %arg18[%swap3A_779, %swap3A_780], %mul3A_778 {strides = array<i32>} : memref<5x128xf32, #tpu.memory_space<vmem>>, vector<16xf32>,
        %get3A_782 = arith.index_cast %add3A_771 : i32 to index
        %get3A_783 = arith.constant 0 : index
        %get3A_784 = tpu.vector_load %arg16[%get3A_782, %get3A_783] {strides = array<i32>} : memref<40x128xf32, #tpu.memory_space<vmem>>, vector<16xf32>,
        %mul3A_785 = arith.mulf %mul3A_778, %get3A_784 : vector<16xf32>
        %swap3A_786 = arith.index_cast %add3A_771 : i32 to index
        %swap3A_787 = arith.constant 0 : index
        %swap3A_788 = tpu.vector_load %arg16[%swap3A_786, %swap3A_787] {strides = array<i32>} : memref<40x128xf32, #tpu.memory_space<vmem>>, vector<16xf32>,
        tpu.vector_store %arg16[%swap3A_786, %swap3A_787], %mul3A_785 {strides = array<i32>} : memref<40x128xf32, #tpu.memory_space<vmem>>, vector<16xf32>,
        %get3A_789 = arith.index_cast %add3A_771 : i32 to index
        %get3A_790 = arith.constant 16 : index
        %get3A_791 = tpu.vector_load %arg16[%get3A_789, %get3A_790] {strides = array<i32>} : memref<40x128xf32, #tpu.memory_space<vmem>>, vector<16xf32>,
        %mul3A_792 = arith.mulf %mul3A_778, %get3A_791 : vector<16xf32>
        %swap3A_793 = arith.index_cast %add3A_771 : i32 to index
        %swap3A_794 = arith.constant 16 : index
        %swap3A_795 = tpu.vector_load %arg16[%swap3A_793, %swap3A_794] {strides = array<i32>} : memref<40x128xf32, #tpu.memory_space<vmem>>, vector<16xf32>,
        tpu.vector_store %arg16[%swap3A_793, %swap3A_794], %mul3A_792 {strides = array<i32>} : memref<40x128xf32, #tpu.memory_space<vmem>>, vector<16xf32>,
        %get3A_796 = arith.index_cast %add3A_771 : i32 to index
        %get3A_797 = arith.constant 32 : index
        %get3A_798 = tpu.vector_load %arg16[%get3A_796, %get3A_797] {strides = array<i32>} : memref<40x128xf32, #tpu.memory_space<vmem>>, vector<16xf32>,
        %mul3A_799 = arith.mulf %mul3A_778, %get3A_798 : vector<16xf32>
        %swap3A_800 = arith.index_cast %add3A_771 : i32 to index
        %swap3A_801 = arith.constant 32 : index
        %swap3A_802 = tpu.vector_load %arg16[%swap3A_800, %swap3A_801] {strides = array<i32>} : memref<40x128xf32, #tpu.memory_space<vmem>>, vector<16xf32>,
        tpu.vector_store %arg16[%swap3A_800, %swap3A_801], %mul3A_799 {strides = array<i32>} : memref<40x128xf32, #tpu.memory_space<vmem>>, vector<16xf32>,
        %get3A_803 = arith.index_cast %add3A_771 : i32 to index
        %get3A_804 = arith.constant 48 : index
        %get3A_805 = tpu.vector_load %arg16[%get3A_803, %get3A_804] {strides = array<i32>} : memref<40x128xf32, #tpu.memory_space<vmem>>, vector<16xf32>,
        %mul3A_806 = arith.mulf %mul3A_778, %get3A_805 : vector<16xf32>
        %swap3A_807 = arith.index_cast %add3A_771 : i32 to index
        %swap3A_808 = arith.constant 48 : index
        %swap3A_809 = tpu.vector_load %arg16[%swap3A_807, %swap3A_808] {strides = array<i32>} : memref<40x128xf32, #tpu.memory_space<vmem>>, vector<16xf32>,
        tpu.vector_store %arg16[%swap3A_807, %swap3A_808], %mul3A_806 {strides = array<i32>} : memref<40x128xf32, #tpu.memory_space<vmem>>, vector<16xf32>,
        %get3A_810 = arith.index_cast %add3A_771 : i32 to index
        %get3A_811 = arith.constant 64 : index
        %get3A_812 = tpu.vector_load %arg16[%get3A_810, %get3A_811] {strides = array<i32>} : memref<40x128xf32, #tpu.memory_space<vmem>>, vector<16xf32>,
        %mul3A_813 = arith.mulf %mul3A_778, %get3A_812 : vector<16xf32>
        %swap3A_814 = arith.index_cast %add3A_771 : i32 to index
        %swap3A_815 = arith.constant 64 : index
        %swap3A_816 = tpu.vector_load %arg16[%swap3A_814, %swap3A_815] {strides = array<i32>} : memref<40x128xf32, #tpu.memory_space<vmem>>, vector<16xf32>,
        tpu.vector_store %arg16[%swap3A_814, %swap3A_815], %mul3A_813 {strides = array<i32>} : memref<40x128xf32, #tpu.memory_space<vmem>>, vector<16xf32>,
        %get3A_817 = arith.index_cast %add3A_771 : i32 to index
        %get3A_818 = arith.constant 80 : index
        %get3A_819 = tpu.vector_load %arg16[%get3A_817, %get3A_818] {strides = array<i32>} : memref<40x128xf32, #tpu.memory_space<vmem>>, vector<16xf32>,
        %mul3A_820 = arith.mulf %mul3A_778, %get3A_819 : vector<16xf32>
        %swap3A_821 = arith.index_cast %add3A_771 : i32 to index
        %swap3A_822 = arith.constant 80 : index
        %swap3A_823 = tpu.vector_load %arg16[%swap3A_821, %swap3A_822] {strides = array<i32>} : memref<40x128xf32, #tpu.memory_space<vmem>>, vector<16xf32>,
        tpu.vector_store %arg16[%swap3A_821, %swap3A_822], %mul3A_820 {strides = array<i32>} : memref<40x128xf32, #tpu.memory_space<vmem>>, vector<16xf32>,
        %get3A_824 = arith.index_cast %add3A_771 : i32 to index
        %get3A_825 = arith.constant 96 : index
        %get3A_826 = tpu.vector_load %arg16[%get3A_824, %get3A_825] {strides = array<i32>} : memref<40x128xf32, #tpu.memory_space<vmem>>, vector<16xf32>,
        %mul3A_827 = arith.mulf %mul3A_778, %get3A_826 : vector<16xf32>
        %swap3A_828 = arith.index_cast %add3A_771 : i32 to index
        %swap3A_829 = arith.constant 96 : index
        %swap3A_830 = tpu.vector_load %arg16[%swap3A_828, %swap3A_829] {strides = array<i32>} : memref<40x128xf32, #tpu.memory_space<vmem>>, vector<16xf32>,
        tpu.vector_store %arg16[%swap3A_828, %swap3A_829], %mul3A_827 {strides = array<i32>} : memref<40x128xf32, #tpu.memory_space<vmem>>, vector<16xf32>,
        %get3A_831 = arith.index_cast %add3A_771 : i32 to index
        %get3A_832 = arith.constant 112 : index
        %get3A_833 = tpu.vector_load %arg16[%get3A_831, %get3A_832] {strides = array<i32>} : memref<40x128xf32, #tpu.memory_space<vmem>>, vector<16xf32>,
        %mul3A_834 = arith.mulf %mul3A_778, %get3A_833 : vector<16xf32>
        %swap3A_835 = arith.index_cast %add3A_771 : i32 to index
        %swap3A_836 = arith.constant 112 : index
        %swap3A_837 = tpu.vector_load %arg16[%swap3A_835, %swap3A_836] {strides = array<i32>} : memref<40x128xf32, #tpu.memory_space<vmem>>, vector<16xf32>,
        tpu.vector_store %arg16[%swap3A_835, %swap3A_836], %mul3A_834 {strides = array<i32>} : memref<40x128xf32, #tpu.memory_space<vmem>>, vector<16xf32>,
        %mul3A_838 = arith.constant 8 : i32
        %mul3A_839 = arith.muli %mul3A_838, %scan3A_349 : i32
        %add3A_840 = arith.constant 7 : i32
        %add3A_841 = arith.addi %mul3A_839, %add3A_840 : i32
        %get3A_842 = arith.index_cast %scan3A_349 : i32 to index
        %get3A_843 = arith.constant 112 : index
        %get3A_844 = tpu.vector_load %arg12[%get3A_842, %get3A_843] {strides = array<i32>} : memref<5x128xf32, #tpu.memory_space<vmem>>, vector<16xf32>,
        %get3A_845 = arith.index_cast %add3A_841 : i32 to index
        %get3A_846 = arith.constant 0 : index
        %get3A_847 = tpu.vector_load %arg14[%get3A_845, %get3A_846] {strides = array<i32>} : memref<40x16xf32, #tpu.memory_space<vmem>>, vector<16xf32>,
        %mul3A_848 = arith.mulf %get3A_844, %get3A_847 : vector<16xf32>
        %swap3A_849 = arith.index_cast %scan3A_349 : i32 to index
        %swap3A_850 = arith.constant 112 : index
        %swap3A_851 = tpu.vector_load %arg18[%swap3A_849, %swap3A_850] {strides = array<i32>} : memref<5x128xf32, #tpu.memory_space<vmem>>, vector<16xf32>,
        tpu.vector_store %arg18[%swap3A_849, %swap3A_850], %mul3A_848 {strides = array<i32>} : memref<5x128xf32, #tpu.memory_space<vmem>>, vector<16xf32>,
        %get3A_852 = arith.index_cast %add3A_841 : i32 to index
        %get3A_853 = arith.constant 0 : index
        %get3A_854 = tpu.vector_load %arg16[%get3A_852, %get3A_853] {strides = array<i32>} : memref<40x128xf32, #tpu.memory_space<vmem>>, vector<16xf32>,
        %mul3A_855 = arith.mulf %mul3A_848, %get3A_854 : vector<16xf32>
        %swap3A_856 = arith.index_cast %add3A_841 : i32 to index
        %swap3A_857 = arith.constant 0 : index
        %swap3A_858 = tpu.vector_load %arg16[%swap3A_856, %swap3A_857] {strides = array<i32>} : memref<40x128xf32, #tpu.memory_space<vmem>>, vector<16xf32>,
        tpu.vector_store %arg16[%swap3A_856, %swap3A_857], %mul3A_855 {strides = array<i32>} : memref<40x128xf32, #tpu.memory_space<vmem>>, vector<16xf32>,
        %get3A_859 = arith.index_cast %add3A_841 : i32 to index
        %get3A_860 = arith.constant 16 : index
        %get3A_861 = tpu.vector_load %arg16[%get3A_859, %get3A_860] {strides = array<i32>} : memref<40x128xf32, #tpu.memory_space<vmem>>, vector<16xf32>,
        %mul3A_862 = arith.mulf %mul3A_848, %get3A_861 : vector<16xf32>
        %swap3A_863 = arith.index_cast %add3A_841 : i32 to index
        %swap3A_864 = arith.constant 16 : index
        %swap3A_865 = tpu.vector_load %arg16[%swap3A_863, %swap3A_864] {strides = array<i32>} : memref<40x128xf32, #tpu.memory_space<vmem>>, vector<16xf32>,
        tpu.vector_store %arg16[%swap3A_863, %swap3A_864], %mul3A_862 {strides = array<i32>} : memref<40x128xf32, #tpu.memory_space<vmem>>, vector<16xf32>,
        %get3A_866 = arith.index_cast %add3A_841 : i32 to index
        %get3A_867 = arith.constant 32 : index
        %get3A_868 = tpu.vector_load %arg16[%get3A_866, %get3A_867] {strides = array<i32>} : memref<40x128xf32, #tpu.memory_space<vmem>>, vector<16xf32>,
        %mul3A_869 = arith.mulf %mul3A_848, %get3A_868 : vector<16xf32>
        %swap3A_870 = arith.index_cast %add3A_841 : i32 to index
        %swap3A_871 = arith.constant 32 : index
        %swap3A_872 = tpu.vector_load %arg16[%swap3A_870, %swap3A_871] {strides = array<i32>} : memref<40x128xf32, #tpu.memory_space<vmem>>, vector<16xf32>,
        tpu.vector_store %arg16[%swap3A_870, %swap3A_871], %mul3A_869 {strides = array<i32>} : memref<40x128xf32, #tpu.memory_space<vmem>>, vector<16xf32>,
        %get3A_873 = arith.index_cast %add3A_841 : i32 to index
        %get3A_874 = arith.constant 48 : index
        %get3A_875 = tpu.vector_load %arg16[%get3A_873, %get3A_874] {strides = array<i32>} : memref<40x128xf32, #tpu.memory_space<vmem>>, vector<16xf32>,
        %mul3A_876 = arith.mulf %mul3A_848, %get3A_875 : vector<16xf32>
        %swap3A_877 = arith.index_cast %add3A_841 : i32 to index
        %swap3A_878 = arith.constant 48 : index
        %swap3A_879 = tpu.vector_load %arg16[%swap3A_877, %swap3A_878] {strides = array<i32>} : memref<40x128xf32, #tpu.memory_space<vmem>>, vector<16xf32>,
        tpu.vector_store %arg16[%swap3A_877, %swap3A_878], %mul3A_876 {strides = array<i32>} : memref<40x128xf32, #tpu.memory_space<vmem>>, vector<16xf32>,
        %get3A_880 = arith.index_cast %add3A_841 : i32 to index
        %get3A_881 = arith.constant 64 : index
        %get3A_882 = tpu.vector_load %arg16[%get3A_880, %get3A_881] {strides = array<i32>} : memref<40x128xf32, #tpu.memory_space<vmem>>, vector<16xf32>,
        %mul3A_883 = arith.mulf %mul3A_848, %get3A_882 : vector<16xf32>
        %swap3A_884 = arith.index_cast %add3A_841 : i32 to index
        %swap3A_885 = arith.constant 64 : index
        %swap3A_886 = tpu.vector_load %arg16[%swap3A_884, %swap3A_885] {strides = array<i32>} : memref<40x128xf32, #tpu.memory_space<vmem>>, vector<16xf32>,
        tpu.vector_store %arg16[%swap3A_884, %swap3A_885], %mul3A_883 {strides = array<i32>} : memref<40x128xf32, #tpu.memory_space<vmem>>, vector<16xf32>,
        %get3A_887 = arith.index_cast %add3A_841 : i32 to index
        %get3A_888 = arith.constant 80 : index
        %get3A_889 = tpu.vector_load %arg16[%get3A_887, %get3A_888] {strides = array<i32>} : memref<40x128xf32, #tpu.memory_space<vmem>>, vector<16xf32>,
        %mul3A_890 = arith.mulf %mul3A_848, %get3A_889 : vector<16xf32>
        %swap3A_891 = arith.index_cast %add3A_841 : i32 to index
        %swap3A_892 = arith.constant 80 : index
        %swap3A_893 = tpu.vector_load %arg16[%swap3A_891, %swap3A_892] {strides = array<i32>} : memref<40x128xf32, #tpu.memory_space<vmem>>, vector<16xf32>,
        tpu.vector_store %arg16[%swap3A_891, %swap3A_892], %mul3A_890 {strides = array<i32>} : memref<40x128xf32, #tpu.memory_space<vmem>>, vector<16xf32>,
        %get3A_894 = arith.index_cast %add3A_841 : i32 to index
        %get3A_895 = arith.constant 96 : index
        %get3A_896 = tpu.vector_load %arg16[%get3A_894, %get3A_895] {strides = array<i32>} : memref<40x128xf32, #tpu.memory_space<vmem>>, vector<16xf32>,
        %mul3A_897 = arith.mulf %mul3A_848, %get3A_896 : vector<16xf32>
        %swap3A_898 = arith.index_cast %add3A_841 : i32 to index
        %swap3A_899 = arith.constant 96 : index
        %swap3A_900 = tpu.vector_load %arg16[%swap3A_898, %swap3A_899] {strides = array<i32>} : memref<40x128xf32, #tpu.memory_space<vmem>>, vector<16xf32>,
        tpu.vector_store %arg16[%swap3A_898, %swap3A_899], %mul3A_897 {strides = array<i32>} : memref<40x128xf32, #tpu.memory_space<vmem>>, vector<16xf32>,
        %get3A_901 = arith.index_cast %add3A_841 : i32 to index
        %get3A_902 = arith.constant 112 : index
        %get3A_903 = tpu.vector_load %arg16[%get3A_901, %get3A_902] {strides = array<i32>} : memref<40x128xf32, #tpu.memory_space<vmem>>, vector<16xf32>,
        %mul3A_904 = arith.mulf %mul3A_848, %get3A_903 : vector<16xf32>
        %swap3A_905 = arith.index_cast %add3A_841 : i32 to index
        %swap3A_906 = arith.constant 112 : index
        %swap3A_907 = tpu.vector_load %arg16[%swap3A_905, %swap3A_906] {strides = array<i32>} : memref<40x128xf32, #tpu.memory_space<vmem>>, vector<16xf32>,
        tpu.vector_store %arg16[%swap3A_905, %swap3A_906], %mul3A_904 {strides = array<i32>} : memref<40x128xf32, #tpu.memory_space<vmem>>, vector<16xf32>,
      }
      %scan3A_308 = arith.constant 5 : i32
      %mul3A_309 = arith.constant 40 : i32
      %mul3A_310 = arith.muli %add3A_251, %mul3A_309 : i32
      %add3A_311 = arith.addi %mul3A_2, %mul3A_310 : i32
      %jit3A_312 = arith.constant 8 : i32
      %div3A_313 = arith.divsi %add3A_311, %jit3A_312 : i32
      %sign3A_314 = arith.constant 0 : i32
      %sign3A_315 = arith.cmpi sgt, %add3A_311, %sign3A_314 : i32
      %sign3A_316 = arith.extui %sign3A_315 : i1 to i32
      %sign3A_317 = arith.constant 0 : i32
      %sign3A_318 = arith.cmpi slt, %add3A_311, %sign3A_317 : i32
      %sign3A_319 = arith.extui %sign3A_318 : i1 to i32
      %sign3A_320 = arith.subi %sign3A_316, %sign3A_319 : i32
      %sign3A_321 = arith.constant 0 : i32
      %sign3A_322 = arith.cmpi sgt, %jit3A_312, %sign3A_321 : i32
      %sign3A_323 = arith.extui %sign3A_322 : i1 to i32
      %sign3A_324 = arith.constant 0 : i32
      %sign3A_325 = arith.cmpi slt, %jit3A_312, %sign3A_324 : i32
      %sign3A_326 = arith.extui %sign3A_325 : i1 to i32
      %sign3A_327 = arith.subi %sign3A_323, %sign3A_326 : i32
      %ne3A_328 = arith.cmpi ne, %sign3A_320, %sign3A_327 : i32
      %rem3A_329 = arith.remsi %add3A_311, %jit3A_312 : i32
      %ne3A_330 = arith.constant 0 : i32
      %ne3A_331 = arith.cmpi ne, %rem3A_329, %ne3A_330 : i32
      %and3A_332 = arith.andi %ne3A_328, %ne3A_331 : i1
      %sub3A_333 = arith.constant 1 : i32
      %sub3A_334 = arith.subi %div3A_313, %sub3A_333 : i32
      %select_n3A_335 = arith.select %and3A_332, %sub3A_334, %div3A_313 : i32
      %dma_start3A_336 = arith.constant 0 : i32
      %dma_start3A_337 = tpu.memref_slice %arg7[%select_n3A_335, %dma_start3A_336] : memref<40000x128xf32, #tpu.memory_space<hbm>> -> memref<5x128xf32, #tpu.memory_space<hbm>>
      %dma_start3A_338 = arith.constant 0 : i32
      %dma_start3A_339 = tpu.memref_slice %arg7[%select_n3A_335, %dma_start3A_338] : memref<40000x128xf32, #tpu.memory_space<hbm>> -> memref<5x128xf32, #tpu.memory_space<hbm>>
      tpu.enqueue_dma source(%arg18 : memref<5x128xf32, #tpu.memory_space<vmem>>) target(%dma_start3A_339 : memref<5x128xf32, #tpu.memory_space<hbm>>) target_semaphore(%arg23 : memref<!tpu.dma_semaphore, #tpu.memory_space<semaphore_mem>>)
      %mul3A_340 = arith.constant 40 : i32
      %mul3A_341 = arith.muli %add3A_251, %mul3A_340 : i32
      "tpu.region"() ({
        %run_scoped3A_349 = tpu.sem_alloc : memref<!tpu.dma_semaphore, #tpu.memory_space<semaphore_mem>>
        %dma_start3A_350 = tpu.memref_slice %arg10[%mul3A_341] : memref<10000xi32, #tpu.memory_space<vmem>> -> memref<40xi32, #tpu.memory_space<vmem>>
        %dma_start3A_351 = arith.constant 0 : i32
        %dma_start3A_352 = arith.constant 0 : i32
        %dma_start3A_353 = tpu.memref_slice %arg19[%dma_start3A_351, %dma_start3A_352] : memref<10240x128xf32, #tpu.memory_space<vmem_shared>> -> memref<10240x128xf32, #tpu.memory_space<vmem_shared>>
        tpu.enqueue_indirect_dma source(%arg16 : memref<40x128xf32, #tpu.memory_space<vmem>>) target(%dma_start3A_353 : memref<10240x128xf32, #tpu.memory_space<vmem_shared>>) offsets(%dma_start3A_350 : memref<40xi32, #tpu.memory_space<vmem>>) semaphore(%run_scoped3A_349 : memref<!tpu.dma_semaphore, #tpu.memory_space<semaphore_mem>>) {add = true}
        %dma_wait3A_354 = tpu.memref_slice %arg10[%mul3A_341] : memref<10000xi32, #tpu.memory_space<vmem>> -> memref<40xi32, #tpu.memory_space<vmem>>
        %dma_wait3A_355 = arith.constant 0 : i32
        %dma_wait3A_356 = arith.constant 0 : i32
        %dma_wait3A_357 = tpu.memref_slice %arg19[%dma_wait3A_355, %dma_wait3A_356] : memref<10240x128xf32, #tpu.memory_space<vmem_shared>> -> memref<10240x128xf32, #tpu.memory_space<vmem_shared>>
        tpu.wait_indirect_dma semaphore(%run_scoped3A_349 : memref<!tpu.dma_semaphore, #tpu.memory_space<semaphore_mem>>) src(%arg16 : memref<40x128xf32, #tpu.memory_space<vmem>>) dst(%dma_wait3A_357 : memref<10240x128xf32, #tpu.memory_space<vmem_shared>>)
        tpu.yield
      }) : () -> ()
      %add3A_342 = arith.constant 2 : i32
      %add3A_343 = arith.addi %add3A_251, %add3A_342 : i32
      %lt3A_344 = arith.constant 250 : i32
      %lt3A_345 = arith.cmpi slt, %add3A_343, %lt3A_344 : i32
      %convert_element_type3A_346 = arith.extui %lt3A_345 : i1 to i32
      %cond3A_347 = arith.constant 0 : i32
      %cond3A_348 = arith.cmpi ne, %convert_element_type3A_346, %cond3A_347 : i32
      scf.if %cond3A_348 {
        %add3A_349 = arith.constant 2 : i32
        %add3A_350 = arith.addi %add3A_251, %add3A_349 : i32
        %mul3A_351 = arith.constant 40 : i32
        %mul3A_352 = arith.muli %add3A_350, %mul3A_351 : i32
        %add3A_353 = arith.addi %mul3A_2, %mul3A_352 : i32
        %mul3A_354 = arith.constant 40 : i32
        %mul3A_355 = arith.muli %add3A_350, %mul3A_354 : i32
        %mul3A_356 = arith.constant 40 : i32
        %mul3A_357 = arith.muli %add3A_350, %mul3A_356 : i32
        %add3A_358 = arith.addi %mul3A_2, %mul3A_357 : i32
        %jit3A_359 = arith.constant 8 : i32
        %div3A_360 = arith.divsi %add3A_358, %jit3A_359 : i32
        %sign3A_361 = arith.constant 0 : i32
        %sign3A_362 = arith.cmpi sgt, %add3A_358, %sign3A_361 : i32
        %sign3A_363 = arith.extui %sign3A_362 : i1 to i32
        %sign3A_364 = arith.constant 0 : i32
        %sign3A_365 = arith.cmpi slt, %add3A_358, %sign3A_364 : i32
        %sign3A_366 = arith.extui %sign3A_365 : i1 to i32
        %sign3A_367 = arith.subi %sign3A_363, %sign3A_366 : i32
        %sign3A_368 = arith.constant 0 : i32
        %sign3A_369 = arith.cmpi sgt, %jit3A_359, %sign3A_368 : i32
        %sign3A_370 = arith.extui %sign3A_369 : i1 to i32
        %sign3A_371 = arith.constant 0 : i32
        %sign3A_372 = arith.cmpi slt, %jit3A_359, %sign3A_371 : i32
        %sign3A_373 = arith.extui %sign3A_372 : i1 to i32
        %sign3A_374 = arith.subi %sign3A_370, %sign3A_373 : i32
        %ne3A_375 = arith.cmpi ne, %sign3A_367, %sign3A_374 : i32
        %rem3A_376 = arith.remsi %add3A_358, %jit3A_359 : i32
        %ne3A_377 = arith.constant 0 : i32
        %ne3A_378 = arith.cmpi ne, %rem3A_376, %ne3A_377 : i32
        %and3A_379 = arith.andi %ne3A_375, %ne3A_378 : i1
        %sub3A_380 = arith.constant 1 : i32
        %sub3A_381 = arith.subi %div3A_360, %sub3A_380 : i32
        %select_n3A_382 = arith.select %and3A_379, %sub3A_381, %div3A_360 : i32
        %dma_start3A_383 = arith.constant 0 : i32
        %dma_start3A_384 = tpu.memref_slice %arg3[%select_n3A_382, %dma_start3A_383] : memref<40000x128xf32, #tpu.memory_space<hbm>> -> memref<5x128xf32, #tpu.memory_space<hbm>>
        %dma_start3A_385 = arith.constant 0 : i32
        %dma_start3A_386 = tpu.memref_slice %arg3[%select_n3A_382, %dma_start3A_385] : memref<40000x128xf32, #tpu.memory_space<hbm>> -> memref<5x128xf32, #tpu.memory_space<hbm>>
        tpu.enqueue_dma source(%dma_start3A_386 : memref<5x128xf32, #tpu.memory_space<hbm>>) target(%arg12 : memref<5x128xf32, #tpu.memory_space<vmem>>) target_semaphore(%arg21 : memref<!tpu.dma_semaphore, #tpu.memory_space<semaphore_mem>>)
        %dma_start3A_387 = tpu.memref_slice %arg10[%mul3A_355] : memref<10000xi32, #tpu.memory_space<vmem>> -> memref<40xi32, #tpu.memory_space<vmem>>
        %dma_start3A_388 = arith.constant 0 : i32
        %dma_start3A_389 = arith.constant 0 : i32
        %dma_start3A_390 = tpu.memref_slice %arg4[%dma_start3A_388, %dma_start3A_389] : memref<10240x16xf32, #tpu.memory_space<hbm>> -> memref<10240x16xf32, #tpu.memory_space<hbm>>
        tpu.enqueue_indirect_dma source(%dma_start3A_390 : memref<10240x16xf32, #tpu.memory_space<hbm>>) target(%arg14 : memref<40x16xf32, #tpu.memory_space<vmem>>) offsets(%dma_start3A_387 : memref<40xi32, #tpu.memory_space<vmem>>) semaphore(%arg21 : memref<!tpu.dma_semaphore, #tpu.memory_space<semaphore_mem>>)
        %dma_start3A_391 = tpu.memref_slice %arg9[%mul3A_355] : memref<10000xi32, #tpu.memory_space<vmem>> -> memref<40xi32, #tpu.memory_space<vmem>>
        %dma_start3A_392 = arith.constant 0 : i32
        %dma_start3A_393 = arith.constant 0 : i32
        %dma_start3A_394 = tpu.memref_slice %arg5[%dma_start3A_392, %dma_start3A_393] : memref<10000x128xf32, #tpu.memory_space<hbm>> -> memref<10000x128xf32, #tpu.memory_space<hbm>>
        tpu.enqueue_indirect_dma source(%dma_start3A_394 : memref<10000x128xf32, #tpu.memory_space<hbm>>) target(%arg16 : memref<40x128xf32, #tpu.memory_space<vmem>>) offsets(%dma_start3A_391 : memref<40xi32, #tpu.memory_space<vmem>>) semaphore(%arg21 : memref<!tpu.dma_semaphore, #tpu.memory_space<semaphore_mem>>)
      } else {
      }
    }
    %scan3A_87 = arith.constant 125 : i32
    %add3A_88 = arith.constant 9920 : i32
    %add3A_89 = arith.addi %mul3A_2, %add3A_88 : i32
    %jit3A_90 = arith.constant 8 : i32
    %div3A_91 = arith.divsi %add3A_89, %jit3A_90 : i32
    %sign3A_92 = arith.constant 0 : i32
    %sign3A_93 = arith.cmpi sgt, %add3A_89, %sign3A_92 : i32
    %sign3A_94 = arith.extui %sign3A_93 : i1 to i32
    %sign3A_95 = arith.constant 0 : i32
    %sign3A_96 = arith.cmpi slt, %add3A_89, %sign3A_95 : i32
    %sign3A_97 = arith.extui %sign3A_96 : i1 to i32
    %sign3A_98 = arith.subi %sign3A_94, %sign3A_97 : i32
    %sign3A_99 = arith.constant 0 : i32
    %sign3A_100 = arith.cmpi sgt, %jit3A_90, %sign3A_99 : i32
    %sign3A_101 = arith.extui %sign3A_100 : i1 to i32
    %sign3A_102 = arith.constant 0 : i32
    %sign3A_103 = arith.cmpi slt, %jit3A_90, %sign3A_102 : i32
    %sign3A_104 = arith.extui %sign3A_103 : i1 to i32
    %sign3A_105 = arith.subi %sign3A_101, %sign3A_104 : i32
    %ne3A_106 = arith.cmpi ne, %sign3A_98, %sign3A_105 : i32
    %rem3A_107 = arith.remsi %add3A_89, %jit3A_90 : i32
    %ne3A_108 = arith.constant 0 : i32
    %ne3A_109 = arith.cmpi ne, %rem3A_107, %ne3A_108 : i32
    %and3A_110 = arith.andi %ne3A_106, %ne3A_109 : i1
    %sub3A_111 = arith.constant 1 : i32
    %sub3A_112 = arith.subi %div3A_91, %sub3A_111 : i32
    %select_n3A_113 = arith.select %and3A_110, %sub3A_112, %div3A_91 : i32
    %dma_wait3A = arith.constant 0 : i32
    %dma_wait3A_114 = tpu.memref_slice %arg7[%select_n3A_113, %dma_wait3A] : memref<40000x128xf32, #tpu.memory_space<hbm>> -> memref<5x128xf32, #tpu.memory_space<hbm>>
    %dma_wait3A_115 = arith.constant 0 : i32
    %dma_wait3A_116 = tpu.memref_slice %arg7[%select_n3A_113, %dma_wait3A_115] : memref<40000x128xf32, #tpu.memory_space<hbm>> -> memref<5x128xf32, #tpu.memory_space<hbm>>
    tpu.wait_dma2 semaphore(%arg22 : memref<!tpu.dma_semaphore, #tpu.memory_space<semaphore_mem>>) src(%arg17 : memref<5x128xf32, #tpu.memory_space<vmem>>) dst(%dma_wait3A_116 : memref<5x128xf32, #tpu.memory_space<hbm>>)
    %add3A_117 = arith.constant 9960 : i32
    %add3A_118 = arith.addi %mul3A_2, %add3A_117 : i32
    %jit3A_119 = arith.constant 8 : i32
    %div3A_120 = arith.divsi %add3A_118, %jit3A_119 : i32
    %sign3A_121 = arith.constant 0 : i32
    %sign3A_122 = arith.cmpi sgt, %add3A_118, %sign3A_121 : i32
    %sign3A_123 = arith.extui %sign3A_122 : i1 to i32
    %sign3A_124 = arith.constant 0 : i32
    %sign3A_125 = arith.cmpi slt, %add3A_118, %sign3A_124 : i32
    %sign3A_126 = arith.extui %sign3A_125 : i1 to i32
    %sign3A_127 = arith.subi %sign3A_123, %sign3A_126 : i32
    %sign3A_128 = arith.constant 0 : i32
    %sign3A_129 = arith.cmpi sgt, %jit3A_119, %sign3A_128 : i32
    %sign3A_130 = arith.extui %sign3A_129 : i1 to i32
    %sign3A_131 = arith.constant 0 : i32
    %sign3A_132 = arith.cmpi slt, %jit3A_119, %sign3A_131 : i32
    %sign3A_133 = arith.extui %sign3A_132 : i1 to i32
    %sign3A_134 = arith.subi %sign3A_130, %sign3A_133 : i32
    %ne3A_135 = arith.cmpi ne, %sign3A_127, %sign3A_134 : i32
    %rem3A_136 = arith.remsi %add3A_118, %jit3A_119 : i32
    %ne3A_137 = arith.constant 0 : i32
    %ne3A_138 = arith.cmpi ne, %rem3A_136, %ne3A_137 : i32
    %and3A_139 = arith.andi %ne3A_135, %ne3A_138 : i1
    %sub3A_140 = arith.constant 1 : i32
    %sub3A_141 = arith.subi %div3A_120, %sub3A_140 : i32
    %select_n3A_142 = arith.select %and3A_139, %sub3A_141, %div3A_120 : i32
    %dma_wait3A_143 = arith.constant 0 : i32
    %dma_wait3A_144 = tpu.memref_slice %arg7[%select_n3A_142, %dma_wait3A_143] : memref<40000x128xf32, #tpu.memory_space<hbm>> -> memref<5x128xf32, #tpu.memory_space<hbm>>
    %dma_wait3A_145 = arith.constant 0 : i32
    %dma_wait3A_146 = tpu.memref_slice %arg7[%select_n3A_142, %dma_wait3A_145] : memref<40000x128xf32, #tpu.memory_space<hbm>> -> memref<5x128xf32, #tpu.memory_space<hbm>>
    tpu.wait_dma2 semaphore(%arg23 : memref<!tpu.dma_semaphore, #tpu.memory_space<semaphore_mem>>) src(%arg18 : memref<5x128xf32, #tpu.memory_space<vmem>>) dst(%dma_wait3A_146 : memref<5x128xf32, #tpu.memory_space<hbm>>)
    %barrier3A_147 = arith.constant 0 : index
    tpu.barrier barrier_id(%barrier3A_147)
    %mul3A_148 = arith.constant 640 : i32
    %mul3A_149 = arith.muli %arg1, %mul3A_148 : i32
    %mul3A_150 = arith.constant 640 : i32
    %mul3A_151 = arith.muli %arg1, %mul3A_150 : i32
    "tpu.region"() ({
      %run_scoped3A_152 = tpu.sem_alloc : memref<!tpu.dma_semaphore, #tpu.memory_space<semaphore_mem>>
      %dma_start3A_153 = arith.constant 0 : i32
      %dma_start3A_154 = tpu.memref_slice %arg8[%arg0, %mul3A_151, %dma_start3A_153] : memref<2x10240x128xf32, #tpu.memory_space<hbm>> -> memref<1x640x128xf32, #tpu.memory_space<hbm>>
      %dma_start3A_155 = tpu.memref_squeeze %dma_start3A_154 : memref<1x640x128xf32, #tpu.memory_space<hbm>> -> memref<640x128xf32, #tpu.memory_space<hbm>>
      %dma_start3A_156 = arith.constant 0 : i32
      %dma_start3A_157 = tpu.memref_slice %arg19[%mul3A_149, %dma_start3A_156] : memref<10240x128xf32, #tpu.memory_space<vmem_shared>> -> memref<640x128xf32, #tpu.memory_space<vmem_shared>>
      tpu.enqueue_dma source(%dma_start3A_157 : memref<640x128xf32, #tpu.memory_space<vmem_shared>>) target(%dma_start3A_155 : memref<640x128xf32, #tpu.memory_space<hbm>>) target_semaphore(%run_scoped3A_152 : memref<!tpu.dma_semaphore, #tpu.memory_space<semaphore_mem>>)
      %dma_wait3A_158 = arith.constant 0 : i32
      %dma_wait3A_159 = tpu.memref_slice %arg8[%arg0, %mul3A_151, %dma_wait3A_158] : memref<2x10240x128xf32, #tpu.memory_space<hbm>> -> memref<1x640x128xf32, #tpu.memory_space<hbm>>
      %dma_wait3A_160 = tpu.memref_squeeze %dma_wait3A_159 : memref<1x640x128xf32, #tpu.memory_space<hbm>> -> memref<640x128xf32, #tpu.memory_space<hbm>>
      %dma_wait3A_161 = arith.constant 0 : i32
      %dma_wait3A_162 = tpu.memref_slice %arg19[%mul3A_149, %dma_wait3A_161] : memref<10240x128xf32, #tpu.memory_space<vmem_shared>> -> memref<640x128xf32, #tpu.memory_space<vmem_shared>>
      tpu.wait_dma2 semaphore(%run_scoped3A_152 : memref<!tpu.dma_semaphore, #tpu.memory_space<semaphore_mem>>) src(%dma_wait3A_162 : memref<640x128xf32, #tpu.memory_space<vmem_shared>>) dst(%dma_wait3A_160 : memref<640x128xf32, #tpu.memory_space<hbm>>)
      tpu.yield
    }) : () -> ()
    return
  }
}

module attributes {stable_mosaic.version = 14 : i64} {
  func.func @_front_body(%arg0: i32, %arg1: memref<1000x128xf32, #tpu.memory_space<vmem>>, %arg2: memref<128x128xf32, #tpu.memory_space<vmem>>, %arg3: memref<128x16xf32, #tpu.memory_space<vmem>>, %arg4: memref<128x16xf32, #tpu.memory_space<vmem>>, %arg5: memref<1000x128xf32, #tpu.memory_space<vmem>>, %arg6: memref<1000x16xf32, #tpu.memory_space<vmem>>, %arg7: memref<1000x16xf32, #tpu.memory_space<vmem>>) attributes {dimension_semantics = [#tpu.dimension_semantics<arbitrary>], iteration_bounds = array<i64: 10>, scalar_prefetch = 0 : i64, scratch_operands = 0 : i64, tpu.core_type = #tpu.core_type<tc>, window_params = [{transform_indices = @transform_0, window_bounds = array<i64: 1000, 128>}, {pipeline_mode = #tpu.pipeline_mode<synchronous>, transform_indices = @transform_1, window_bounds = array<i64: 128, 128>}, {pipeline_mode = #tpu.pipeline_mode<synchronous>, transform_indices = @transform_2, window_bounds = array<i64: 128, 16>}, {pipeline_mode = #tpu.pipeline_mode<synchronous>, transform_indices = @transform_3, window_bounds = array<i64: 128, 16>}, {transform_indices = @transform_4, window_bounds = array<i64: 1000, 128>}, {transform_indices = @transform_5, window_bounds = array<i64: 1000, 16>}, {transform_indices = @transform_6, window_bounds = array<i64: 1000, 16>}]} {
    %get3A = arith.constant 0 : index
    %get3A_0 = arith.constant 0 : index
    %get3A_1 = vector.load %arg1[%get3A, %get3A_0] : memref<1000x128xf32, #tpu.memory_space<vmem>>, vector<1000x128xf32>
    %get3A_2 = arith.constant 0 : index
    %get3A_3 = arith.constant 0 : index
    %get3A_4 = vector.load %arg2[%get3A_2, %get3A_3] : memref<128x128xf32, #tpu.memory_space<vmem>>, vector<128x128xf32>
    %dot_general3A = arith.constant dense<0.000000e+00> : vector<1000x128xf32>
    %dot_general3A_5 = tpu.matmul %get3A_1, %get3A_4, %dot_general3A {dimension_numbers = #tpu.dot_dimension_numbers<[1], [0], [0], [1], [0, 0, 1, 1], [], []>, transpose_lhs_hint = false} : vector<1000x128xf32>, vector<128x128xf32>, vector<1000x128xf32> -> vector<1000x128xf32>
    %swap3A = arith.constant 0 : index
    %swap3A_6 = arith.constant 0 : index
    %swap3A_7 = vector.load %arg5[%swap3A, %swap3A_6] : memref<1000x128xf32, #tpu.memory_space<vmem>>, vector<1000x128xf32>
    tpu.vector_store %arg5[%swap3A, %swap3A_6], %dot_general3A_5 {strides = array<i32>} : memref<1000x128xf32, #tpu.memory_space<vmem>>, vector<1000x128xf32>,
    %get3A_8 = arith.constant 0 : index
    %get3A_9 = arith.constant 0 : index
    %get3A_10 = vector.load %arg3[%get3A_8, %get3A_9] : memref<128x16xf32, #tpu.memory_space<vmem>>, vector<128x16xf32>
    %dot_general3A_11 = arith.constant dense<0.000000e+00> : vector<1000x16xf32>
    %dot_general3A_12 = tpu.matmul %dot_general3A_5, %get3A_10, %dot_general3A_11 {dimension_numbers = #tpu.dot_dimension_numbers<[1], [0], [0], [1], [0, 0, 1, 1], [], []>, transpose_lhs_hint = false} : vector<1000x128xf32>, vector<128x16xf32>, vector<1000x16xf32> -> vector<1000x16xf32>
    %swap3A_13 = arith.constant 0 : index
    %swap3A_14 = arith.constant 0 : index
    %swap3A_15 = vector.load %arg6[%swap3A_13, %swap3A_14] : memref<1000x16xf32, #tpu.memory_space<vmem>>, vector<1000x16xf32>
    tpu.vector_store %arg6[%swap3A_13, %swap3A_14], %dot_general3A_12 {strides = array<i32>} : memref<1000x16xf32, #tpu.memory_space<vmem>>, vector<1000x16xf32>,
    %get3A_16 = arith.constant 0 : index
    %get3A_17 = arith.constant 0 : index
    %get3A_18 = vector.load %arg4[%get3A_16, %get3A_17] : memref<128x16xf32, #tpu.memory_space<vmem>>, vector<128x16xf32>
    %dot_general3A_19 = arith.constant dense<0.000000e+00> : vector<1000x16xf32>
    %dot_general3A_20 = tpu.matmul %dot_general3A_5, %get3A_18, %dot_general3A_19 {dimension_numbers = #tpu.dot_dimension_numbers<[1], [0], [0], [1], [0, 0, 1, 1], [], []>, transpose_lhs_hint = false} : vector<1000x128xf32>, vector<128x16xf32>, vector<1000x16xf32> -> vector<1000x16xf32>
    %swap3A_21 = arith.constant 0 : index
    %swap3A_22 = arith.constant 0 : index
    %swap3A_23 = vector.load %arg7[%swap3A_21, %swap3A_22] : memref<1000x16xf32, #tpu.memory_space<vmem>>, vector<1000x16xf32>
    tpu.vector_store %arg7[%swap3A_21, %swap3A_22], %dot_general3A_20 {strides = array<i32>} : memref<1000x16xf32, #tpu.memory_space<vmem>>, vector<1000x16xf32>,
    return
  }
  func.func @transform_0(%arg0: i32) -> (i32, i32) {
    %c0_i32 = arith.constant 0 : i32
    %c0_i32_0 = arith.constant 0 : i32
    return %arg0, %c0_i32 : i32, i32
  }
  func.func @transform_1(%arg0: i32) -> (i32, i32) {
    %c0_i32 = arith.constant 0 : i32
    %c0_i32_0 = arith.constant 0 : i32
    %c0_i32_1 = arith.constant 0 : i32
    return %c0_i32, %c0_i32_0 : i32, i32
  }
  func.func @transform_2(%arg0: i32) -> (i32, i32) {
    %c0_i32 = arith.constant 0 : i32
    %c0_i32_0 = arith.constant 0 : i32
    %c0_i32_1 = arith.constant 0 : i32
    return %c0_i32, %c0_i32_0 : i32, i32
  }
  func.func @transform_3(%arg0: i32) -> (i32, i32) {
    %c0_i32 = arith.constant 0 : i32
    %c0_i32_0 = arith.constant 0 : i32
    %c0_i32_1 = arith.constant 0 : i32
    return %c0_i32, %c0_i32_0 : i32, i32
  }
  func.func @transform_4(%arg0: i32) -> (i32, i32) {
    %c0_i32 = arith.constant 0 : i32
    %c0_i32_0 = arith.constant 0 : i32
    return %arg0, %c0_i32 : i32, i32
  }
  func.func @transform_5(%arg0: i32) -> (i32, i32) {
    %c0_i32 = arith.constant 0 : i32
    %c0_i32_0 = arith.constant 0 : i32
    return %arg0, %c0_i32 : i32, i32
  }
  func.func @transform_6(%arg0: i32) -> (i32, i32) {
    %c0_i32 = arith.constant 0 : i32
    %c0_i32_0 = arith.constant 0 : i32
    return %arg0, %c0_i32 : i32, i32
  }
}

module attributes {stable_mosaic.version = 14 : i64} {
  func.func @_mid_body(%arg0: i32, %arg1: memref<2x1000x16xf32, #tpu.memory_space<vmem>>, %arg2: memref<1000x16xf32, #tpu.memory_space<vmem>>) attributes {dimension_semantics = [#tpu.dimension_semantics<arbitrary>], iteration_bounds = array<i64: 10>, scalar_prefetch = 0 : i64, scratch_operands = 0 : i64, tpu.core_type = #tpu.core_type<tc>, window_params = [{transform_indices = @transform_0, window_bounds = array<i64: 2, 1000, 16>}, {transform_indices = @transform_1, window_bounds = array<i64: 1000, 16>}]} {
    %get3A = arith.constant 0 : index
    %get3A_0 = arith.constant 0 : index
    %get3A_1 = arith.constant 0 : index
    %get3A_2 = vector.load %arg1[%get3A, %get3A_0, %get3A_1] : memref<2x1000x16xf32, #tpu.memory_space<vmem>>, vector<1x1000x16xf32>
    %get3A_3 = vector.shape_cast %get3A_2 : vector<1x1000x16xf32> to vector<1000x16xf32>
    %get3A_4 = arith.constant 1 : index
    %get3A_5 = arith.constant 0 : index
    %get3A_6 = arith.constant 0 : index
    %get3A_7 = vector.load %arg1[%get3A_4, %get3A_5, %get3A_6] : memref<2x1000x16xf32, #tpu.memory_space<vmem>>, vector<1x1000x16xf32>
    %get3A_8 = vector.shape_cast %get3A_7 : vector<1x1000x16xf32> to vector<1000x16xf32>
    %add3A = arith.addf %get3A_3, %get3A_8 : vector<1000x16xf32>
    %add3A_9 = arith.constant 1.000000e-16 : f32
    %add3A_10 = vector.broadcast %add3A_9 : f32 to vector<1000x16xf32>
    %add3A_11 = arith.addf %add3A, %add3A_10 : vector<1000x16xf32>
    %div3A = arith.constant 1.000000e+00 : f32
    %div3A_12 = vector.broadcast %div3A : f32 to vector<1000x16xf32>
    %div3A_13 = arith.divf %div3A_12, %add3A_11 : vector<1000x16xf32>
    %swap3A = arith.constant 0 : index
    %swap3A_14 = arith.constant 0 : index
    %swap3A_15 = vector.load %arg2[%swap3A, %swap3A_14] : memref<1000x16xf32, #tpu.memory_space<vmem>>, vector<1000x16xf32>
    tpu.vector_store %arg2[%swap3A, %swap3A_14], %div3A_13 {strides = array<i32>} : memref<1000x16xf32, #tpu.memory_space<vmem>>, vector<1000x16xf32>,
    return
  }
  func.func @transform_0(%arg0: i32) -> (i32, i32, i32) {
    %c0_i32 = arith.constant 0 : i32
    %c0_i32_0 = arith.constant 0 : i32
    %c0_i32_1 = arith.constant 0 : i32
    return %c0_i32, %arg0, %c0_i32_0 : i32, i32, i32
  }
  func.func @transform_1(%arg0: i32) -> (i32, i32) {
    %c0_i32 = arith.constant 0 : i32
    %c0_i32_0 = arith.constant 0 : i32
    return %arg0, %c0_i32 : i32, i32
  }
}

module attributes {stable_mosaic.version = 14 : i64} {
  func.func @_final_body(%arg0: i32, %arg1: memref<2x1000x128xf32, #tpu.memory_space<vmem>>, %arg2: memref<128x128xf32, #tpu.memory_space<vmem>>, %arg3: memref<1000x128xf32, #tpu.memory_space<vmem>>) attributes {dimension_semantics = [#tpu.dimension_semantics<arbitrary>], iteration_bounds = array<i64: 10>, scalar_prefetch = 0 : i64, scratch_operands = 0 : i64, tpu.core_type = #tpu.core_type<tc>, window_params = [{transform_indices = @transform_0, window_bounds = array<i64: 2, 1000, 128>}, {pipeline_mode = #tpu.pipeline_mode<synchronous>, transform_indices = @transform_1, window_bounds = array<i64: 128, 128>}, {transform_indices = @transform_2, window_bounds = array<i64: 1000, 128>}]} {
    %get3A = arith.constant 0 : index
    %get3A_0 = arith.constant 0 : index
    %get3A_1 = arith.constant 0 : index
    %get3A_2 = vector.load %arg1[%get3A, %get3A_0, %get3A_1] : memref<2x1000x128xf32, #tpu.memory_space<vmem>>, vector<1x1000x128xf32>
    %get3A_3 = vector.shape_cast %get3A_2 : vector<1x1000x128xf32> to vector<1000x128xf32>
    %get3A_4 = arith.constant 1 : index
    %get3A_5 = arith.constant 0 : index
    %get3A_6 = arith.constant 0 : index
    %get3A_7 = vector.load %arg1[%get3A_4, %get3A_5, %get3A_6] : memref<2x1000x128xf32, #tpu.memory_space<vmem>>, vector<1x1000x128xf32>
    %get3A_8 = vector.shape_cast %get3A_7 : vector<1x1000x128xf32> to vector<1000x128xf32>
    %add3A = arith.addf %get3A_3, %get3A_8 : vector<1000x128xf32>
    %get3A_9 = arith.constant 0 : index
    %get3A_10 = arith.constant 0 : index
    %get3A_11 = vector.load %arg2[%get3A_9, %get3A_10] : memref<128x128xf32, #tpu.memory_space<vmem>>, vector<128x128xf32>
    %dot_general3A = arith.constant dense<0.000000e+00> : vector<1000x128xf32>
    %dot_general3A_12 = tpu.matmul %add3A, %get3A_11, %dot_general3A {dimension_numbers = #tpu.dot_dimension_numbers<[1], [0], [0], [1], [0, 0, 1, 1], [], []>, transpose_lhs_hint = false} : vector<1000x128xf32>, vector<128x128xf32>, vector<1000x128xf32> -> vector<1000x128xf32>
    %swap3A = arith.constant 0 : index
    %swap3A_13 = arith.constant 0 : index
    %swap3A_14 = vector.load %arg3[%swap3A, %swap3A_13] : memref<1000x128xf32, #tpu.memory_space<vmem>>, vector<1000x128xf32>
    tpu.vector_store %arg3[%swap3A, %swap3A_13], %dot_general3A_12 {strides = array<i32>} : memref<1000x128xf32, #tpu.memory_space<vmem>>, vector<1000x128xf32>,
    return
  }
  func.func @transform_0(%arg0: i32) -> (i32, i32, i32) {
    %c0_i32 = arith.constant 0 : i32
    %c0_i32_0 = arith.constant 0 : i32
    %c0_i32_1 = arith.constant 0 : i32
    return %c0_i32, %arg0, %c0_i32_0 : i32, i32, i32
  }
  func.func @transform_1(%arg0: i32) -> (i32, i32) {
    %c0_i32 = arith.constant 0 : i32
    %c0_i32_0 = arith.constant 0 : i32
    %c0_i32_1 = arith.constant 0 : i32
    return %c0_i32, %c0_i32_0 : i32, i32
  }
  func.func @transform_2(%arg0: i32) -> (i32, i32) {
    %c0_i32 = arith.constant 0 : i32
    %c0_i32_0 = arith.constant 0 : i32
    return %arg0, %c0_i32 : i32, i32
  }
}

</mosaic_0001>

<sc_bundles>
// kernel: kernel.10.cloned.1.call-start
scs
__scs_entry_jumppad:
0x0: {  	(pc) =	sbr.rel $0x88, $3  }
0x1: {  	(tag) =	ssettag $0x0;
	lr =	simm.s32 $0x1  }
0x2: {  	[smem:$0x3F9C] =	sst lr;
	_ =	strace $0xD0000000  }
0x3: {  	_ = 	snop  }
0x4: {  	_ = 	snop  }
0x5: {  	_ = 	snop  }
0x6: {  	_ = 	snop  }
0x7: {  	_ = 	snop  }
__scs_overlays_trampoline_lowered:
0x8: {  	[smem:$0x3FAB] =	sst s0  }
0x9: {  	[smem:$0x3FAC] =	sst s1  }
0xa: {  	[smem:$0x3FAD] =	sst s2  }
0xb: {  	[smem:$0x3FAE] =	sst s3  }
0xc: {  	[smem:$0x3FAF] =	sst s4  }
0xd: {  	[smem:$0x3FB0] =	sst s5  }
0xe: {  	[smem:$0x3FB1] =	sst s6  }
0xf: {  	[smem:$0x3FB2] =	sst s7  }
0x10: {  	[smem:$0x3FB3] =	sst s8  }
0x11: {  	[smem:$0x3FB4] =	sst s9;
	s0 =	simm.s32 @!p0 $0x0  }
0x12: {  	s1 =	sld [smem:$0x3F9A];
	s0 =	simm.s32 @p0 $0x1  }
0x13: {  	[smem:$0x3FB5] =	sst s0;
	s0 =	simm.s32 @!p1 $0x0  }
0x14: {  	s2 =	sld [smem:$0x3F99];
	s0 =	simm.s32 @p1 $0x1  }
0x15: {  	[smem:$0x3FB6] =	sst s0;
	s0 =	simm.s32 @!p2 $0x0  }
0x16: {  	s3 =	sld [smem:$0x3FDB];
	s0 =	simm.s32 @p2 $0x1  }
0x17: {  	s4 =	simm.s32 $0x1BF5;
	[smem:$0x3FB8] =	sst s0  }
0x18: {  	s0 =	sld [smem:$0x3F9B];
	_ =	swait.ge [sflag:s4], $0x0  }
0x19: {  	s7 =	sld [smem:$0x3F9C]  }
0x1a: {  	s8 =	sadd.s32 $0xFFFFE003, lr  }
0x1b: {  	s9 =	sadd.s32 $0xFFFFFEF7, lr;
	s5 =	simm.s32 $0xFFFFFFFF;
	p2 =	slt.u32 s8, $0xFFFFF086  }
0x1c: {  	p1 =	slt.u32 s9, $0xF7A;
	s5 =	simm.s32 @!p2 $0x0  }
0x1d: {  	s5 =	simm.s32 @p1 $0x1;
	p0 =	seq.s32 s7, s2  }
0x1e: {  	s7 =	smul.u32 @!p0 $0xF7A, s2;
	p2 =	seq.s32 @!p0 s5, $0x0  }
0x1f: {  	s9 =	smul.u32 $0xF7A, s1;
	s8 =	simm.s32 @!p0 $0x1BF5;
	p2 =	por !p2, p0  }
0x20: {  	[sflag:s8] =	ssyncset.s32 @!p0 $0xFFFFF086;
	s6 =	sadd.s32 @!p0 s3, s7;
	s7 =	simm.s32 @!p0 $0x108  }
0x21: {  	s3 =	sadd.s32 s3, s9;
	s6 =	sadd.s32 @!p0 $0x88, s6;
	s7 =	simm.s32 @p2 $0x1082  }
0x22: {  	[simem:s7], [sflag:s8] =	dma.local @!p0 [hbm:s6], $0xF7A  }
0x23: {  	s9 =	sor.u32 $0xD0000000, s2;
	s6 =	simm.s32 $0x108;
	_ =	swait.ge @!p0 [sflag:s8], $0x0  }
0x24: {  	s3 =	sadd.s32 $0x88, s3;
	s6 =	simm.s32 @!p1 $0x1082;
	[sflag:s4] =	ssyncset.s32 $0xFFFFF086  }
0x25: {  	[simem:s6], [sflag:s4] =	dma.local [hbm:s3], $0xF7A  }
0x26: {  	[smem:$0x3F9C] =	sst s1;
	(tag) =	ssettag s2;
	_ =	strace s9  }
0x27: {  	s1 =	sld [smem:$0x3FAC]  }
0x28: {  	s2 =	sld [smem:$0x3FAD]  }
0x29: {  	s4 =	sld [smem:$0x3FAF]  }
0x2a: {  	p0 =	seq.s32 s5, $0x0;
	s5 =	sld [smem:$0x3FB0]  }
0x2b: {  	s6 =	sld [smem:$0x3FB1]  }
0x2c: {  	s7 =	sld [smem:$0x3FB2]  }
0x2d: {  	s3 =	simm.s32 $0x108;
	s8 =	sld [smem:$0x3FB3]  }
0x2e: {  	s3 =	simm.s32 @!p0 $0x1082;
	s9 =	sld [smem:$0x3FB4]  }
0x2f: {  	lr =	sadd.s32 s0, s3;
	s0 =	sld [smem:$0x3FAB]  }
0x30: {  	s3 =	sld [smem:$0x3FAE]  }
0x31: {  	[smem:$0x3FB7] =	sst s10  }
0x32: {  	s10 =	sld [smem:$0x3FB5];
	_ =	sdelay $0x3  }
0x33: {  	p0 =	seq.s32 s10, $0x1;
	s10 =	sld [smem:$0x3FB7];
	_ =	sdelay $0x3  }
0x34: {  	[smem:$0x3FB7] =	sst s10  }
0x35: {  	s10 =	sld [smem:$0x3FB6];
	_ =	sdelay $0x3  }
0x36: {  	p1 =	seq.s32 s10, $0x1;
	s10 =	sld [smem:$0x3FB7];
	_ =	sdelay $0x3  }
0x37: {  	[smem:$0x3FB7] =	sst s10  }
0x38: {  	s10 =	sld [smem:$0x3FB8]  }
0x39: {  	_ = 	snop;
	(pc) =	sbr.ind lr, $3  }
0x3a: {  	_ = 	snop  }
0x3b: {  	_ = 	snop  }
0x3c: {  	p2 =	seq.s32 s10, $0x1;
	s10 =	sld [smem:$0x3FB7]  }
0x3d: {  	_ =	shalt  }
0x3e: {  	_ =	shalt  }
0x3f: {  	_ =	shalt  }
0x40: {  	_ =	shalt  }
0x41: {  	_ =	shalt  }
0x42: {  	_ =	shalt  }
0x43: {  	_ =	shalt  }
0x44: {  	_ =	shalt  }
0x45: {  	_ =	shalt  }
0x46: {  	_ =	shalt  }
0x47: {  	_ =	shalt  }
0x48: {  	_ =	shalt  }
0x49: {  	_ =	shalt  }
0x4a: {  	_ =	shalt  }
0x4b: {  	_ =	shalt  }
0x4c: {  	_ =	shalt  }
0x4d: {  	_ =	shalt  }
0x4e: {  	_ =	shalt  }
0x4f: {  	_ =	shalt  }
0x50: {  	_ =	shalt  }
0x51: {  	_ =	shalt  }
0x52: {  	_ =	shalt  }
0x53: {  	_ =	shalt  }
0x54: {  	_ =	shalt  }
0x55: {  	_ =	shalt  }
0x56: {  	_ =	shalt  }
0x57: {  	_ =	shalt  }
0x58: {  	_ =	shalt  }
0x59: {  	_ =	shalt  }
0x5a: {  	_ =	shalt  }
0x5b: {  	_ =	shalt  }
0x5c: {  	_ =	shalt  }
0x5d: {  	_ =	shalt  }
0x5e: {  	_ =	shalt  }
0x5f: {  	_ =	shalt  }
0x60: {  	_ =	shalt  }
0x61: {  	_ =	shalt  }
0x62: {  	_ =	shalt  }
0x63: {  	_ =	shalt  }
0x64: {  	_ =	shalt  }
0x65: {  	_ =	shalt  }
0x66: {  	_ =	shalt  }
0x67: {  	_ =	shalt  }
0x68: {  	_ =	shalt  }
0x69: {  	_ =	shalt  }
0x6a: {  	_ =	shalt  }
0x6b: {  	_ =	shalt  }
0x6c: {  	_ =	shalt  }
0x6d: {  	_ =	shalt  }
0x6e: {  	_ =	shalt  }
0x6f: {  	_ =	shalt  }
0x70: {  	_ =	shalt  }
0x71: {  	_ =	shalt  }
0x72: {  	_ =	shalt  }
0x73: {  	_ =	shalt  }
0x74: {  	_ =	shalt  }
0x75: {  	_ =	shalt  }
0x76: {  	_ =	shalt  }
0x77: {  	_ =	shalt  }
0x78: {  	_ =	shalt  }
0x79: {  	_ =	shalt  }
0x7a: {  	_ =	shalt  }
0x7b: {  	_ =	shalt  }
0x7c: {  	_ =	shalt  }
0x7d: {  	_ =	shalt  }
0x7e: {  	_ =	shalt  }
0x7f: {  	_ =	shalt  }
0x80: {  	_ =	shalt  }
0x81: {  	_ =	shalt  }
0x82: {  	_ =	shalt  }
0x83: {  	_ =	shalt  }
0x84: {  	_ =	shalt  }
0x85: {  	_ =	shalt  }
0x86: {  	_ =	shalt  }
0x87: {  	_ =	shalt  }
.Lfunc_end0:
.L_simem_size_0:
called_computation.1_lowered:
.L_overlay_start_0:
0x88: {  	s2 =	sld [smem:$0x3FD9]  }
0x89: {  	s3 =	sld [smem:$0x3FFE];
	_ =	sdelay $0x1  }
0x8a: {  	s1 =	srdreg.scid  }
0x8b: {  	s0 =	sand.u32 $0x1, s1  }
0x8c: {  	s14 =	sshll.u32 s0, $0xA;
	s2 =	sadd.s32 s3, s2  }
0x8d: {  	s2 =	sadd.s32 s2, s14  }
0x8e: {  	[smem:$0x3FC3] =	sst s2  }
0x8f: {  	_ = 	snop  }
0x90: {  	s2 =	sld [smem:$0x3FD0];
	_ =	sdelay $0x2  }
0x91: {  	s15 =	simm.s32 $0xA;
	s4 =	simm.s32 $0x10  }
0x92: {  	[smem:s4], [sflag:s15] =	dma.local [hbm:s2], $0x1  }
0x93: {  	_ =	swait.eq [sflag:s15], $0x1  }
0x94: {  	s16 =	sld [smem:$0x10];
	[sflag:s15] =	ssyncset.done $0x0  }
0x95: {  	s17 =	sld [smem:$0x11];
	[sflag:s15] =	ssyncadd.s32 $0xFFFFFFFF  }
0x96: {  	s18 =	sld [smem:$0x12];
	(tm) =	ssettm $0x1  }
0x97: {  	s5 =	sld [smem:$0x3FFB];
	_ =	sdelay $0x3  }
0x98: {  	_ =	strace s5  }
0x99: {  	s5 =	sld [smem:$0x3FFC];
	_ =	sdelay $0x3  }
0x9a: {  	_ =	strace s5  }
0x9b: {  	s5 =	sld [smem:$0x3FFD];
	_ =	sdelay $0x3  }
0x9c: {  	_ =	strace s5  }
0x9d: {  	_ =	strace $0x8FFFFFFF  }
0x9e: {  	s19 =	sld [smem:$0x3FDB];
	_ =	sdelay $0x1  }
0x9f: {  	s6 =	simm.s32 $_scs_section_size  }
0xa0: {  	s7 =	simm.s32 $_size__tile_overlayer_lowered;
	s8 =	simm.s32 $_tile_overlayer_lowered  }
0xa1: {  	s22 =	simm.s32 $0x1BFF;
	s21 =	sshll.u32 s8, $0x1;
	s5 =	sadd.s32 s6, s19  }
0xa2: {  	s9 =	simm.s32 $0x0;
	s20 =	sshll.u32 s7, $0x1;
	s7 =	sadd.s32 s21, s5  }
0xa3: {  	[timem:s9], [sflag:s22] =	dma.local [hbm:s7], s20  }
0xa4: {  	_ =	swait.ge [sflag:s22], s20  }
0xa5: {  	s6 =	ssub.s32 $0x0, s20;
	[sflag:s22] =	ssyncset.done $0x0  }
0xa6: {  	[sflag:s22] =	ssyncadd.s32 s6;
	_ =	sdelay $0x1  }
0xa7: {  	s23 =	simm.s32 $0x1B8B  }
0xa8: {  	_ =	swait.ge [sflag:s23], $0x1  }
0xa9: {  	[sflag:s23] =	ssyncset.done $0x0  }
0xaa: {  	s25 =	simm.s32 $0x1B8E;
	s24 =	sld [smem:$0x3FFE];
	[sflag:s23] =	ssyncadd.s32 $0xFFFFFFFF  }
0xab: {  	s26 =	simm.s32 $execute0_lowered;
	[smem:$0x3FD2] =	sst s25  }
0xac: {  	s7 =	sshll.u32 s26, $0x1;
	_ =	strace $0x80000049;
	[dreg:$0x1] =	wrdreg $0xFFFFFFFF  }
0xad: {  	s28 =	simm.s32 $_size_execute0_lowered;
	s5 =	sadd.s32 s5, s7;
	[dreg:$0x0] =	wrdreg $0x0  }
0xae: {  	s7 =	sshll.u32 s28, $0x1;
	[dreg:$0x2] =	wrdreg s5  }
0xaf: {  	[dreg:$0x3] =	wrdreg s7  }
0xb0: {  	[dreg:$0x4] =	wrdreg $0xC0  }
0xb1: {  	_ =	task [dreg:s9], $0x5FFFF  }
0xb2: {  	[dreg:$0x1] =	wrdreg $0xFFFFFFFF  }
0xb3: {  	[dreg:$0x0] =	wrdreg $0x60  }
0xb4: {  	[dreg:$0x2] =	wrdreg s18  }
0xb5: {  	[dreg:$0x3] =	wrdreg s24  }
0xb6: {  	[dreg:$0x4] =	wrdreg s16  }
0xb7: {  	[dreg:$0x5] =	wrdreg s17  }
0xb8: {  	[dreg:$0x6] =	wrdreg $0x85200  }
0xb9: {  	[dreg:$0x7] =	wrdreg $0x9  }
0xba: {  	_ =	task.clear_ibuf [dreg:s9], $0x8FFFF;
	_ =	strace $0x90000049  }
0xbb: {  	s29 =	simm.s32 $0x9;
	_ =	strace $0x8000004B  }
0xbc: {  	_ =	swait.ge [sflag:s29], $0x1  }
0xbd: {  	[sflag:s29] =	ssyncadd.s32 $0xFFFFFFFF  }
0xbe: {  	_ =	strace $0x9000004B  }
0xbf: {  	_ =	sfence  }
0xc0: {  	s30 =	sld [smem:$0x0];
	_ =	sdelay $0x2  }
0xc1: {  	s31 =	sshll.u32 s1, $0xD;
	s1 =	sshrl.u32 s1, $0x2  }
0xc2: {  	s3 =	sand.u32 $0x4000, s31;
	s1 =	sadd.s32 s1, s30  }
0xc3: {  	s0 =	sor.u32 s3, s0;
	s1 =	sshll.u32 s1, $0x11  }
0xc4: {  	s0 =	sor.u32 s1, s0  }
0xc5: {  	s0 =	sadd.s32 $0x8F2B, s0  }
0xc6: {  	[sflag:s0] =	ssyncadd.remote.s32 $0x1  }
0xc7: {  	_ =	sfence.sel $0xFFFF  }
0xc8: {  	[dreg:$0x0] =	wrdreg $0xFFFFFFFF;
	(pc) =	sbr.abs _section_cstart, $3  }
0xc9: {  	[dreg:$0x1] =	wrdreg $0xFFFFFFFF  }
0xca: {  	_ =	task.clear_ibuf [dreg:s9], $0x2FFFF;
	_ =	strace $0x9FFFFFFF  }
0xcb: {  	(tm) =	ssettm $0x7FFFFFFF  }
tec
execute0_lowered:
.L_overlay_start_1:
0x0: {  	(tag) =	ssettag $0x1  }
0x1: {  	s0 =	rddreg [dreg:$0x0]  }
0x2: {  	s2 =	rddreg [dreg:$0x1]  }
0x3: {  	s1 =	rddreg [dreg:$0x2]  }
0x4: {  	s3 =	rddreg [dreg:$0x3]  }
0x5: {  	s4 =	rddreg [dreg:$0x4];
	s5 =	simm.s32 $0x0;
	s17 =	stileid.u32  }
0x6: {  	s6 =	srdreg.scid;
	s28 =	simm.s32 $0x6C20;
	s29 =	simm.s32 $0x1  }
0x7: {  	s30 =	simm.s32 $0x8020;
	s31 =	simm.s32 $0x2;
	s20 =	simm.s32 $0x4  }
0x8: {  	[smem:$0x7FF] =	sst s5;
	s10 =	smul.u32 $0x14000, s17;
	s9 =	sand.u32 $0x1, s6  }
0x9: {  	s11 =	sshll.u32 s17, $0x1;
	s6 =	sadd.s32 $0x1B400, s2;
	s7 =	sadd.s32 $0x2200, s2  }
0xa: {  	s26 =	sshll.u32 s17, $0x6;
	_ =	strace $0x8000004A;
	s8 =	smul.u32 $0x140000, s9  }
0xb: {  	s11 =	sor.u32 s9, s11;
	s9 =	ssub.s32 $0x2, s9;
	s18 =	sor.u32 $0x1C05, s26  }
0xc: {  	s26 =	simm.s32 $0x55A0;
	s12 =	sshrl.u32 s10, $0x3;
	s16 =	smul.u32 $0x27100, s11  }
0xd: {  	s14 =	sshrl.u32 s9, $0x1;
	s22 =	smul.u32 $0x4E20, s11;
	s13 =	sadd.s32 s10, s8  }
0xe: {  	s8 =	smul.u32 $0x2710, s11;
	s12 =	sadd.s32 s12, s2;
	s21 =	ssub.s32 s9, s14  }
0xf: {  	s10 =	sadd.s32 s10, s4;
	s13 =	sshrl.u32 s13, $0x3;
	s23 =	sshrl.u32 s16, $0x3  }
0x10: {  	s12 =	sadd.s32 $0xB7800, s12;
	s16 =	simm.s32 $0x5;
	s19 =	sshrl.u32 s10, $0x3  }
0x11: {  	s15 =	sshrl.u32 s8, $0x3;
	s2 =	sadd.s32 s13, s2;
	[dreg:$0x7] =	wrdreg s12  }
0x12: {  	s11 =	sadd.s32 s6, s23;
	s23 =	simm.s32 $0x5820;
	s9 =	sadd.s32 s0, s15  }
.Ltmp0:
0x13: {  	s24 =	sadd.s32 $0x50, s11;
	s25 =	sadd.s32 $0xDF800, s2;
	(pc) =	sbr.rel .LBB2_1-.Ltmp0, $4  }
0x14: {  	s15 =	smax.u32 s21, $0x1;
	s21 =	simm.s32 $0x28;
	[dreg:$0x9] =	wrdreg s24  }
0x15: {  	s2 =	simm.s32 $0x3;
	s0 =	sadd.s32 $0x9C40, s9;
	[dreg:$0xa] =	wrdreg s25  }
0x16: {  	s24 =	simm.s32 $0x50A0;
	[dreg:$0x6] =	wrdreg s0;
	s0 =	sadd.s32 s6, s22  }
0x17: {  	s22 =	simm.s32 $0x0;
	[dreg:$0x8] =	wrdreg s0;
	s0 =	simm.s32 $0x82A0  }
.LBB2_8:
0x18: {  	_ =	swait.ge [sflag:s2], $0x280  }
0x19: {  	[sflag:s2] =	ssyncset.done $0x0  }
0x1a: {  	[sflag:s2] =	ssyncadd.s32 $0xFFFFFD80  }
0x1b: {  	_ =	swait.ge [sflag:s20], $0x280  }
0x1c: {  	[sflag:s20] =	ssyncset.done $0x0  }
0x1d: {  	s22 =	sadd.s32 $0x1, s22;
	[sflag:s20] =	ssyncadd.s32 $0xFFFFFD80  }
0x1e: {  	p0 =	sne.s32 s22, s15;
	[bflag:$0x0] =	sbarrier.arrive $0xFFFF  }
.Ltmp1:
0x1f: {  	s10 =	rddreg [dreg:$0xa];
	(pc) =	sbr.rel @!p0 .LBB2_9-.Ltmp1, $4  }
0x20: {  	[hbm:s10], [sflag:s18] =	dma.local [spmem:s19], $0x2800  }
0x21: {  	_ =	swait.ge [sflag:s16], $0x2800  }
0x22: {  	[sflag:s16] =	ssyncset.done $0x0  }
0x23: {  	[sflag:s16] =	ssyncadd.s32 $0xFFFFD800  }
.LBB2_1:
0x24: {  	[tilespmem:s5], [sflag:$0x5] =	stream.linear.gather [hbm4b:s9+s5], $0x2710, $0x38;
	[tilespmem:$0x1C520] =	vst v63  }
0x25: {  	_ =	swait.ge [sflag:s16], $0x2710  }
0x26: {  	[sflag:s16] =	ssyncset.done $0x0  }
0x27: {  	s11 =	simm.s32 $0x2710;
	s10 =	rddreg [dreg:$0x6];
	[sflag:s16] =	ssyncadd.s32 $0xFFFFD8F0  }
0x28: {  	[tilespmem:s11], [sflag:$0x5] =	stream.linear.gather [hbm4b:s10+s5], $0x2710, $0x38;
	[tilespmem:$0x1C520] =	vst v63  }
0x29: {  	_ =	swait.ge [sflag:s16], $0x2710  }
0x2a: {  	[sflag:s16] =	ssyncset.done $0x0  }
0x2b: {  	s12 =	rddreg [dreg:$0x7];
	[sflag:s16] =	ssyncadd.s32 $0xFFFFD8F0  }
0x2c: {  	[spmem:s19], [sflag:s18] =	dma.local [hbm:s12], $0x2800  }
0x2d: {  	_ =	swait.ge [sflag:s16], $0x2800  }
0x2e: {  	[sflag:s16] =	ssyncset.done $0x0  }
0x2f: {  	[sflag:s16] =	ssyncadd.s32 $0xFFFFD800  }
0x30: {  	[bflag:$0x0] =	sbarrier.arrive $0xFFFF  }
0x31: {  	s12 =	simm.s32 $0x4E20;
	s13 =	rddreg [dreg:$0x8]  }
0x32: {  	[tilespmem:s12], [sflag:$0x1] =	stream.linear.gather [hbm4b:s13+s5], $0x280, $0x38;
	[tilespmem:$0x1C520] =	vst v63  }
0x33: {  	s14 =	simm.s32 $0x5320  }
0x34: {  	[tilespmem:s14], [sflag:$0x1] =	stream.indirect.gather [hbm4b:s7+s21], $0x10, s11, s21, $0xb8;
	[tilespmem:$0x1C520] =	vst v63  }
0x35: {  	_ = 	snop  }
0x36: {  	[tilespmem:s23], [sflag:$0x1] =	stream.indirect.gather [hbm4b:s1+s21], $0x80, s5, s21, $0xb8;
	[tilespmem:$0x1C520] =	vst v63  }
0x37: {  	s17 =	rddreg [dreg:$0x9]  }
0x38: {  	[tilespmem:s24], [sflag:$0x2] =	stream.linear.gather [hbm4b:s17+s5], $0x280, $0x38;
	[tilespmem:$0x1C520] =	vst v63  }
0x39: {  	s25 =	simm.s32 $0x2738  }
0x3a: {  	[tilespmem:s26], [sflag:$0x2] =	stream.indirect.gather [hbm4b:s7+s21], $0x10, s25, s21, $0xb8;
	[tilespmem:$0x1C520] =	vst v63  }
0x3b: {  	s25 =	simm.s32 $0x0  }
0x3c: {  	[tilespmem:s28], [sflag:$0x2] =	stream.indirect.gather [hbm4b:s1+s21], $0x80, s21, s21, $0xb8;
	[tilespmem:$0x1C520] =	vst v63  }
.LBB2_2:
0x3d: {  	p0 =	seq.s32 s25, $0x0  }
0x3e: {  	s10 =	simm.s32 @!p0 $0x3  }
0x3f: {  	_ =	swait.ge @!p0 [sflag:s10], $0x280  }
0x40: {  	[sflag:s10] =	ssyncset.done @!p0 $0x0  }
0x41: {  	[sflag:s10] =	ssyncadd.s32 @!p0 $0xFFFFFD80  }
0x42: {  	_ =	swait.ge [sflag:s29], $0x280  }
0x43: {  	[sflag:s29] =	ssyncset.done $0x0  }
0x44: {  	[sflag:s29] =	ssyncadd.s32 $0xFFFFFD80  }
0x45: {  	_ =	swait.ge [sflag:s29], $0x280  }
0x46: {  	[sflag:s29] =	ssyncset.done $0x0  }
0x47: {  	[sflag:s29] =	ssyncadd.s32 $0xFFFFFD80  }
0x48: {  	_ =	swait.ge [sflag:s29], $0x1400  }
0x49: {  	[sflag:s29] =	ssyncset.done $0x0  }
0x4a: {  	s11 =	simm.s32 $0x5A20;
	s10 =	simm.s32 $0x0;
	[sflag:s29] =	ssyncadd.s32 $0xFFFFEC00  }
.LBB2_3:
0x4b: {  	s12 =	sshra.s32 s10, $0x2  }
0x4c: {  	v0 =	vld [tilespmem:s12+$0x4E20]  }
0x4d: {  	v1 =	vld [tilespmem:s12+$0x5320];
	_ =	sdelay $0x4  }
0x4e: {  	v0 =	vmul.f32 v1, v0;
	_ =	sdelay $0x1  }
0x4f: {  	[tilespmem:s12+$0x8020] =	vst v0  }
0x50: {  	v53 =	vld [tilespmem:s11+$0xFFFFFE00];
	_ =	sdelay $0x1  }
0x51: {  	v54 =	vld [tilespmem:s11+$0xFFFFFE10];
	_ =	sdelay $0x1  }
0x52: {  	v55 =	vld [tilespmem:s11+$0xFFFFFE20]  }
0x53: {  	v1 =	vmul.f32 v53, v0  }
0x54: {  	v56 =	vld [tilespmem:s11+$0xFFFFFE30]  }
0x55: {  	[tilespmem:s11+$0xFFFFFE00] =	vst v1;
	v1 =	vmul.f32 v54, v0  }
0x56: {  	v57 =	vld [tilespmem:s11+$0xFFFFFE40]  }
0x57: {  	[tilespmem:s11+$0xFFFFFE10] =	vst v1;
	v1 =	vmul.f32 v55, v0  }
0x58: {  	v58 =	vld [tilespmem:s11+$0xFFFFFE50]  }
0x59: {  	[tilespmem:s11+$0xFFFFFE20] =	vst v1;
	v1 =	vmul.f32 v56, v0  }
0x5a: {  	v59 =	vld [tilespmem:s11+$0xFFFFFE60]  }
0x5b: {  	v60 =	vld [tilespmem:s11+$0xFFFFFE70];
	[tilespmem:s11+$0xFFFFFE30] =	vst v1;
	v1 =	vmul.f32 v57, v0;
	_ =	sdelay $0x1  }
0x5c: {  	[tilespmem:s11+$0xFFFFFE40] =	vst v1;
	v1 =	vmul.f32 v58, v0;
	_ =	sdelay $0x1  }
0x5d: {  	[tilespmem:s11+$0xFFFFFE50] =	vst v1;
	v1 =	vmul.f32 v59, v0  }
0x5e: {  	v0 =	vmul.f32 v60, v0  }
0x5f: {  	[tilespmem:s11+$0xFFFFFE60] =	vst v1  }
0x60: {  	[tilespmem:s11+$0xFFFFFE70] =	vst v0  }
0x61: {  	v0 =	vld [tilespmem:s12+$0x4E30]  }
0x62: {  	v61 =	vld [tilespmem:s12+$0x5330];
	_ =	sdelay $0x4  }
0x63: {  	v0 =	vmul.f32 v61, v0;
	_ =	sdelay $0x1  }
0x64: {  	[tilespmem:s12+$0x8030] =	vst v0  }
0x65: {  	v62 =	vld [tilespmem:s11+$0xFFFFFE80];
	_ =	sdelay $0x1  }
0x66: {  	v63 =	vld [tilespmem:s11+$0xFFFFFE90];
	_ =	sdelay $0x1  }
0x67: {  	v4 =	vld [tilespmem:s11+$0xFFFFFEA0]  }
0x68: {  	v1 =	vmul.f32 v62, v0  }
0x69: {  	v5 =	vld [tilespmem:s11+$0xFFFFFEB0]  }
0x6a: {  	[tilespmem:s11+$0xFFFFFE80] =	vst v1;
	v1 =	vmul.f32 v63, v0  }
0x6b: {  	v6 =	vld [tilespmem:s11+$0xFFFFFEC0]  }
0x6c: {  	[tilespmem:s11+$0xFFFFFE90] =	vst v1;
	v1 =	vmul.f32 v4, v0  }
0x6d: {  	v7 =	vld [tilespmem:s11+$0xFFFFFED0]  }
0x6e: {  	[tilespmem:s11+$0xFFFFFEA0] =	vst v1;
	v1 =	vmul.f32 v5, v0  }
0x6f: {  	v8 =	vld [tilespmem:s11+$0xFFFFFEE0]  }
0x70: {  	v9 =	vld [tilespmem:s11+$0xFFFFFEF0];
	[tilespmem:s11+$0xFFFFFEB0] =	vst v1;
	v1 =	vmul.f32 v6, v0;
	_ =	sdelay $0x1  }
0x71: {  	[tilespmem:s11+$0xFFFFFEC0] =	vst v1;
	v1 =	vmul.f32 v7, v0;
	_ =	sdelay $0x1  }
0x72: {  	[tilespmem:s11+$0xFFFFFED0] =	vst v1;
	v1 =	vmul.f32 v8, v0  }
0x73: {  	v0 =	vmul.f32 v9, v0  }
0x74: {  	[tilespmem:s11+$0xFFFFFEE0] =	vst v1  }
0x75: {  	[tilespmem:s11+$0xFFFFFEF0] =	vst v0  }
0x76: {  	v0 =	vld [tilespmem:s12+$0x4E40]  }
0x77: {  	v10 =	vld [tilespmem:s12+$0x5340];
	_ =	sdelay $0x4  }
0x78: {  	v0 =	vmul.f32 v10, v0;
	_ =	sdelay $0x1  }
0x79: {  	[tilespmem:s12+$0x8040] =	vst v0  }
0x7a: {  	v11 =	vld [tilespmem:s11+$0xFFFFFF00];
	_ =	sdelay $0x1  }
0x7b: {  	v12 =	vld [tilespmem:s11+$0xFFFFFF10];
	_ =	sdelay $0x1  }
0x7c: {  	v13 =	vld [tilespmem:s11+$0xFFFFFF20]  }
0x7d: {  	v1 =	vmul.f32 v11, v0  }
0x7e: {  	v14 =	vld [tilespmem:s11+$0xFFFFFF30]  }
0x7f: {  	[tilespmem:s11+$0xFFFFFF00] =	vst v1;
	v1 =	vmul.f32 v12, v0  }
0x80: {  	v15 =	vld [tilespmem:s11+$0xFFFFFF40]  }
0x81: {  	[tilespmem:s11+$0xFFFFFF10] =	vst v1;
	v1 =	vmul.f32 v13, v0  }
0x82: {  	v16 =	vld [tilespmem:s11+$0xFFFFFF50]  }
0x83: {  	[tilespmem:s11+$0xFFFFFF20] =	vst v1;
	v1 =	vmul.f32 v14, v0  }
0x84: {  	v17 =	vld [tilespmem:s11+$0xFFFFFF60]  }
0x85: {  	v18 =	vld [tilespmem:s11+$0xFFFFFF70];
	[tilespmem:s11+$0xFFFFFF30] =	vst v1;
	v1 =	vmul.f32 v15, v0;
	_ =	sdelay $0x1  }
0x86: {  	[tilespmem:s11+$0xFFFFFF40] =	vst v1;
	v1 =	vmul.f32 v16, v0;
	_ =	sdelay $0x1  }
0x87: {  	[tilespmem:s11+$0xFFFFFF50] =	vst v1;
	v1 =	vmul.f32 v17, v0  }
0x88: {  	v0 =	vmul.f32 v18, v0  }
0x89: {  	[tilespmem:s11+$0xFFFFFF60] =	vst v1  }
0x8a: {  	[tilespmem:s11+$0xFFFFFF70] =	vst v0  }
0x8b: {  	v0 =	vld [tilespmem:s12+$0x4E50]  }
0x8c: {  	v19 =	vld [tilespmem:s12+$0x5350];
	_ =	sdelay $0x4  }
0x8d: {  	v0 =	vmul.f32 v19, v0;
	_ =	sdelay $0x1  }
0x8e: {  	[tilespmem:s12+$0x8050] =	vst v0  }
0x8f: {  	v20 =	vld [tilespmem:s11+$0xFFFFFF80];
	_ =	sdelay $0x1  }
0x90: {  	v21 =	vld [tilespmem:s11+$0xFFFFFF90];
	_ =	sdelay $0x1  }
0x91: {  	v22 =	vld [tilespmem:s11+$0xFFFFFFA0]  }
0x92: {  	v1 =	vmul.f32 v20, v0  }
0x93: {  	v23 =	vld [tilespmem:s11+$0xFFFFFFB0]  }
0x94: {  	[tilespmem:s11+$0xFFFFFF80] =	vst v1;
	v1 =	vmul.f32 v21, v0  }
0x95: {  	v24 =	vld [tilespmem:s11+$0xFFFFFFC0]  }
0x96: {  	[tilespmem:s11+$0xFFFFFF90] =	vst v1;
	v1 =	vmul.f32 v22, v0  }
0x97: {  	v25 =	vld [tilespmem:s11+$0xFFFFFFD0]  }
0x98: {  	[tilespmem:s11+$0xFFFFFFA0] =	vst v1;
	v1 =	vmul.f32 v23, v0  }
0x99: {  	v26 =	vld [tilespmem:s11+$0xFFFFFFE0]  }
0x9a: {  	v27 =	vld [tilespmem:s11+$0xFFFFFFF0];
	[tilespmem:s11+$0xFFFFFFB0] =	vst v1;
	v1 =	vmul.f32 v24, v0;
	_ =	sdelay $0x1  }
0x9b: {  	[tilespmem:s11+$0xFFFFFFC0] =	vst v1;
	v1 =	vmul.f32 v25, v0;
	_ =	sdelay $0x1  }
0x9c: {  	[tilespmem:s11+$0xFFFFFFD0] =	vst v1;
	v1 =	vmul.f32 v26, v0  }
0x9d: {  	v0 =	vmul.f32 v27, v0  }
0x9e: {  	[tilespmem:s11+$0xFFFFFFE0] =	vst v1  }
0x9f: {  	[tilespmem:s11+$0xFFFFFFF0] =	vst v0  }
0xa0: {  	v0 =	vld [tilespmem:s12+$0x4E60]  }
0xa1: {  	v28 =	vld [tilespmem:s12+$0x5360];
	_ =	sdelay $0x4  }
0xa2: {  	v0 =	vmul.f32 v28, v0;
	_ =	sdelay $0x1  }
0xa3: {  	[tilespmem:s12+$0x8060] =	vst v0  }
0xa4: {  	v29 =	vld [tilespmem:s11+$0x0];
	_ =	sdelay $0x1  }
0xa5: {  	v30 =	vld [tilespmem:s11+$0x10];
	_ =	sdelay $0x1  }
0xa6: {  	v31 =	vld [tilespmem:s11+$0x20]  }
0xa7: {  	v1 =	vmul.f32 v29, v0  }
0xa8: {  	v32 =	vld [tilespmem:s11+$0x30]  }
0xa9: {  	[tilespmem:s11+$0x0] =	vst v1;
	v1 =	vmul.f32 v30, v0  }
0xaa: {  	v33 =	vld [tilespmem:s11+$0x40]  }
0xab: {  	[tilespmem:s11+$0x10] =	vst v1;
	v1 =	vmul.f32 v31, v0  }
0xac: {  	v34 =	vld [tilespmem:s11+$0x50]  }
0xad: {  	[tilespmem:s11+$0x20] =	vst v1;
	v1 =	vmul.f32 v32, v0  }
0xae: {  	v35 =	vld [tilespmem:s11+$0x60]  }
0xaf: {  	v36 =	vld [tilespmem:s11+$0x70];
	[tilespmem:s11+$0x30] =	vst v1;
	v1 =	vmul.f32 v33, v0;
	_ =	sdelay $0x1  }
0xb0: {  	[tilespmem:s11+$0x40] =	vst v1;
	v1 =	vmul.f32 v34, v0;
	_ =	sdelay $0x1  }
0xb1: {  	[tilespmem:s11+$0x50] =	vst v1;
	v1 =	vmul.f32 v35, v0  }
0xb2: {  	v0 =	vmul.f32 v36, v0  }
0xb3: {  	[tilespmem:s11+$0x60] =	vst v1  }
0xb4: {  	[tilespmem:s11+$0x70] =	vst v0  }
0xb5: {  	v0 =	vld [tilespmem:s12+$0x4E70]  }
0xb6: {  	v37 =	vld [tilespmem:s12+$0x5370];
	_ =	sdelay $0x4  }
0xb7: {  	v0 =	vmul.f32 v37, v0;
	_ =	sdelay $0x1  }
0xb8: {  	[tilespmem:s12+$0x8070] =	vst v0  }
0xb9: {  	v38 =	vld [tilespmem:s11+$0x80];
	_ =	sdelay $0x1  }
0xba: {  	v39 =	vld [tilespmem:s11+$0x90];
	_ =	sdelay $0x1  }
0xbb: {  	v40 =	vld [tilespmem:s11+$0xA0]  }
0xbc: {  	v1 =	vmul.f32 v38, v0  }
0xbd: {  	v41 =	vld [tilespmem:s11+$0xB0]  }
0xbe: {  	[tilespmem:s11+$0x80] =	vst v1;
	v1 =	vmul.f32 v39, v0  }
0xbf: {  	v42 =	vld [tilespmem:s11+$0xC0]  }
0xc0: {  	[tilespmem:s11+$0x90] =	vst v1;
	v1 =	vmul.f32 v40, v0  }
0xc1: {  	v43 =	vld [tilespmem:s11+$0xD0]  }
0xc2: {  	[tilespmem:s11+$0xA0] =	vst v1;
	v1 =	vmul.f32 v41, v0  }
0xc3: {  	v44 =	vld [tilespmem:s11+$0xE0]  }
0xc4: {  	v45 =	vld [tilespmem:s11+$0xF0];
	[tilespmem:s11+$0xB0] =	vst v1;
	v1 =	vmul.f32 v42, v0;
	_ =	sdelay $0x1  }
0xc5: {  	[tilespmem:s11+$0xC0] =	vst v1;
	v1 =	vmul.f32 v43, v0;
	_ =	sdelay $0x1  }
0xc6: {  	[tilespmem:s11+$0xD0] =	vst v1;
	v1 =	vmul.f32 v44, v0  }
0xc7: {  	v0 =	vmul.f32 v45, v0  }
0xc8: {  	[tilespmem:s11+$0xE0] =	vst v1  }
0xc9: {  	[tilespmem:s11+$0xF0] =	vst v0  }
0xca: {  	v0 =	vld [tilespmem:s12+$0x4E80]  }
0xcb: {  	v46 =	vld [tilespmem:s12+$0x5380];
	_ =	sdelay $0x4  }
0xcc: {  	v0 =	vmul.f32 v46, v0;
	_ =	sdelay $0x1  }
0xcd: {  	[tilespmem:s12+$0x8080] =	vst v0  }
0xce: {  	v47 =	vld [tilespmem:s11+$0x100];
	_ =	sdelay $0x1  }
0xcf: {  	v48 =	vld [tilespmem:s11+$0x110];
	_ =	sdelay $0x1  }
0xd0: {  	v49 =	vld [tilespmem:s11+$0x120]  }
0xd1: {  	v1 =	vmul.f32 v47, v0  }
0xd2: {  	v50 =	vld [tilespmem:s11+$0x130]  }
0xd3: {  	[tilespmem:s11+$0x100] =	vst v1;
	v1 =	vmul.f32 v48, v0  }
0xd4: {  	v51 =	vld [tilespmem:s11+$0x140]  }
0xd5: {  	[tilespmem:s11+$0x110] =	vst v1;
	v1 =	vmul.f32 v49, v0  }
0xd6: {  	v52 =	vld [tilespmem:s11+$0x150]  }
0xd7: {  	[tilespmem:s11+$0x120] =	vst v1;
	v1 =	vmul.f32 v50, v0  }
0xd8: {  	v53 =	vld [tilespmem:s11+$0x160]  }
0xd9: {  	v54 =	vld [tilespmem:s11+$0x170];
	[tilespmem:s11+$0x130] =	vst v1;
	v1 =	vmul.f32 v51, v0;
	_ =	sdelay $0x1  }
0xda: {  	[tilespmem:s11+$0x140] =	vst v1;
	v1 =	vmul.f32 v52, v0;
	_ =	sdelay $0x1  }
0xdb: {  	[tilespmem:s11+$0x150] =	vst v1;
	v1 =	vmul.f32 v53, v0  }
0xdc: {  	v0 =	vmul.f32 v54, v0  }
0xdd: {  	[tilespmem:s11+$0x160] =	vst v1  }
0xde: {  	[tilespmem:s11+$0x170] =	vst v0  }
0xdf: {  	v0 =	vld [tilespmem:s12+$0x4E90]  }
0xe0: {  	v55 =	vld [tilespmem:s12+$0x5390];
	_ =	sdelay $0x4  }
0xe1: {  	v0 =	vmul.f32 v55, v0;
	_ =	sdelay $0x1  }
0xe2: {  	[tilespmem:s12+$0x8090] =	vst v0  }
0xe3: {  	v56 =	vld [tilespmem:s11+$0x180];
	_ =	sdelay $0x1  }
0xe4: {  	v57 =	vld [tilespmem:s11+$0x190];
	_ =	sdelay $0x1  }
0xe5: {  	v58 =	vld [tilespmem:s11+$0x1A0]  }
0xe6: {  	v1 =	vmul.f32 v56, v0  }
0xe7: {  	v59 =	vld [tilespmem:s11+$0x1B0]  }
0xe8: {  	[tilespmem:s11+$0x180] =	vst v1;
	v1 =	vmul.f32 v57, v0  }
0xe9: {  	v60 =	vld [tilespmem:s11+$0x1C0]  }
0xea: {  	[tilespmem:s11+$0x190] =	vst v1;
	v1 =	vmul.f32 v58, v0  }
0xeb: {  	v61 =	vld [tilespmem:s11+$0x1D0]  }
0xec: {  	[tilespmem:s11+$0x1A0] =	vst v1;
	v1 =	vmul.f32 v59, v0  }
0xed: {  	v62 =	vld [tilespmem:s11+$0x1E0]  }
0xee: {  	v63 =	vld [tilespmem:s11+$0x1F0];
	[tilespmem:s11+$0x1B0] =	vst v1;
	v1 =	vmul.f32 v60, v0;
	_ =	sdelay $0x1  }
0xef: {  	p0 =	sne.s32 s10, $0x800;
	[tilespmem:s11+$0x1C0] =	vst v1;
	v1 =	vmul.f32 v61, v0  }
.Ltmp2:
0xf0: {  	_ = 	snop;
	(pc) =	sbr.rel @p0 .LBB2_3-.Ltmp2, $4  }
0xf1: {  	[tilespmem:s11+$0x1D0] =	vst v1;
	v1 =	vmul.f32 v62, v0  }
0xf2: {  	v0 =	vmul.f32 v63, v0  }
0xf3: {  	[tilespmem:s11+$0x1E0] =	vst v1  }
0xf4: {  	s10 =	sadd.s32 $0x200, s10;
	[tilespmem:s11+$0x1F0] =	vst v0;
	s11 =	sadd.s32 $0x400, s11  }
0xf5: {  	s10 =	smul.u32 $0x50, s25;
	_ =	sdelay $0x1  }
0xf6: {  	s11 =	sadd.s32 s8, s10  }
0xf7: {  	s17 =	sshll.u32 s11, $0x1  }
0xf8: {  	p0 =	seq.s32 s25, $0x7C;
	s11 =	sadd.s32 s3, s17  }
0xf9: {  	[hbm4b:s11+s5] =	stream.linear.scatter [tilespmem:s30], [sflag:$0x3], $0x280, $0x38;
	[tilespmem:$0x1C520] =	vst v63  }
0xfa: {  	s11 =	sadd.s32 @!p0 $0x50, s10  }
0xfb: {  	s14 =	sadd.s32 $0x2710, s10;
	s12 =	sadd.s32 @!p0 s8, s11  }
0xfc: {  	[spmem:s4] =	stream.indirect.scatter.add.f32 [tilespmem:s23], [sflag:$0x5], $0x80, s14, s21, $0xb8;
	[tilespmem:$0x1C520] =	vst v63  }
0xfd: {  	s13 =	simm.s32 @!p0 $0x0;
	s12 =	sshll.u32 @!p0 s12, $0x1;
	_ =	swait.ge [sflag:s16], $0x1400  }
0xfe: {  	p1 =	seq.s32 @!p0 s25, $0x0;
	s12 =	sand.u32 @!p0 $0x1FFFFFE0, s12;
	[sflag:s16] =	ssyncset.done $0x0  }
0xff: {  	s14 =	simm.s32 @!p0 $0x4E20;
	s12 =	sadd.s32 @!p0 s6, s12;
	[sflag:s16] =	ssyncadd.s32 $0xFFFFEC00  }
0x100: {  	[tilespmem:s14], [sflag:$0x1] =	stream.linear.gather @!p0 [hbm4b:s12+s13], $0x280, $0x38;
	[tilespmem:$0x1C520] =	vst v63  }
0x101: {  	s12 =	sadd.s32 @!p0 $0x2760, s10;
	s13 =	simm.s32 @!p0 $0x28;
	s14 =	simm.s32 @!p0 $0x5320  }
0x102: {  	[tilespmem:s14], [sflag:$0x1] =	stream.indirect.gather @!p0 [hbm4b:s7+s13], $0x10, s12, s13, $0xb8;
	[tilespmem:$0x1C520] =	vst v63  }
0x103: {  	p1 =	por p0, !p1;
	s12 =	simm.s32 @!p0 $0x5820  }
0x104: {  	[tilespmem:s12], [sflag:$0x1] =	stream.indirect.gather @!p0 [hbm4b:s1+s13], $0x80, s11, s13, $0xb8;
	[tilespmem:$0x1C520] =	vst v63  }
0x105: {  	_ =	swait.ge @p1 [sflag:s20], $0x280  }
0x106: {  	[sflag:s20] =	ssyncset.done @p1 $0x0  }
0x107: {  	[sflag:s20] =	ssyncadd.s32 @p1 $0xFFFFFD80  }
0x108: {  	_ =	swait.ge [sflag:s31], $0x280  }
0x109: {  	[sflag:s31] =	ssyncset.done $0x0  }
0x10a: {  	[sflag:s31] =	ssyncadd.s32 $0xFFFFFD80  }
0x10b: {  	_ =	swait.ge [sflag:s31], $0x280  }
0x10c: {  	[sflag:s31] =	ssyncset.done $0x0  }
0x10d: {  	[sflag:s31] =	ssyncadd.s32 $0xFFFFFD80  }
0x10e: {  	_ =	swait.ge [sflag:s31], $0x1400  }
0x10f: {  	[sflag:s31] =	ssyncset.done $0x0  }
0x110: {  	s11 =	simm.s32 $0x0;
	s12 =	simm.s32 $0x6E20;
	[sflag:s31] =	ssyncadd.s32 $0xFFFFEC00  }
.LBB2_5:
0x111: {  	s13 =	sshra.s32 s11, $0x2  }
0x112: {  	v0 =	vld [tilespmem:s13+$0x50A0]  }
0x113: {  	v1 =	vld [tilespmem:s13+$0x55A0];
	_ =	sdelay $0x4  }
0x114: {  	v0 =	vmul.f32 v1, v0;
	_ =	sdelay $0x1  }
0x115: {  	[tilespmem:s13+$0x82A0] =	vst v0  }
0x116: {  	v53 =	vld [tilespmem:s12+$0xFFFFFE00];
	_ =	sdelay $0x1  }
0x117: {  	v54 =	vld [tilespmem:s12+$0xFFFFFE10];
	_ =	sdelay $0x1  }
0x118: {  	v55 =	vld [tilespmem:s12+$0xFFFFFE20]  }
0x119: {  	v1 =	vmul.f32 v53, v0  }
0x11a: {  	v56 =	vld [tilespmem:s12+$0xFFFFFE30]  }
0x11b: {  	[tilespmem:s12+$0xFFFFFE00] =	vst v1;
	v1 =	vmul.f32 v54, v0  }
0x11c: {  	v57 =	vld [tilespmem:s12+$0xFFFFFE40]  }
0x11d: {  	[tilespmem:s12+$0xFFFFFE10] =	vst v1;
	v1 =	vmul.f32 v55, v0  }
0x11e: {  	v58 =	vld [tilespmem:s12+$0xFFFFFE50]  }
0x11f: {  	[tilespmem:s12+$0xFFFFFE20] =	vst v1;
	v1 =	vmul.f32 v56, v0  }
0x120: {  	v59 =	vld [tilespmem:s12+$0xFFFFFE60]  }
0x121: {  	v60 =	vld [tilespmem:s12+$0xFFFFFE70];
	[tilespmem:s12+$0xFFFFFE30] =	vst v1;
	v1 =	vmul.f32 v57, v0;
	_ =	sdelay $0x1  }
0x122: {  	[tilespmem:s12+$0xFFFFFE40] =	vst v1;
	v1 =	vmul.f32 v58, v0;
	_ =	sdelay $0x1  }
0x123: {  	[tilespmem:s12+$0xFFFFFE50] =	vst v1;
	v1 =	vmul.f32 v59, v0  }
0x124: {  	v0 =	vmul.f32 v60, v0  }
0x125: {  	[tilespmem:s12+$0xFFFFFE60] =	vst v1  }
0x126: {  	[tilespmem:s12+$0xFFFFFE70] =	vst v0  }
0x127: {  	v0 =	vld [tilespmem:s13+$0x50B0]  }
0x128: {  	v61 =	vld [tilespmem:s13+$0x55B0];
	_ =	sdelay $0x4  }
0x129: {  	v0 =	vmul.f32 v61, v0;
	_ =	sdelay $0x1  }
0x12a: {  	[tilespmem:s13+$0x82B0] =	vst v0  }
0x12b: {  	v62 =	vld [tilespmem:s12+$0xFFFFFE80];
	_ =	sdelay $0x1  }
0x12c: {  	v63 =	vld [tilespmem:s12+$0xFFFFFE90];
	_ =	sdelay $0x1  }
0x12d: {  	v4 =	vld [tilespmem:s12+$0xFFFFFEA0]  }
0x12e: {  	v1 =	vmul.f32 v62, v0  }
0x12f: {  	v5 =	vld [tilespmem:s12+$0xFFFFFEB0]  }
0x130: {  	[tilespmem:s12+$0xFFFFFE80] =	vst v1;
	v1 =	vmul.f32 v63, v0  }
0x131: {  	v6 =	vld [tilespmem:s12+$0xFFFFFEC0]  }
0x132: {  	[tilespmem:s12+$0xFFFFFE90] =	vst v1;
	v1 =	vmul.f32 v4, v0  }
0x133: {  	v7 =	vld [tilespmem:s12+$0xFFFFFED0]  }
0x134: {  	[tilespmem:s12+$0xFFFFFEA0] =	vst v1;
	v1 =	vmul.f32 v5, v0  }
0x135: {  	v8 =	vld [tilespmem:s12+$0xFFFFFEE0]  }
0x136: {  	v9 =	vld [tilespmem:s12+$0xFFFFFEF0];
	[tilespmem:s12+$0xFFFFFEB0] =	vst v1;
	v1 =	vmul.f32 v6, v0;
	_ =	sdelay $0x1  }
0x137: {  	[tilespmem:s12+$0xFFFFFEC0] =	vst v1;
	v1 =	vmul.f32 v7, v0;
	_ =	sdelay $0x1  }
0x138: {  	[tilespmem:s12+$0xFFFFFED0] =	vst v1;
	v1 =	vmul.f32 v8, v0  }
0x139: {  	v0 =	vmul.f32 v9, v0  }
0x13a: {  	[tilespmem:s12+$0xFFFFFEE0] =	vst v1  }
0x13b: {  	[tilespmem:s12+$0xFFFFFEF0] =	vst v0  }
0x13c: {  	v0 =	vld [tilespmem:s13+$0x50C0]  }
0x13d: {  	v10 =	vld [tilespmem:s13+$0x55C0];
	_ =	sdelay $0x4  }
0x13e: {  	v0 =	vmul.f32 v10, v0;
	_ =	sdelay $0x1  }
0x13f: {  	[tilespmem:s13+$0x82C0] =	vst v0  }
0x140: {  	v11 =	vld [tilespmem:s12+$0xFFFFFF00];
	_ =	sdelay $0x1  }
0x141: {  	v12 =	vld [tilespmem:s12+$0xFFFFFF10];
	_ =	sdelay $0x1  }
0x142: {  	v13 =	vld [tilespmem:s12+$0xFFFFFF20]  }
0x143: {  	v1 =	vmul.f32 v11, v0  }
0x144: {  	v14 =	vld [tilespmem:s12+$0xFFFFFF30]  }
0x145: {  	[tilespmem:s12+$0xFFFFFF00] =	vst v1;
	v1 =	vmul.f32 v12, v0  }
0x146: {  	v15 =	vld [tilespmem:s12+$0xFFFFFF40]  }
0x147: {  	[tilespmem:s12+$0xFFFFFF10] =	vst v1;
	v1 =	vmul.f32 v13, v0  }
0x148: {  	v16 =	vld [tilespmem:s12+$0xFFFFFF50]  }
0x149: {  	[tilespmem:s12+$0xFFFFFF20] =	vst v1;
	v1 =	vmul.f32 v14, v0  }
0x14a: {  	v17 =	vld [tilespmem:s12+$0xFFFFFF60]  }
0x14b: {  	v18 =	vld [tilespmem:s12+$0xFFFFFF70];
	[tilespmem:s12+$0xFFFFFF30] =	vst v1;
	v1 =	vmul.f32 v15, v0;
	_ =	sdelay $0x1  }
0x14c: {  	[tilespmem:s12+$0xFFFFFF40] =	vst v1;
	v1 =	vmul.f32 v16, v0;
	_ =	sdelay $0x1  }
0x14d: {  	[tilespmem:s12+$0xFFFFFF50] =	vst v1;
	v1 =	vmul.f32 v17, v0  }
0x14e: {  	v0 =	vmul.f32 v18, v0  }
0x14f: {  	[tilespmem:s12+$0xFFFFFF60] =	vst v1  }
0x150: {  	[tilespmem:s12+$0xFFFFFF70] =	vst v0  }
0x151: {  	v0 =	vld [tilespmem:s13+$0x50D0]  }
0x152: {  	v19 =	vld [tilespmem:s13+$0x55D0];
	_ =	sdelay $0x4  }
0x153: {  	v0 =	vmul.f32 v19, v0;
	_ =	sdelay $0x1  }
0x154: {  	[tilespmem:s13+$0x82D0] =	vst v0  }
0x155: {  	v20 =	vld [tilespmem:s12+$0xFFFFFF80];
	_ =	sdelay $0x1  }
0x156: {  	v21 =	vld [tilespmem:s12+$0xFFFFFF90];
	_ =	sdelay $0x1  }
0x157: {  	v22 =	vld [tilespmem:s12+$0xFFFFFFA0]  }
0x158: {  	v1 =	vmul.f32 v20, v0  }
0x159: {  	v23 =	vld [tilespmem:s12+$0xFFFFFFB0]  }
0x15a: {  	[tilespmem:s12+$0xFFFFFF80] =	vst v1;
	v1 =	vmul.f32 v21, v0  }
0x15b: {  	v24 =	vld [tilespmem:s12+$0xFFFFFFC0]  }
0x15c: {  	[tilespmem:s12+$0xFFFFFF90] =	vst v1;
	v1 =	vmul.f32 v22, v0  }
0x15d: {  	v25 =	vld [tilespmem:s12+$0xFFFFFFD0]  }
0x15e: {  	[tilespmem:s12+$0xFFFFFFA0] =	vst v1;
	v1 =	vmul.f32 v23, v0  }
0x15f: {  	v26 =	vld [tilespmem:s12+$0xFFFFFFE0]  }
0x160: {  	v27 =	vld [tilespmem:s12+$0xFFFFFFF0];
	[tilespmem:s12+$0xFFFFFFB0] =	vst v1;
	v1 =	vmul.f32 v24, v0;
	_ =	sdelay $0x1  }
0x161: {  	[tilespmem:s12+$0xFFFFFFC0] =	vst v1;
	v1 =	vmul.f32 v25, v0;
	_ =	sdelay $0x1  }
0x162: {  	[tilespmem:s12+$0xFFFFFFD0] =	vst v1;
	v1 =	vmul.f32 v26, v0  }
0x163: {  	v0 =	vmul.f32 v27, v0  }
0x164: {  	[tilespmem:s12+$0xFFFFFFE0] =	vst v1  }
0x165: {  	[tilespmem:s12+$0xFFFFFFF0] =	vst v0  }
0x166: {  	v0 =	vld [tilespmem:s13+$0x50E0]  }
0x167: {  	v28 =	vld [tilespmem:s13+$0x55E0];
	_ =	sdelay $0x4  }
0x168: {  	v0 =	vmul.f32 v28, v0;
	_ =	sdelay $0x1  }
0x169: {  	[tilespmem:s13+$0x82E0] =	vst v0  }
0x16a: {  	v29 =	vld [tilespmem:s12+$0x0];
	_ =	sdelay $0x1  }
0x16b: {  	v30 =	vld [tilespmem:s12+$0x10];
	_ =	sdelay $0x1  }
0x16c: {  	v31 =	vld [tilespmem:s12+$0x20]  }
0x16d: {  	v1 =	vmul.f32 v29, v0  }
0x16e: {  	v32 =	vld [tilespmem:s12+$0x30]  }
0x16f: {  	[tilespmem:s12+$0x0] =	vst v1;
	v1 =	vmul.f32 v30, v0  }
0x170: {  	v33 =	vld [tilespmem:s12+$0x40]  }
0x171: {  	[tilespmem:s12+$0x10] =	vst v1;
	v1 =	vmul.f32 v31, v0  }
0x172: {  	v34 =	vld [tilespmem:s12+$0x50]  }
0x173: {  	[tilespmem:s12+$0x20] =	vst v1;
	v1 =	vmul.f32 v32, v0  }
0x174: {  	v35 =	vld [tilespmem:s12+$0x60]  }
0x175: {  	v36 =	vld [tilespmem:s12+$0x70];
	[tilespmem:s12+$0x30] =	vst v1;
	v1 =	vmul.f32 v33, v0;
	_ =	sdelay $0x1  }
0x176: {  	[tilespmem:s12+$0x40] =	vst v1;
	v1 =	vmul.f32 v34, v0;
	_ =	sdelay $0x1  }
0x177: {  	[tilespmem:s12+$0x50] =	vst v1;
	v1 =	vmul.f32 v35, v0  }
0x178: {  	v0 =	vmul.f32 v36, v0  }
0x179: {  	[tilespmem:s12+$0x60] =	vst v1  }
0x17a: {  	[tilespmem:s12+$0x70] =	vst v0  }
0x17b: {  	v0 =	vld [tilespmem:s13+$0x50F0]  }
0x17c: {  	v37 =	vld [tilespmem:s13+$0x55F0];
	_ =	sdelay $0x4  }
0x17d: {  	v0 =	vmul.f32 v37, v0;
	_ =	sdelay $0x1  }
0x17e: {  	[tilespmem:s13+$0x82F0] =	vst v0  }
0x17f: {  	v38 =	vld [tilespmem:s12+$0x80];
	_ =	sdelay $0x1  }
0x180: {  	v39 =	vld [tilespmem:s12+$0x90];
	_ =	sdelay $0x1  }
0x181: {  	v40 =	vld [tilespmem:s12+$0xA0]  }
0x182: {  	v1 =	vmul.f32 v38, v0  }
0x183: {  	v41 =	vld [tilespmem:s12+$0xB0]  }
0x184: {  	[tilespmem:s12+$0x80] =	vst v1;
	v1 =	vmul.f32 v39, v0  }
0x185: {  	v42 =	vld [tilespmem:s12+$0xC0]  }
0x186: {  	[tilespmem:s12+$0x90] =	vst v1;
	v1 =	vmul.f32 v40, v0  }
0x187: {  	v43 =	vld [tilespmem:s12+$0xD0]  }
0x188: {  	[tilespmem:s12+$0xA0] =	vst v1;
	v1 =	vmul.f32 v41, v0  }
0x189: {  	v44 =	vld [tilespmem:s12+$0xE0]  }
0x18a: {  	v45 =	vld [tilespmem:s12+$0xF0];
	[tilespmem:s12+$0xB0] =	vst v1;
	v1 =	vmul.f32 v42, v0;
	_ =	sdelay $0x1  }
0x18b: {  	[tilespmem:s12+$0xC0] =	vst v1;
	v1 =	vmul.f32 v43, v0;
	_ =	sdelay $0x1  }
0x18c: {  	[tilespmem:s12+$0xD0] =	vst v1;
	v1 =	vmul.f32 v44, v0  }
0x18d: {  	v0 =	vmul.f32 v45, v0  }
0x18e: {  	[tilespmem:s12+$0xE0] =	vst v1  }
0x18f: {  	[tilespmem:s12+$0xF0] =	vst v0  }
0x190: {  	v0 =	vld [tilespmem:s13+$0x5100]  }
0x191: {  	v46 =	vld [tilespmem:s13+$0x5600];
	_ =	sdelay $0x4  }
0x192: {  	v0 =	vmul.f32 v46, v0;
	_ =	sdelay $0x1  }
0x193: {  	[tilespmem:s13+$0x8300] =	vst v0  }
0x194: {  	v47 =	vld [tilespmem:s12+$0x100];
	_ =	sdelay $0x1  }
0x195: {  	v48 =	vld [tilespmem:s12+$0x110];
	_ =	sdelay $0x1  }
0x196: {  	v49 =	vld [tilespmem:s12+$0x120]  }
0x197: {  	v1 =	vmul.f32 v47, v0  }
0x198: {  	v50 =	vld [tilespmem:s12+$0x130]  }
0x199: {  	[tilespmem:s12+$0x100] =	vst v1;
	v1 =	vmul.f32 v48, v0  }
0x19a: {  	v51 =	vld [tilespmem:s12+$0x140]  }
0x19b: {  	[tilespmem:s12+$0x110] =	vst v1;
	v1 =	vmul.f32 v49, v0  }
0x19c: {  	v52 =	vld [tilespmem:s12+$0x150]  }
0x19d: {  	[tilespmem:s12+$0x120] =	vst v1;
	v1 =	vmul.f32 v50, v0  }
0x19e: {  	v53 =	vld [tilespmem:s12+$0x160]  }
0x19f: {  	v54 =	vld [tilespmem:s12+$0x170];
	[tilespmem:s12+$0x130] =	vst v1;
	v1 =	vmul.f32 v51, v0;
	_ =	sdelay $0x1  }
0x1a0: {  	[tilespmem:s12+$0x140] =	vst v1;
	v1 =	vmul.f32 v52, v0;
	_ =	sdelay $0x1  }
0x1a1: {  	[tilespmem:s12+$0x150] =	vst v1;
	v1 =	vmul.f32 v53, v0  }
0x1a2: {  	v0 =	vmul.f32 v54, v0  }
0x1a3: {  	[tilespmem:s12+$0x160] =	vst v1  }
0x1a4: {  	[tilespmem:s12+$0x170] =	vst v0  }
0x1a5: {  	v0 =	vld [tilespmem:s13+$0x5110]  }
0x1a6: {  	v55 =	vld [tilespmem:s13+$0x5610];
	_ =	sdelay $0x4  }
0x1a7: {  	v0 =	vmul.f32 v55, v0;
	_ =	sdelay $0x1  }
0x1a8: {  	[tilespmem:s13+$0x8310] =	vst v0  }
0x1a9: {  	v56 =	vld [tilespmem:s12+$0x180];
	_ =	sdelay $0x1  }
0x1aa: {  	v57 =	vld [tilespmem:s12+$0x190];
	_ =	sdelay $0x1  }
0x1ab: {  	v58 =	vld [tilespmem:s12+$0x1A0]  }
0x1ac: {  	v1 =	vmul.f32 v56, v0  }
0x1ad: {  	v59 =	vld [tilespmem:s12+$0x1B0]  }
0x1ae: {  	[tilespmem:s12+$0x180] =	vst v1;
	v1 =	vmul.f32 v57, v0  }
0x1af: {  	v60 =	vld [tilespmem:s12+$0x1C0]  }
0x1b0: {  	[tilespmem:s12+$0x190] =	vst v1;
	v1 =	vmul.f32 v58, v0  }
0x1b1: {  	v61 =	vld [tilespmem:s12+$0x1D0]  }
0x1b2: {  	[tilespmem:s12+$0x1A0] =	vst v1;
	v1 =	vmul.f32 v59, v0  }
0x1b3: {  	v62 =	vld [tilespmem:s12+$0x1E0]  }
0x1b4: {  	v63 =	vld [tilespmem:s12+$0x1F0];
	[tilespmem:s12+$0x1B0] =	vst v1;
	v1 =	vmul.f32 v60, v0;
	_ =	sdelay $0x1  }
0x1b5: {  	p1 =	sne.s32 s11, $0x800;
	[tilespmem:s12+$0x1C0] =	vst v1;
	v1 =	vmul.f32 v61, v0  }
.Ltmp3:
0x1b6: {  	_ = 	snop;
	(pc) =	sbr.rel @p1 .LBB2_5-.Ltmp3, $4  }
0x1b7: {  	[tilespmem:s12+$0x1D0] =	vst v1;
	v1 =	vmul.f32 v62, v0  }
0x1b8: {  	v0 =	vmul.f32 v63, v0  }
0x1b9: {  	[tilespmem:s12+$0x1E0] =	vst v1  }
0x1ba: {  	s11 =	sadd.s32 $0x200, s11;
	[tilespmem:s12+$0x1F0] =	vst v0;
	s12 =	sadd.s32 $0x400, s12  }
0x1bb: {  	s11 =	sadd.s32 $0x50, s17  }
0x1bc: {  	s11 =	sand.u32 $0x1FFFFFF0, s11  }
0x1bd: {  	s11 =	sadd.s32 s3, s11  }
0x1be: {  	[hbm4b:s11+s5] =	stream.linear.scatter [tilespmem:s0], [sflag:$0x4], $0x280, $0x38;
	[tilespmem:$0x1C520] =	vst v63  }
.Ltmp4:
0x1bf: {  	s17 =	sadd.s32 $0x2738, s10;
	(pc) =	sbr.rel @p0 .LBB2_8-.Ltmp4, $4  }
0x1c0: {  	[spmem:s4] =	stream.indirect.scatter.add.f32 [tilespmem:s28], [sflag:$0x5], $0x80, s17, s21, $0xb8;
	[tilespmem:$0x1C520] =	vst v63  }
0x1c1: {  	_ =	swait.ge [sflag:s16], $0x1400  }
0x1c2: {  	[sflag:s16] =	ssyncset.done $0x0  }
0x1c3: {  	[sflag:s16] =	ssyncadd.s32 $0xFFFFEC00  }
0x1c4: {  	s11 =	sadd.s32 $0x78, s10  }
0x1c5: {  	s12 =	sadd.s32 s8, s11  }
0x1c6: {  	s12 =	sshll.u32 s12, $0x1  }
0x1c7: {  	s12 =	sand.u32 $0x1FFFFFF0, s12  }
0x1c8: {  	s12 =	sadd.s32 s6, s12  }
0x1c9: {  	[tilespmem:s24], [sflag:$0x2] =	stream.linear.gather [hbm4b:s12+s5], $0x280, $0x38;
	[tilespmem:$0x1C520] =	vst v63  }
.Ltmp5:
0x1ca: {  	_ = 	snop;
	(pc) =	sbr.rel .LBB2_2-.Ltmp5, $4  }
0x1cb: {  	s17 =	sadd.s32 $0x2788, s10  }
0x1cc: {  	[tilespmem:s26], [sflag:$0x2] =	stream.indirect.gather [hbm4b:s7+s21], $0x10, s17, s21, $0xb8;
	[tilespmem:$0x1C520] =	vst v63  }
0x1cd: {  	s25 =	sadd.s32 $0x1, s25  }
0x1ce: {  	[tilespmem:s28], [sflag:$0x2] =	stream.indirect.gather [hbm4b:s1+s21], $0x80, s11, s21, $0xb8;
	[tilespmem:$0x1C520] =	vst v63  }
.LBB2_9:
0x1cf: {  	_ =	sfence.sel $0x180000  }
0x1d0: {  	[bflag:$0x0] =	sbarrier.arrive $0xFFFF  }
0x1d1: {  	_ =	strace $0x9000004A  }
0x1d2: {  	s0 =	stileid.u32;
	[bflag:$0x2] =	sbarrier.arrive $0xFFFF  }
0x1d3: {  	p0 =	sne.s32 s0, $0x0;
	s0 =	rddreg [dreg:$0x5]  }
0x1d4: {  	s0 =	sadd.s32 @!p0 $0x100000, s0  }
0x1d5: {  	[sflag:s0] =	ssyncadd.tile.s32 @!p0 $0x1;
	_ =	shalt  }
.Lfunc_end2:
_tile_overlayer_lowered:
.L_overlay_start_2:
0x1d6: {  	(tag) =	ssettag $0x2  }
0x1d7: {  	s0 =	rddreg [dreg:$0x0];
	s2 =	stileid.u32  }
0x1d8: {  	s1 =	rddreg [dreg:$0x1];
	p0 =	sne.s32 s2, $0x0  }
0x1d9: {  	s3 =	rddreg [dreg:$0x2];
	[bflag:$0x3] =	sbarrier.arrive $0xFFFF;
	s2 =	simm.s32 @!p0 $0x1C05  }
0x1da: {  	[timem:s3], [sflag:s2] =	dma.local @!p0 [hbm:s0], s1  }
0x1db: {  	s0 =	simm.s32 @!p0 $0x5  }
0x1dc: {  	_ =	swait.ge @!p0 [sflag:s0], s1  }
0x1dd: {  	s1 =	ssub.s32 @!p0 $0x0, s1;
	[sflag:s0] =	ssyncset.done @!p0 $0x0  }
0x1de: {  	[sflag:s0] =	ssyncadd.s32 @!p0 s1  }
0x1df: {  	[bflag:$0x3] =	sbarrier.arrive $0xFFFF  }
0x1e0: {  	_ =	shalt  }

// kernel: kernel.7.cloned.1.call-start
scs
__scs_entry_jumppad:
0x0: {  	(pc) =	sbr.rel $0x88, $3  }
0x1: {  	(tag) =	ssettag $0x0;
	lr =	simm.s32 $0x1  }
0x2: {  	[smem:$0x3F9C] =	sst lr;
	_ =	strace $0xD0000000  }
0x3: {  	_ = 	snop  }
0x4: {  	_ = 	snop  }
0x5: {  	_ = 	snop  }
0x6: {  	_ = 	snop  }
0x7: {  	_ = 	snop  }
__scs_overlays_trampoline_lowered:
0x8: {  	[smem:$0x3FAB] =	sst s0  }
0x9: {  	[smem:$0x3FAC] =	sst s1  }
0xa: {  	[smem:$0x3FAD] =	sst s2  }
0xb: {  	[smem:$0x3FAE] =	sst s3  }
0xc: {  	[smem:$0x3FAF] =	sst s4  }
0xd: {  	[smem:$0x3FB0] =	sst s5  }
0xe: {  	[smem:$0x3FB1] =	sst s6  }
0xf: {  	[smem:$0x3FB2] =	sst s7  }
0x10: {  	[smem:$0x3FB3] =	sst s8  }
0x11: {  	[smem:$0x3FB4] =	sst s9;
	s0 =	simm.s32 @!p0 $0x0  }
0x12: {  	s1 =	sld [smem:$0x3F9A];
	s0 =	simm.s32 @p0 $0x1  }
0x13: {  	[smem:$0x3FB5] =	sst s0;
	s0 =	simm.s32 @!p1 $0x0  }
0x14: {  	s2 =	sld [smem:$0x3F99];
	s0 =	simm.s32 @p1 $0x1  }
0x15: {  	[smem:$0x3FB6] =	sst s0;
	s0 =	simm.s32 @!p2 $0x0  }
0x16: {  	s3 =	sld [smem:$0x3FDB];
	s0 =	simm.s32 @p2 $0x1  }
0x17: {  	s4 =	simm.s32 $0x1BF5;
	[smem:$0x3FB8] =	sst s0  }
0x18: {  	s0 =	sld [smem:$0x3F9B];
	_ =	swait.ge [sflag:s4], $0x0  }
0x19: {  	s7 =	sld [smem:$0x3F9C]  }
0x1a: {  	s8 =	sadd.s32 $0xFFFFE003, lr  }
0x1b: {  	s9 =	sadd.s32 $0xFFFFFEF7, lr;
	s5 =	simm.s32 $0xFFFFFFFF;
	p2 =	slt.u32 s8, $0xFFFFF086  }
0x1c: {  	p1 =	slt.u32 s9, $0xF7A;
	s5 =	simm.s32 @!p2 $0x0  }
0x1d: {  	s5 =	simm.s32 @p1 $0x1;
	p0 =	seq.s32 s7, s2  }
0x1e: {  	s7 =	smul.u32 @!p0 $0xF7A, s2;
	p2 =	seq.s32 @!p0 s5, $0x0  }
0x1f: {  	s9 =	smul.u32 $0xF7A, s1;
	s8 =	simm.s32 @!p0 $0x1BF5;
	p2 =	por !p2, p0  }
0x20: {  	[sflag:s8] =	ssyncset.s32 @!p0 $0xFFFFF086;
	s6 =	sadd.s32 @!p0 s3, s7;
	s7 =	simm.s32 @!p0 $0x108  }
0x21: {  	s3 =	sadd.s32 s3, s9;
	s6 =	sadd.s32 @!p0 $0x88, s6;
	s7 =	simm.s32 @p2 $0x1082  }
0x22: {  	[simem:s7], [sflag:s8] =	dma.local @!p0 [hbm:s6], $0xF7A  }
0x23: {  	s9 =	sor.u32 $0xD0000000, s2;
	s6 =	simm.s32 $0x108;
	_ =	swait.ge @!p0 [sflag:s8], $0x0  }
0x24: {  	s3 =	sadd.s32 $0x88, s3;
	s6 =	simm.s32 @!p1 $0x1082;
	[sflag:s4] =	ssyncset.s32 $0xFFFFF086  }
0x25: {  	[simem:s6], [sflag:s4] =	dma.local [hbm:s3], $0xF7A  }
0x26: {  	[smem:$0x3F9C] =	sst s1;
	(tag) =	ssettag s2;
	_ =	strace s9  }
0x27: {  	s1 =	sld [smem:$0x3FAC]  }
0x28: {  	s2 =	sld [smem:$0x3FAD]  }
0x29: {  	s4 =	sld [smem:$0x3FAF]  }
0x2a: {  	p0 =	seq.s32 s5, $0x0;
	s5 =	sld [smem:$0x3FB0]  }
0x2b: {  	s6 =	sld [smem:$0x3FB1]  }
0x2c: {  	s7 =	sld [smem:$0x3FB2]  }
0x2d: {  	s3 =	simm.s32 $0x108;
	s8 =	sld [smem:$0x3FB3]  }
0x2e: {  	s3 =	simm.s32 @!p0 $0x1082;
	s9 =	sld [smem:$0x3FB4]  }
0x2f: {  	lr =	sadd.s32 s0, s3;
	s0 =	sld [smem:$0x3FAB]  }
0x30: {  	s3 =	sld [smem:$0x3FAE]  }
0x31: {  	[smem:$0x3FB7] =	sst s10  }
0x32: {  	s10 =	sld [smem:$0x3FB5];
	_ =	sdelay $0x3  }
0x33: {  	p0 =	seq.s32 s10, $0x1;
	s10 =	sld [smem:$0x3FB7];
	_ =	sdelay $0x3  }
0x34: {  	[smem:$0x3FB7] =	sst s10  }
0x35: {  	s10 =	sld [smem:$0x3FB6];
	_ =	sdelay $0x3  }
0x36: {  	p1 =	seq.s32 s10, $0x1;
	s10 =	sld [smem:$0x3FB7];
	_ =	sdelay $0x3  }
0x37: {  	[smem:$0x3FB7] =	sst s10  }
0x38: {  	s10 =	sld [smem:$0x3FB8]  }
0x39: {  	_ = 	snop;
	(pc) =	sbr.ind lr, $3  }
0x3a: {  	_ = 	snop  }
0x3b: {  	_ = 	snop  }
0x3c: {  	p2 =	seq.s32 s10, $0x1;
	s10 =	sld [smem:$0x3FB7]  }
0x3d: {  	_ =	shalt  }
0x3e: {  	_ =	shalt  }
0x3f: {  	_ =	shalt  }
0x40: {  	_ =	shalt  }
0x41: {  	_ =	shalt  }
0x42: {  	_ =	shalt  }
0x43: {  	_ =	shalt  }
0x44: {  	_ =	shalt  }
0x45: {  	_ =	shalt  }
0x46: {  	_ =	shalt  }
0x47: {  	_ =	shalt  }
0x48: {  	_ =	shalt  }
0x49: {  	_ =	shalt  }
0x4a: {  	_ =	shalt  }
0x4b: {  	_ =	shalt  }
0x4c: {  	_ =	shalt  }
0x4d: {  	_ =	shalt  }
0x4e: {  	_ =	shalt  }
0x4f: {  	_ =	shalt  }
0x50: {  	_ =	shalt  }
0x51: {  	_ =	shalt  }
0x52: {  	_ =	shalt  }
0x53: {  	_ =	shalt  }
0x54: {  	_ =	shalt  }
0x55: {  	_ =	shalt  }
0x56: {  	_ =	shalt  }
0x57: {  	_ =	shalt  }
0x58: {  	_ =	shalt  }
0x59: {  	_ =	shalt  }
0x5a: {  	_ =	shalt  }
0x5b: {  	_ =	shalt  }
0x5c: {  	_ =	shalt  }
0x5d: {  	_ =	shalt  }
0x5e: {  	_ =	shalt  }
0x5f: {  	_ =	shalt  }
0x60: {  	_ =	shalt  }
0x61: {  	_ =	shalt  }
0x62: {  	_ =	shalt  }
0x63: {  	_ =	shalt  }
0x64: {  	_ =	shalt  }
0x65: {  	_ =	shalt  }
0x66: {  	_ =	shalt  }
0x67: {  	_ =	shalt  }
0x68: {  	_ =	shalt  }
0x69: {  	_ =	shalt  }
0x6a: {  	_ =	shalt  }
0x6b: {  	_ =	shalt  }
0x6c: {  	_ =	shalt  }
0x6d: {  	_ =	shalt  }
0x6e: {  	_ =	shalt  }
0x6f: {  	_ =	shalt  }
0x70: {  	_ =	shalt  }
0x71: {  	_ =	shalt  }
0x72: {  	_ =	shalt  }
0x73: {  	_ =	shalt  }
0x74: {  	_ =	shalt  }
0x75: {  	_ =	shalt  }
0x76: {  	_ =	shalt  }
0x77: {  	_ =	shalt  }
0x78: {  	_ =	shalt  }
0x79: {  	_ =	shalt  }
0x7a: {  	_ =	shalt  }
0x7b: {  	_ =	shalt  }
0x7c: {  	_ =	shalt  }
0x7d: {  	_ =	shalt  }
0x7e: {  	_ =	shalt  }
0x7f: {  	_ =	shalt  }
0x80: {  	_ =	shalt  }
0x81: {  	_ =	shalt  }
0x82: {  	_ =	shalt  }
0x83: {  	_ =	shalt  }
0x84: {  	_ =	shalt  }
0x85: {  	_ =	shalt  }
0x86: {  	_ =	shalt  }
0x87: {  	_ =	shalt  }
.Lfunc_end0:
.L_simem_size_0:
called_computation_lowered:
.L_overlay_start_0:
0x88: {  	s2 =	sld [smem:$0x3FD9]  }
0x89: {  	s3 =	sld [smem:$0x3FFE];
	_ =	sdelay $0x1  }
0x8a: {  	s1 =	srdreg.scid  }
0x8b: {  	s0 =	sand.u32 $0x1, s1  }
0x8c: {  	s14 =	sshll.u32 s0, $0xA;
	s2 =	sadd.s32 s3, s2  }
0x8d: {  	s2 =	sadd.s32 s2, s14  }
0x8e: {  	[smem:$0x3FC3] =	sst s2  }
0x8f: {  	_ = 	snop  }
0x90: {  	s2 =	sld [smem:$0x3FD0];
	_ =	sdelay $0x2  }
0x91: {  	s15 =	simm.s32 $0xA;
	s4 =	simm.s32 $0x10  }
0x92: {  	[smem:s4], [sflag:s15] =	dma.local [hbm:s2], $0x1  }
0x93: {  	_ =	swait.eq [sflag:s15], $0x1  }
0x94: {  	[sflag:s15] =	ssyncset.done $0x0  }
0x95: {  	s16 =	sld [smem:$0x11];
	[sflag:s15] =	ssyncadd.s32 $0xFFFFFFFF  }
0x96: {  	s17 =	sld [smem:$0x12];
	(tm) =	ssettm $0x1  }
0x97: {  	s18 =	sld [smem:$0x3FFB];
	_ =	sdelay $0x3  }
0x98: {  	_ =	strace s18  }
0x99: {  	s4 =	sld [smem:$0x3FFC];
	_ =	sdelay $0x3  }
0x9a: {  	_ =	strace s4  }
0x9b: {  	s4 =	sld [smem:$0x3FFD];
	_ =	sdelay $0x3  }
0x9c: {  	_ =	strace s4  }
0x9d: {  	_ =	strace $0x8FFFFFFF  }
0x9e: {  	s19 =	sld [smem:$0x3FDB];
	_ =	sdelay $0x1  }
0x9f: {  	s5 =	simm.s32 $_scs_section_size  }
0xa0: {  	s6 =	simm.s32 $_size__tile_overlayer_lowered;
	s7 =	simm.s32 $_tile_overlayer_lowered  }
0xa1: {  	s22 =	simm.s32 $0x1BFF;
	s21 =	sshll.u32 s7, $0x1;
	s4 =	sadd.s32 s5, s19  }
0xa2: {  	s8 =	simm.s32 $0x0;
	s20 =	sshll.u32 s6, $0x1;
	s6 =	sadd.s32 s21, s4  }
0xa3: {  	[timem:s8], [sflag:s22] =	dma.local [hbm:s6], s20  }
0xa4: {  	_ =	swait.ge [sflag:s22], s20  }
0xa5: {  	s5 =	ssub.s32 $0x0, s20;
	[sflag:s22] =	ssyncset.done $0x0  }
0xa6: {  	[sflag:s22] =	ssyncadd.s32 s5;
	_ =	sdelay $0x1  }
0xa7: {  	s23 =	simm.s32 $0x1B8B  }
0xa8: {  	_ =	swait.ge [sflag:s23], $0x1  }
0xa9: {  	[sflag:s23] =	ssyncset.done $0x0  }
0xaa: {  	s25 =	simm.s32 $0x1B8E;
	s24 =	sld [smem:$0x3FFE];
	[sflag:s23] =	ssyncadd.s32 $0xFFFFFFFF  }
0xab: {  	s26 =	simm.s32 $execute0_lowered;
	[smem:$0x3FD2] =	sst s25  }
0xac: {  	s6 =	sshll.u32 s26, $0x1;
	_ =	strace $0x80000046;
	[dreg:$0x1] =	wrdreg $0xFFFFFFFF  }
0xad: {  	s28 =	simm.s32 $_size_execute0_lowered;
	s4 =	sadd.s32 s4, s6;
	[dreg:$0x0] =	wrdreg $0x0  }
0xae: {  	s6 =	sshll.u32 s28, $0x1;
	[dreg:$0x2] =	wrdreg s4  }
0xaf: {  	[dreg:$0x3] =	wrdreg s6  }
0xb0: {  	[dreg:$0x4] =	wrdreg $0xC0  }
0xb1: {  	_ =	task [dreg:s8], $0x5FFFF  }
0xb2: {  	[dreg:$0x1] =	wrdreg $0xFFFFFFFF  }
0xb3: {  	[dreg:$0x0] =	wrdreg $0x60  }
0xb4: {  	[dreg:$0x2] =	wrdreg s17  }
0xb5: {  	[dreg:$0x3] =	wrdreg s16  }
0xb6: {  	[dreg:$0x4] =	wrdreg s24  }
0xb7: {  	[dreg:$0x5] =	wrdreg $0xCB300  }
0xb8: {  	[dreg:$0x6] =	wrdreg $0x9  }
0xb9: {  	_ =	task.clear_ibuf [dreg:s8], $0x7FFFF;
	_ =	strace $0x90000046  }
0xba: {  	s29 =	simm.s32 $0x9;
	_ =	strace $0x80000048  }
0xbb: {  	_ =	swait.ge [sflag:s29], $0x1  }
0xbc: {  	[sflag:s29] =	ssyncadd.s32 $0xFFFFFFFF  }
0xbd: {  	_ =	strace $0x90000048  }
0xbe: {  	_ =	sfence  }
0xbf: {  	s30 =	sld [smem:$0x0];
	_ =	sdelay $0x2  }
0xc0: {  	s31 =	sshll.u32 s1, $0xD;
	s1 =	sshrl.u32 s1, $0x2  }
0xc1: {  	s3 =	sand.u32 $0x4000, s31;
	s1 =	sadd.s32 s1, s30  }
0xc2: {  	s0 =	sor.u32 s3, s0;
	s1 =	sshll.u32 s1, $0x11  }
0xc3: {  	s0 =	sor.u32 s1, s0  }
0xc4: {  	s0 =	sadd.s32 $0x8F2B, s0  }
0xc5: {  	[sflag:s0] =	ssyncadd.remote.s32 $0x1  }
0xc6: {  	_ =	sfence.sel $0xFFFF  }
0xc7: {  	[dreg:$0x0] =	wrdreg $0xFFFFFFFF;
	(pc) =	sbr.abs _section_cstart, $3  }
0xc8: {  	[dreg:$0x1] =	wrdreg $0xFFFFFFFF  }
0xc9: {  	_ =	task.clear_ibuf [dreg:s8], $0x2FFFF;
	_ =	strace $0x9FFFFFFF  }
0xca: {  	(tm) =	ssettm $0x7FFFFFFF  }
0xcb: {  	_ =	shalt  }
tec
execute0_lowered:
.L_overlay_start_1:
0x0: {  	(tag) =	ssettag $0x1  }
0x1: {  	s0 =	rddreg [dreg:$0x0]  }
0x2: {  	s1 =	rddreg [dreg:$0x1]  }
0x3: {  	s2 =	rddreg [dreg:$0x2]  }
0x4: {  	s3 =	rddreg [dreg:$0x3];
	s4 =	simm.s32 $0x0  }
0x5: {  	s16 =	stileid.u32;
	s5 =	srdreg.scid;
	s28 =	simm.s32 $0x5AA0  }
0x6: {  	s29 =	simm.s32 $0x73A0;
	s31 =	simm.s32 $0x8CA0;
	s30 =	simm.s32 $0x4  }
0x7: {  	[smem:$0x7FF] =	sst s4;
	s7 =	smul.u32 $0x2800, s16;
	s10 =	sand.u32 $0x1, s5  }
0x8: {  	s5 =	sadd.s32 $0x2400, s2;
	s6 =	sadd.s32 $0x7400, s2;
	s9 =	sadd.s32 $0x2200, s2  }
0x9: {  	s17 =	sshll.u32 s16, $0x1;
	s26 =	sshll.u32 s16, $0x6;
	_ =	strace $0x80000047  }
0xa: {  	s8 =	smul.u32 $0x28000, s10;
	[dreg:$0x5] =	wrdreg s9;
	s12 =	sor.u32 s10, s17  }
0xb: {  	s9 =	sadd.s32 $0x1B400, s2;
	s10 =	ssub.s32 $0x2, s10;
	s15 =	smul.u32 $0x27100, s12  }
0xc: {  	s11 =	sshrl.u32 s7, $0x3;
	s18 =	sshrl.u32 s10, $0x1;
	s20 =	smul.u32 $0x4E20, s12  }
0xd: {  	s8 =	sadd.s32 s7, s8;
	s11 =	sadd.s32 s11, s2;
	s10 =	ssub.s32 s10, s18  }
0xe: {  	s7 =	sadd.s32 s7, s3;
	s18 =	simm.s32 $0xB220;
	s13 =	sshrl.u32 s8, $0x3  }
0xf: {  	s8 =	smul.u32 $0x2710, s12;
	s22 =	sshrl.u32 s15, $0x3;
	s11 =	sadd.s32 $0xC400, s11  }
0x10: {  	s25 =	smax.u32 s10, $0x1;
	s12 =	simm.s32 $0x0;
	[dreg:$0x8] =	wrdreg s11  }
0x11: {  	s2 =	sadd.s32 s13, s2;
	s23 =	sadd.s32 s1, s22;
	[dreg:$0xc] =	wrdreg s25  }
0x12: {  	s13 =	sor.u32 $0x1C05, s26;
	s25 =	simm.s32 $0x6720;
	s26 =	simm.s32 $0x8020  }
0x13: {  	s11 =	simm.s32 $0xBEA0;
	s14 =	sshrl.u32 s8, $0x3;
	s15 =	sadd.s32 $0xC8, s8  }
0x14: {  	s24 =	sadd.s32 $0x11400, s2;
	s2 =	simm.s32 $0x9920;
	[dreg:$0xd] =	wrdreg s13  }
0x15: {  	s19 =	sadd.s32 s0, s14;
	s0 =	sadd.s32 s1, s20;
	[dreg:$0xb] =	wrdreg s24  }
.Ltmp0:
0x16: {  	s14 =	sshrl.u32 s7, $0x3;
	[dreg:$0x6] =	wrdreg s19;
	(pc) =	sbr.rel .LBB2_1-.Ltmp0, $4  }
0x17: {  	s24 =	simm.s32 $0xC8;
	s7 =	simm.s32 $0x2;
	[dreg:$0x9] =	wrdreg s0  }
0x18: {  	s20 =	simm.s32 $0xA5A0;
	s21 =	sadd.s32 $0x9C40, s19;
	[dreg:$0xe] =	wrdreg s14  }
0x19: {  	s0 =	sadd.s32 $0x190, s23;
	s19 =	simm.s32 $0x5;
	[dreg:$0x7] =	wrdreg s21  }
0x1a: {  	s23 =	simm.s32 $0x4E20;
	[dreg:$0xa] =	wrdreg s0;
	s0 =	simm.s32 $0x1  }
.LBB2_12:
0x1b: {  	s10 =	simm.s32 $0x3  }
0x1c: {  	_ =	swait.ge [sflag:s10], $0xC80  }
0x1d: {  	[sflag:s10] =	ssyncset.done $0x0  }
0x1e: {  	[sflag:s10] =	ssyncadd.s32 $0xFFFFF380  }
0x1f: {  	_ =	swait.ge [sflag:s30], $0xC80  }
0x20: {  	[sflag:s30] =	ssyncset.done $0x0  }
0x21: {  	[sflag:s30] =	ssyncadd.s32 $0xFFFFF380  }
0x22: {  	[bflag:$0x0] =	sbarrier.arrive $0xFFFF  }
0x23: {  	s21 =	rddreg [dreg:$0xb]  }
0x24: {  	s13 =	rddreg [dreg:$0xd]  }
0x25: {  	s14 =	rddreg [dreg:$0xe]  }
0x26: {  	[hbm:s21], [sflag:s13] =	dma.local [spmem:s14], $0x500  }
0x27: {  	_ =	swait.ge [sflag:s19], $0x500  }
0x28: {  	s12 =	rddreg [dreg:$0xf]  }
0x29: {  	s22 =	rddreg [dreg:$0xc];
	s12 =	sadd.s32 $0x1, s12  }
0x2a: {  	p0 =	sne.s32 s12, s22  }
.Ltmp1:
0x2b: {  	_ = 	snop;
	(pc) =	sbr.rel @!p0 .LBB2_13-.Ltmp1, $3  }
0x2c: {  	_ =	sdelay $0x1  }
0x2d: {  	[sflag:s19] =	ssyncset.done $0x0  }
0x2e: {  	[sflag:s19] =	ssyncadd.s32 $0xFFFFFB00  }
.LBB2_1:
0x2f: {  	[dreg:$0xf] =	wrdreg s12  }
0x30: {  	s10 =	rddreg [dreg:$0x5];
	s16 =	simm.s32 $0xCB20  }
0x31: {  	[tilespmem:s16], [sflag:$0x5] =	stream.linear.gather [hbm4b:s10+s4], $0x10, $0x38;
	[tilespmem:$0xF330] =	vst v63  }
0x32: {  	_ =	swait.ge [sflag:s19], $0x10  }
0x33: {  	[sflag:s19] =	ssyncset.done $0x0  }
0x34: {  	s17 =	rddreg [dreg:$0x6];
	[sflag:s19] =	ssyncadd.s32 $0xFFFFFFF0  }
0x35: {  	[tilespmem:s4], [sflag:$0x5] =	stream.linear.gather [hbm4b:s17+s4], $0x2710, $0x38;
	[tilespmem:$0xF330] =	vst v63  }
0x36: {  	_ =	swait.ge [sflag:s19], $0x2710  }
0x37: {  	[sflag:s19] =	ssyncset.done $0x0  }
0x38: {  	s22 =	simm.s32 $0x2710;
	s21 =	rddreg [dreg:$0x7];
	[sflag:s19] =	ssyncadd.s32 $0xFFFFD8F0  }
0x39: {  	[tilespmem:s22], [sflag:$0x5] =	stream.linear.gather [hbm4b:s21+s4], $0x2710, $0x38;
	[tilespmem:$0xF330] =	vst v63  }
0x3a: {  	_ =	swait.ge [sflag:s19], $0x2710  }
0x3b: {  	[sflag:s19] =	ssyncset.done $0x0  }
0x3c: {  	s16 =	rddreg [dreg:$0x8];
	[sflag:s19] =	ssyncadd.s32 $0xFFFFD8F0  }
0x3d: {  	[spmem:s14], [sflag:s13] =	dma.local [hbm:s16], $0x500  }
0x3e: {  	_ =	swait.ge [sflag:s19], $0x500  }
0x3f: {  	[sflag:s19] =	ssyncset.done $0x0  }
0x40: {  	[sflag:s19] =	ssyncadd.s32 $0xFFFFFB00  }
0x41: {  	[bflag:$0x0] =	sbarrier.arrive $0xFFFF  }
0x42: {  	s17 =	rddreg [dreg:$0x9]  }
0x43: {  	v0 =	vld [tilespmem:$0xCB20];
	[tilespmem:s23], [sflag:$0x1] =	stream.linear.gather [hbm4b:s17+s4], $0xC80, $0x38  }
0x44: {  	_ = 	snop  }
0x45: {  	[tilespmem:s25], [sflag:$0x1] =	stream.indirect.gather [hbm4b:s5+s24], $0x10, s4, s24, $0xb8;
	[tilespmem:$0xF330] =	vst v63  }
0x46: {  	_ = 	snop  }
0x47: {  	[tilespmem:s26], [sflag:$0x1] =	stream.indirect.gather [hbm4b:s6+s24], $0x10, s22, s24, $0xb8;
	[tilespmem:$0xF330] =	vst v63  }
0x48: {  	s21 =	rddreg [dreg:$0xa]  }
0x49: {  	[tilespmem:s28], [sflag:$0x2] =	stream.linear.gather [hbm4b:s21+s4], $0xC80, $0x38;
	[tilespmem:$0xF330] =	vst v63  }
0x4a: {  	_ = 	snop  }
0x4b: {  	[tilespmem:s29], [sflag:$0x2] =	stream.indirect.gather [hbm4b:s5+s24], $0x10, s24, s24, $0xb8;
	[tilespmem:$0xF330] =	vst v63  }
0x4c: {  	s14 =	simm.s32 $0x0;
	s22 =	simm.s32 $0x27D8  }
0x4d: {  	[tilespmem:s31], [sflag:$0x2] =	stream.indirect.gather [hbm4b:s6+s24], $0x10, s22, s24, $0xb8;
	[tilespmem:$0xF330] =	vst v63  }
.LBB2_2:
0x4e: {  	p0 =	seq.s32 s14, $0x0  }
0x4f: {  	s10 =	simm.s32 @!p0 $0x3  }
0x50: {  	_ =	swait.ge @!p0 [sflag:s10], $0xC80  }
0x51: {  	[sflag:s10] =	ssyncset.done @!p0 $0x0  }
0x52: {  	[sflag:s10] =	ssyncadd.s32 @!p0 $0xFFFFF380  }
0x53: {  	_ =	swait.ge [sflag:s0], $0xC80  }
0x54: {  	[sflag:s0] =	ssyncset.done $0x0  }
0x55: {  	[sflag:s0] =	ssyncadd.s32 $0xFFFFF380  }
0x56: {  	_ =	swait.ge [sflag:s0], $0xC80  }
0x57: {  	[sflag:s0] =	ssyncset.done $0x0  }
0x58: {  	[sflag:s0] =	ssyncadd.s32 $0xFFFFF380  }
0x59: {  	_ =	swait.ge [sflag:s0], $0xC80  }
0x5a: {  	[sflag:s0] =	ssyncset.done $0x0  }
0x5b: {  	s12 =	simm.s32 $0x0;
	[sflag:s0] =	ssyncadd.s32 $0xFFFFF380  }
0x5c: {  	v1 =	vld [tilespmem:s12+$0x4E90]  }
0x5d: {  	v2 =	vld [tilespmem:s12+$0x6790]  }
0x5e: {  	v3 =	vld [tilespmem:s12+$0x8090];
	_ =	sdelay $0x2  }
0x5f: {  	v4 =	vld [tilespmem:s12+$0x4E20]  }
0x60: {  	v5 =	vld [tilespmem:s12+$0x6720]  }
0x61: {  	v6 =	vld [tilespmem:s12+$0x8020];
	v2 =	vadd.f32 v3, v2;
	v1 =	vmul.f32 v1, v0  }
0x62: {  	v7 =	vld [tilespmem:s12+$0x4E30]  }
0x63: {  	v8 =	vld [tilespmem:s12+$0x6730];
	v1 =	vadd.f32 v2, v1  }
0x64: {  	v9 =	vld [tilespmem:s12+$0x4E40]  }
0x65: {  	v3 =	vld [tilespmem:s12+$0x8030];
	v11 =	vmul.f32 $2.000000030e-01, v1  }
0x66: {  	v10 =	vld [tilespmem:s12+$0x8040];
	vm0 =	vge.f32 v1, $0.0e+00  }
0x67: {  	v2 =	vld [tilespmem:s12+$0x6740];
	v1 =	vsel vm0, v1, v11  }
0x68: {  	v1 =	vmul.f32 $1.442695020e+00, v1  }
0x69: {  	v4 =	vmul.f32 v4, v0;
	v5 =	vadd.f32 v6, v5  }
0x6a: {  	v12 =	vld [tilespmem:s12+$0x4E50];
	v7 =	vmul.f32 v7, v0;
	v3 =	vadd.f32 v3, v8;
	(erf) = vpow2.f32 v1  }
0x6b: {  	v13 =	vld [tilespmem:s12+$0x6750];
	v4 =	vadd.f32 v5, v4  }
0x6c: {  	v14 =	vld [tilespmem:s12+$0x6760];
	v9 =	vmul.f32 v9, v0;
	v3 =	vadd.f32 v3, v7;
	v2 =	vadd.f32 v10, v2  }
0x6d: {  	v15 =	vmul.f32 $2.000000030e-01, v4;
	v11 =	vld [tilespmem:s12+$0x8050]  }
0x6e: {  	v16 =	vld [tilespmem:s12+$0x6770];
	vm4 =	vge.f32 v4, $0.0e+00;
	v18 =	vmul.f32 $2.000000030e-01, v3;
	v2 =	vadd.f32 v2, v9  }
0x6f: {  	v6 =	vld [tilespmem:s12+$0x4E60];
	v4 =	vsel vm4, v4, v15;
	vm5 =	vge.f32 v3, $0.0e+00  }
0x70: {  	v4 =	vmul.f32 $1.442695020e+00, v4;
	v1 =	vld [tilespmem:s12+$0x8060];
	v3 =	vsel vm5, v3, v18;
	v20 =	vmul.f32 $2.000000030e-01, v2  }
0x71: {  	s10 =	simm.s32 $0x80;
	v17 =	vld [tilespmem:s12+$0x8080];
	v12 =	vmul.f32 v12, v0;
	vm6 =	vge.f32 v2, $0.0e+00;
	v3 =	vmul.f32 $1.442695020e+00, v3  }
0x72: {  	v19 =	vld [tilespmem:s10+$0x8090];
	(erf) = vpow2.f32 v4;
	v11 =	vadd.f32 v11, v13;
	v2 =	vsel vm6, v2, v20  }
0x73: {  	v5 =	vld [tilespmem:s12+$0x4E70];
	v2 =	vmul.f32 $1.442695020e+00, v2;
	v57 =	vpop (erf);
	(erf) = vpow2.f32 v3  }
0x74: {  	v8 =	vld [tilespmem:s12+$0x8070];
	v11 =	vadd.f32 v11, v12  }
0x75: {  	v15 =	vld [tilespmem:s12+$0x4E80];
	v1 =	vadd.f32 v1, v14;
	(erf) = vpow2.f32 v2;
	v2 =	vmul.f32 v6, v0  }
0x76: {  	v7 =	vld [tilespmem:s12+$0x6780]  }
0x77: {  	v10 =	vld [tilespmem:s10+$0x6790];
	v21 =	vmul.f32 $2.000000030e-01, v11;
	v1 =	vadd.f32 v1, v2  }
0x78: {  	v4 =	vld [tilespmem:s10+$0x4E90];
	vm7 =	vge.f32 v11, $0.0e+00;
	[tilespmem:s12+$0x9990] =	vst v57  }
0x79: {  	v11 =	vsel vm7, v11, v21;
	v9 =	vld [tilespmem:s10+$0x4E20];
	v60 =	vmul.f32 $2.000000030e-01, v1  }
0x7a: {  	v8 =	vadd.f32 v8, v16;
	v3 =	vld [tilespmem:s10+$0x6720];
	[tilespmem:s12+$0xB290] =	vst v57;
	v2 =	vmul.f32 $1.442695020e+00, v11;
	vm8 =	vge.f32 v1, $0.0e+00  }
0x7b: {  	v5 =	vmul.f32 v5, v0;
	v58 =	vpop (erf);
	v13 =	vld [tilespmem:s10+$0x8020];
	v1 =	vsel vm8, v1, v60  }
0x7c: {  	v12 =	vld [tilespmem:s10+$0x4E30];
	v1 =	vmul.f32 $1.442695020e+00, v1;
	v14 =	vpop (erf);
	(erf) = vpow2.f32 v2  }
0x7d: {  	v5 =	vadd.f32 v8, v5;
	v10 =	vadd.f32 v19, v10;
	v4 =	vmul.f32 v4, v0;
	v59 =	vld [tilespmem:s10+$0x6730];
	[tilespmem:s12+$0xB220] =	vst v58  }
0x7e: {  	v7 =	vadd.f32 v17, v7;
	v6 =	vld [tilespmem:s10+$0x8030];
	[tilespmem:s12+$0x9920] =	vst v58;
	v8 =	vpop (erf);
	(erf) = vpow2.f32 v1;
	v1 =	vmul.f32 v15, v0  }
0x7f: {  	v4 =	vadd.f32 v10, v4;
	v11 =	vld [tilespmem:s10+$0x4E40]  }
0x80: {  	vm9 =	vge.f32 v5, $0.0e+00;
	v18 =	vld [tilespmem:s10+$0x6740];
	[tilespmem:s12+$0xB230] =	vst v14;
	v15 =	vmul.f32 $2.000000030e-01, v5;
	v1 =	vadd.f32 v7, v1  }
0x81: {  	vm11 =	vge.f32 v4, $0.0e+00;
	v9 =	vmul.f32 v9, v0;
	v3 =	vadd.f32 v13, v3;
	v2 =	vld [tilespmem:s10+$0x8040];
	[tilespmem:s12+$0x9930] =	vst v14  }
0x82: {  	v13 =	vmul.f32 $2.000000030e-01, v4;
	v14 =	vld [tilespmem:s10+$0x4E50];
	v5 =	vsel vm9, v5, v15;
	v15 =	vmul.f32 $2.000000030e-01, v1  }
0x83: {  	v6 =	vadd.f32 v6, v59;
	v61 =	vld [tilespmem:s10+$0x6750];
	[tilespmem:s12+$0xB240] =	vst v8;
	v5 =	vmul.f32 $1.442695020e+00, v5;
	vm10 =	vge.f32 v1, $0.0e+00  }
0x84: {  	v3 =	vadd.f32 v3, v9;
	v9 =	vmul.f32 v12, v0;
	v62 =	vld [tilespmem:s10+$0x8050];
	[tilespmem:s12+$0x9940] =	vst v8;
	v1 =	vsel vm10, v1, v15  }
0x85: {  	v4 =	vsel vm11, v4, v13;
	v7 =	vld [tilespmem:s10+$0x4E60];
	v1 =	vmul.f32 $1.442695020e+00, v1;
	v8 =	vpop (erf);
	(erf) = vpow2.f32 v5  }
0x86: {  	v4 =	vmul.f32 $1.442695020e+00, v4;
	v10 =	vld [tilespmem:s10+$0x6760];
	[tilespmem:s12+$0xB250] =	vst v8  }
0x87: {  	v6 =	vadd.f32 v6, v9;
	(erf) = vpow2.f32 v1;
	v5 =	vld [tilespmem:s10+$0x8060];
	[tilespmem:s12+$0x9950] =	vst v8  }
0x88: {  	v2 =	vadd.f32 v2, v18;
	v12 =	vpop (erf);
	(erf) = vpow2.f32 v4;
	v4 =	vmul.f32 v11, v0;
	v8 =	vld [tilespmem:s10+$0x4E70]  }
0x89: {  	vm12 =	vge.f32 v3, $0.0e+00;
	v9 =	vmul.f32 $2.000000030e-01, v6;
	v1 =	vmul.f32 $2.000000030e-01, v3;
	v13 =	vld [tilespmem:s10+$0x6770];
	[tilespmem:s12+$0xB260] =	vst v12  }
0x8a: {  	v11 =	vmul.f32 v14, v0;
	v15 =	vld [tilespmem:s10+$0x8070];
	[tilespmem:s12+$0x9960] =	vst v12;
	v12 =	vadd.f32 v62, v61;
	v14 =	vadd.f32 v2, v4  }
0x8b: {  	vm13 =	vge.f32 v6, $0.0e+00;
	v1 =	vsel vm12, v3, v1  }
0x8c: {  	v2 =	vmul.f32 $1.442695020e+00, v1;
	v11 =	vadd.f32 v12, v11;
	v12 =	vmul.f32 $2.000000030e-01, v14  }
0x8d: {  	v6 =	vsel vm13, v6, v9;
	vm14 =	vge.f32 v14, $0.0e+00;
	v5 =	vadd.f32 v5, v10  }
0x8e: {  	v3 =	vld [tilespmem:s10+$0x4E80];
	v10 =	vsel vm14, v14, v12;
	v12 =	vmul.f32 $2.000000030e-01, v11;
	v9 =	vpop (erf);
	(erf) = vpow2.f32 v2  }
0x8f: {  	v63 =	vmul.f32 $1.442695020e+00, v6;
	v7 =	vmul.f32 v7, v0;
	v1 =	vld [tilespmem:s10+$0x6780]  }
0x90: {  	s21 =	simm.s32 $0x100;
	s16 =	smul.u32 $0x190, s14;
	v4 =	vld [tilespmem:s10+$0x8080];
	vm15 =	vge.f32 v11, $0.0e+00;
	[tilespmem:s12+$0xB270] =	vst v9  }
0x91: {  	v7 =	vadd.f32 v5, v7;
	v2 =	vld [tilespmem:s21+$0x4E90];
	[tilespmem:s12+$0x9970] =	vst v9;
	v9 =	vmul.f32 $1.442695020e+00, v10;
	v10 =	vpop (erf);
	(erf) = vpow2.f32 v63  }
0x92: {  	s22 =	simm.s32 $0x600;
	s17 =	sadd.s32 s8, s16;
	v6 =	vmul.f32 v8, v0;
	v8 =	vadd.f32 v15, v13;
	v11 =	vsel vm15, v11, v12;
	v5 =	vld [tilespmem:s21+$0x6790];
	v12 =	vpop (erf);
	[tilespmem:s12+$0xB280] =	vst v10  }
.LBB2_3:
0x93: {  	p1 =	sne.s32 s22, $0x3000;
	v13 =	vld [tilespmem:s21+$0x8090];
	vm0 =	vge.f32 v7, $0.0e+00;
	v14 =	vmul.f32 $2.000000030e-01, v7;
	v3 =	vmul.f32 v3, v0;
	[tilespmem:s10+$0x9990] =	vst v12  }
0x94: {  	v11 =	vmul.f32 $1.442695020e+00, v11;
	v15 =	vld [tilespmem:s21+$0x4E20];
	v6 =	vadd.f32 v8, v6;
	(erf) = vpow2.f32 v9;
	[tilespmem:s12+$0x9980] =	vst v10;
	s12 =	smov.u32 s10;
	s10 =	smov.u32 s21  }
0x95: {  	v8 =	vld [tilespmem:s10+$0x6720];
	v7 =	vsel vm0, v7, v14;
	v1 =	vadd.f32 v4, v1;
	[tilespmem:s12+$0xB290] =	vst v12  }
0x96: {  	v4 =	vld [tilespmem:s10+$0x8020];
	v7 =	vmul.f32 $1.442695020e+00, v7;
	vm0 =	vge.f32 v6, $0.0e+00;
	v9 =	vmul.f32 $2.000000030e-01, v6  }
0x97: {  	v10 =	vld [tilespmem:s10+$0x4E30];
	v1 =	vadd.f32 v1, v3;
	v3 =	vpop (erf);
	(erf) = vpow2.f32 v11  }
0x98: {  	v2 =	vmul.f32 v2, v0;
	v11 =	vld [tilespmem:s10+$0x6730];
	v5 =	vadd.f32 v13, v5;
	[tilespmem:s12+$0xB220] =	vst v3;
	v14 =	vsel vm0, v6, v9  }
0x99: {  	v9 =	vmul.f32 v15, v0;
	v12 =	vld [tilespmem:s10+$0x8030];
	[tilespmem:s12+$0x9920] =	vst v3;
	vm0 =	vge.f32 v1, $0.0e+00;
	v3 =	vmul.f32 $2.000000030e-01, v1  }
0x9a: {  	v13 =	vld [tilespmem:s10+$0x4E40];
	v2 =	vadd.f32 v5, v2;
	v5 =	vmul.f32 $1.442695020e+00, v14;
	v6 =	vpop (erf);
	(erf) = vpow2.f32 v7  }
0x9b: {  	v4 =	vadd.f32 v4, v8;
	v7 =	vld [tilespmem:s10+$0x6740];
	[tilespmem:s12+$0xB230] =	vst v6;
	v1 =	vsel vm0, v1, v3  }
0x9c: {  	v3 =	vmul.f32 v10, v0;
	v8 =	vld [tilespmem:s10+$0x8040];
	v10 =	vmul.f32 $2.000000030e-01, v2;
	[tilespmem:s12+$0x9930] =	vst v6  }
0x9d: {  	vm0 =	vge.f32 v2, $0.0e+00;
	v1 =	vmul.f32 $1.442695020e+00, v1;
	v4 =	vadd.f32 v4, v9;
	v6 =	vld [tilespmem:s10+$0x4E50];
	v9 =	vpop (erf)  }
0x9e: {  	v11 =	vadd.f32 v12, v11;
	v12 =	vld [tilespmem:s10+$0x6750];
	v2 =	vsel vm0, v2, v10;
	[tilespmem:s12+$0xB240] =	vst v9;
	(erf) = vpow2.f32 v5  }
0x9f: {  	vm0 =	vge.f32 v4, $0.0e+00;
	v5 =	vmul.f32 v13, v0;
	v10 =	vld [tilespmem:s10+$0x8050];
	v2 =	vmul.f32 $1.442695020e+00, v2;
	[tilespmem:s12+$0x9940] =	vst v9  }
0xa0: {  	v14 =	vmul.f32 $2.000000030e-01, v4;
	v3 =	vadd.f32 v11, v3;
	v11 =	vld [tilespmem:s10+$0x4E60];
	v13 =	vpop (erf);
	(erf) = vpow2.f32 v1  }
0xa1: {  	v1 =	vadd.f32 v8, v7;
	v7 =	vld [tilespmem:s10+$0x6760];
	(erf) = vpow2.f32 v2;
	[tilespmem:s12+$0xB250] =	vst v13  }
0xa2: {  	vm1 =	vge.f32 v3, $0.0e+00;
	v2 =	vmul.f32 $2.000000030e-01, v3;
	v6 =	vmul.f32 v6, v0;
	v8 =	vld [tilespmem:s10+$0x8060];
	[tilespmem:s12+$0x9950] =	vst v13  }
0xa3: {  	v4 =	vsel vm0, v4, v14;
	v1 =	vadd.f32 v1, v5;
	v5 =	vld [tilespmem:s10+$0x4E70];
	v9 =	vpop (erf)  }
0xa4: {  	v4 =	vmul.f32 $1.442695020e+00, v4;
	v2 =	vsel vm1, v3, v2;
	v3 =	vadd.f32 v10, v12;
	v12 =	vld [tilespmem:s10+$0x6770];
	[tilespmem:s12+$0xB260] =	vst v9  }
0xa5: {  	vm0 =	vge.f32 v1, $0.0e+00;
	v10 =	vmul.f32 $2.000000030e-01, v1;
	v11 =	vmul.f32 v11, v0;
	v13 =	vld [tilespmem:s10+$0x8070];
	[tilespmem:s12+$0x9960] =	vst v9  }
.Ltmp2:
0xa6: {  	v14 =	vmul.f32 $1.442695020e+00, v2;
	v15 =	vadd.f32 v3, v6;
	v3 =	vld [tilespmem:s10+$0x4E80];
	(erf) = vpow2.f32 v4;
	(pc) =	sbr.rel @p1 .LBB2_3-.Ltmp2, $4  }
0xa7: {  	v9 =	vsel vm0, v1, v10;
	v7 =	vadd.f32 v8, v7;
	v1 =	vld [tilespmem:s10+$0x6780];
	v8 =	vpop (erf)  }
0xa8: {  	s21 =	sshra.s32 s22, $0x2;
	vm0 =	vge.f32 v15, $0.0e+00;
	v16 =	vmul.f32 $2.000000030e-01, v15;
	v6 =	vmul.f32 v5, v0;
	v4 =	vld [tilespmem:s10+$0x8080];
	[tilespmem:s12+$0xB270] =	vst v8  }
0xa9: {  	v9 =	vmul.f32 $1.442695020e+00, v9;
	v2 =	vld [tilespmem:s21+$0x4E90];
	v7 =	vadd.f32 v7, v11;
	(erf) = vpow2.f32 v14;
	[tilespmem:s12+$0x9970] =	vst v8;
	v10 =	vpop (erf)  }
0xaa: {  	s22 =	sadd.s32 $0x200, s22;
	v5 =	vld [tilespmem:s21+$0x6790];
	v11 =	vsel vm0, v15, v16;
	v8 =	vadd.f32 v13, v12;
	v12 =	vpop (erf);
	[tilespmem:s12+$0xB280] =	vst v10  }
0xab: {  	v13 =	vld [tilespmem:s21+$0x8090];
	[tilespmem:s10+$0x9990] =	vst v12  }
0xac: {  	(erf) = vpow2.f32 v9;
	v14 =	vld [tilespmem:s21+$0x4E20];
	[tilespmem:s12+$0x9980] =	vst v10  }
0xad: {  	v11 =	vmul.f32 $1.442695020e+00, v11;
	v20 =	vmul.f32 $2.000000030e-01, v7;
	v10 =	vld [tilespmem:s21+$0x6720];
	[tilespmem:s10+$0xB290] =	vst v12  }
0xae: {  	vm0 =	vge.f32 v7, $0.0e+00;
	v12 =	vld [tilespmem:s21+$0x8020]  }
0xaf: {  	v6 =	vadd.f32 v8, v6;
	(erf) = vpow2.f32 v11;
	v7 =	vsel vm0, v7, v20;
	v15 =	vld [tilespmem:s21+$0x4E30];
	v16 =	vpop (erf)  }
0xb0: {  	v3 =	vmul.f32 v3, v0;
	v1 =	vadd.f32 v4, v1;
	v17 =	vld [tilespmem:s21+$0x6730];
	v7 =	vmul.f32 $1.442695020e+00, v7;
	[tilespmem:s10+$0xB220] =	vst v16  }
0xb1: {  	v2 =	vmul.f32 v2, v0;
	v37 =	vmul.f32 $2.000000030e-01, v6;
	v32 =	vld [tilespmem:s21+$0x8030];
	[tilespmem:s10+$0x9920] =	vst v16  }
0xb2: {  	vm6 =	vge.f32 v6, $0.0e+00;
	v1 =	vadd.f32 v1, v3;
	(erf) = vpow2.f32 v7;
	v16 =	vld [tilespmem:s21+$0x4E40];
	v18 =	vpop (erf)  }
0xb3: {  	v3 =	vadd.f32 v13, v5;
	v6 =	vsel vm6, v6, v37;
	v38 =	vmul.f32 v14, v0;
	v19 =	vld [tilespmem:s21+$0x6740];
	[tilespmem:s10+$0xB230] =	vst v18  }
0xb4: {  	v39 =	vmul.f32 $2.000000030e-01, v1;
	v6 =	vmul.f32 $1.442695020e+00, v6;
	v33 =	vld [tilespmem:s21+$0x8040];
	[tilespmem:s10+$0x9930] =	vst v18  }
0xb5: {  	vm7 =	vge.f32 v1, $0.0e+00;
	v2 =	vadd.f32 v3, v2;
	v3 =	vadd.f32 v12, v10;
	v34 =	vpop (erf);
	v18 =	vld [tilespmem:s21+$0x4E50]  }
0xb6: {  	v1 =	vsel vm7, v1, v39;
	v46 =	vmul.f32 v15, v0;
	(erf) = vpow2.f32 v6;
	v35 =	vld [tilespmem:s21+$0x6750];
	[tilespmem:s10+$0xB240] =	vst v34  }
0xb7: {  	v43 =	vmul.f32 $2.000000030e-01, v2;
	v1 =	vmul.f32 $1.442695020e+00, v1;
	v36 =	vld [tilespmem:s21+$0x8050];
	[tilespmem:s10+$0x9940] =	vst v34  }
0xb8: {  	vm8 =	vge.f32 v2, $0.0e+00;
	v3 =	vadd.f32 v3, v38;
	v41 =	vpop (erf);
	v44 =	vadd.f32 v32, v17;
	v40 =	vld [tilespmem:s21+$0x4E60]  }
0xb9: {  	v2 =	vsel vm8, v2, v43;
	(erf) = vpow2.f32 v1;
	v42 =	vld [tilespmem:s21+$0x6760];
	[tilespmem:s10+$0xB250] =	vst v41  }
0xba: {  	v2 =	vmul.f32 $1.442695020e+00, v2;
	v48 =	vmul.f32 $2.000000030e-01, v3;
	v45 =	vld [tilespmem:s21+$0x8060];
	[tilespmem:s10+$0x9950] =	vst v41;
	v4 =	vadd.f32 v44, v46  }
0xbb: {  	vm9 =	vge.f32 v3, $0.0e+00;
	v50 =	vmul.f32 v16, v0;
	v47 =	vld [tilespmem:s21+$0x4E70];
	v1 =	vpop (erf);
	v11 =	vadd.f32 v33, v19  }
0xbc: {  	v49 =	vld [tilespmem:s21+$0x6770];
	(erf) = vpow2.f32 v2;
	v2 =	vsel vm9, v3, v48;
	[tilespmem:s10+$0xB260] =	vst v1;
	vm10 =	vge.f32 v4, $0.0e+00  }
0xbd: {  	v51 =	vmul.f32 $2.000000030e-01, v4;
	v2 =	vmul.f32 $1.442695020e+00, v2;
	v3 =	vld [tilespmem:s21+$0x8070];
	v11 =	vadd.f32 v11, v50;
	[tilespmem:s10+$0x9960] =	vst v1  }
0xbe: {  	v1 =	vmul.f32 v18, v0;
	v5 =	vadd.f32 v36, v35;
	v52 =	vld [tilespmem:s21+$0x4E80];
	v10 =	vmul.f32 v40, v0  }
0xbf: {  	v4 =	vsel vm10, v4, v51;
	v54 =	vld [tilespmem:s21+$0x6780];
	(erf) = vpow2.f32 v2;
	v53 =	vmul.f32 $2.000000030e-01, v11  }
0xc0: {  	v56 =	vld [tilespmem:s21+$0x8080];
	vm11 =	vge.f32 v11, $0.0e+00;
	v1 =	vadd.f32 v5, v1;
	v55 =	vadd.f32 v45, v42  }
0xc1: {  	v4 =	vmul.f32 $1.442695020e+00, v4;
	v6 =	vmul.f32 v47, v0;
	v2 =	vsel vm11, v11, v53  }
0xc2: {  	v57 =	vmul.f32 $2.000000030e-01, v1;
	v5 =	vadd.f32 v55, v10;
	v3 =	vadd.f32 v3, v49  }
0xc3: {  	vm12 =	vge.f32 v1, $0.0e+00;
	(erf) = vpow2.f32 v4;
	v2 =	vmul.f32 $1.442695020e+00, v2  }
0xc4: {  	v1 =	vsel vm12, v1, v57;
	v58 =	vmul.f32 $2.000000030e-01, v5;
	v3 =	vadd.f32 v3, v6  }
0xc5: {  	v59 =	vpop (erf);
	v60 =	vmul.f32 v52, v0;
	v61 =	vadd.f32 v56, v54;
	v1 =	vmul.f32 $1.442695020e+00, v1  }
0xc6: {  	[tilespmem:s10+$0xB270] =	vst v59;
	vm13 =	vge.f32 v5, $0.0e+00;
	(erf) = vpow2.f32 v2;
	v62 =	vmul.f32 $2.000000030e-01, v3  }
0xc7: {  	[tilespmem:s10+$0x9970] =	vst v59;
	v4 =	vsel vm13, v5, v58;
	v6 =	vadd.f32 v61, v60;
	v2 =	vpop (erf);
	vm14 =	vge.f32 v3, $0.0e+00  }
0xc8: {  	v4 =	vmul.f32 $1.442695020e+00, v4;
	v63 =	vpop (erf);
	[tilespmem:s10+$0xB280] =	vst v2;
	(erf) = vpow2.f32 v1;
	v1 =	vsel vm14, v3, v62  }
0xc9: {  	[tilespmem:s21+$0x9990] =	vst v63;
	v3 =	vmul.f32 $2.000000030e-01, v6;
	v1 =	vmul.f32 $1.442695020e+00, v1  }
0xca: {  	vm15 =	vge.f32 v6, $0.0e+00;
	(erf) = vpow2.f32 v4;
	[tilespmem:s10+$0x9980] =	vst v2  }
0xcb: {  	v2 =	vpop (erf);
	[tilespmem:s21+$0xB290] =	vst v63;
	v3 =	vsel vm15, v6, v3  }
0xcc: {  	[tilespmem:s21+$0xB220] =	vst v2;
	v3 =	vmul.f32 $1.442695020e+00, v3;
	(erf) = vpow2.f32 v1  }
0xcd: {  	[tilespmem:s21+$0x9920] =	vst v2;
	v1 =	vpop (erf)  }
0xce: {  	(erf) = vpow2.f32 v3;
	[tilespmem:s21+$0xB230] =	vst v1  }
0xcf: {  	v2 =	vpop (erf);
	[tilespmem:s21+$0x9930] =	vst v1  }
0xd0: {  	[tilespmem:s21+$0xB240] =	vst v2  }
0xd1: {  	[tilespmem:s21+$0x9940] =	vst v2;
	v1 =	vpop (erf)  }
0xd2: {  	[tilespmem:s21+$0xB250] =	vst v1  }
0xd3: {  	[tilespmem:s21+$0x9950] =	vst v1;
	v1 =	vpop (erf)  }
0xd4: {  	[tilespmem:s21+$0xB260] =	vst v1  }
0xd5: {  	[tilespmem:s21+$0x9960] =	vst v1;
	v1 =	vpop (erf)  }
0xd6: {  	[tilespmem:s21+$0xB270] =	vst v1  }
0xd7: {  	[tilespmem:s21+$0x9970] =	vst v1;
	v1 =	vpop (erf)  }
0xd8: {  	s17 =	sshll.u32 s17, $0x1;
	[tilespmem:s21+$0xB280] =	vst v1  }
0xd9: {  	p1 =	sne.s32 s14, $0x18;
	s10 =	sadd.s32 s9, s17;
	[tilespmem:s21+$0x9980] =	vst v1  }
0xda: {  	[hbm4b:s10+s4] =	stream.linear.scatter [tilespmem:s2], [sflag:$0x3], $0xC80, $0x38;
	[tilespmem:$0xF330] =	vst v63  }
.Ltmp3:
0xdb: {  	s22 =	sadd.s32 $0x2710, s16;
	(pc) =	sbr.rel @p1 .LBB2_6-.Ltmp3, $4  }
0xdc: {  	[spmem:s3] =	stream.indirect.scatter.add.f32 [tilespmem:s18], [sflag:$0x5], $0x10, s22, s24, $0xb8;
	[tilespmem:$0xF330] =	vst v63  }
0xdd: {  	_ =	swait.ge [sflag:s19], $0xC80  }
0xde: {  	[sflag:s19] =	ssyncset.done $0x0  }
0xdf: {  	[sflag:s19] =	ssyncadd.s32 $0xFFFFF380  }
.Ltmp4:
0xe0: {  	(pc) =	sbr.rel .LBB2_7-.Ltmp4, $2  }
0xe1: {  	_ =	sdelay $0x2  }
0xe2: {  	s10 =	sadd.s32 s16, s15;
	s17 =	simm.s32 $0x2648  }
.LBB2_6:
0xe3: {  	s10 =	sadd.s32 $0x190, s16  }
0xe4: {  	s12 =	sadd.s32 s8, s10  }
0xe5: {  	s12 =	sshll.u32 s12, $0x1  }
0xe6: {  	s12 =	sand.u32 $0x1FFFFFE0, s12  }
0xe7: {  	s12 =	sadd.s32 s1, s12  }
0xe8: {  	[tilespmem:s23], [sflag:$0x1] =	stream.linear.gather [hbm4b:s12+s4], $0xC80, $0x38;
	[tilespmem:$0xF330] =	vst v63  }
.Ltmp5:
0xe9: {  	_ = 	snop;
	(pc) =	sbr.rel @p0 .LBB2_8-.Ltmp5, $4  }
0xea: {  	s17 =	sadd.s32 $0xC8, s16  }
0xeb: {  	[tilespmem:s25], [sflag:$0x1] =	stream.indirect.gather [hbm4b:s5+s24], $0x10, s10, s24, $0xb8;
	[tilespmem:$0xF330] =	vst v63  }
0xec: {  	s22 =	sadd.s32 $0x28A0, s16;
	s10 =	sadd.s32 s8, s17  }
0xed: {  	[tilespmem:s26], [sflag:$0x1] =	stream.indirect.gather [hbm4b:s6+s24], $0x10, s22, s24, $0xb8;
	[tilespmem:$0xF330] =	vst v63  }
.LBB2_7:
0xee: {  	_ =	swait.ge [sflag:s30], $0xC80  }
0xef: {  	[sflag:s30] =	ssyncset.done $0x0  }
0xf0: {  	[sflag:s30] =	ssyncadd.s32 $0xFFFFF380  }
.LBB2_8:
0xf1: {  	_ =	swait.ge [sflag:s7], $0xC80  }
0xf2: {  	[sflag:s7] =	ssyncset.done $0x0  }
0xf3: {  	[sflag:s7] =	ssyncadd.s32 $0xFFFFF380  }
0xf4: {  	_ =	swait.ge [sflag:s7], $0xC80  }
0xf5: {  	[sflag:s7] =	ssyncset.done $0x0  }
0xf6: {  	[sflag:s7] =	ssyncadd.s32 $0xFFFFF380  }
0xf7: {  	_ =	swait.ge [sflag:s7], $0xC80  }
0xf8: {  	[sflag:s7] =	ssyncset.done $0x0  }
0xf9: {  	s21 =	simm.s32 $0x0;
	[sflag:s7] =	ssyncadd.s32 $0xFFFFF380  }
0xfa: {  	v1 =	vld [tilespmem:s21+$0x5B10]  }
0xfb: {  	v2 =	vld [tilespmem:s21+$0x7410]  }
0xfc: {  	v3 =	vld [tilespmem:s21+$0x8D10];
	_ =	sdelay $0x3  }
0xfd: {  	v4 =	vld [tilespmem:s21+$0x5AA0]  }
0xfe: {  	v5 =	vld [tilespmem:s21+$0x73A0];
	v2 =	vadd.f32 v3, v2;
	v1 =	vmul.f32 v1, v0  }
0xff: {  	v6 =	vld [tilespmem:s21+$0x8CA0]  }
0x100: {  	v7 =	vld [tilespmem:s21+$0x5AB0];
	v1 =	vadd.f32 v2, v1  }
0x101: {  	v8 =	vld [tilespmem:s21+$0x73B0]  }
0x102: {  	v3 =	vld [tilespmem:s21+$0x8CB0];
	v11 =	vmul.f32 $2.000000030e-01, v1  }
0x103: {  	v9 =	vld [tilespmem:s21+$0x5AC0];
	vm0 =	vge.f32 v1, $0.0e+00  }
0x104: {  	v10 =	vld [tilespmem:s21+$0x8CC0];
	v1 =	vsel vm0, v1, v11  }
0x105: {  	v2 =	vld [tilespmem:s21+$0x73C0];
	v1 =	vmul.f32 $1.442695020e+00, v1  }
0x106: {  	v4 =	vmul.f32 v4, v0;
	v5 =	vadd.f32 v6, v5  }
0x107: {  	v7 =	vmul.f32 v7, v0;
	v3 =	vadd.f32 v3, v8;
	(erf) = vpow2.f32 v1  }
0x108: {  	v12 =	vld [tilespmem:s21+$0x5AD0];
	v4 =	vadd.f32 v5, v4  }
0x109: {  	v13 =	vld [tilespmem:s21+$0x73D0];
	v3 =	vadd.f32 v3, v7  }
0x10a: {  	v14 =	vld [tilespmem:s21+$0x73E0];
	v9 =	vmul.f32 v9, v0;
	v15 =	vmul.f32 $2.000000030e-01, v4;
	v2 =	vadd.f32 v10, v2  }
0x10b: {  	vm4 =	vge.f32 v4, $0.0e+00;
	v11 =	vld [tilespmem:s21+$0x8CD0];
	v18 =	vmul.f32 $2.000000030e-01, v3  }
0x10c: {  	v16 =	vld [tilespmem:s21+$0x73F0];
	v4 =	vsel vm4, v4, v15;
	vm5 =	vge.f32 v3, $0.0e+00;
	v2 =	vadd.f32 v2, v9  }
0x10d: {  	v6 =	vld [tilespmem:s21+$0x5AE0];
	v4 =	vmul.f32 $1.442695020e+00, v4;
	v3 =	vsel vm5, v3, v18  }
0x10e: {  	v1 =	vld [tilespmem:s21+$0x8CE0];
	v20 =	vmul.f32 $2.000000030e-01, v2;
	v3 =	vmul.f32 $1.442695020e+00, v3  }
0x10f: {  	s12 =	simm.s32 $0x80;
	v17 =	vld [tilespmem:s21+$0x8D00];
	v12 =	vmul.f32 v12, v0;
	(erf) = vpow2.f32 v4;
	vm6 =	vge.f32 v2, $0.0e+00  }
0x110: {  	v19 =	vld [tilespmem:s12+$0x8D10];
	v11 =	vadd.f32 v11, v13;
	v2 =	vsel vm6, v2, v20;
	v57 =	vpop (erf);
	(erf) = vpow2.f32 v3  }
0x111: {  	v5 =	vld [tilespmem:s21+$0x5AF0];
	v2 =	vmul.f32 $1.442695020e+00, v2  }
0x112: {  	v8 =	vld [tilespmem:s21+$0x8CF0];
	v11 =	vadd.f32 v11, v12  }
0x113: {  	v15 =	vld [tilespmem:s21+$0x5B00];
	v1 =	vadd.f32 v1, v14;
	(erf) = vpow2.f32 v2;
	v2 =	vmul.f32 v6, v0  }
0x114: {  	v7 =	vld [tilespmem:s21+$0x7400];
	v21 =	vmul.f32 $2.000000030e-01, v11  }
0x115: {  	v10 =	vld [tilespmem:s12+$0x7410];
	vm7 =	vge.f32 v11, $0.0e+00;
	v1 =	vadd.f32 v1, v2  }
0x116: {  	v4 =	vld [tilespmem:s12+$0x5B10];
	v11 =	vsel vm7, v11, v21;
	[tilespmem:s21+$0xA610] =	vst v57  }
0x117: {  	v9 =	vld [tilespmem:s12+$0x5AA0];
	v2 =	vmul.f32 $1.442695020e+00, v11;
	v60 =	vmul.f32 $2.000000030e-01, v1  }
0x118: {  	v8 =	vadd.f32 v8, v16;
	v58 =	vpop (erf);
	v3 =	vld [tilespmem:s12+$0x73A0];
	[tilespmem:s21+$0xBF10] =	vst v57;
	vm8 =	vge.f32 v1, $0.0e+00  }
0x119: {  	v5 =	vmul.f32 v5, v0;
	v13 =	vld [tilespmem:s12+$0x8CA0];
	v1 =	vsel vm8, v1, v60;
	v14 =	vpop (erf);
	(erf) = vpow2.f32 v2  }
0x11a: {  	v12 =	vld [tilespmem:s12+$0x5AB0];
	v1 =	vmul.f32 $1.442695020e+00, v1  }
0x11b: {  	v5 =	vadd.f32 v8, v5;
	v10 =	vadd.f32 v19, v10;
	v4 =	vmul.f32 v4, v0;
	v59 =	vld [tilespmem:s12+$0x73B0];
	[tilespmem:s21+$0xBEA0] =	vst v58  }
0x11c: {  	v7 =	vadd.f32 v17, v7;
	v6 =	vld [tilespmem:s12+$0x8CB0];
	[tilespmem:s21+$0xA5A0] =	vst v58;
	v8 =	vpop (erf);
	(erf) = vpow2.f32 v1;
	v1 =	vmul.f32 v15, v0  }
0x11d: {  	v4 =	vadd.f32 v10, v4;
	v11 =	vld [tilespmem:s12+$0x5AC0];
	v15 =	vmul.f32 $2.000000030e-01, v5  }
0x11e: {  	vm9 =	vge.f32 v5, $0.0e+00;
	v18 =	vld [tilespmem:s12+$0x73C0];
	[tilespmem:s21+$0xBEB0] =	vst v14;
	v1 =	vadd.f32 v7, v1  }
0x11f: {  	vm11 =	vge.f32 v4, $0.0e+00;
	v9 =	vmul.f32 v9, v0;
	v2 =	vld [tilespmem:s12+$0x8CC0];
	[tilespmem:s21+$0xA5B0] =	vst v14;
	v5 =	vsel vm9, v5, v15  }
0x120: {  	v3 =	vadd.f32 v13, v3;
	v14 =	vld [tilespmem:s12+$0x5AD0];
	v5 =	vmul.f32 $1.442695020e+00, v5;
	v15 =	vmul.f32 $2.000000030e-01, v1  }
0x121: {  	v13 =	vmul.f32 $2.000000030e-01, v4;
	v6 =	vadd.f32 v6, v59;
	v61 =	vld [tilespmem:s12+$0x73D0];
	[tilespmem:s21+$0xBEC0] =	vst v8;
	vm10 =	vge.f32 v1, $0.0e+00  }
0x122: {  	v3 =	vadd.f32 v3, v9;
	v62 =	vld [tilespmem:s12+$0x8CD0];
	[tilespmem:s21+$0xA5C0] =	vst v8;
	v1 =	vsel vm10, v1, v15;
	v8 =	vpop (erf);
	(erf) = vpow2.f32 v5  }
0x123: {  	v4 =	vsel vm11, v4, v13;
	v9 =	vmul.f32 v12, v0;
	v7 =	vld [tilespmem:s12+$0x5AE0];
	v1 =	vmul.f32 $1.442695020e+00, v1  }
0x124: {  	v4 =	vmul.f32 $1.442695020e+00, v4;
	v10 =	vld [tilespmem:s12+$0x73E0];
	[tilespmem:s21+$0xBED0] =	vst v8  }
0x125: {  	v6 =	vadd.f32 v6, v9;
	(erf) = vpow2.f32 v1;
	v1 =	vmul.f32 $2.000000030e-01, v3;
	v5 =	vld [tilespmem:s12+$0x8CE0];
	[tilespmem:s21+$0xA5D0] =	vst v8  }
0x126: {  	v2 =	vadd.f32 v2, v18;
	v12 =	vpop (erf);
	(erf) = vpow2.f32 v4;
	v4 =	vmul.f32 v11, v0;
	v8 =	vld [tilespmem:s12+$0x5AF0]  }
0x127: {  	vm12 =	vge.f32 v3, $0.0e+00;
	v9 =	vmul.f32 $2.000000030e-01, v6;
	v11 =	vmul.f32 v14, v0;
	v13 =	vld [tilespmem:s12+$0x73F0];
	[tilespmem:s21+$0xBEE0] =	vst v12  }
0x128: {  	v1 =	vsel vm12, v3, v1;
	v15 =	vld [tilespmem:s12+$0x8CF0];
	[tilespmem:s21+$0xA5E0] =	vst v12;
	v12 =	vadd.f32 v62, v61;
	v14 =	vadd.f32 v2, v4  }
0x129: {  	vm13 =	vge.f32 v6, $0.0e+00;
	v2 =	vmul.f32 $1.442695020e+00, v1  }
0x12a: {  	v6 =	vsel vm13, v6, v9;
	v12 =	vadd.f32 v12, v11;
	v11 =	vmul.f32 $2.000000030e-01, v14  }
0x12b: {  	v63 =	vmul.f32 $1.442695020e+00, v6;
	v3 =	vld [tilespmem:s12+$0x5B00];
	v9 =	vpop (erf);
	(erf) = vpow2.f32 v2  }
0x12c: {  	v7 =	vmul.f32 v7, v0;
	v1 =	vld [tilespmem:s12+$0x7400];
	vm14 =	vge.f32 v14, $0.0e+00;
	v5 =	vadd.f32 v5, v10  }
0x12d: {  	s22 =	simm.s32 $0x100;
	v4 =	vld [tilespmem:s12+$0x8D00];
	v10 =	vsel vm14, v14, v11;
	vm15 =	vge.f32 v12, $0.0e+00;
	v14 =	vmul.f32 $2.000000030e-01, v12;
	[tilespmem:s21+$0xBEF0] =	vst v9  }
0x12e: {  	v6 =	vmul.f32 v8, v0;
	v7 =	vadd.f32 v5, v7;
	v11 =	vpop (erf);
	(erf) = vpow2.f32 v63;
	v2 =	vld [tilespmem:s22+$0x5B10];
	[tilespmem:s21+$0xA5F0] =	vst v9  }
0x12f: {  	s13 =	simm.s32 $0x600;
	v8 =	vadd.f32 v15, v13;
	v9 =	vmul.f32 $1.442695020e+00, v10;
	v10 =	vsel vm15, v12, v14;
	v12 =	vpop (erf);
	v5 =	vld [tilespmem:s22+$0x7410];
	[tilespmem:s21+$0xBF00] =	vst v11  }
.LBB2_9:
0x130: {  	p0 =	sne.s32 s13, $0x3000;
	v13 =	vld [tilespmem:s22+$0x8D10];
	vm0 =	vge.f32 v7, $0.0e+00;
	v14 =	vmul.f32 $2.000000030e-01, v7;
	v3 =	vmul.f32 v3, v0;
	[tilespmem:s12+$0xA610] =	vst v12  }
0x131: {  	v10 =	vmul.f32 $1.442695020e+00, v10;
	v15 =	vld [tilespmem:s22+$0x5AA0];
	v6 =	vadd.f32 v8, v6;
	(erf) = vpow2.f32 v9;
	[tilespmem:s21+$0xA600] =	vst v11;
	s21 =	smov.u32 s12;
	s12 =	smov.u32 s22  }
0x132: {  	v8 =	vld [tilespmem:s12+$0x73A0];
	v7 =	vsel vm0, v7, v14;
	v1 =	vadd.f32 v4, v1;
	[tilespmem:s21+$0xBF10] =	vst v12  }
0x133: {  	v4 =	vld [tilespmem:s12+$0x8CA0];
	v7 =	vmul.f32 $1.442695020e+00, v7;
	vm0 =	vge.f32 v6, $0.0e+00;
	v9 =	vmul.f32 $2.000000030e-01, v6  }
0x134: {  	v11 =	vld [tilespmem:s12+$0x5AB0];
	v1 =	vadd.f32 v1, v3;
	v3 =	vpop (erf);
	(erf) = vpow2.f32 v10  }
0x135: {  	v2 =	vmul.f32 v2, v0;
	v10 =	vld [tilespmem:s12+$0x73B0];
	v5 =	vadd.f32 v13, v5;
	[tilespmem:s21+$0xBEA0] =	vst v3;
	v14 =	vsel vm0, v6, v9  }
0x136: {  	v9 =	vmul.f32 v15, v0;
	v12 =	vld [tilespmem:s12+$0x8CB0];
	[tilespmem:s21+$0xA5A0] =	vst v3;
	vm0 =	vge.f32 v1, $0.0e+00;
	v3 =	vmul.f32 $2.000000030e-01, v1  }
0x137: {  	v13 =	vld [tilespmem:s12+$0x5AC0];
	v2 =	vadd.f32 v5, v2;
	v5 =	vmul.f32 $1.442695020e+00, v14;
	v6 =	vpop (erf);
	(erf) = vpow2.f32 v7  }
0x138: {  	v4 =	vadd.f32 v4, v8;
	v7 =	vld [tilespmem:s12+$0x73C0];
	[tilespmem:s21+$0xBEB0] =	vst v6;
	v1 =	vsel vm0, v1, v3  }
0x139: {  	v3 =	vmul.f32 v11, v0;
	v8 =	vld [tilespmem:s12+$0x8CC0];
	v11 =	vmul.f32 $2.000000030e-01, v2;
	[tilespmem:s21+$0xA5B0] =	vst v6  }
0x13a: {  	vm0 =	vge.f32 v2, $0.0e+00;
	v1 =	vmul.f32 $1.442695020e+00, v1;
	v4 =	vadd.f32 v4, v9;
	v6 =	vld [tilespmem:s12+$0x5AD0];
	v9 =	vpop (erf)  }
0x13b: {  	v10 =	vadd.f32 v12, v10;
	v12 =	vld [tilespmem:s12+$0x73D0];
	v2 =	vsel vm0, v2, v11;
	[tilespmem:s21+$0xBEC0] =	vst v9;
	(erf) = vpow2.f32 v5  }
0x13c: {  	vm0 =	vge.f32 v4, $0.0e+00;
	v5 =	vmul.f32 v13, v0;
	v11 =	vld [tilespmem:s12+$0x8CD0];
	v2 =	vmul.f32 $1.442695020e+00, v2;
	[tilespmem:s21+$0xA5C0] =	vst v9  }
0x13d: {  	v14 =	vmul.f32 $2.000000030e-01, v4;
	v3 =	vadd.f32 v10, v3;
	v10 =	vld [tilespmem:s12+$0x5AE0];
	v13 =	vpop (erf);
	(erf) = vpow2.f32 v1  }
0x13e: {  	v1 =	vadd.f32 v8, v7;
	v7 =	vld [tilespmem:s12+$0x73E0];
	(erf) = vpow2.f32 v2;
	[tilespmem:s21+$0xBED0] =	vst v13  }
0x13f: {  	vm1 =	vge.f32 v3, $0.0e+00;
	v2 =	vmul.f32 $2.000000030e-01, v3;
	v6 =	vmul.f32 v6, v0;
	v8 =	vld [tilespmem:s12+$0x8CE0];
	[tilespmem:s21+$0xA5D0] =	vst v13  }
0x140: {  	v4 =	vsel vm0, v4, v14;
	v1 =	vadd.f32 v1, v5;
	v5 =	vld [tilespmem:s12+$0x5AF0];
	v9 =	vpop (erf)  }
0x141: {  	v4 =	vmul.f32 $1.442695020e+00, v4;
	v2 =	vsel vm1, v3, v2;
	v3 =	vadd.f32 v11, v12;
	v12 =	vld [tilespmem:s12+$0x73F0];
	[tilespmem:s21+$0xBEE0] =	vst v9  }
0x142: {  	vm0 =	vge.f32 v1, $0.0e+00;
	v11 =	vmul.f32 $2.000000030e-01, v1;
	v10 =	vmul.f32 v10, v0;
	v13 =	vld [tilespmem:s12+$0x8CF0];
	[tilespmem:s21+$0xA5E0] =	vst v9  }
.Ltmp6:
0x143: {  	v14 =	vmul.f32 $1.442695020e+00, v2;
	v15 =	vadd.f32 v3, v6;
	v3 =	vld [tilespmem:s12+$0x5B00];
	(erf) = vpow2.f32 v4;
	(pc) =	sbr.rel @p0 .LBB2_9-.Ltmp6, $4  }
0x144: {  	v9 =	vsel vm0, v1, v11;
	v7 =	vadd.f32 v8, v7;
	v1 =	vld [tilespmem:s12+$0x7400];
	v8 =	vpop (erf)  }
0x145: {  	s22 =	sshra.s32 s13, $0x2;
	vm0 =	vge.f32 v15, $0.0e+00;
	v16 =	vmul.f32 $2.000000030e-01, v15;
	v6 =	vmul.f32 v5, v0;
	v4 =	vld [tilespmem:s12+$0x8D00];
	[tilespmem:s21+$0xBEF0] =	vst v8  }
0x146: {  	v9 =	vmul.f32 $1.442695020e+00, v9;
	v2 =	vld [tilespmem:s22+$0x5B10];
	v7 =	vadd.f32 v7, v10;
	(erf) = vpow2.f32 v14;
	[tilespmem:s21+$0xA5F0] =	vst v8;
	v11 =	vpop (erf)  }
0x147: {  	s13 =	sadd.s32 $0x200, s13;
	v5 =	vld [tilespmem:s22+$0x7410];
	v10 =	vsel vm0, v15, v16;
	v8 =	vadd.f32 v13, v12;
	v12 =	vpop (erf);
	[tilespmem:s21+$0xBF00] =	vst v11  }
0x148: {  	v13 =	vld [tilespmem:s22+$0x8D10];
	[tilespmem:s12+$0xA610] =	vst v12  }
0x149: {  	(erf) = vpow2.f32 v9;
	v14 =	vld [tilespmem:s22+$0x5AA0];
	[tilespmem:s21+$0xA600] =	vst v11  }
0x14a: {  	v10 =	vmul.f32 $1.442695020e+00, v10;
	v20 =	vmul.f32 $2.000000030e-01, v7;
	v11 =	vld [tilespmem:s22+$0x73A0];
	[tilespmem:s12+$0xBF10] =	vst v12  }
0x14b: {  	vm0 =	vge.f32 v7, $0.0e+00;
	v12 =	vld [tilespmem:s22+$0x8CA0]  }
0x14c: {  	v6 =	vadd.f32 v8, v6;
	(erf) = vpow2.f32 v10;
	v7 =	vsel vm0, v7, v20;
	v15 =	vld [tilespmem:s22+$0x5AB0];
	v16 =	vpop (erf)  }
0x14d: {  	v3 =	vmul.f32 v3, v0;
	v1 =	vadd.f32 v4, v1;
	v17 =	vld [tilespmem:s22+$0x73B0];
	v7 =	vmul.f32 $1.442695020e+00, v7;
	[tilespmem:s12+$0xBEA0] =	vst v16  }
0x14e: {  	v2 =	vmul.f32 v2, v0;
	v37 =	vmul.f32 $2.000000030e-01, v6;
	v32 =	vld [tilespmem:s22+$0x8CB0];
	[tilespmem:s12+$0xA5A0] =	vst v16  }
0x14f: {  	vm6 =	vge.f32 v6, $0.0e+00;
	v1 =	vadd.f32 v1, v3;
	(erf) = vpow2.f32 v7;
	v16 =	vld [tilespmem:s22+$0x5AC0];
	v18 =	vpop (erf)  }
0x150: {  	v3 =	vadd.f32 v13, v5;
	v6 =	vsel vm6, v6, v37;
	v38 =	vmul.f32 v14, v0;
	v19 =	vld [tilespmem:s22+$0x73C0];
	[tilespmem:s12+$0xBEB0] =	vst v18  }
0x151: {  	v39 =	vmul.f32 $2.000000030e-01, v1;
	v6 =	vmul.f32 $1.442695020e+00, v6;
	v33 =	vld [tilespmem:s22+$0x8CC0];
	[tilespmem:s12+$0xA5B0] =	vst v18  }
0x152: {  	vm7 =	vge.f32 v1, $0.0e+00;
	v2 =	vadd.f32 v3, v2;
	v3 =	vadd.f32 v12, v11;
	v34 =	vpop (erf);
	v18 =	vld [tilespmem:s22+$0x5AD0]  }
0x153: {  	v1 =	vsel vm7, v1, v39;
	v46 =	vmul.f32 v15, v0;
	(erf) = vpow2.f32 v6;
	v35 =	vld [tilespmem:s22+$0x73D0];
	[tilespmem:s12+$0xBEC0] =	vst v34  }
0x154: {  	v43 =	vmul.f32 $2.000000030e-01, v2;
	v1 =	vmul.f32 $1.442695020e+00, v1;
	v36 =	vld [tilespmem:s22+$0x8CD0];
	[tilespmem:s12+$0xA5C0] =	vst v34  }
0x155: {  	vm8 =	vge.f32 v2, $0.0e+00;
	v3 =	vadd.f32 v3, v38;
	v41 =	vpop (erf);
	v44 =	vadd.f32 v32, v17;
	v40 =	vld [tilespmem:s22+$0x5AE0]  }
0x156: {  	v2 =	vsel vm8, v2, v43;
	(erf) = vpow2.f32 v1;
	v42 =	vld [tilespmem:s22+$0x73E0];
	[tilespmem:s12+$0xBED0] =	vst v41  }
0x157: {  	v2 =	vmul.f32 $1.442695020e+00, v2;
	v48 =	vmul.f32 $2.000000030e-01, v3;
	v45 =	vld [tilespmem:s22+$0x8CE0];
	[tilespmem:s12+$0xA5D0] =	vst v41;
	v4 =	vadd.f32 v44, v46  }
0x158: {  	vm9 =	vge.f32 v3, $0.0e+00;
	v50 =	vmul.f32 v16, v0;
	v47 =	vld [tilespmem:s22+$0x5AF0];
	v1 =	vpop (erf);
	v10 =	vadd.f32 v33, v19  }
0x159: {  	v49 =	vld [tilespmem:s22+$0x73F0];
	(erf) = vpow2.f32 v2;
	v2 =	vsel vm9, v3, v48;
	[tilespmem:s12+$0xBEE0] =	vst v1;
	vm10 =	vge.f32 v4, $0.0e+00  }
0x15a: {  	v51 =	vmul.f32 $2.000000030e-01, v4;
	v2 =	vmul.f32 $1.442695020e+00, v2;
	v3 =	vld [tilespmem:s22+$0x8CF0];
	v10 =	vadd.f32 v10, v50;
	[tilespmem:s12+$0xA5E0] =	vst v1  }
0x15b: {  	v1 =	vmul.f32 v18, v0;
	v5 =	vadd.f32 v36, v35;
	v52 =	vld [tilespmem:s22+$0x5B00];
	v11 =	vmul.f32 v40, v0  }
0x15c: {  	v4 =	vsel vm10, v4, v51;
	v54 =	vld [tilespmem:s22+$0x7400];
	(erf) = vpow2.f32 v2;
	v53 =	vmul.f32 $2.000000030e-01, v10  }
0x15d: {  	v56 =	vld [tilespmem:s22+$0x8D00];
	vm11 =	vge.f32 v10, $0.0e+00;
	v1 =	vadd.f32 v5, v1;
	v55 =	vadd.f32 v45, v42  }
0x15e: {  	v4 =	vmul.f32 $1.442695020e+00, v4;
	v6 =	vmul.f32 v47, v0;
	v2 =	vsel vm11, v10, v53  }
0x15f: {  	v57 =	vmul.f32 $2.000000030e-01, v1;
	v5 =	vadd.f32 v55, v11;
	v3 =	vadd.f32 v3, v49  }
0x160: {  	vm12 =	vge.f32 v1, $0.0e+00;
	(erf) = vpow2.f32 v4;
	v2 =	vmul.f32 $1.442695020e+00, v2  }
0x161: {  	v1 =	vsel vm12, v1, v57;
	v58 =	vmul.f32 $2.000000030e-01, v5;
	v3 =	vadd.f32 v3, v6  }
0x162: {  	v59 =	vpop (erf);
	v60 =	vmul.f32 v52, v0;
	v61 =	vadd.f32 v56, v54;
	v1 =	vmul.f32 $1.442695020e+00, v1  }
0x163: {  	[tilespmem:s12+$0xBEF0] =	vst v59;
	vm13 =	vge.f32 v5, $0.0e+00;
	(erf) = vpow2.f32 v2;
	v62 =	vmul.f32 $2.000000030e-01, v3  }
0x164: {  	[tilespmem:s12+$0xA5F0] =	vst v59;
	v4 =	vsel vm13, v5, v58;
	v6 =	vadd.f32 v61, v60;
	v2 =	vpop (erf);
	vm14 =	vge.f32 v3, $0.0e+00  }
0x165: {  	v4 =	vmul.f32 $1.442695020e+00, v4;
	v63 =	vpop (erf);
	[tilespmem:s12+$0xBF00] =	vst v2;
	(erf) = vpow2.f32 v1;
	v1 =	vsel vm14, v3, v62  }
0x166: {  	[tilespmem:s22+$0xA610] =	vst v63;
	v3 =	vmul.f32 $2.000000030e-01, v6;
	v1 =	vmul.f32 $1.442695020e+00, v1  }
0x167: {  	vm15 =	vge.f32 v6, $0.0e+00;
	(erf) = vpow2.f32 v4;
	[tilespmem:s12+$0xA600] =	vst v2  }
0x168: {  	v2 =	vpop (erf);
	[tilespmem:s22+$0xBF10] =	vst v63;
	v3 =	vsel vm15, v6, v3  }
0x169: {  	[tilespmem:s22+$0xBEA0] =	vst v2;
	v3 =	vmul.f32 $1.442695020e+00, v3;
	(erf) = vpow2.f32 v1  }
0x16a: {  	[tilespmem:s22+$0xA5A0] =	vst v2;
	v1 =	vpop (erf)  }
0x16b: {  	(erf) = vpow2.f32 v3;
	[tilespmem:s22+$0xBEB0] =	vst v1  }
0x16c: {  	v2 =	vpop (erf);
	[tilespmem:s22+$0xA5B0] =	vst v1  }
0x16d: {  	[tilespmem:s22+$0xBEC0] =	vst v2  }
0x16e: {  	[tilespmem:s22+$0xA5C0] =	vst v2;
	v1 =	vpop (erf)  }
0x16f: {  	[tilespmem:s22+$0xBED0] =	vst v1  }
0x170: {  	[tilespmem:s22+$0xA5D0] =	vst v1;
	v1 =	vpop (erf)  }
0x171: {  	[tilespmem:s22+$0xBEE0] =	vst v1  }
0x172: {  	[tilespmem:s22+$0xA5E0] =	vst v1;
	v1 =	vpop (erf)  }
0x173: {  	[tilespmem:s22+$0xBEF0] =	vst v1  }
0x174: {  	s10 =	sshll.u32 s10, $0x1;
	[tilespmem:s22+$0xA5F0] =	vst v1;
	v1 =	vpop (erf)  }
0x175: {  	s10 =	sand.u32 $0x1FFFFFF0, s10;
	[tilespmem:s22+$0xBF00] =	vst v1  }
0x176: {  	p0 =	seq.s32 s14, $0x18;
	s10 =	sadd.s32 s9, s10;
	[tilespmem:s22+$0xA600] =	vst v1  }
0x177: {  	[hbm4b:s10+s4] =	stream.linear.scatter [tilespmem:s20], [sflag:$0x4], $0xC80, $0x38;
	[tilespmem:$0xF330] =	vst v63  }
.Ltmp7:
0x178: {  	s22 =	sadd.s32 $0x2710, s17;
	(pc) =	sbr.rel @p0 .LBB2_12-.Ltmp7, $4  }
0x179: {  	[spmem:s3] =	stream.indirect.scatter.add.f32 [tilespmem:s11], [sflag:$0x5], $0x10, s22, s24, $0xb8;
	[tilespmem:$0xF330] =	vst v63  }
0x17a: {  	_ =	swait.ge [sflag:s19], $0xC80  }
0x17b: {  	[sflag:s19] =	ssyncset.done $0x0  }
0x17c: {  	[sflag:s19] =	ssyncadd.s32 $0xFFFFF380  }
0x17d: {  	s10 =	sadd.s32 $0x258, s16  }
0x17e: {  	s12 =	sadd.s32 s8, s10  }
0x17f: {  	s12 =	sshll.u32 s12, $0x1  }
0x180: {  	s12 =	sand.u32 $0x1FFFFFF0, s12  }
0x181: {  	s12 =	sadd.s32 s1, s12  }
0x182: {  	[tilespmem:s28], [sflag:$0x2] =	stream.linear.gather [hbm4b:s12+s4], $0xC80, $0x38;
	[tilespmem:$0xF330] =	vst v63  }
.Ltmp8:
0x183: {  	_ = 	snop;
	(pc) =	sbr.rel .LBB2_2-.Ltmp8, $4  }
0x184: {  	_ = 	snop  }
0x185: {  	[tilespmem:s29], [sflag:$0x2] =	stream.indirect.gather [hbm4b:s5+s24], $0x10, s10, s24, $0xb8;
	[tilespmem:$0xF330] =	vst v63  }
0x186: {  	s22 =	sadd.s32 $0x2968, s16;
	s14 =	sadd.s32 $0x1, s14  }
0x187: {  	[tilespmem:s31], [sflag:$0x2] =	stream.indirect.gather [hbm4b:s6+s24], $0x10, s22, s24, $0xb8;
	[tilespmem:$0xF330] =	vst v63  }
.LBB2_13:
0x188: {  	_ =	sfence.sel $0x180000  }
0x189: {  	[bflag:$0x0] =	sbarrier.arrive $0xFFFF  }
0x18a: {  	_ =	strace $0x90000047  }
0x18b: {  	s0 =	stileid.u32;
	[bflag:$0x2] =	sbarrier.arrive $0xFFFF  }
0x18c: {  	p0 =	sne.s32 s0, $0x0;
	s0 =	rddreg [dreg:$0x4]  }
0x18d: {  	s0 =	sadd.s32 @!p0 $0x100000, s0  }
0x18e: {  	[sflag:s0] =	ssyncadd.tile.s32 @!p0 $0x1;
	_ =	shalt  }
.Lfunc_end2:
_tile_overlayer_lowered:
.L_overlay_start_2:
0x18f: {  	(tag) =	ssettag $0x2  }
0x190: {  	s0 =	rddreg [dreg:$0x0];
	s2 =	stileid.u32  }
0x191: {  	s1 =	rddreg [dreg:$0x1];
	p0 =	sne.s32 s2, $0x0  }
0x192: {  	s3 =	rddreg [dreg:$0x2];
	[bflag:$0x3] =	sbarrier.arrive $0xFFFF;
	s2 =	simm.s32 @!p0 $0x1C05  }
0x193: {  	[timem:s3], [sflag:s2] =	dma.local @!p0 [hbm:s0], s1  }
0x194: {  	s0 =	simm.s32 @!p0 $0x5  }
0x195: {  	_ =	swait.ge @!p0 [sflag:s0], s1  }
0x196: {  	s1 =	ssub.s32 @!p0 $0x0, s1;
	[sflag:s0] =	ssyncset.done @!p0 $0x0  }
0x197: {  	[sflag:s0] =	ssyncadd.s32 @!p0 s1  }
0x198: {  	[bflag:$0x3] =	sbarrier.arrive $0xFFFF  }
0x199: {  	_ =	shalt  }

</sc_bundles>
